<compile_context>
chip_gen: v7x
topology: tpu7x:2x2x1
jax: 0.10.2.dev20260603
libtpu: 0.0.44.dev20260713+nightly
codegen_flags: <defaults>
</compile_context>

<pallas_src>
import functools

import jax
import jax.numpy as jnp
from jax import lax
from jax.experimental import pallas as pl
from jax.experimental.pallas import tpu as pltpu
from jax.experimental.pallas import tpu_sc as plsc

NC = 2
NS = 16
NW = NC * NS


def _make_deg_hist(n, e, chunk, w, npad):
    epw = e // NW
    nchunk = epw // chunk
    rpt = npad // NS
    mesh = plsc.VectorSubcoreMesh(core_axis_name="c", subcore_axis_name="s",
                                  num_cores=NC)

    grp = 5

    @functools.partial(
        pl.kernel,
        out_type=jax.ShapeDtypeStruct((NC, npad, w), jnp.float32),
        mesh=mesh,
        scratch_types=[
            pltpu.VMEM((nchunk, chunk), jnp.int32),
            pltpu.VMEM((chunk, w), jnp.float32),
            pltpu.VMEM_SHARED((npad, w), jnp.float32),
            pltpu.SemaphoreType.DMA,
        ],
        compiler_params=pltpu.CompilerParams(use_tc_tiling_on_sc=False),
    )
    def deg_hist(e_hbm, ones_hbm, zhist_hbm, out_hbm, dstv, rows, acc, sem):
        c = lax.axis_index("c")
        s = lax.axis_index("s")
        wid = s * NC + c
        pltpu.sync_copy(zhist_hbm, acc.at[pl.ds(s * rpt, rpt)])
        pltpu.sync_copy(ones_hbm, rows)
        pltpu.sync_copy(e_hbm.at[1, wid], dstv)
        plsc.subcore_barrier()

        def body(j0, _):
            for b in range(grp):
                pltpu.async_copy(rows, acc.at[dstv.at[j0 * grp + b]], sem,
                                 add=True)
            for b in range(grp):
                pltpu.make_async_copy(rows, acc.at[dstv.at[0]], sem).wait()
            return _

        lax.fori_loop(0, nchunk // grp, body, 0)
        plsc.subcore_barrier()
        pltpu.sync_copy(acc.at[pl.ds(s * rpt, rpt)],
                        out_hbm.at[c, pl.ds(s * rpt, rpt)])

    return deg_hist


def _make_edge_agg(n, e, d, chunk, npad):
    epw = e // NW
    nchunk = epw // chunk
    rpt = npad // NS
    mesh = plsc.VectorSubcoreMesh(core_axis_name="c", subcore_axis_name="s",
                                  num_cores=NC)
    nbuf = 4
    nbi = 8
    assert nchunk >= 10

    @functools.partial(
        pl.kernel,
        out_type=jax.ShapeDtypeStruct((NC, npad, d), jnp.float32),
        mesh=mesh,
        scratch_types=[
            [pltpu.VMEM((chunk,), jnp.int32)] * nbi,
            [pltpu.VMEM((chunk,), jnp.int32)] * nbi,
            [pltpu.VMEM((chunk, d), jnp.float32)] * nbuf,
            pltpu.VMEM_SHARED((npad, d), jnp.float32),
            [pltpu.SemaphoreType.DMA] * nbi,
            [pltpu.SemaphoreType.DMA] * nbi,
            [pltpu.SemaphoreType.DMA] * nbuf,
            [pltpu.SemaphoreType.DMA] * nbuf,
        ],
        compiler_params=pltpu.CompilerParams(use_tc_tiling_on_sc=False),
    )
    def edge_agg(s_hbm, e_hbm, ztile_hbm, out_hbm,
                 srcb, dstb, rows, acc, isem, jsem, gsem, ssem):
        c = lax.axis_index("c")
        s = lax.axis_index("s")
        wid = s * NC + c

        def idx_start(k, bi):
            pltpu.async_copy(e_hbm.at[0, wid, k], srcb[bi], isem[bi])
            pltpu.async_copy(e_hbm.at[1, wid, k], dstb[bi], jsem[bi])

        def idx_wait(bi):
            pltpu.make_async_copy(e_hbm.at[0, 0, 0], srcb[bi],
                                  isem[bi]).wait()
            pltpu.make_async_copy(e_hbm.at[1, 0, 0], dstb[bi],
                                  jsem[bi]).wait()

        def g_start(bi, br):
            pltpu.async_copy(s_hbm.at[srcb[bi]], rows[br], gsem[br])

        def g_wait(br):
            pltpu.make_async_copy(s_hbm.at[srcb[0]], rows[br],
                                  gsem[br]).wait()

        def s_start(bij, br):
            pltpu.async_copy(rows[br], acc.at[dstb[bij]], ssem[br], add=True)

        def s_wait(br):
            pltpu.make_async_copy(rows[0], acc.at[dstb[0]], ssem[br]).wait()

        def step(j, jm4, jm8, do_sswait, do_gather, do_idx):
            g_wait(jm4)
            s_start(jm8, jm4)
            if do_idx:
                idx_start(j + 4, (jm8 + 4) % nbi)
            if do_sswait:
                s_wait((jm4 + 2) % nbuf)
            if do_gather:
                idx_wait((jm8 + 2) % nbi)
                g_start((jm8 + 2) % nbi, (jm4 + 2) % nbuf)

        for k in range(4):
            idx_start(k, k)
        pltpu.sync_copy(ztile_hbm, acc.at[pl.ds(s * rpt, rpt)])
        idx_wait(0)
        g_start(0, 0)
        idx_wait(1)
        g_start(1, 1)
        plsc.subcore_barrier()
        step(0, 0, 0, False, True, True)
        step(1, 1, 1, False, True, True)

        main0 = 2
        nmain = ((min(nchunk - 4, nchunk - 2) - main0) // nbi) * nbi

        def body(j0, _):
            jb = main0 + j0 * nbi
            for i in range(nbi):
                step(jb + i, (main0 + i) % nbuf, (main0 + i) % nbi,
                     True, True, True)
            return _

        lax.fori_loop(0, nmain // nbi, body, 0)
        for j in range(main0 + nmain, nchunk):
            step(j, j % nbuf, j % nbi,
                 True, j + 2 < nchunk, j + 4 < nchunk)
        s_wait((nchunk - 2) % nbuf)
        s_wait((nchunk - 1) % nbuf)
        plsc.subcore_barrier()
        pltpu.sync_copy(acc.at[pl.ds(s * rpt, rpt)],
                        out_hbm.at[c, pl.ds(s * rpt, rpt)])

    return edge_agg


def _tc1_body(degp_ref, x_ref, w1_ref, dinv_ref, s1_ref):
    n = x_ref.shape[0]
    w = degp_ref.shape[2]
    degp = degp_ref[0, :n] + degp_ref[1, :n]
    ones = jnp.full((w, 1), 1.0 / w, jnp.float32)
    deg = jnp.dot(degp, ones, preferred_element_type=jnp.float32)
    dinv = jax.lax.rsqrt(deg + 1.0)
    dinv_ref[...] = dinv
    h = jnp.dot(x_ref[...], w1_ref[...], preferred_element_type=jnp.float32)
    s1_ref[...] = h * dinv


def _tc2_body(aggp_ref, s_ref, dinv_ref, b_ref, w2_ref, s2_ref):
    n = s_ref.shape[0]
    dinv = dinv_ref[...]
    agg = aggp_ref[0, :n] + aggp_ref[1, :n] + s_ref[...]
    h = jnp.maximum(agg * dinv + b_ref[...], 0.0)
    s2_ref[...] = jnp.dot(h, w2_ref[...],
                          preferred_element_type=jnp.float32) * dinv


def _tc3_body(aggp_ref, s_ref, dinv_ref, b_ref, batch_ref, wfc_ref, bfc_ref,
              out_ref, *, g):
    n = s_ref.shape[0]
    agg = aggp_ref[0, :n] + aggp_ref[1, :n] + s_ref[...]
    h = jnp.maximum(agg * dinv_ref[...] + b_ref[...], 0.0)
    gids = lax.broadcasted_iota(jnp.int32, (n, g), 1)
    onehot = (batch_ref[...] == gids).astype(jnp.float32)
    sums = jax.lax.dot_general(onehot, h, (((0,), (0,)), ((), ())),
                               preferred_element_type=jnp.float32)
    ones = jnp.ones((n, 1), jnp.float32)
    cnt = jax.lax.dot_general(onehot, ones, (((0,), (0,)), ((), ())),
                              preferred_element_type=jnp.float32)
    pooled = sums / jnp.maximum(cnt, 1.0)
    logits = jnp.dot(pooled, wfc_ref[...],
                     preferred_element_type=jnp.float32) + bfc_ref[...]
    m = jnp.max(logits, axis=1, keepdims=True)
    z = logits - m
    lse = jnp.log(jnp.sum(jnp.exp(z), axis=1, keepdims=True))
    out_ref[...] = z - lse


def kernel(x, edge_index, batch, W1, b1, W2, b2, Wfc, bfc):
    n, d_in = x.shape
    hid = W1.shape[1]
    c_out = Wfc.shape[1]
    e = edge_index.shape[1]
    g = 64
    chunk = 80

    w = 16
    npad = ((n + NS * 8 - 1) // (NS * 8)) * NS * 8
    nchunk = e // (NW * chunk)
    edge3 = edge_index.reshape(2, NW, nchunk, chunk)
    batch2 = batch[:, None]
    ones_rows = jnp.ones((chunk, w), jnp.float32)
    zhist = jnp.zeros((npad // NS, w), jnp.float32)
    ztile = jnp.zeros((npad // NS, hid), jnp.float32)

    deg_hist = _make_deg_hist(n, e, chunk, w, npad)
    edge_agg = _make_edge_agg(n, e, hid, chunk, npad)

    degp = deg_hist(edge3, ones_rows, zhist)

    tc1 = pl.pallas_call(
        _tc1_body,
        out_shape=(jax.ShapeDtypeStruct((n, 1), jnp.float32),
                   jax.ShapeDtypeStruct((n, hid), jnp.float32)),
    )
    dinv, s1 = tc1(degp, x, W1)

    agg1 = edge_agg(s1, edge3, ztile)

    tc2 = pl.pallas_call(
        _tc2_body,
        out_shape=jax.ShapeDtypeStruct((n, hid), jnp.float32),
    )
    s2 = tc2(agg1, s1, dinv, b1, W2)

    agg2 = edge_agg(s2, edge3, ztile)

    tc3 = pl.pallas_call(
        functools.partial(_tc3_body, g=g),
        out_shape=jax.ShapeDtypeStruct((g, c_out), jnp.float32),
    )
    return tc3(agg2, s2, dinv, b2, batch2, Wfc, bfc)

# --- scband reference (transcript-rebuilt; emitter-appended) ---
"""Pipeline reference for scband-graph-baseline-48464410968239 (READ-ONLY COPY).

The authoritative reference and input builder live on the scoring server;
editing this copy changes nothing except your own understanding.
"""

import jax, jax.numpy as jnp
import numpy as np

N = 10000
E = 320000
D_IN = 128
HID = 128
C_OUT = 10
G = 64


def setup_inputs(seed: int = 0) -> dict:
    key = jax.random.key(seed)
    ks = jax.random.split(key, 10)
    x = jax.random.normal(ks[0], (N, D_IN), dtype=jnp.float32)
    edge_index = jax.random.randint(ks[1], (2, E), 0, N, dtype=jnp.int32)
    batch = jnp.sort(jax.random.randint(ks[2], (N,), 0, G, dtype=jnp.int32))
    W1 = jax.random.normal(ks[3], (D_IN, HID), dtype=jnp.float32) * (1.0 / np.sqrt(D_IN))
    b1 = jnp.zeros((HID,), dtype=jnp.float32)
    W2 = jax.random.normal(ks[4], (HID, HID), dtype=jnp.float32) * (1.0 / np.sqrt(HID))
    b2 = jnp.zeros((HID,), dtype=jnp.float32)
    Wfc = jax.random.normal(ks[5], (HID, C_OUT), dtype=jnp.float32) * (1.0 / np.sqrt(HID))
    bfc = jnp.zeros((C_OUT,), dtype=jnp.float32)
    return {"x": x, "edge_index": edge_index, "batch": batch,
            "W1": W1, "b1": b1, "W2": W2, "b2": b2, "Wfc": Wfc, "bfc": bfc}


def _gcn_conv(x, edge_index, W, b):
    n = x.shape[0]
    src = edge_index[0]
    dst = edge_index[1]
    loop = jnp.arange(n, dtype=src.dtype)
    src = jnp.concatenate([src, loop])
    dst = jnp.concatenate([dst, loop])
    ones = jnp.ones(src.shape, dtype=x.dtype)
    deg = jax.ops.segment_sum(ones, dst, num_segments=n)
    dinv = jnp.where(deg > 0, 1.0 / jnp.sqrt(deg), 0.0)
    norm = dinv[src] * dinv[dst]
    h = x @ W
    msgs = h[src] * norm[:, None]
    out = jax.ops.segment_sum(msgs, dst, num_segments=n)
    return out + b


def reference(x, edge_index, batch, W1, b1, W2, b2, Wfc, bfc):
    h = jax.nn.relu(_gcn_conv(x, edge_index, W1, b1))
    h = jax.nn.relu(_gcn_conv(h, edge_index, W2, b2))
    sums = jax.ops.segment_sum(h, batch, num_segments=G)
    cnt = jax.ops.segment_sum(jnp.ones((h.shape[0],), h.dtype), batch, num_segments=G)
    pooled = sums / jnp.maximum(cnt, 1.0)[:, None]
    logits = pooled @ Wfc + bfc
    return jax.nn.log_softmax(logits, axis=1)

if __name__ == "__main__":
    import jax
    _d = setup_inputs()
    print(jax.jit(kernel)(*tuple(_d.values())))

</pallas_src>

<mosaic_0001>
#map = affine_map<(d0, d1) -> (0, 0)>
#map1 = affine_map<(d0, d1) -> (0, 0, 0, 0)>
#map2 = affine_map<(d0, d1) -> (0, 0, 0)>
module attributes {stable_mosaic.version = 14 : i64} {
  func.func @edge_agg(%arg0: i32, %arg1: i32, %arg2: memref<10000x128xf32, #tpu.memory_space<hbm>>, %arg3: memref<2x32x125x80xi32, #tpu.memory_space<hbm>>, %arg4: memref<632x128xf32, #tpu.memory_space<hbm>>, %arg5: memref<2x10112x128xf32, #tpu.memory_space<hbm>>, %arg6: memref<80xi32, #tpu.memory_space<vmem>>, %arg7: memref<80xi32, #tpu.memory_space<vmem>>, %arg8: memref<80xi32, #tpu.memory_space<vmem>>, %arg9: memref<80xi32, #tpu.memory_space<vmem>>, %arg10: memref<80xi32, #tpu.memory_space<vmem>>, %arg11: memref<80xi32, #tpu.memory_space<vmem>>, %arg12: memref<80xi32, #tpu.memory_space<vmem>>, %arg13: memref<80xi32, #tpu.memory_space<vmem>>, %arg14: memref<80xi32, #tpu.memory_space<vmem>>, %arg15: memref<80xi32, #tpu.memory_space<vmem>>, %arg16: memref<80xi32, #tpu.memory_space<vmem>>, %arg17: memref<80xi32, #tpu.memory_space<vmem>>, %arg18: memref<80xi32, #tpu.memory_space<vmem>>, %arg19: memref<80xi32, #tpu.memory_space<vmem>>, %arg20: memref<80xi32, #tpu.memory_space<vmem>>, %arg21: memref<80xi32, #tpu.memory_space<vmem>>, %arg22: memref<80x128xf32, #tpu.memory_space<vmem>>, %arg23: memref<80x128xf32, #tpu.memory_space<vmem>>, %arg24: memref<80x128xf32, #tpu.memory_space<vmem>>, %arg25: memref<80x128xf32, #tpu.memory_space<vmem>>, %arg26: memref<10112x128xf32, #tpu.memory_space<vmem_shared>>, %arg27: memref<!tpu.dma_semaphore, #tpu.memory_space<semaphore_mem>>, %arg28: memref<!tpu.dma_semaphore, #tpu.memory_space<semaphore_mem>>, %arg29: memref<!tpu.dma_semaphore, #tpu.memory_space<semaphore_mem>>, %arg30: memref<!tpu.dma_semaphore, #tpu.memory_space<semaphore_mem>>, %arg31: memref<!tpu.dma_semaphore, #tpu.memory_space<semaphore_mem>>, %arg32: memref<!tpu.dma_semaphore, #tpu.memory_space<semaphore_mem>>, %arg33: memref<!tpu.dma_semaphore, #tpu.memory_space<semaphore_mem>>, %arg34: memref<!tpu.dma_semaphore, #tpu.memory_space<semaphore_mem>>, %arg35: memref<!tpu.dma_semaphore, #tpu.memory_space<semaphore_mem>>, %arg36: memref<!tpu.dma_semaphore, #tpu.memory_space<semaphore_mem>>, %arg37: memref<!tpu.dma_semaphore, #tpu.memory_space<semaphore_mem>>, %arg38: memref<!tpu.dma_semaphore, #tpu.memory_space<semaphore_mem>>, %arg39: memref<!tpu.dma_semaphore, #tpu.memory_space<semaphore_mem>>, %arg40: memref<!tpu.dma_semaphore, #tpu.memory_space<semaphore_mem>>, %arg41: memref<!tpu.dma_semaphore, #tpu.memory_space<semaphore_mem>>, %arg42: memref<!tpu.dma_semaphore, #tpu.memory_space<semaphore_mem>>, %arg43: memref<!tpu.dma_semaphore, #tpu.memory_space<semaphore_mem>>, %arg44: memref<!tpu.dma_semaphore, #tpu.memory_space<semaphore_mem>>, %arg45: memref<!tpu.dma_semaphore, #tpu.memory_space<semaphore_mem>>, %arg46: memref<!tpu.dma_semaphore, #tpu.memory_space<semaphore_mem>>, %arg47: memref<!tpu.dma_semaphore, #tpu.memory_space<semaphore_mem>>, %arg48: memref<!tpu.dma_semaphore, #tpu.memory_space<semaphore_mem>>, %arg49: memref<!tpu.dma_semaphore, #tpu.memory_space<semaphore_mem>>, %arg50: memref<!tpu.dma_semaphore, #tpu.memory_space<semaphore_mem>>) attributes {dimension_semantics = [#tpu.dimension_semantics<core_parallel>, #tpu.dimension_semantics<subcore_parallel>], iteration_bounds = array<i64: 2, 16>, scalar_prefetch = 0 : i64, scratch_operands = 45 : i64, tpu.core_type = #tpu.core_type<sc_vector_subcore>, window_params = [{transform_indices = #map}, {transform_indices = #map1}, {transform_indices = #map}, {transform_indices = #map2}]} {
    %mul3A = arith.constant 2 : i32
    %mul3A_0 = arith.muli %arg1, %mul3A : i32
    %add3A = arith.addi %mul3A_0, %arg0 : i32
    %dma_start3A = arith.constant 0 : i32
    %dma_start3A_1 = arith.constant 0 : i32
    %dma_start3A_2 = arith.constant 0 : i32
    %dma_start3A_3 = tpu.memref_slice %arg3[%dma_start3A, %add3A, %dma_start3A_1, %dma_start3A_2] : memref<2x32x125x80xi32, #tpu.memory_space<hbm>> -> memref<1x1x1x80xi32, #tpu.memory_space<hbm>>
    %dma_start3A_4 = tpu.memref_squeeze %dma_start3A_3 : memref<1x1x1x80xi32, #tpu.memory_space<hbm>> -> memref<80xi32, #tpu.memory_space<hbm>>
    %dma_start3A_5 = arith.constant 0 : i32
    %dma_start3A_6 = tpu.memref_slice %arg3[%dma_start3A, %add3A, %dma_start3A_1, %dma_start3A_5] : memref<2x32x125x80xi32, #tpu.memory_space<hbm>> -> memref<1x1x1x80xi32, #tpu.memory_space<hbm>>
    %dma_start3A_7 = tpu.memref_squeeze %dma_start3A_6 : memref<1x1x1x80xi32, #tpu.memory_space<hbm>> -> memref<80xi32, #tpu.memory_space<hbm>>
    tpu.enqueue_dma source(%dma_start3A_7 : memref<80xi32, #tpu.memory_space<hbm>>) target(%arg6 : memref<80xi32, #tpu.memory_space<vmem>>) target_semaphore(%arg27 : memref<!tpu.dma_semaphore, #tpu.memory_space<semaphore_mem>>)
    %dma_start3A_8 = arith.constant 1 : i32
    %dma_start3A_9 = arith.constant 0 : i32
    %dma_start3A_10 = arith.constant 0 : i32
    %dma_start3A_11 = tpu.memref_slice %arg3[%dma_start3A_8, %add3A, %dma_start3A_9, %dma_start3A_10] : memref<2x32x125x80xi32, #tpu.memory_space<hbm>> -> memref<1x1x1x80xi32, #tpu.memory_space<hbm>>
    %dma_start3A_12 = tpu.memref_squeeze %dma_start3A_11 : memref<1x1x1x80xi32, #tpu.memory_space<hbm>> -> memref<80xi32, #tpu.memory_space<hbm>>
    %dma_start3A_13 = arith.constant 0 : i32
    %dma_start3A_14 = tpu.memref_slice %arg3[%dma_start3A_8, %add3A, %dma_start3A_9, %dma_start3A_13] : memref<2x32x125x80xi32, #tpu.memory_space<hbm>> -> memref<1x1x1x80xi32, #tpu.memory_space<hbm>>
    %dma_start3A_15 = tpu.memref_squeeze %dma_start3A_14 : memref<1x1x1x80xi32, #tpu.memory_space<hbm>> -> memref<80xi32, #tpu.memory_space<hbm>>
    tpu.enqueue_dma source(%dma_start3A_15 : memref<80xi32, #tpu.memory_space<hbm>>) target(%arg14 : memref<80xi32, #tpu.memory_space<vmem>>) target_semaphore(%arg35 : memref<!tpu.dma_semaphore, #tpu.memory_space<semaphore_mem>>)
    %dma_start3A_16 = arith.constant 0 : i32
    %dma_start3A_17 = arith.constant 1 : i32
    %dma_start3A_18 = arith.constant 0 : i32
    %dma_start3A_19 = tpu.memref_slice %arg3[%dma_start3A_16, %add3A, %dma_start3A_17, %dma_start3A_18] : memref<2x32x125x80xi32, #tpu.memory_space<hbm>> -> memref<1x1x1x80xi32, #tpu.memory_space<hbm>>
    %dma_start3A_20 = tpu.memref_squeeze %dma_start3A_19 : memref<1x1x1x80xi32, #tpu.memory_space<hbm>> -> memref<80xi32, #tpu.memory_space<hbm>>
    %dma_start3A_21 = arith.constant 0 : i32
    %dma_start3A_22 = tpu.memref_slice %arg3[%dma_start3A_16, %add3A, %dma_start3A_17, %dma_start3A_21] : memref<2x32x125x80xi32, #tpu.memory_space<hbm>> -> memref<1x1x1x80xi32, #tpu.memory_space<hbm>>
    %dma_start3A_23 = tpu.memref_squeeze %dma_start3A_22 : memref<1x1x1x80xi32, #tpu.memory_space<hbm>> -> memref<80xi32, #tpu.memory_space<hbm>>
    tpu.enqueue_dma source(%dma_start3A_23 : memref<80xi32, #tpu.memory_space<hbm>>) target(%arg7 : memref<80xi32, #tpu.memory_space<vmem>>) target_semaphore(%arg28 : memref<!tpu.dma_semaphore, #tpu.memory_space<semaphore_mem>>)
    %dma_start3A_24 = arith.constant 1 : i32
    %dma_start3A_25 = arith.constant 1 : i32
    %dma_start3A_26 = arith.constant 0 : i32
    %dma_start3A_27 = tpu.memref_slice %arg3[%dma_start3A_24, %add3A, %dma_start3A_25, %dma_start3A_26] : memref<2x32x125x80xi32, #tpu.memory_space<hbm>> -> memref<1x1x1x80xi32, #tpu.memory_space<hbm>>
    %dma_start3A_28 = tpu.memref_squeeze %dma_start3A_27 : memref<1x1x1x80xi32, #tpu.memory_space<hbm>> -> memref<80xi32, #tpu.memory_space<hbm>>
    %dma_start3A_29 = arith.constant 0 : i32
    %dma_start3A_30 = tpu.memref_slice %arg3[%dma_start3A_24, %add3A, %dma_start3A_25, %dma_start3A_29] : memref<2x32x125x80xi32, #tpu.memory_space<hbm>> -> memref<1x1x1x80xi32, #tpu.memory_space<hbm>>
    %dma_start3A_31 = tpu.memref_squeeze %dma_start3A_30 : memref<1x1x1x80xi32, #tpu.memory_space<hbm>> -> memref<80xi32, #tpu.memory_space<hbm>>
    tpu.enqueue_dma source(%dma_start3A_31 : memref<80xi32, #tpu.memory_space<hbm>>) target(%arg15 : memref<80xi32, #tpu.memory_space<vmem>>) target_semaphore(%arg36 : memref<!tpu.dma_semaphore, #tpu.memory_space<semaphore_mem>>)
    %dma_start3A_32 = arith.constant 0 : i32
    %dma_start3A_33 = arith.constant 2 : i32
    %dma_start3A_34 = arith.constant 0 : i32
    %dma_start3A_35 = tpu.memref_slice %arg3[%dma_start3A_32, %add3A, %dma_start3A_33, %dma_start3A_34] : memref<2x32x125x80xi32, #tpu.memory_space<hbm>> -> memref<1x1x1x80xi32, #tpu.memory_space<hbm>>
    %dma_start3A_36 = tpu.memref_squeeze %dma_start3A_35 : memref<1x1x1x80xi32, #tpu.memory_space<hbm>> -> memref<80xi32, #tpu.memory_space<hbm>>
    %dma_start3A_37 = arith.constant 0 : i32
    %dma_start3A_38 = tpu.memref_slice %arg3[%dma_start3A_32, %add3A, %dma_start3A_33, %dma_start3A_37] : memref<2x32x125x80xi32, #tpu.memory_space<hbm>> -> memref<1x1x1x80xi32, #tpu.memory_space<hbm>>
    %dma_start3A_39 = tpu.memref_squeeze %dma_start3A_38 : memref<1x1x1x80xi32, #tpu.memory_space<hbm>> -> memref<80xi32, #tpu.memory_space<hbm>>
    tpu.enqueue_dma source(%dma_start3A_39 : memref<80xi32, #tpu.memory_space<hbm>>) target(%arg8 : memref<80xi32, #tpu.memory_space<vmem>>) target_semaphore(%arg29 : memref<!tpu.dma_semaphore, #tpu.memory_space<semaphore_mem>>)
    %dma_start3A_40 = arith.constant 1 : i32
    %dma_start3A_41 = arith.constant 2 : i32
    %dma_start3A_42 = arith.constant 0 : i32
    %dma_start3A_43 = tpu.memref_slice %arg3[%dma_start3A_40, %add3A, %dma_start3A_41, %dma_start3A_42] : memref<2x32x125x80xi32, #tpu.memory_space<hbm>> -> memref<1x1x1x80xi32, #tpu.memory_space<hbm>>
    %dma_start3A_44 = tpu.memref_squeeze %dma_start3A_43 : memref<1x1x1x80xi32, #tpu.memory_space<hbm>> -> memref<80xi32, #tpu.memory_space<hbm>>
    %dma_start3A_45 = arith.constant 0 : i32
    %dma_start3A_46 = tpu.memref_slice %arg3[%dma_start3A_40, %add3A, %dma_start3A_41, %dma_start3A_45] : memref<2x32x125x80xi32, #tpu.memory_space<hbm>> -> memref<1x1x1x80xi32, #tpu.memory_space<hbm>>
    %dma_start3A_47 = tpu.memref_squeeze %dma_start3A_46 : memref<1x1x1x80xi32, #tpu.memory_space<hbm>> -> memref<80xi32, #tpu.memory_space<hbm>>
    tpu.enqueue_dma source(%dma_start3A_47 : memref<80xi32, #tpu.memory_space<hbm>>) target(%arg16 : memref<80xi32, #tpu.memory_space<vmem>>) target_semaphore(%arg37 : memref<!tpu.dma_semaphore, #tpu.memory_space<semaphore_mem>>)
    %dma_start3A_48 = arith.constant 0 : i32
    %dma_start3A_49 = arith.constant 3 : i32
    %dma_start3A_50 = arith.constant 0 : i32
    %dma_start3A_51 = tpu.memref_slice %arg3[%dma_start3A_48, %add3A, %dma_start3A_49, %dma_start3A_50] : memref<2x32x125x80xi32, #tpu.memory_space<hbm>> -> memref<1x1x1x80xi32, #tpu.memory_space<hbm>>
    %dma_start3A_52 = tpu.memref_squeeze %dma_start3A_51 : memref<1x1x1x80xi32, #tpu.memory_space<hbm>> -> memref<80xi32, #tpu.memory_space<hbm>>
    %dma_start3A_53 = arith.constant 0 : i32
    %dma_start3A_54 = tpu.memref_slice %arg3[%dma_start3A_48, %add3A, %dma_start3A_49, %dma_start3A_53] : memref<2x32x125x80xi32, #tpu.memory_space<hbm>> -> memref<1x1x1x80xi32, #tpu.memory_space<hbm>>
    %dma_start3A_55 = tpu.memref_squeeze %dma_start3A_54 : memref<1x1x1x80xi32, #tpu.memory_space<hbm>> -> memref<80xi32, #tpu.memory_space<hbm>>
    tpu.enqueue_dma source(%dma_start3A_55 : memref<80xi32, #tpu.memory_space<hbm>>) target(%arg9 : memref<80xi32, #tpu.memory_space<vmem>>) target_semaphore(%arg30 : memref<!tpu.dma_semaphore, #tpu.memory_space<semaphore_mem>>)
    %dma_start3A_56 = arith.constant 1 : i32
    %dma_start3A_57 = arith.constant 3 : i32
    %dma_start3A_58 = arith.constant 0 : i32
    %dma_start3A_59 = tpu.memref_slice %arg3[%dma_start3A_56, %add3A, %dma_start3A_57, %dma_start3A_58] : memref<2x32x125x80xi32, #tpu.memory_space<hbm>> -> memref<1x1x1x80xi32, #tpu.memory_space<hbm>>
    %dma_start3A_60 = tpu.memref_squeeze %dma_start3A_59 : memref<1x1x1x80xi32, #tpu.memory_space<hbm>> -> memref<80xi32, #tpu.memory_space<hbm>>
    %dma_start3A_61 = arith.constant 0 : i32
    %dma_start3A_62 = tpu.memref_slice %arg3[%dma_start3A_56, %add3A, %dma_start3A_57, %dma_start3A_61] : memref<2x32x125x80xi32, #tpu.memory_space<hbm>> -> memref<1x1x1x80xi32, #tpu.memory_space<hbm>>
    %dma_start3A_63 = tpu.memref_squeeze %dma_start3A_62 : memref<1x1x1x80xi32, #tpu.memory_space<hbm>> -> memref<80xi32, #tpu.memory_space<hbm>>
    tpu.enqueue_dma source(%dma_start3A_63 : memref<80xi32, #tpu.memory_space<hbm>>) target(%arg17 : memref<80xi32, #tpu.memory_space<vmem>>) target_semaphore(%arg38 : memref<!tpu.dma_semaphore, #tpu.memory_space<semaphore_mem>>)
    %mul3A_64 = arith.constant 632 : i32
    %mul3A_65 = arith.muli %arg1, %mul3A_64 : i32
    "tpu.region"() ({
      %run_scoped3A = tpu.sem_alloc : memref<!tpu.dma_semaphore, #tpu.memory_space<semaphore_mem>>
      %dma_start3A_609 = arith.constant 0 : i32
      %dma_start3A_610 = tpu.memref_slice %arg26[%mul3A_65, %dma_start3A_609] : memref<10112x128xf32, #tpu.memory_space<vmem_shared>> -> memref<632x128xf32, #tpu.memory_space<vmem_shared>>
      tpu.enqueue_dma source(%arg4 : memref<632x128xf32, #tpu.memory_space<hbm>>) target(%dma_start3A_610 : memref<632x128xf32, #tpu.memory_space<vmem_shared>>) target_semaphore(%run_scoped3A : memref<!tpu.dma_semaphore, #tpu.memory_space<semaphore_mem>>)
      %dma_wait3A_611 = arith.constant 0 : i32
      %dma_wait3A_612 = tpu.memref_slice %arg26[%mul3A_65, %dma_wait3A_611] : memref<10112x128xf32, #tpu.memory_space<vmem_shared>> -> memref<632x128xf32, #tpu.memory_space<vmem_shared>>
      tpu.wait_dma2 semaphore(%run_scoped3A : memref<!tpu.dma_semaphore, #tpu.memory_space<semaphore_mem>>) src(%arg4 : memref<632x128xf32, #tpu.memory_space<hbm>>) dst(%dma_wait3A_612 : memref<632x128xf32, #tpu.memory_space<vmem_shared>>)
      tpu.yield
    }) : () -> ()
    %dma_wait3A = arith.constant 0 : i32
    %dma_wait3A_66 = arith.constant 0 : i32
    %dma_wait3A_67 = arith.constant 0 : i32
    %dma_wait3A_68 = arith.constant 0 : i32
    %dma_wait3A_69 = tpu.memref_slice %arg3[%dma_wait3A, %dma_wait3A_66, %dma_wait3A_67, %dma_wait3A_68] : memref<2x32x125x80xi32, #tpu.memory_space<hbm>> -> memref<1x1x1x80xi32, #tpu.memory_space<hbm>>
    %dma_wait3A_70 = tpu.memref_squeeze %dma_wait3A_69 : memref<1x1x1x80xi32, #tpu.memory_space<hbm>> -> memref<80xi32, #tpu.memory_space<hbm>>
    %dma_wait3A_71 = arith.constant 0 : i32
    %dma_wait3A_72 = tpu.memref_slice %arg3[%dma_wait3A, %dma_wait3A_66, %dma_wait3A_67, %dma_wait3A_71] : memref<2x32x125x80xi32, #tpu.memory_space<hbm>> -> memref<1x1x1x80xi32, #tpu.memory_space<hbm>>
    %dma_wait3A_73 = tpu.memref_squeeze %dma_wait3A_72 : memref<1x1x1x80xi32, #tpu.memory_space<hbm>> -> memref<80xi32, #tpu.memory_space<hbm>>
    tpu.wait_dma2 semaphore(%arg27 : memref<!tpu.dma_semaphore, #tpu.memory_space<semaphore_mem>>) src(%dma_wait3A_73 : memref<80xi32, #tpu.memory_space<hbm>>) dst(%arg6 : memref<80xi32, #tpu.memory_space<vmem>>)
    %dma_wait3A_74 = arith.constant 1 : i32
    %dma_wait3A_75 = arith.constant 0 : i32
    %dma_wait3A_76 = arith.constant 0 : i32
    %dma_wait3A_77 = arith.constant 0 : i32
    %dma_wait3A_78 = tpu.memref_slice %arg3[%dma_wait3A_74, %dma_wait3A_75, %dma_wait3A_76, %dma_wait3A_77] : memref<2x32x125x80xi32, #tpu.memory_space<hbm>> -> memref<1x1x1x80xi32, #tpu.memory_space<hbm>>
    %dma_wait3A_79 = tpu.memref_squeeze %dma_wait3A_78 : memref<1x1x1x80xi32, #tpu.memory_space<hbm>> -> memref<80xi32, #tpu.memory_space<hbm>>
    %dma_wait3A_80 = arith.constant 0 : i32
    %dma_wait3A_81 = tpu.memref_slice %arg3[%dma_wait3A_74, %dma_wait3A_75, %dma_wait3A_76, %dma_wait3A_80] : memref<2x32x125x80xi32, #tpu.memory_space<hbm>> -> memref<1x1x1x80xi32, #tpu.memory_space<hbm>>
    %dma_wait3A_82 = tpu.memref_squeeze %dma_wait3A_81 : memref<1x1x1x80xi32, #tpu.memory_space<hbm>> -> memref<80xi32, #tpu.memory_space<hbm>>
    tpu.wait_dma2 semaphore(%arg35 : memref<!tpu.dma_semaphore, #tpu.memory_space<semaphore_mem>>) src(%dma_wait3A_82 : memref<80xi32, #tpu.memory_space<hbm>>) dst(%arg14 : memref<80xi32, #tpu.memory_space<vmem>>)
    %dma_start3A_83 = arith.constant 0 : i32
    %dma_start3A_84 = arith.constant 0 : i32
    %dma_start3A_85 = tpu.memref_slice %arg2[%dma_start3A_83, %dma_start3A_84] : memref<10000x128xf32, #tpu.memory_space<hbm>> -> memref<10000x128xf32, #tpu.memory_space<hbm>>
    tpu.enqueue_indirect_dma source(%dma_start3A_85 : memref<10000x128xf32, #tpu.memory_space<hbm>>) target(%arg22 : memref<80x128xf32, #tpu.memory_space<vmem>>) offsets(%arg6 : memref<80xi32, #tpu.memory_space<vmem>>) semaphore(%arg43 : memref<!tpu.dma_semaphore, #tpu.memory_space<semaphore_mem>>)
    %dma_wait3A_86 = arith.constant 0 : i32
    %dma_wait3A_87 = arith.constant 0 : i32
    %dma_wait3A_88 = arith.constant 0 : i32
    %dma_wait3A_89 = arith.constant 0 : i32
    %dma_wait3A_90 = tpu.memref_slice %arg3[%dma_wait3A_86, %dma_wait3A_87, %dma_wait3A_88, %dma_wait3A_89] : memref<2x32x125x80xi32, #tpu.memory_space<hbm>> -> memref<1x1x1x80xi32, #tpu.memory_space<hbm>>
    %dma_wait3A_91 = tpu.memref_squeeze %dma_wait3A_90 : memref<1x1x1x80xi32, #tpu.memory_space<hbm>> -> memref<80xi32, #tpu.memory_space<hbm>>
    %dma_wait3A_92 = arith.constant 0 : i32
    %dma_wait3A_93 = tpu.memref_slice %arg3[%dma_wait3A_86, %dma_wait3A_87, %dma_wait3A_88, %dma_wait3A_92] : memref<2x32x125x80xi32, #tpu.memory_space<hbm>> -> memref<1x1x1x80xi32, #tpu.memory_space<hbm>>
    %dma_wait3A_94 = tpu.memref_squeeze %dma_wait3A_93 : memref<1x1x1x80xi32, #tpu.memory_space<hbm>> -> memref<80xi32, #tpu.memory_space<hbm>>
    tpu.wait_dma2 semaphore(%arg28 : memref<!tpu.dma_semaphore, #tpu.memory_space<semaphore_mem>>) src(%dma_wait3A_94 : memref<80xi32, #tpu.memory_space<hbm>>) dst(%arg7 : memref<80xi32, #tpu.memory_space<vmem>>)
    %dma_wait3A_95 = arith.constant 1 : i32
    %dma_wait3A_96 = arith.constant 0 : i32
    %dma_wait3A_97 = arith.constant 0 : i32
    %dma_wait3A_98 = arith.constant 0 : i32
    %dma_wait3A_99 = tpu.memref_slice %arg3[%dma_wait3A_95, %dma_wait3A_96, %dma_wait3A_97, %dma_wait3A_98] : memref<2x32x125x80xi32, #tpu.memory_space<hbm>> -> memref<1x1x1x80xi32, #tpu.memory_space<hbm>>
    %dma_wait3A_100 = tpu.memref_squeeze %dma_wait3A_99 : memref<1x1x1x80xi32, #tpu.memory_space<hbm>> -> memref<80xi32, #tpu.memory_space<hbm>>
    %dma_wait3A_101 = arith.constant 0 : i32
    %dma_wait3A_102 = tpu.memref_slice %arg3[%dma_wait3A_95, %dma_wait3A_96, %dma_wait3A_97, %dma_wait3A_101] : memref<2x32x125x80xi32, #tpu.memory_space<hbm>> -> memref<1x1x1x80xi32, #tpu.memory_space<hbm>>
    %dma_wait3A_103 = tpu.memref_squeeze %dma_wait3A_102 : memref<1x1x1x80xi32, #tpu.memory_space<hbm>> -> memref<80xi32, #tpu.memory_space<hbm>>
    tpu.wait_dma2 semaphore(%arg36 : memref<!tpu.dma_semaphore, #tpu.memory_space<semaphore_mem>>) src(%dma_wait3A_103 : memref<80xi32, #tpu.memory_space<hbm>>) dst(%arg15 : memref<80xi32, #tpu.memory_space<vmem>>)
    %dma_start3A_104 = arith.constant 0 : i32
    %dma_start3A_105 = arith.constant 0 : i32
    %dma_start3A_106 = tpu.memref_slice %arg2[%dma_start3A_104, %dma_start3A_105] : memref<10000x128xf32, #tpu.memory_space<hbm>> -> memref<10000x128xf32, #tpu.memory_space<hbm>>
    tpu.enqueue_indirect_dma source(%dma_start3A_106 : memref<10000x128xf32, #tpu.memory_space<hbm>>) target(%arg23 : memref<80x128xf32, #tpu.memory_space<vmem>>) offsets(%arg7 : memref<80xi32, #tpu.memory_space<vmem>>) semaphore(%arg44 : memref<!tpu.dma_semaphore, #tpu.memory_space<semaphore_mem>>)
    %barrier3A = arith.constant 0 : index
    tpu.barrier barrier_id(%barrier3A)
    %dma_wait3A_107 = arith.constant 0 : i32
    %dma_wait3A_108 = arith.constant 0 : i32
    %dma_wait3A_109 = tpu.memref_slice %arg2[%dma_wait3A_107, %dma_wait3A_108] : memref<10000x128xf32, #tpu.memory_space<hbm>> -> memref<10000x128xf32, #tpu.memory_space<hbm>>
    tpu.wait_indirect_dma semaphore(%arg43 : memref<!tpu.dma_semaphore, #tpu.memory_space<semaphore_mem>>) src(%dma_wait3A_109 : memref<10000x128xf32, #tpu.memory_space<hbm>>) dst(%arg22 : memref<80x128xf32, #tpu.memory_space<vmem>>)
    %dma_start3A_110 = arith.constant 0 : i32
    %dma_start3A_111 = arith.constant 0 : i32
    %dma_start3A_112 = tpu.memref_slice %arg26[%dma_start3A_110, %dma_start3A_111] : memref<10112x128xf32, #tpu.memory_space<vmem_shared>> -> memref<10112x128xf32, #tpu.memory_space<vmem_shared>>
    tpu.enqueue_indirect_dma source(%arg22 : memref<80x128xf32, #tpu.memory_space<vmem>>) target(%dma_start3A_112 : memref<10112x128xf32, #tpu.memory_space<vmem_shared>>) offsets(%arg14 : memref<80xi32, #tpu.memory_space<vmem>>) semaphore(%arg47 : memref<!tpu.dma_semaphore, #tpu.memory_space<semaphore_mem>>) {add = true}
    %dma_start3A_113 = arith.constant 0 : i32
    %dma_start3A_114 = arith.constant 4 : i32
    %dma_start3A_115 = arith.constant 0 : i32
    %dma_start3A_116 = tpu.memref_slice %arg3[%dma_start3A_113, %add3A, %dma_start3A_114, %dma_start3A_115] : memref<2x32x125x80xi32, #tpu.memory_space<hbm>> -> memref<1x1x1x80xi32, #tpu.memory_space<hbm>>
    %dma_start3A_117 = tpu.memref_squeeze %dma_start3A_116 : memref<1x1x1x80xi32, #tpu.memory_space<hbm>> -> memref<80xi32, #tpu.memory_space<hbm>>
    %dma_start3A_118 = arith.constant 0 : i32
    %dma_start3A_119 = tpu.memref_slice %arg3[%dma_start3A_113, %add3A, %dma_start3A_114, %dma_start3A_118] : memref<2x32x125x80xi32, #tpu.memory_space<hbm>> -> memref<1x1x1x80xi32, #tpu.memory_space<hbm>>
    %dma_start3A_120 = tpu.memref_squeeze %dma_start3A_119 : memref<1x1x1x80xi32, #tpu.memory_space<hbm>> -> memref<80xi32, #tpu.memory_space<hbm>>
    tpu.enqueue_dma source(%dma_start3A_120 : memref<80xi32, #tpu.memory_space<hbm>>) target(%arg10 : memref<80xi32, #tpu.memory_space<vmem>>) target_semaphore(%arg31 : memref<!tpu.dma_semaphore, #tpu.memory_space<semaphore_mem>>)
    %dma_start3A_121 = arith.constant 1 : i32
    %dma_start3A_122 = arith.constant 4 : i32
    %dma_start3A_123 = arith.constant 0 : i32
    %dma_start3A_124 = tpu.memref_slice %arg3[%dma_start3A_121, %add3A, %dma_start3A_122, %dma_start3A_123] : memref<2x32x125x80xi32, #tpu.memory_space<hbm>> -> memref<1x1x1x80xi32, #tpu.memory_space<hbm>>
    %dma_start3A_125 = tpu.memref_squeeze %dma_start3A_124 : memref<1x1x1x80xi32, #tpu.memory_space<hbm>> -> memref<80xi32, #tpu.memory_space<hbm>>
    %dma_start3A_126 = arith.constant 0 : i32
    %dma_start3A_127 = tpu.memref_slice %arg3[%dma_start3A_121, %add3A, %dma_start3A_122, %dma_start3A_126] : memref<2x32x125x80xi32, #tpu.memory_space<hbm>> -> memref<1x1x1x80xi32, #tpu.memory_space<hbm>>
    %dma_start3A_128 = tpu.memref_squeeze %dma_start3A_127 : memref<1x1x1x80xi32, #tpu.memory_space<hbm>> -> memref<80xi32, #tpu.memory_space<hbm>>
    tpu.enqueue_dma source(%dma_start3A_128 : memref<80xi32, #tpu.memory_space<hbm>>) target(%arg18 : memref<80xi32, #tpu.memory_space<vmem>>) target_semaphore(%arg39 : memref<!tpu.dma_semaphore, #tpu.memory_space<semaphore_mem>>)
    %dma_wait3A_129 = arith.constant 0 : i32
    %dma_wait3A_130 = arith.constant 0 : i32
    %dma_wait3A_131 = arith.constant 0 : i32
    %dma_wait3A_132 = arith.constant 0 : i32
    %dma_wait3A_133 = tpu.memref_slice %arg3[%dma_wait3A_129, %dma_wait3A_130, %dma_wait3A_131, %dma_wait3A_132] : memref<2x32x125x80xi32, #tpu.memory_space<hbm>> -> memref<1x1x1x80xi32, #tpu.memory_space<hbm>>
    %dma_wait3A_134 = tpu.memref_squeeze %dma_wait3A_133 : memref<1x1x1x80xi32, #tpu.memory_space<hbm>> -> memref<80xi32, #tpu.memory_space<hbm>>
    %dma_wait3A_135 = arith.constant 0 : i32
    %dma_wait3A_136 = tpu.memref_slice %arg3[%dma_wait3A_129, %dma_wait3A_130, %dma_wait3A_131, %dma_wait3A_135] : memref<2x32x125x80xi32, #tpu.memory_space<hbm>> -> memref<1x1x1x80xi32, #tpu.memory_space<hbm>>
    %dma_wait3A_137 = tpu.memref_squeeze %dma_wait3A_136 : memref<1x1x1x80xi32, #tpu.memory_space<hbm>> -> memref<80xi32, #tpu.memory_space<hbm>>
    tpu.wait_dma2 semaphore(%arg29 : memref<!tpu.dma_semaphore, #tpu.memory_space<semaphore_mem>>) src(%dma_wait3A_137 : memref<80xi32, #tpu.memory_space<hbm>>) dst(%arg8 : memref<80xi32, #tpu.memory_space<vmem>>)
    %dma_wait3A_138 = arith.constant 1 : i32
    %dma_wait3A_139 = arith.constant 0 : i32
    %dma_wait3A_140 = arith.constant 0 : i32
    %dma_wait3A_141 = arith.constant 0 : i32
    %dma_wait3A_142 = tpu.memref_slice %arg3[%dma_wait3A_138, %dma_wait3A_139, %dma_wait3A_140, %dma_wait3A_141] : memref<2x32x125x80xi32, #tpu.memory_space<hbm>> -> memref<1x1x1x80xi32, #tpu.memory_space<hbm>>
    %dma_wait3A_143 = tpu.memref_squeeze %dma_wait3A_142 : memref<1x1x1x80xi32, #tpu.memory_space<hbm>> -> memref<80xi32, #tpu.memory_space<hbm>>
    %dma_wait3A_144 = arith.constant 0 : i32
    %dma_wait3A_145 = tpu.memref_slice %arg3[%dma_wait3A_138, %dma_wait3A_139, %dma_wait3A_140, %dma_wait3A_144] : memref<2x32x125x80xi32, #tpu.memory_space<hbm>> -> memref<1x1x1x80xi32, #tpu.memory_space<hbm>>
    %dma_wait3A_146 = tpu.memref_squeeze %dma_wait3A_145 : memref<1x1x1x80xi32, #tpu.memory_space<hbm>> -> memref<80xi32, #tpu.memory_space<hbm>>
    tpu.wait_dma2 semaphore(%arg37 : memref<!tpu.dma_semaphore, #tpu.memory_space<semaphore_mem>>) src(%dma_wait3A_146 : memref<80xi32, #tpu.memory_space<hbm>>) dst(%arg16 : memref<80xi32, #tpu.memory_space<vmem>>)
    %dma_start3A_147 = arith.constant 0 : i32
    %dma_start3A_148 = arith.constant 0 : i32
    %dma_start3A_149 = tpu.memref_slice %arg2[%dma_start3A_147, %dma_start3A_148] : memref<10000x128xf32, #tpu.memory_space<hbm>> -> memref<10000x128xf32, #tpu.memory_space<hbm>>
    tpu.enqueue_indirect_dma source(%dma_start3A_149 : memref<10000x128xf32, #tpu.memory_space<hbm>>) target(%arg24 : memref<80x128xf32, #tpu.memory_space<vmem>>) offsets(%arg8 : memref<80xi32, #tpu.memory_space<vmem>>) semaphore(%arg45 : memref<!tpu.dma_semaphore, #tpu.memory_space<semaphore_mem>>)
    %dma_wait3A_150 = arith.constant 0 : i32
    %dma_wait3A_151 = arith.constant 0 : i32
    %dma_wait3A_152 = tpu.memref_slice %arg2[%dma_wait3A_150, %dma_wait3A_151] : memref<10000x128xf32, #tpu.memory_space<hbm>> -> memref<10000x128xf32, #tpu.memory_space<hbm>>
    tpu.wait_indirect_dma semaphore(%arg44 : memref<!tpu.dma_semaphore, #tpu.memory_space<semaphore_mem>>) src(%dma_wait3A_152 : memref<10000x128xf32, #tpu.memory_space<hbm>>) dst(%arg23 : memref<80x128xf32, #tpu.memory_space<vmem>>)
    %dma_start3A_153 = arith.constant 0 : i32
    %dma_start3A_154 = arith.constant 0 : i32
    %dma_start3A_155 = tpu.memref_slice %arg26[%dma_start3A_153, %dma_start3A_154] : memref<10112x128xf32, #tpu.memory_space<vmem_shared>> -> memref<10112x128xf32, #tpu.memory_space<vmem_shared>>
    tpu.enqueue_indirect_dma source(%arg23 : memref<80x128xf32, #tpu.memory_space<vmem>>) target(%dma_start3A_155 : memref<10112x128xf32, #tpu.memory_space<vmem_shared>>) offsets(%arg15 : memref<80xi32, #tpu.memory_space<vmem>>) semaphore(%arg48 : memref<!tpu.dma_semaphore, #tpu.memory_space<semaphore_mem>>) {add = true}
    %dma_start3A_156 = arith.constant 0 : i32
    %dma_start3A_157 = arith.constant 5 : i32
    %dma_start3A_158 = arith.constant 0 : i32
    %dma_start3A_159 = tpu.memref_slice %arg3[%dma_start3A_156, %add3A, %dma_start3A_157, %dma_start3A_158] : memref<2x32x125x80xi32, #tpu.memory_space<hbm>> -> memref<1x1x1x80xi32, #tpu.memory_space<hbm>>
    %dma_start3A_160 = tpu.memref_squeeze %dma_start3A_159 : memref<1x1x1x80xi32, #tpu.memory_space<hbm>> -> memref<80xi32, #tpu.memory_space<hbm>>
    %dma_start3A_161 = arith.constant 0 : i32
    %dma_start3A_162 = tpu.memref_slice %arg3[%dma_start3A_156, %add3A, %dma_start3A_157, %dma_start3A_161] : memref<2x32x125x80xi32, #tpu.memory_space<hbm>> -> memref<1x1x1x80xi32, #tpu.memory_space<hbm>>
    %dma_start3A_163 = tpu.memref_squeeze %dma_start3A_162 : memref<1x1x1x80xi32, #tpu.memory_space<hbm>> -> memref<80xi32, #tpu.memory_space<hbm>>
    tpu.enqueue_dma source(%dma_start3A_163 : memref<80xi32, #tpu.memory_space<hbm>>) target(%arg11 : memref<80xi32, #tpu.memory_space<vmem>>) target_semaphore(%arg32 : memref<!tpu.dma_semaphore, #tpu.memory_space<semaphore_mem>>)
    %dma_start3A_164 = arith.constant 1 : i32
    %dma_start3A_165 = arith.constant 5 : i32
    %dma_start3A_166 = arith.constant 0 : i32
    %dma_start3A_167 = tpu.memref_slice %arg3[%dma_start3A_164, %add3A, %dma_start3A_165, %dma_start3A_166] : memref<2x32x125x80xi32, #tpu.memory_space<hbm>> -> memref<1x1x1x80xi32, #tpu.memory_space<hbm>>
    %dma_start3A_168 = tpu.memref_squeeze %dma_start3A_167 : memref<1x1x1x80xi32, #tpu.memory_space<hbm>> -> memref<80xi32, #tpu.memory_space<hbm>>
    %dma_start3A_169 = arith.constant 0 : i32
    %dma_start3A_170 = tpu.memref_slice %arg3[%dma_start3A_164, %add3A, %dma_start3A_165, %dma_start3A_169] : memref<2x32x125x80xi32, #tpu.memory_space<hbm>> -> memref<1x1x1x80xi32, #tpu.memory_space<hbm>>
    %dma_start3A_171 = tpu.memref_squeeze %dma_start3A_170 : memref<1x1x1x80xi32, #tpu.memory_space<hbm>> -> memref<80xi32, #tpu.memory_space<hbm>>
    tpu.enqueue_dma source(%dma_start3A_171 : memref<80xi32, #tpu.memory_space<hbm>>) target(%arg19 : memref<80xi32, #tpu.memory_space<vmem>>) target_semaphore(%arg40 : memref<!tpu.dma_semaphore, #tpu.memory_space<semaphore_mem>>)
    %dma_wait3A_172 = arith.constant 0 : i32
    %dma_wait3A_173 = arith.constant 0 : i32
    %dma_wait3A_174 = arith.constant 0 : i32
    %dma_wait3A_175 = arith.constant 0 : i32
    %dma_wait3A_176 = tpu.memref_slice %arg3[%dma_wait3A_172, %dma_wait3A_173, %dma_wait3A_174, %dma_wait3A_175] : memref<2x32x125x80xi32, #tpu.memory_space<hbm>> -> memref<1x1x1x80xi32, #tpu.memory_space<hbm>>
    %dma_wait3A_177 = tpu.memref_squeeze %dma_wait3A_176 : memref<1x1x1x80xi32, #tpu.memory_space<hbm>> -> memref<80xi32, #tpu.memory_space<hbm>>
    %dma_wait3A_178 = arith.constant 0 : i32
    %dma_wait3A_179 = tpu.memref_slice %arg3[%dma_wait3A_172, %dma_wait3A_173, %dma_wait3A_174, %dma_wait3A_178] : memref<2x32x125x80xi32, #tpu.memory_space<hbm>> -> memref<1x1x1x80xi32, #tpu.memory_space<hbm>>
    %dma_wait3A_180 = tpu.memref_squeeze %dma_wait3A_179 : memref<1x1x1x80xi32, #tpu.memory_space<hbm>> -> memref<80xi32, #tpu.memory_space<hbm>>
    tpu.wait_dma2 semaphore(%arg30 : memref<!tpu.dma_semaphore, #tpu.memory_space<semaphore_mem>>) src(%dma_wait3A_180 : memref<80xi32, #tpu.memory_space<hbm>>) dst(%arg9 : memref<80xi32, #tpu.memory_space<vmem>>)
    %dma_wait3A_181 = arith.constant 1 : i32
    %dma_wait3A_182 = arith.constant 0 : i32
    %dma_wait3A_183 = arith.constant 0 : i32
    %dma_wait3A_184 = arith.constant 0 : i32
    %dma_wait3A_185 = tpu.memref_slice %arg3[%dma_wait3A_181, %dma_wait3A_182, %dma_wait3A_183, %dma_wait3A_184] : memref<2x32x125x80xi32, #tpu.memory_space<hbm>> -> memref<1x1x1x80xi32, #tpu.memory_space<hbm>>
    %dma_wait3A_186 = tpu.memref_squeeze %dma_wait3A_185 : memref<1x1x1x80xi32, #tpu.memory_space<hbm>> -> memref<80xi32, #tpu.memory_space<hbm>>
    %dma_wait3A_187 = arith.constant 0 : i32
    %dma_wait3A_188 = tpu.memref_slice %arg3[%dma_wait3A_181, %dma_wait3A_182, %dma_wait3A_183, %dma_wait3A_187] : memref<2x32x125x80xi32, #tpu.memory_space<hbm>> -> memref<1x1x1x80xi32, #tpu.memory_space<hbm>>
    %dma_wait3A_189 = tpu.memref_squeeze %dma_wait3A_188 : memref<1x1x1x80xi32, #tpu.memory_space<hbm>> -> memref<80xi32, #tpu.memory_space<hbm>>
    tpu.wait_dma2 semaphore(%arg38 : memref<!tpu.dma_semaphore, #tpu.memory_space<semaphore_mem>>) src(%dma_wait3A_189 : memref<80xi32, #tpu.memory_space<hbm>>) dst(%arg17 : memref<80xi32, #tpu.memory_space<vmem>>)
    %dma_start3A_190 = arith.constant 0 : i32
    %dma_start3A_191 = arith.constant 0 : i32
    %dma_start3A_192 = tpu.memref_slice %arg2[%dma_start3A_190, %dma_start3A_191] : memref<10000x128xf32, #tpu.memory_space<hbm>> -> memref<10000x128xf32, #tpu.memory_space<hbm>>
    tpu.enqueue_indirect_dma source(%dma_start3A_192 : memref<10000x128xf32, #tpu.memory_space<hbm>>) target(%arg25 : memref<80x128xf32, #tpu.memory_space<vmem>>) offsets(%arg9 : memref<80xi32, #tpu.memory_space<vmem>>) semaphore(%arg46 : memref<!tpu.dma_semaphore, #tpu.memory_space<semaphore_mem>>)
    %scan3A = arith.constant 0 : i32
    %scan3A_193 = arith.constant 0 : i32
    %scan3A_194 = arith.constant 14 : i32
    %scan3A_195 = arith.addi %scan3A_193, %scan3A_194 : i32
    %scan3A_196 = arith.constant 1 : i32
    scf.for %scan3A_609 = %scan3A_193 to %scan3A_195 step %scan3A_196  : i32 {
      %mul3A_610 = arith.constant 8 : i32
      %mul3A_611 = arith.muli %scan3A_609, %mul3A_610 : i32
      %add3A_612 = arith.constant 2 : i32
      %add3A_613 = arith.addi %add3A_612, %mul3A_611 : i32
      %add3A_614 = arith.constant 0 : i32
      %add3A_615 = arith.addi %add3A_613, %add3A_614 : i32
      %dma_wait3A_616 = arith.constant 0 : i32
      %dma_wait3A_617 = arith.constant 0 : i32
      %dma_wait3A_618 = tpu.memref_slice %arg2[%dma_wait3A_616, %dma_wait3A_617] : memref<10000x128xf32, #tpu.memory_space<hbm>> -> memref<10000x128xf32, #tpu.memory_space<hbm>>
      tpu.wait_indirect_dma semaphore(%arg45 : memref<!tpu.dma_semaphore, #tpu.memory_space<semaphore_mem>>) src(%dma_wait3A_618 : memref<10000x128xf32, #tpu.memory_space<hbm>>) dst(%arg24 : memref<80x128xf32, #tpu.memory_space<vmem>>)
      %dma_start3A_619 = arith.constant 0 : i32
      %dma_start3A_620 = arith.constant 0 : i32
      %dma_start3A_621 = tpu.memref_slice %arg26[%dma_start3A_619, %dma_start3A_620] : memref<10112x128xf32, #tpu.memory_space<vmem_shared>> -> memref<10112x128xf32, #tpu.memory_space<vmem_shared>>
      tpu.enqueue_indirect_dma source(%arg24 : memref<80x128xf32, #tpu.memory_space<vmem>>) target(%dma_start3A_621 : memref<10112x128xf32, #tpu.memory_space<vmem_shared>>) offsets(%arg16 : memref<80xi32, #tpu.memory_space<vmem>>) semaphore(%arg49 : memref<!tpu.dma_semaphore, #tpu.memory_space<semaphore_mem>>) {add = true}
      %add3A_622 = arith.constant 4 : i32
      %add3A_623 = arith.addi %add3A_615, %add3A_622 : i32
      %dma_start3A_624 = arith.constant 0 : i32
      %dma_start3A_625 = arith.constant 0 : i32
      %dma_start3A_626 = tpu.memref_slice %arg3[%dma_start3A_624, %add3A, %add3A_623, %dma_start3A_625] : memref<2x32x125x80xi32, #tpu.memory_space<hbm>> -> memref<1x1x1x80xi32, #tpu.memory_space<hbm>>
      %dma_start3A_627 = tpu.memref_squeeze %dma_start3A_626 : memref<1x1x1x80xi32, #tpu.memory_space<hbm>> -> memref<80xi32, #tpu.memory_space<hbm>>
      %dma_start3A_628 = arith.constant 0 : i32
      %dma_start3A_629 = tpu.memref_slice %arg3[%dma_start3A_624, %add3A, %add3A_623, %dma_start3A_628] : memref<2x32x125x80xi32, #tpu.memory_space<hbm>> -> memref<1x1x1x80xi32, #tpu.memory_space<hbm>>
      %dma_start3A_630 = tpu.memref_squeeze %dma_start3A_629 : memref<1x1x1x80xi32, #tpu.memory_space<hbm>> -> memref<80xi32, #tpu.memory_space<hbm>>
      tpu.enqueue_dma source(%dma_start3A_630 : memref<80xi32, #tpu.memory_space<hbm>>) target(%arg12 : memref<80xi32, #tpu.memory_space<vmem>>) target_semaphore(%arg33 : memref<!tpu.dma_semaphore, #tpu.memory_space<semaphore_mem>>)
      %dma_start3A_631 = arith.constant 1 : i32
      %dma_start3A_632 = arith.constant 0 : i32
      %dma_start3A_633 = tpu.memref_slice %arg3[%dma_start3A_631, %add3A, %add3A_623, %dma_start3A_632] : memref<2x32x125x80xi32, #tpu.memory_space<hbm>> -> memref<1x1x1x80xi32, #tpu.memory_space<hbm>>
      %dma_start3A_634 = tpu.memref_squeeze %dma_start3A_633 : memref<1x1x1x80xi32, #tpu.memory_space<hbm>> -> memref<80xi32, #tpu.memory_space<hbm>>
      %dma_start3A_635 = arith.constant 0 : i32
      %dma_start3A_636 = tpu.memref_slice %arg3[%dma_start3A_631, %add3A, %add3A_623, %dma_start3A_635] : memref<2x32x125x80xi32, #tpu.memory_space<hbm>> -> memref<1x1x1x80xi32, #tpu.memory_space<hbm>>
      %dma_start3A_637 = tpu.memref_squeeze %dma_start3A_636 : memref<1x1x1x80xi32, #tpu.memory_space<hbm>> -> memref<80xi32, #tpu.memory_space<hbm>>
      tpu.enqueue_dma source(%dma_start3A_637 : memref<80xi32, #tpu.memory_space<hbm>>) target(%arg20 : memref<80xi32, #tpu.memory_space<vmem>>) target_semaphore(%arg41 : memref<!tpu.dma_semaphore, #tpu.memory_space<semaphore_mem>>)
      %dma_wait3A_638 = arith.constant 0 : i32
      %dma_wait3A_639 = arith.constant 0 : i32
      %dma_wait3A_640 = tpu.memref_slice %arg26[%dma_wait3A_638, %dma_wait3A_639] : memref<10112x128xf32, #tpu.memory_space<vmem_shared>> -> memref<10112x128xf32, #tpu.memory_space<vmem_shared>>
      tpu.wait_indirect_dma semaphore(%arg47 : memref<!tpu.dma_semaphore, #tpu.memory_space<semaphore_mem>>) src(%arg22 : memref<80x128xf32, #tpu.memory_space<vmem>>) dst(%dma_wait3A_640 : memref<10112x128xf32, #tpu.memory_space<vmem_shared>>)
      %dma_wait3A_641 = arith.constant 0 : i32
      %dma_wait3A_642 = arith.constant 0 : i32
      %dma_wait3A_643 = arith.constant 0 : i32
      %dma_wait3A_644 = arith.constant 0 : i32
      %dma_wait3A_645 = tpu.memref_slice %arg3[%dma_wait3A_641, %dma_wait3A_642, %dma_wait3A_643, %dma_wait3A_644] : memref<2x32x125x80xi32, #tpu.memory_space<hbm>> -> memref<1x1x1x80xi32, #tpu.memory_space<hbm>>
      %dma_wait3A_646 = tpu.memref_squeeze %dma_wait3A_645 : memref<1x1x1x80xi32, #tpu.memory_space<hbm>> -> memref<80xi32, #tpu.memory_space<hbm>>
      %dma_wait3A_647 = arith.constant 0 : i32
      %dma_wait3A_648 = tpu.memref_slice %arg3[%dma_wait3A_641, %dma_wait3A_642, %dma_wait3A_643, %dma_wait3A_647] : memref<2x32x125x80xi32, #tpu.memory_space<hbm>> -> memref<1x1x1x80xi32, #tpu.memory_space<hbm>>
      %dma_wait3A_649 = tpu.memref_squeeze %dma_wait3A_648 : memref<1x1x1x80xi32, #tpu.memory_space<hbm>> -> memref<80xi32, #tpu.memory_space<hbm>>
      tpu.wait_dma2 semaphore(%arg31 : memref<!tpu.dma_semaphore, #tpu.memory_space<semaphore_mem>>) src(%dma_wait3A_649 : memref<80xi32, #tpu.memory_space<hbm>>) dst(%arg10 : memref<80xi32, #tpu.memory_space<vmem>>)
      %dma_wait3A_650 = arith.constant 1 : i32
      %dma_wait3A_651 = arith.constant 0 : i32
      %dma_wait3A_652 = arith.constant 0 : i32
      %dma_wait3A_653 = arith.constant 0 : i32
      %dma_wait3A_654 = tpu.memref_slice %arg3[%dma_wait3A_650, %dma_wait3A_651, %dma_wait3A_652, %dma_wait3A_653] : memref<2x32x125x80xi32, #tpu.memory_space<hbm>> -> memref<1x1x1x80xi32, #tpu.memory_space<hbm>>
      %dma_wait3A_655 = tpu.memref_squeeze %dma_wait3A_654 : memref<1x1x1x80xi32, #tpu.memory_space<hbm>> -> memref<80xi32, #tpu.memory_space<hbm>>
      %dma_wait3A_656 = arith.constant 0 : i32
      %dma_wait3A_657 = tpu.memref_slice %arg3[%dma_wait3A_650, %dma_wait3A_651, %dma_wait3A_652, %dma_wait3A_656] : memref<2x32x125x80xi32, #tpu.memory_space<hbm>> -> memref<1x1x1x80xi32, #tpu.memory_space<hbm>>
      %dma_wait3A_658 = tpu.memref_squeeze %dma_wait3A_657 : memref<1x1x1x80xi32, #tpu.memory_space<hbm>> -> memref<80xi32, #tpu.memory_space<hbm>>
      tpu.wait_dma2 semaphore(%arg39 : memref<!tpu.dma_semaphore, #tpu.memory_space<semaphore_mem>>) src(%dma_wait3A_658 : memref<80xi32, #tpu.memory_space<hbm>>) dst(%arg18 : memref<80xi32, #tpu.memory_space<vmem>>)
      %dma_start3A_659 = arith.constant 0 : i32
      %dma_start3A_660 = arith.constant 0 : i32
      %dma_start3A_661 = tpu.memref_slice %arg2[%dma_start3A_659, %dma_start3A_660] : memref<10000x128xf32, #tpu.memory_space<hbm>> -> memref<10000x128xf32, #tpu.memory_space<hbm>>
      tpu.enqueue_indirect_dma source(%dma_start3A_661 : memref<10000x128xf32, #tpu.memory_space<hbm>>) target(%arg22 : memref<80x128xf32, #tpu.memory_space<vmem>>) offsets(%arg10 : memref<80xi32, #tpu.memory_space<vmem>>) semaphore(%arg43 : memref<!tpu.dma_semaphore, #tpu.memory_space<semaphore_mem>>)
      %add3A_662 = arith.constant 1 : i32
      %add3A_663 = arith.addi %add3A_613, %add3A_662 : i32
      %dma_wait3A_664 = arith.constant 0 : i32
      %dma_wait3A_665 = arith.constant 0 : i32
      %dma_wait3A_666 = tpu.memref_slice %arg2[%dma_wait3A_664, %dma_wait3A_665] : memref<10000x128xf32, #tpu.memory_space<hbm>> -> memref<10000x128xf32, #tpu.memory_space<hbm>>
      tpu.wait_indirect_dma semaphore(%arg46 : memref<!tpu.dma_semaphore, #tpu.memory_space<semaphore_mem>>) src(%dma_wait3A_666 : memref<10000x128xf32, #tpu.memory_space<hbm>>) dst(%arg25 : memref<80x128xf32, #tpu.memory_space<vmem>>)
      %dma_start3A_667 = arith.constant 0 : i32
      %dma_start3A_668 = arith.constant 0 : i32
      %dma_start3A_669 = tpu.memref_slice %arg26[%dma_start3A_667, %dma_start3A_668] : memref<10112x128xf32, #tpu.memory_space<vmem_shared>> -> memref<10112x128xf32, #tpu.memory_space<vmem_shared>>
      tpu.enqueue_indirect_dma source(%arg25 : memref<80x128xf32, #tpu.memory_space<vmem>>) target(%dma_start3A_669 : memref<10112x128xf32, #tpu.memory_space<vmem_shared>>) offsets(%arg17 : memref<80xi32, #tpu.memory_space<vmem>>) semaphore(%arg50 : memref<!tpu.dma_semaphore, #tpu.memory_space<semaphore_mem>>) {add = true}
      %add3A_670 = arith.constant 4 : i32
      %add3A_671 = arith.addi %add3A_663, %add3A_670 : i32
      %dma_start3A_672 = arith.constant 0 : i32
      %dma_start3A_673 = arith.constant 0 : i32
      %dma_start3A_674 = tpu.memref_slice %arg3[%dma_start3A_672, %add3A, %add3A_671, %dma_start3A_673] : memref<2x32x125x80xi32, #tpu.memory_space<hbm>> -> memref<1x1x1x80xi32, #tpu.memory_space<hbm>>
      %dma_start3A_675 = tpu.memref_squeeze %dma_start3A_674 : memref<1x1x1x80xi32, #tpu.memory_space<hbm>> -> memref<80xi32, #tpu.memory_space<hbm>>
      %dma_start3A_676 = arith.constant 0 : i32
      %dma_start3A_677 = tpu.memref_slice %arg3[%dma_start3A_672, %add3A, %add3A_671, %dma_start3A_676] : memref<2x32x125x80xi32, #tpu.memory_space<hbm>> -> memref<1x1x1x80xi32, #tpu.memory_space<hbm>>
      %dma_start3A_678 = tpu.memref_squeeze %dma_start3A_677 : memref<1x1x1x80xi32, #tpu.memory_space<hbm>> -> memref<80xi32, #tpu.memory_space<hbm>>
      tpu.enqueue_dma source(%dma_start3A_678 : memref<80xi32, #tpu.memory_space<hbm>>) target(%arg13 : memref<80xi32, #tpu.memory_space<vmem>>) target_semaphore(%arg34 : memref<!tpu.dma_semaphore, #tpu.memory_space<semaphore_mem>>)
      %dma_start3A_679 = arith.constant 1 : i32
      %dma_start3A_680 = arith.constant 0 : i32
      %dma_start3A_681 = tpu.memref_slice %arg3[%dma_start3A_679, %add3A, %add3A_671, %dma_start3A_680] : memref<2x32x125x80xi32, #tpu.memory_space<hbm>> -> memref<1x1x1x80xi32, #tpu.memory_space<hbm>>
      %dma_start3A_682 = tpu.memref_squeeze %dma_start3A_681 : memref<1x1x1x80xi32, #tpu.memory_space<hbm>> -> memref<80xi32, #tpu.memory_space<hbm>>
      %dma_start3A_683 = arith.constant 0 : i32
      %dma_start3A_684 = tpu.memref_slice %arg3[%dma_start3A_679, %add3A, %add3A_671, %dma_start3A_683] : memref<2x32x125x80xi32, #tpu.memory_space<hbm>> -> memref<1x1x1x80xi32, #tpu.memory_space<hbm>>
      %dma_start3A_685 = tpu.memref_squeeze %dma_start3A_684 : memref<1x1x1x80xi32, #tpu.memory_space<hbm>> -> memref<80xi32, #tpu.memory_space<hbm>>
      tpu.enqueue_dma source(%dma_start3A_685 : memref<80xi32, #tpu.memory_space<hbm>>) target(%arg21 : memref<80xi32, #tpu.memory_space<vmem>>) target_semaphore(%arg42 : memref<!tpu.dma_semaphore, #tpu.memory_space<semaphore_mem>>)
      %dma_wait3A_686 = arith.constant 0 : i32
      %dma_wait3A_687 = arith.constant 0 : i32
      %dma_wait3A_688 = tpu.memref_slice %arg26[%dma_wait3A_686, %dma_wait3A_687] : memref<10112x128xf32, #tpu.memory_space<vmem_shared>> -> memref<10112x128xf32, #tpu.memory_space<vmem_shared>>
      tpu.wait_indirect_dma semaphore(%arg48 : memref<!tpu.dma_semaphore, #tpu.memory_space<semaphore_mem>>) src(%arg22 : memref<80x128xf32, #tpu.memory_space<vmem>>) dst(%dma_wait3A_688 : memref<10112x128xf32, #tpu.memory_space<vmem_shared>>)
      %dma_wait3A_689 = arith.constant 0 : i32
      %dma_wait3A_690 = arith.constant 0 : i32
      %dma_wait3A_691 = arith.constant 0 : i32
      %dma_wait3A_692 = arith.constant 0 : i32
      %dma_wait3A_693 = tpu.memref_slice %arg3[%dma_wait3A_689, %dma_wait3A_690, %dma_wait3A_691, %dma_wait3A_692] : memref<2x32x125x80xi32, #tpu.memory_space<hbm>> -> memref<1x1x1x80xi32, #tpu.memory_space<hbm>>
      %dma_wait3A_694 = tpu.memref_squeeze %dma_wait3A_693 : memref<1x1x1x80xi32, #tpu.memory_space<hbm>> -> memref<80xi32, #tpu.memory_space<hbm>>
      %dma_wait3A_695 = arith.constant 0 : i32
      %dma_wait3A_696 = tpu.memref_slice %arg3[%dma_wait3A_689, %dma_wait3A_690, %dma_wait3A_691, %dma_wait3A_695] : memref<2x32x125x80xi32, #tpu.memory_space<hbm>> -> memref<1x1x1x80xi32, #tpu.memory_space<hbm>>
      %dma_wait3A_697 = tpu.memref_squeeze %dma_wait3A_696 : memref<1x1x1x80xi32, #tpu.memory_space<hbm>> -> memref<80xi32, #tpu.memory_space<hbm>>
      tpu.wait_dma2 semaphore(%arg32 : memref<!tpu.dma_semaphore, #tpu.memory_space<semaphore_mem>>) src(%dma_wait3A_697 : memref<80xi32, #tpu.memory_space<hbm>>) dst(%arg11 : memref<80xi32, #tpu.memory_space<vmem>>)
      %dma_wait3A_698 = arith.constant 1 : i32
      %dma_wait3A_699 = arith.constant 0 : i32
      %dma_wait3A_700 = arith.constant 0 : i32
      %dma_wait3A_701 = arith.constant 0 : i32
      %dma_wait3A_702 = tpu.memref_slice %arg3[%dma_wait3A_698, %dma_wait3A_699, %dma_wait3A_700, %dma_wait3A_701] : memref<2x32x125x80xi32, #tpu.memory_space<hbm>> -> memref<1x1x1x80xi32, #tpu.memory_space<hbm>>
      %dma_wait3A_703 = tpu.memref_squeeze %dma_wait3A_702 : memref<1x1x1x80xi32, #tpu.memory_space<hbm>> -> memref<80xi32, #tpu.memory_space<hbm>>
      %dma_wait3A_704 = arith.constant 0 : i32
      %dma_wait3A_705 = tpu.memref_slice %arg3[%dma_wait3A_698, %dma_wait3A_699, %dma_wait3A_700, %dma_wait3A_704] : memref<2x32x125x80xi32, #tpu.memory_space<hbm>> -> memref<1x1x1x80xi32, #tpu.memory_space<hbm>>
      %dma_wait3A_706 = tpu.memref_squeeze %dma_wait3A_705 : memref<1x1x1x80xi32, #tpu.memory_space<hbm>> -> memref<80xi32, #tpu.memory_space<hbm>>
      tpu.wait_dma2 semaphore(%arg40 : memref<!tpu.dma_semaphore, #tpu.memory_space<semaphore_mem>>) src(%dma_wait3A_706 : memref<80xi32, #tpu.memory_space<hbm>>) dst(%arg19 : memref<80xi32, #tpu.memory_space<vmem>>)
      %dma_start3A_707 = arith.constant 0 : i32
      %dma_start3A_708 = arith.constant 0 : i32
      %dma_start3A_709 = tpu.memref_slice %arg2[%dma_start3A_707, %dma_start3A_708] : memref<10000x128xf32, #tpu.memory_space<hbm>> -> memref<10000x128xf32, #tpu.memory_space<hbm>>
      tpu.enqueue_indirect_dma source(%dma_start3A_709 : memref<10000x128xf32, #tpu.memory_space<hbm>>) target(%arg23 : memref<80x128xf32, #tpu.memory_space<vmem>>) offsets(%arg11 : memref<80xi32, #tpu.memory_space<vmem>>) semaphore(%arg44 : memref<!tpu.dma_semaphore, #tpu.memory_space<semaphore_mem>>)
      %add3A_710 = arith.constant 2 : i32
      %add3A_711 = arith.addi %add3A_613, %add3A_710 : i32
      %dma_wait3A_712 = arith.constant 0 : i32
      %dma_wait3A_713 = arith.constant 0 : i32
      %dma_wait3A_714 = tpu.memref_slice %arg2[%dma_wait3A_712, %dma_wait3A_713] : memref<10000x128xf32, #tpu.memory_space<hbm>> -> memref<10000x128xf32, #tpu.memory_space<hbm>>
      tpu.wait_indirect_dma semaphore(%arg43 : memref<!tpu.dma_semaphore, #tpu.memory_space<semaphore_mem>>) src(%dma_wait3A_714 : memref<10000x128xf32, #tpu.memory_space<hbm>>) dst(%arg22 : memref<80x128xf32, #tpu.memory_space<vmem>>)
      %dma_start3A_715 = arith.constant 0 : i32
      %dma_start3A_716 = arith.constant 0 : i32
      %dma_start3A_717 = tpu.memref_slice %arg26[%dma_start3A_715, %dma_start3A_716] : memref<10112x128xf32, #tpu.memory_space<vmem_shared>> -> memref<10112x128xf32, #tpu.memory_space<vmem_shared>>
      tpu.enqueue_indirect_dma source(%arg22 : memref<80x128xf32, #tpu.memory_space<vmem>>) target(%dma_start3A_717 : memref<10112x128xf32, #tpu.memory_space<vmem_shared>>) offsets(%arg18 : memref<80xi32, #tpu.memory_space<vmem>>) semaphore(%arg47 : memref<!tpu.dma_semaphore, #tpu.memory_space<semaphore_mem>>) {add = true}
      %add3A_718 = arith.constant 4 : i32
      %add3A_719 = arith.addi %add3A_711, %add3A_718 : i32
      %dma_start3A_720 = arith.constant 0 : i32
      %dma_start3A_721 = arith.constant 0 : i32
      %dma_start3A_722 = tpu.memref_slice %arg3[%dma_start3A_720, %add3A, %add3A_719, %dma_start3A_721] : memref<2x32x125x80xi32, #tpu.memory_space<hbm>> -> memref<1x1x1x80xi32, #tpu.memory_space<hbm>>
      %dma_start3A_723 = tpu.memref_squeeze %dma_start3A_722 : memref<1x1x1x80xi32, #tpu.memory_space<hbm>> -> memref<80xi32, #tpu.memory_space<hbm>>
      %dma_start3A_724 = arith.constant 0 : i32
      %dma_start3A_725 = tpu.memref_slice %arg3[%dma_start3A_720, %add3A, %add3A_719, %dma_start3A_724] : memref<2x32x125x80xi32, #tpu.memory_space<hbm>> -> memref<1x1x1x80xi32, #tpu.memory_space<hbm>>
      %dma_start3A_726 = tpu.memref_squeeze %dma_start3A_725 : memref<1x1x1x80xi32, #tpu.memory_space<hbm>> -> memref<80xi32, #tpu.memory_space<hbm>>
      tpu.enqueue_dma source(%dma_start3A_726 : memref<80xi32, #tpu.memory_space<hbm>>) target(%arg6 : memref<80xi32, #tpu.memory_space<vmem>>) target_semaphore(%arg27 : memref<!tpu.dma_semaphore, #tpu.memory_space<semaphore_mem>>)
      %dma_start3A_727 = arith.constant 1 : i32
      %dma_start3A_728 = arith.constant 0 : i32
      %dma_start3A_729 = tpu.memref_slice %arg3[%dma_start3A_727, %add3A, %add3A_719, %dma_start3A_728] : memref<2x32x125x80xi32, #tpu.memory_space<hbm>> -> memref<1x1x1x80xi32, #tpu.memory_space<hbm>>
      %dma_start3A_730 = tpu.memref_squeeze %dma_start3A_729 : memref<1x1x1x80xi32, #tpu.memory_space<hbm>> -> memref<80xi32, #tpu.memory_space<hbm>>
      %dma_start3A_731 = arith.constant 0 : i32
      %dma_start3A_732 = tpu.memref_slice %arg3[%dma_start3A_727, %add3A, %add3A_719, %dma_start3A_731] : memref<2x32x125x80xi32, #tpu.memory_space<hbm>> -> memref<1x1x1x80xi32, #tpu.memory_space<hbm>>
      %dma_start3A_733 = tpu.memref_squeeze %dma_start3A_732 : memref<1x1x1x80xi32, #tpu.memory_space<hbm>> -> memref<80xi32, #tpu.memory_space<hbm>>
      tpu.enqueue_dma source(%dma_start3A_733 : memref<80xi32, #tpu.memory_space<hbm>>) target(%arg14 : memref<80xi32, #tpu.memory_space<vmem>>) target_semaphore(%arg35 : memref<!tpu.dma_semaphore, #tpu.memory_space<semaphore_mem>>)
      %dma_wait3A_734 = arith.constant 0 : i32
      %dma_wait3A_735 = arith.constant 0 : i32
      %dma_wait3A_736 = tpu.memref_slice %arg26[%dma_wait3A_734, %dma_wait3A_735] : memref<10112x128xf32, #tpu.memory_space<vmem_shared>> -> memref<10112x128xf32, #tpu.memory_space<vmem_shared>>
      tpu.wait_indirect_dma semaphore(%arg49 : memref<!tpu.dma_semaphore, #tpu.memory_space<semaphore_mem>>) src(%arg22 : memref<80x128xf32, #tpu.memory_space<vmem>>) dst(%dma_wait3A_736 : memref<10112x128xf32, #tpu.memory_space<vmem_shared>>)
      %dma_wait3A_737 = arith.constant 0 : i32
      %dma_wait3A_738 = arith.constant 0 : i32
      %dma_wait3A_739 = arith.constant 0 : i32
      %dma_wait3A_740 = arith.constant 0 : i32
      %dma_wait3A_741 = tpu.memref_slice %arg3[%dma_wait3A_737, %dma_wait3A_738, %dma_wait3A_739, %dma_wait3A_740] : memref<2x32x125x80xi32, #tpu.memory_space<hbm>> -> memref<1x1x1x80xi32, #tpu.memory_space<hbm>>
      %dma_wait3A_742 = tpu.memref_squeeze %dma_wait3A_741 : memref<1x1x1x80xi32, #tpu.memory_space<hbm>> -> memref<80xi32, #tpu.memory_space<hbm>>
      %dma_wait3A_743 = arith.constant 0 : i32
      %dma_wait3A_744 = tpu.memref_slice %arg3[%dma_wait3A_737, %dma_wait3A_738, %dma_wait3A_739, %dma_wait3A_743] : memref<2x32x125x80xi32, #tpu.memory_space<hbm>> -> memref<1x1x1x80xi32, #tpu.memory_space<hbm>>
      %dma_wait3A_745 = tpu.memref_squeeze %dma_wait3A_744 : memref<1x1x1x80xi32, #tpu.memory_space<hbm>> -> memref<80xi32, #tpu.memory_space<hbm>>
      tpu.wait_dma2 semaphore(%arg33 : memref<!tpu.dma_semaphore, #tpu.memory_space<semaphore_mem>>) src(%dma_wait3A_745 : memref<80xi32, #tpu.memory_space<hbm>>) dst(%arg12 : memref<80xi32, #tpu.memory_space<vmem>>)
      %dma_wait3A_746 = arith.constant 1 : i32
      %dma_wait3A_747 = arith.constant 0 : i32
      %dma_wait3A_748 = arith.constant 0 : i32
      %dma_wait3A_749 = arith.constant 0 : i32
      %dma_wait3A_750 = tpu.memref_slice %arg3[%dma_wait3A_746, %dma_wait3A_747, %dma_wait3A_748, %dma_wait3A_749] : memref<2x32x125x80xi32, #tpu.memory_space<hbm>> -> memref<1x1x1x80xi32, #tpu.memory_space<hbm>>
      %dma_wait3A_751 = tpu.memref_squeeze %dma_wait3A_750 : memref<1x1x1x80xi32, #tpu.memory_space<hbm>> -> memref<80xi32, #tpu.memory_space<hbm>>
      %dma_wait3A_752 = arith.constant 0 : i32
      %dma_wait3A_753 = tpu.memref_slice %arg3[%dma_wait3A_746, %dma_wait3A_747, %dma_wait3A_748, %dma_wait3A_752] : memref<2x32x125x80xi32, #tpu.memory_space<hbm>> -> memref<1x1x1x80xi32, #tpu.memory_space<hbm>>
      %dma_wait3A_754 = tpu.memref_squeeze %dma_wait3A_753 : memref<1x1x1x80xi32, #tpu.memory_space<hbm>> -> memref<80xi32, #tpu.memory_space<hbm>>
      tpu.wait_dma2 semaphore(%arg41 : memref<!tpu.dma_semaphore, #tpu.memory_space<semaphore_mem>>) src(%dma_wait3A_754 : memref<80xi32, #tpu.memory_space<hbm>>) dst(%arg20 : memref<80xi32, #tpu.memory_space<vmem>>)
      %dma_start3A_755 = arith.constant 0 : i32
      %dma_start3A_756 = arith.constant 0 : i32
      %dma_start3A_757 = tpu.memref_slice %arg2[%dma_start3A_755, %dma_start3A_756] : memref<10000x128xf32, #tpu.memory_space<hbm>> -> memref<10000x128xf32, #tpu.memory_space<hbm>>
      tpu.enqueue_indirect_dma source(%dma_start3A_757 : memref<10000x128xf32, #tpu.memory_space<hbm>>) target(%arg24 : memref<80x128xf32, #tpu.memory_space<vmem>>) offsets(%arg12 : memref<80xi32, #tpu.memory_space<vmem>>) semaphore(%arg45 : memref<!tpu.dma_semaphore, #tpu.memory_space<semaphore_mem>>)
      %add3A_758 = arith.constant 3 : i32
      %add3A_759 = arith.addi %add3A_613, %add3A_758 : i32
      %dma_wait3A_760 = arith.constant 0 : i32
      %dma_wait3A_761 = arith.constant 0 : i32
      %dma_wait3A_762 = tpu.memref_slice %arg2[%dma_wait3A_760, %dma_wait3A_761] : memref<10000x128xf32, #tpu.memory_space<hbm>> -> memref<10000x128xf32, #tpu.memory_space<hbm>>
      tpu.wait_indirect_dma semaphore(%arg44 : memref<!tpu.dma_semaphore, #tpu.memory_space<semaphore_mem>>) src(%dma_wait3A_762 : memref<10000x128xf32, #tpu.memory_space<hbm>>) dst(%arg23 : memref<80x128xf32, #tpu.memory_space<vmem>>)
      %dma_start3A_763 = arith.constant 0 : i32
      %dma_start3A_764 = arith.constant 0 : i32
      %dma_start3A_765 = tpu.memref_slice %arg26[%dma_start3A_763, %dma_start3A_764] : memref<10112x128xf32, #tpu.memory_space<vmem_shared>> -> memref<10112x128xf32, #tpu.memory_space<vmem_shared>>
      tpu.enqueue_indirect_dma source(%arg23 : memref<80x128xf32, #tpu.memory_space<vmem>>) target(%dma_start3A_765 : memref<10112x128xf32, #tpu.memory_space<vmem_shared>>) offsets(%arg19 : memref<80xi32, #tpu.memory_space<vmem>>) semaphore(%arg48 : memref<!tpu.dma_semaphore, #tpu.memory_space<semaphore_mem>>) {add = true}
      %add3A_766 = arith.constant 4 : i32
      %add3A_767 = arith.addi %add3A_759, %add3A_766 : i32
      %dma_start3A_768 = arith.constant 0 : i32
      %dma_start3A_769 = arith.constant 0 : i32
      %dma_start3A_770 = tpu.memref_slice %arg3[%dma_start3A_768, %add3A, %add3A_767, %dma_start3A_769] : memref<2x32x125x80xi32, #tpu.memory_space<hbm>> -> memref<1x1x1x80xi32, #tpu.memory_space<hbm>>
      %dma_start3A_771 = tpu.memref_squeeze %dma_start3A_770 : memref<1x1x1x80xi32, #tpu.memory_space<hbm>> -> memref<80xi32, #tpu.memory_space<hbm>>
      %dma_start3A_772 = arith.constant 0 : i32
      %dma_start3A_773 = tpu.memref_slice %arg3[%dma_start3A_768, %add3A, %add3A_767, %dma_start3A_772] : memref<2x32x125x80xi32, #tpu.memory_space<hbm>> -> memref<1x1x1x80xi32, #tpu.memory_space<hbm>>
      %dma_start3A_774 = tpu.memref_squeeze %dma_start3A_773 : memref<1x1x1x80xi32, #tpu.memory_space<hbm>> -> memref<80xi32, #tpu.memory_space<hbm>>
      tpu.enqueue_dma source(%dma_start3A_774 : memref<80xi32, #tpu.memory_space<hbm>>) target(%arg7 : memref<80xi32, #tpu.memory_space<vmem>>) target_semaphore(%arg28 : memref<!tpu.dma_semaphore, #tpu.memory_space<semaphore_mem>>)
      %dma_start3A_775 = arith.constant 1 : i32
      %dma_start3A_776 = arith.constant 0 : i32
      %dma_start3A_777 = tpu.memref_slice %arg3[%dma_start3A_775, %add3A, %add3A_767, %dma_start3A_776] : memref<2x32x125x80xi32, #tpu.memory_space<hbm>> -> memref<1x1x1x80xi32, #tpu.memory_space<hbm>>
      %dma_start3A_778 = tpu.memref_squeeze %dma_start3A_777 : memref<1x1x1x80xi32, #tpu.memory_space<hbm>> -> memref<80xi32, #tpu.memory_space<hbm>>
      %dma_start3A_779 = arith.constant 0 : i32
      %dma_start3A_780 = tpu.memref_slice %arg3[%dma_start3A_775, %add3A, %add3A_767, %dma_start3A_779] : memref<2x32x125x80xi32, #tpu.memory_space<hbm>> -> memref<1x1x1x80xi32, #tpu.memory_space<hbm>>
      %dma_start3A_781 = tpu.memref_squeeze %dma_start3A_780 : memref<1x1x1x80xi32, #tpu.memory_space<hbm>> -> memref<80xi32, #tpu.memory_space<hbm>>
      tpu.enqueue_dma source(%dma_start3A_781 : memref<80xi32, #tpu.memory_space<hbm>>) target(%arg15 : memref<80xi32, #tpu.memory_space<vmem>>) target_semaphore(%arg36 : memref<!tpu.dma_semaphore, #tpu.memory_space<semaphore_mem>>)
      %dma_wait3A_782 = arith.constant 0 : i32
      %dma_wait3A_783 = arith.constant 0 : i32
      %dma_wait3A_784 = tpu.memref_slice %arg26[%dma_wait3A_782, %dma_wait3A_783] : memref<10112x128xf32, #tpu.memory_space<vmem_shared>> -> memref<10112x128xf32, #tpu.memory_space<vmem_shared>>
      tpu.wait_indirect_dma semaphore(%arg50 : memref<!tpu.dma_semaphore, #tpu.memory_space<semaphore_mem>>) src(%arg22 : memref<80x128xf32, #tpu.memory_space<vmem>>) dst(%dma_wait3A_784 : memref<10112x128xf32, #tpu.memory_space<vmem_shared>>)
      %dma_wait3A_785 = arith.constant 0 : i32
      %dma_wait3A_786 = arith.constant 0 : i32
      %dma_wait3A_787 = arith.constant 0 : i32
      %dma_wait3A_788 = arith.constant 0 : i32
      %dma_wait3A_789 = tpu.memref_slice %arg3[%dma_wait3A_785, %dma_wait3A_786, %dma_wait3A_787, %dma_wait3A_788] : memref<2x32x125x80xi32, #tpu.memory_space<hbm>> -> memref<1x1x1x80xi32, #tpu.memory_space<hbm>>
      %dma_wait3A_790 = tpu.memref_squeeze %dma_wait3A_789 : memref<1x1x1x80xi32, #tpu.memory_space<hbm>> -> memref<80xi32, #tpu.memory_space<hbm>>
      %dma_wait3A_791 = arith.constant 0 : i32
      %dma_wait3A_792 = tpu.memref_slice %arg3[%dma_wait3A_785, %dma_wait3A_786, %dma_wait3A_787, %dma_wait3A_791] : memref<2x32x125x80xi32, #tpu.memory_space<hbm>> -> memref<1x1x1x80xi32, #tpu.memory_space<hbm>>
      %dma_wait3A_793 = tpu.memref_squeeze %dma_wait3A_792 : memref<1x1x1x80xi32, #tpu.memory_space<hbm>> -> memref<80xi32, #tpu.memory_space<hbm>>
      tpu.wait_dma2 semaphore(%arg34 : memref<!tpu.dma_semaphore, #tpu.memory_space<semaphore_mem>>) src(%dma_wait3A_793 : memref<80xi32, #tpu.memory_space<hbm>>) dst(%arg13 : memref<80xi32, #tpu.memory_space<vmem>>)
      %dma_wait3A_794 = arith.constant 1 : i32
      %dma_wait3A_795 = arith.constant 0 : i32
      %dma_wait3A_796 = arith.constant 0 : i32
      %dma_wait3A_797 = arith.constant 0 : i32
      %dma_wait3A_798 = tpu.memref_slice %arg3[%dma_wait3A_794, %dma_wait3A_795, %dma_wait3A_796, %dma_wait3A_797] : memref<2x32x125x80xi32, #tpu.memory_space<hbm>> -> memref<1x1x1x80xi32, #tpu.memory_space<hbm>>
      %dma_wait3A_799 = tpu.memref_squeeze %dma_wait3A_798 : memref<1x1x1x80xi32, #tpu.memory_space<hbm>> -> memref<80xi32, #tpu.memory_space<hbm>>
      %dma_wait3A_800 = arith.constant 0 : i32
      %dma_wait3A_801 = tpu.memref_slice %arg3[%dma_wait3A_794, %dma_wait3A_795, %dma_wait3A_796, %dma_wait3A_800] : memref<2x32x125x80xi32, #tpu.memory_space<hbm>> -> memref<1x1x1x80xi32, #tpu.memory_space<hbm>>
      %dma_wait3A_802 = tpu.memref_squeeze %dma_wait3A_801 : memref<1x1x1x80xi32, #tpu.memory_space<hbm>> -> memref<80xi32, #tpu.memory_space<hbm>>
      tpu.wait_dma2 semaphore(%arg42 : memref<!tpu.dma_semaphore, #tpu.memory_space<semaphore_mem>>) src(%dma_wait3A_802 : memref<80xi32, #tpu.memory_space<hbm>>) dst(%arg21 : memref<80xi32, #tpu.memory_space<vmem>>)
      %dma_start3A_803 = arith.constant 0 : i32
      %dma_start3A_804 = arith.constant 0 : i32
      %dma_start3A_805 = tpu.memref_slice %arg2[%dma_start3A_803, %dma_start3A_804] : memref<10000x128xf32, #tpu.memory_space<hbm>> -> memref<10000x128xf32, #tpu.memory_space<hbm>>
      tpu.enqueue_indirect_dma source(%dma_start3A_805 : memref<10000x128xf32, #tpu.memory_space<hbm>>) target(%arg25 : memref<80x128xf32, #tpu.memory_space<vmem>>) offsets(%arg13 : memref<80xi32, #tpu.memory_space<vmem>>) semaphore(%arg46 : memref<!tpu.dma_semaphore, #tpu.memory_space<semaphore_mem>>)
      %add3A_806 = arith.constant 4 : i32
      %add3A_807 = arith.addi %add3A_613, %add3A_806 : i32
      %dma_wait3A_808 = arith.constant 0 : i32
      %dma_wait3A_809 = arith.constant 0 : i32
      %dma_wait3A_810 = tpu.memref_slice %arg2[%dma_wait3A_808, %dma_wait3A_809] : memref<10000x128xf32, #tpu.memory_space<hbm>> -> memref<10000x128xf32, #tpu.memory_space<hbm>>
      tpu.wait_indirect_dma semaphore(%arg45 : memref<!tpu.dma_semaphore, #tpu.memory_space<semaphore_mem>>) src(%dma_wait3A_810 : memref<10000x128xf32, #tpu.memory_space<hbm>>) dst(%arg24 : memref<80x128xf32, #tpu.memory_space<vmem>>)
      %dma_start3A_811 = arith.constant 0 : i32
      %dma_start3A_812 = arith.constant 0 : i32
      %dma_start3A_813 = tpu.memref_slice %arg26[%dma_start3A_811, %dma_start3A_812] : memref<10112x128xf32, #tpu.memory_space<vmem_shared>> -> memref<10112x128xf32, #tpu.memory_space<vmem_shared>>
      tpu.enqueue_indirect_dma source(%arg24 : memref<80x128xf32, #tpu.memory_space<vmem>>) target(%dma_start3A_813 : memref<10112x128xf32, #tpu.memory_space<vmem_shared>>) offsets(%arg20 : memref<80xi32, #tpu.memory_space<vmem>>) semaphore(%arg49 : memref<!tpu.dma_semaphore, #tpu.memory_space<semaphore_mem>>) {add = true}
      %add3A_814 = arith.constant 4 : i32
      %add3A_815 = arith.addi %add3A_807, %add3A_814 : i32
      %dma_start3A_816 = arith.constant 0 : i32
      %dma_start3A_817 = arith.constant 0 : i32
      %dma_start3A_818 = tpu.memref_slice %arg3[%dma_start3A_816, %add3A, %add3A_815, %dma_start3A_817] : memref<2x32x125x80xi32, #tpu.memory_space<hbm>> -> memref<1x1x1x80xi32, #tpu.memory_space<hbm>>
      %dma_start3A_819 = tpu.memref_squeeze %dma_start3A_818 : memref<1x1x1x80xi32, #tpu.memory_space<hbm>> -> memref<80xi32, #tpu.memory_space<hbm>>
      %dma_start3A_820 = arith.constant 0 : i32
      %dma_start3A_821 = tpu.memref_slice %arg3[%dma_start3A_816, %add3A, %add3A_815, %dma_start3A_820] : memref<2x32x125x80xi32, #tpu.memory_space<hbm>> -> memref<1x1x1x80xi32, #tpu.memory_space<hbm>>
      %dma_start3A_822 = tpu.memref_squeeze %dma_start3A_821 : memref<1x1x1x80xi32, #tpu.memory_space<hbm>> -> memref<80xi32, #tpu.memory_space<hbm>>
      tpu.enqueue_dma source(%dma_start3A_822 : memref<80xi32, #tpu.memory_space<hbm>>) target(%arg8 : memref<80xi32, #tpu.memory_space<vmem>>) target_semaphore(%arg29 : memref<!tpu.dma_semaphore, #tpu.memory_space<semaphore_mem>>)
      %dma_start3A_823 = arith.constant 1 : i32
      %dma_start3A_824 = arith.constant 0 : i32
      %dma_start3A_825 = tpu.memref_slice %arg3[%dma_start3A_823, %add3A, %add3A_815, %dma_start3A_824] : memref<2x32x125x80xi32, #tpu.memory_space<hbm>> -> memref<1x1x1x80xi32, #tpu.memory_space<hbm>>
      %dma_start3A_826 = tpu.memref_squeeze %dma_start3A_825 : memref<1x1x1x80xi32, #tpu.memory_space<hbm>> -> memref<80xi32, #tpu.memory_space<hbm>>
      %dma_start3A_827 = arith.constant 0 : i32
      %dma_start3A_828 = tpu.memref_slice %arg3[%dma_start3A_823, %add3A, %add3A_815, %dma_start3A_827] : memref<2x32x125x80xi32, #tpu.memory_space<hbm>> -> memref<1x1x1x80xi32, #tpu.memory_space<hbm>>
      %dma_start3A_829 = tpu.memref_squeeze %dma_start3A_828 : memref<1x1x1x80xi32, #tpu.memory_space<hbm>> -> memref<80xi32, #tpu.memory_space<hbm>>
      tpu.enqueue_dma source(%dma_start3A_829 : memref<80xi32, #tpu.memory_space<hbm>>) target(%arg16 : memref<80xi32, #tpu.memory_space<vmem>>) target_semaphore(%arg37 : memref<!tpu.dma_semaphore, #tpu.memory_space<semaphore_mem>>)
      %dma_wait3A_830 = arith.constant 0 : i32
      %dma_wait3A_831 = arith.constant 0 : i32
      %dma_wait3A_832 = tpu.memref_slice %arg26[%dma_wait3A_830, %dma_wait3A_831] : memref<10112x128xf32, #tpu.memory_space<vmem_shared>> -> memref<10112x128xf32, #tpu.memory_space<vmem_shared>>
      tpu.wait_indirect_dma semaphore(%arg47 : memref<!tpu.dma_semaphore, #tpu.memory_space<semaphore_mem>>) src(%arg22 : memref<80x128xf32, #tpu.memory_space<vmem>>) dst(%dma_wait3A_832 : memref<10112x128xf32, #tpu.memory_space<vmem_shared>>)
      %dma_wait3A_833 = arith.constant 0 : i32
      %dma_wait3A_834 = arith.constant 0 : i32
      %dma_wait3A_835 = arith.constant 0 : i32
      %dma_wait3A_836 = arith.constant 0 : i32
      %dma_wait3A_837 = tpu.memref_slice %arg3[%dma_wait3A_833, %dma_wait3A_834, %dma_wait3A_835, %dma_wait3A_836] : memref<2x32x125x80xi32, #tpu.memory_space<hbm>> -> memref<1x1x1x80xi32, #tpu.memory_space<hbm>>
      %dma_wait3A_838 = tpu.memref_squeeze %dma_wait3A_837 : memref<1x1x1x80xi32, #tpu.memory_space<hbm>> -> memref<80xi32, #tpu.memory_space<hbm>>
      %dma_wait3A_839 = arith.constant 0 : i32
      %dma_wait3A_840 = tpu.memref_slice %arg3[%dma_wait3A_833, %dma_wait3A_834, %dma_wait3A_835, %dma_wait3A_839] : memref<2x32x125x80xi32, #tpu.memory_space<hbm>> -> memref<1x1x1x80xi32, #tpu.memory_space<hbm>>
      %dma_wait3A_841 = tpu.memref_squeeze %dma_wait3A_840 : memref<1x1x1x80xi32, #tpu.memory_space<hbm>> -> memref<80xi32, #tpu.memory_space<hbm>>
      tpu.wait_dma2 semaphore(%arg27 : memref<!tpu.dma_semaphore, #tpu.memory_space<semaphore_mem>>) src(%dma_wait3A_841 : memref<80xi32, #tpu.memory_space<hbm>>) dst(%arg6 : memref<80xi32, #tpu.memory_space<vmem>>)
      %dma_wait3A_842 = arith.constant 1 : i32
      %dma_wait3A_843 = arith.constant 0 : i32
      %dma_wait3A_844 = arith.constant 0 : i32
      %dma_wait3A_845 = arith.constant 0 : i32
      %dma_wait3A_846 = tpu.memref_slice %arg3[%dma_wait3A_842, %dma_wait3A_843, %dma_wait3A_844, %dma_wait3A_845] : memref<2x32x125x80xi32, #tpu.memory_space<hbm>> -> memref<1x1x1x80xi32, #tpu.memory_space<hbm>>
      %dma_wait3A_847 = tpu.memref_squeeze %dma_wait3A_846 : memref<1x1x1x80xi32, #tpu.memory_space<hbm>> -> memref<80xi32, #tpu.memory_space<hbm>>
      %dma_wait3A_848 = arith.constant 0 : i32
      %dma_wait3A_849 = tpu.memref_slice %arg3[%dma_wait3A_842, %dma_wait3A_843, %dma_wait3A_844, %dma_wait3A_848] : memref<2x32x125x80xi32, #tpu.memory_space<hbm>> -> memref<1x1x1x80xi32, #tpu.memory_space<hbm>>
      %dma_wait3A_850 = tpu.memref_squeeze %dma_wait3A_849 : memref<1x1x1x80xi32, #tpu.memory_space<hbm>> -> memref<80xi32, #tpu.memory_space<hbm>>
      tpu.wait_dma2 semaphore(%arg35 : memref<!tpu.dma_semaphore, #tpu.memory_space<semaphore_mem>>) src(%dma_wait3A_850 : memref<80xi32, #tpu.memory_space<hbm>>) dst(%arg14 : memref<80xi32, #tpu.memory_space<vmem>>)
      %dma_start3A_851 = arith.constant 0 : i32
      %dma_start3A_852 = arith.constant 0 : i32
      %dma_start3A_853 = tpu.memref_slice %arg2[%dma_start3A_851, %dma_start3A_852] : memref<10000x128xf32, #tpu.memory_space<hbm>> -> memref<10000x128xf32, #tpu.memory_space<hbm>>
      tpu.enqueue_indirect_dma source(%dma_start3A_853 : memref<10000x128xf32, #tpu.memory_space<hbm>>) target(%arg22 : memref<80x128xf32, #tpu.memory_space<vmem>>) offsets(%arg6 : memref<80xi32, #tpu.memory_space<vmem>>) semaphore(%arg43 : memref<!tpu.dma_semaphore, #tpu.memory_space<semaphore_mem>>)
      %add3A_854 = arith.constant 5 : i32
      %add3A_855 = arith.addi %add3A_613, %add3A_854 : i32
      %dma_wait3A_856 = arith.constant 0 : i32
      %dma_wait3A_857 = arith.constant 0 : i32
      %dma_wait3A_858 = tpu.memref_slice %arg2[%dma_wait3A_856, %dma_wait3A_857] : memref<10000x128xf32, #tpu.memory_space<hbm>> -> memref<10000x128xf32, #tpu.memory_space<hbm>>
      tpu.wait_indirect_dma semaphore(%arg46 : memref<!tpu.dma_semaphore, #tpu.memory_space<semaphore_mem>>) src(%dma_wait3A_858 : memref<10000x128xf32, #tpu.memory_space<hbm>>) dst(%arg25 : memref<80x128xf32, #tpu.memory_space<vmem>>)
      %dma_start3A_859 = arith.constant 0 : i32
      %dma_start3A_860 = arith.constant 0 : i32
      %dma_start3A_861 = tpu.memref_slice %arg26[%dma_start3A_859, %dma_start3A_860] : memref<10112x128xf32, #tpu.memory_space<vmem_shared>> -> memref<10112x128xf32, #tpu.memory_space<vmem_shared>>
      tpu.enqueue_indirect_dma source(%arg25 : memref<80x128xf32, #tpu.memory_space<vmem>>) target(%dma_start3A_861 : memref<10112x128xf32, #tpu.memory_space<vmem_shared>>) offsets(%arg21 : memref<80xi32, #tpu.memory_space<vmem>>) semaphore(%arg50 : memref<!tpu.dma_semaphore, #tpu.memory_space<semaphore_mem>>) {add = true}
      %add3A_862 = arith.constant 4 : i32
      %add3A_863 = arith.addi %add3A_855, %add3A_862 : i32
      %dma_start3A_864 = arith.constant 0 : i32
      %dma_start3A_865 = arith.constant 0 : i32
      %dma_start3A_866 = tpu.memref_slice %arg3[%dma_start3A_864, %add3A, %add3A_863, %dma_start3A_865] : memref<2x32x125x80xi32, #tpu.memory_space<hbm>> -> memref<1x1x1x80xi32, #tpu.memory_space<hbm>>
      %dma_start3A_867 = tpu.memref_squeeze %dma_start3A_866 : memref<1x1x1x80xi32, #tpu.memory_space<hbm>> -> memref<80xi32, #tpu.memory_space<hbm>>
      %dma_start3A_868 = arith.constant 0 : i32
      %dma_start3A_869 = tpu.memref_slice %arg3[%dma_start3A_864, %add3A, %add3A_863, %dma_start3A_868] : memref<2x32x125x80xi32, #tpu.memory_space<hbm>> -> memref<1x1x1x80xi32, #tpu.memory_space<hbm>>
      %dma_start3A_870 = tpu.memref_squeeze %dma_start3A_869 : memref<1x1x1x80xi32, #tpu.memory_space<hbm>> -> memref<80xi32, #tpu.memory_space<hbm>>
      tpu.enqueue_dma source(%dma_start3A_870 : memref<80xi32, #tpu.memory_space<hbm>>) target(%arg9 : memref<80xi32, #tpu.memory_space<vmem>>) target_semaphore(%arg30 : memref<!tpu.dma_semaphore, #tpu.memory_space<semaphore_mem>>)
      %dma_start3A_871 = arith.constant 1 : i32
      %dma_start3A_872 = arith.constant 0 : i32
      %dma_start3A_873 = tpu.memref_slice %arg3[%dma_start3A_871, %add3A, %add3A_863, %dma_start3A_872] : memref<2x32x125x80xi32, #tpu.memory_space<hbm>> -> memref<1x1x1x80xi32, #tpu.memory_space<hbm>>
      %dma_start3A_874 = tpu.memref_squeeze %dma_start3A_873 : memref<1x1x1x80xi32, #tpu.memory_space<hbm>> -> memref<80xi32, #tpu.memory_space<hbm>>
      %dma_start3A_875 = arith.constant 0 : i32
      %dma_start3A_876 = tpu.memref_slice %arg3[%dma_start3A_871, %add3A, %add3A_863, %dma_start3A_875] : memref<2x32x125x80xi32, #tpu.memory_space<hbm>> -> memref<1x1x1x80xi32, #tpu.memory_space<hbm>>
      %dma_start3A_877 = tpu.memref_squeeze %dma_start3A_876 : memref<1x1x1x80xi32, #tpu.memory_space<hbm>> -> memref<80xi32, #tpu.memory_space<hbm>>
      tpu.enqueue_dma source(%dma_start3A_877 : memref<80xi32, #tpu.memory_space<hbm>>) target(%arg17 : memref<80xi32, #tpu.memory_space<vmem>>) target_semaphore(%arg38 : memref<!tpu.dma_semaphore, #tpu.memory_space<semaphore_mem>>)
      %dma_wait3A_878 = arith.constant 0 : i32
      %dma_wait3A_879 = arith.constant 0 : i32
      %dma_wait3A_880 = tpu.memref_slice %arg26[%dma_wait3A_878, %dma_wait3A_879] : memref<10112x128xf32, #tpu.memory_space<vmem_shared>> -> memref<10112x128xf32, #tpu.memory_space<vmem_shared>>
      tpu.wait_indirect_dma semaphore(%arg48 : memref<!tpu.dma_semaphore, #tpu.memory_space<semaphore_mem>>) src(%arg22 : memref<80x128xf32, #tpu.memory_space<vmem>>) dst(%dma_wait3A_880 : memref<10112x128xf32, #tpu.memory_space<vmem_shared>>)
      %dma_wait3A_881 = arith.constant 0 : i32
      %dma_wait3A_882 = arith.constant 0 : i32
      %dma_wait3A_883 = arith.constant 0 : i32
      %dma_wait3A_884 = arith.constant 0 : i32
      %dma_wait3A_885 = tpu.memref_slice %arg3[%dma_wait3A_881, %dma_wait3A_882, %dma_wait3A_883, %dma_wait3A_884] : memref<2x32x125x80xi32, #tpu.memory_space<hbm>> -> memref<1x1x1x80xi32, #tpu.memory_space<hbm>>
      %dma_wait3A_886 = tpu.memref_squeeze %dma_wait3A_885 : memref<1x1x1x80xi32, #tpu.memory_space<hbm>> -> memref<80xi32, #tpu.memory_space<hbm>>
      %dma_wait3A_887 = arith.constant 0 : i32
      %dma_wait3A_888 = tpu.memref_slice %arg3[%dma_wait3A_881, %dma_wait3A_882, %dma_wait3A_883, %dma_wait3A_887] : memref<2x32x125x80xi32, #tpu.memory_space<hbm>> -> memref<1x1x1x80xi32, #tpu.memory_space<hbm>>
      %dma_wait3A_889 = tpu.memref_squeeze %dma_wait3A_888 : memref<1x1x1x80xi32, #tpu.memory_space<hbm>> -> memref<80xi32, #tpu.memory_space<hbm>>
      tpu.wait_dma2 semaphore(%arg28 : memref<!tpu.dma_semaphore, #tpu.memory_space<semaphore_mem>>) src(%dma_wait3A_889 : memref<80xi32, #tpu.memory_space<hbm>>) dst(%arg7 : memref<80xi32, #tpu.memory_space<vmem>>)
      %dma_wait3A_890 = arith.constant 1 : i32
      %dma_wait3A_891 = arith.constant 0 : i32
      %dma_wait3A_892 = arith.constant 0 : i32
      %dma_wait3A_893 = arith.constant 0 : i32
      %dma_wait3A_894 = tpu.memref_slice %arg3[%dma_wait3A_890, %dma_wait3A_891, %dma_wait3A_892, %dma_wait3A_893] : memref<2x32x125x80xi32, #tpu.memory_space<hbm>> -> memref<1x1x1x80xi32, #tpu.memory_space<hbm>>
      %dma_wait3A_895 = tpu.memref_squeeze %dma_wait3A_894 : memref<1x1x1x80xi32, #tpu.memory_space<hbm>> -> memref<80xi32, #tpu.memory_space<hbm>>
      %dma_wait3A_896 = arith.constant 0 : i32
      %dma_wait3A_897 = tpu.memref_slice %arg3[%dma_wait3A_890, %dma_wait3A_891, %dma_wait3A_892, %dma_wait3A_896] : memref<2x32x125x80xi32, #tpu.memory_space<hbm>> -> memref<1x1x1x80xi32, #tpu.memory_space<hbm>>
      %dma_wait3A_898 = tpu.memref_squeeze %dma_wait3A_897 : memref<1x1x1x80xi32, #tpu.memory_space<hbm>> -> memref<80xi32, #tpu.memory_space<hbm>>
      tpu.wait_dma2 semaphore(%arg36 : memref<!tpu.dma_semaphore, #tpu.memory_space<semaphore_mem>>) src(%dma_wait3A_898 : memref<80xi32, #tpu.memory_space<hbm>>) dst(%arg15 : memref<80xi32, #tpu.memory_space<vmem>>)
      %dma_start3A_899 = arith.constant 0 : i32
      %dma_start3A_900 = arith.constant 0 : i32
      %dma_start3A_901 = tpu.memref_slice %arg2[%dma_start3A_899, %dma_start3A_900] : memref<10000x128xf32, #tpu.memory_space<hbm>> -> memref<10000x128xf32, #tpu.memory_space<hbm>>
      tpu.enqueue_indirect_dma source(%dma_start3A_901 : memref<10000x128xf32, #tpu.memory_space<hbm>>) target(%arg23 : memref<80x128xf32, #tpu.memory_space<vmem>>) offsets(%arg7 : memref<80xi32, #tpu.memory_space<vmem>>) semaphore(%arg44 : memref<!tpu.dma_semaphore, #tpu.memory_space<semaphore_mem>>)
      %add3A_902 = arith.constant 6 : i32
      %add3A_903 = arith.addi %add3A_613, %add3A_902 : i32
      %dma_wait3A_904 = arith.constant 0 : i32
      %dma_wait3A_905 = arith.constant 0 : i32
      %dma_wait3A_906 = tpu.memref_slice %arg2[%dma_wait3A_904, %dma_wait3A_905] : memref<10000x128xf32, #tpu.memory_space<hbm>> -> memref<10000x128xf32, #tpu.memory_space<hbm>>
      tpu.wait_indirect_dma semaphore(%arg43 : memref<!tpu.dma_semaphore, #tpu.memory_space<semaphore_mem>>) src(%dma_wait3A_906 : memref<10000x128xf32, #tpu.memory_space<hbm>>) dst(%arg22 : memref<80x128xf32, #tpu.memory_space<vmem>>)
      %dma_start3A_907 = arith.constant 0 : i32
      %dma_start3A_908 = arith.constant 0 : i32
      %dma_start3A_909 = tpu.memref_slice %arg26[%dma_start3A_907, %dma_start3A_908] : memref<10112x128xf32, #tpu.memory_space<vmem_shared>> -> memref<10112x128xf32, #tpu.memory_space<vmem_shared>>
      tpu.enqueue_indirect_dma source(%arg22 : memref<80x128xf32, #tpu.memory_space<vmem>>) target(%dma_start3A_909 : memref<10112x128xf32, #tpu.memory_space<vmem_shared>>) offsets(%arg14 : memref<80xi32, #tpu.memory_space<vmem>>) semaphore(%arg47 : memref<!tpu.dma_semaphore, #tpu.memory_space<semaphore_mem>>) {add = true}
      %add3A_910 = arith.constant 4 : i32
      %add3A_911 = arith.addi %add3A_903, %add3A_910 : i32
      %dma_start3A_912 = arith.constant 0 : i32
      %dma_start3A_913 = arith.constant 0 : i32
      %dma_start3A_914 = tpu.memref_slice %arg3[%dma_start3A_912, %add3A, %add3A_911, %dma_start3A_913] : memref<2x32x125x80xi32, #tpu.memory_space<hbm>> -> memref<1x1x1x80xi32, #tpu.memory_space<hbm>>
      %dma_start3A_915 = tpu.memref_squeeze %dma_start3A_914 : memref<1x1x1x80xi32, #tpu.memory_space<hbm>> -> memref<80xi32, #tpu.memory_space<hbm>>
      %dma_start3A_916 = arith.constant 0 : i32
      %dma_start3A_917 = tpu.memref_slice %arg3[%dma_start3A_912, %add3A, %add3A_911, %dma_start3A_916] : memref<2x32x125x80xi32, #tpu.memory_space<hbm>> -> memref<1x1x1x80xi32, #tpu.memory_space<hbm>>
      %dma_start3A_918 = tpu.memref_squeeze %dma_start3A_917 : memref<1x1x1x80xi32, #tpu.memory_space<hbm>> -> memref<80xi32, #tpu.memory_space<hbm>>
      tpu.enqueue_dma source(%dma_start3A_918 : memref<80xi32, #tpu.memory_space<hbm>>) target(%arg10 : memref<80xi32, #tpu.memory_space<vmem>>) target_semaphore(%arg31 : memref<!tpu.dma_semaphore, #tpu.memory_space<semaphore_mem>>)
      %dma_start3A_919 = arith.constant 1 : i32
      %dma_start3A_920 = arith.constant 0 : i32
      %dma_start3A_921 = tpu.memref_slice %arg3[%dma_start3A_919, %add3A, %add3A_911, %dma_start3A_920] : memref<2x32x125x80xi32, #tpu.memory_space<hbm>> -> memref<1x1x1x80xi32, #tpu.memory_space<hbm>>
      %dma_start3A_922 = tpu.memref_squeeze %dma_start3A_921 : memref<1x1x1x80xi32, #tpu.memory_space<hbm>> -> memref<80xi32, #tpu.memory_space<hbm>>
      %dma_start3A_923 = arith.constant 0 : i32
      %dma_start3A_924 = tpu.memref_slice %arg3[%dma_start3A_919, %add3A, %add3A_911, %dma_start3A_923] : memref<2x32x125x80xi32, #tpu.memory_space<hbm>> -> memref<1x1x1x80xi32, #tpu.memory_space<hbm>>
      %dma_start3A_925 = tpu.memref_squeeze %dma_start3A_924 : memref<1x1x1x80xi32, #tpu.memory_space<hbm>> -> memref<80xi32, #tpu.memory_space<hbm>>
      tpu.enqueue_dma source(%dma_start3A_925 : memref<80xi32, #tpu.memory_space<hbm>>) target(%arg18 : memref<80xi32, #tpu.memory_space<vmem>>) target_semaphore(%arg39 : memref<!tpu.dma_semaphore, #tpu.memory_space<semaphore_mem>>)
      %dma_wait3A_926 = arith.constant 0 : i32
      %dma_wait3A_927 = arith.constant 0 : i32
      %dma_wait3A_928 = tpu.memref_slice %arg26[%dma_wait3A_926, %dma_wait3A_927] : memref<10112x128xf32, #tpu.memory_space<vmem_shared>> -> memref<10112x128xf32, #tpu.memory_space<vmem_shared>>
      tpu.wait_indirect_dma semaphore(%arg49 : memref<!tpu.dma_semaphore, #tpu.memory_space<semaphore_mem>>) src(%arg22 : memref<80x128xf32, #tpu.memory_space<vmem>>) dst(%dma_wait3A_928 : memref<10112x128xf32, #tpu.memory_space<vmem_shared>>)
      %dma_wait3A_929 = arith.constant 0 : i32
      %dma_wait3A_930 = arith.constant 0 : i32
      %dma_wait3A_931 = arith.constant 0 : i32
      %dma_wait3A_932 = arith.constant 0 : i32
      %dma_wait3A_933 = tpu.memref_slice %arg3[%dma_wait3A_929, %dma_wait3A_930, %dma_wait3A_931, %dma_wait3A_932] : memref<2x32x125x80xi32, #tpu.memory_space<hbm>> -> memref<1x1x1x80xi32, #tpu.memory_space<hbm>>
      %dma_wait3A_934 = tpu.memref_squeeze %dma_wait3A_933 : memref<1x1x1x80xi32, #tpu.memory_space<hbm>> -> memref<80xi32, #tpu.memory_space<hbm>>
      %dma_wait3A_935 = arith.constant 0 : i32
      %dma_wait3A_936 = tpu.memref_slice %arg3[%dma_wait3A_929, %dma_wait3A_930, %dma_wait3A_931, %dma_wait3A_935] : memref<2x32x125x80xi32, #tpu.memory_space<hbm>> -> memref<1x1x1x80xi32, #tpu.memory_space<hbm>>
      %dma_wait3A_937 = tpu.memref_squeeze %dma_wait3A_936 : memref<1x1x1x80xi32, #tpu.memory_space<hbm>> -> memref<80xi32, #tpu.memory_space<hbm>>
      tpu.wait_dma2 semaphore(%arg29 : memref<!tpu.dma_semaphore, #tpu.memory_space<semaphore_mem>>) src(%dma_wait3A_937 : memref<80xi32, #tpu.memory_space<hbm>>) dst(%arg8 : memref<80xi32, #tpu.memory_space<vmem>>)
      %dma_wait3A_938 = arith.constant 1 : i32
      %dma_wait3A_939 = arith.constant 0 : i32
      %dma_wait3A_940 = arith.constant 0 : i32
      %dma_wait3A_941 = arith.constant 0 : i32
      %dma_wait3A_942 = tpu.memref_slice %arg3[%dma_wait3A_938, %dma_wait3A_939, %dma_wait3A_940, %dma_wait3A_941] : memref<2x32x125x80xi32, #tpu.memory_space<hbm>> -> memref<1x1x1x80xi32, #tpu.memory_space<hbm>>
      %dma_wait3A_943 = tpu.memref_squeeze %dma_wait3A_942 : memref<1x1x1x80xi32, #tpu.memory_space<hbm>> -> memref<80xi32, #tpu.memory_space<hbm>>
      %dma_wait3A_944 = arith.constant 0 : i32
      %dma_wait3A_945 = tpu.memref_slice %arg3[%dma_wait3A_938, %dma_wait3A_939, %dma_wait3A_940, %dma_wait3A_944] : memref<2x32x125x80xi32, #tpu.memory_space<hbm>> -> memref<1x1x1x80xi32, #tpu.memory_space<hbm>>
      %dma_wait3A_946 = tpu.memref_squeeze %dma_wait3A_945 : memref<1x1x1x80xi32, #tpu.memory_space<hbm>> -> memref<80xi32, #tpu.memory_space<hbm>>
      tpu.wait_dma2 semaphore(%arg37 : memref<!tpu.dma_semaphore, #tpu.memory_space<semaphore_mem>>) src(%dma_wait3A_946 : memref<80xi32, #tpu.memory_space<hbm>>) dst(%arg16 : memref<80xi32, #tpu.memory_space<vmem>>)
      %dma_start3A_947 = arith.constant 0 : i32
      %dma_start3A_948 = arith.constant 0 : i32
      %dma_start3A_949 = tpu.memref_slice %arg2[%dma_start3A_947, %dma_start3A_948] : memref<10000x128xf32, #tpu.memory_space<hbm>> -> memref<10000x128xf32, #tpu.memory_space<hbm>>
      tpu.enqueue_indirect_dma source(%dma_start3A_949 : memref<10000x128xf32, #tpu.memory_space<hbm>>) target(%arg24 : memref<80x128xf32, #tpu.memory_space<vmem>>) offsets(%arg8 : memref<80xi32, #tpu.memory_space<vmem>>) semaphore(%arg45 : memref<!tpu.dma_semaphore, #tpu.memory_space<semaphore_mem>>)
      %add3A_950 = arith.constant 7 : i32
      %add3A_951 = arith.addi %add3A_613, %add3A_950 : i32
      %dma_wait3A_952 = arith.constant 0 : i32
      %dma_wait3A_953 = arith.constant 0 : i32
      %dma_wait3A_954 = tpu.memref_slice %arg2[%dma_wait3A_952, %dma_wait3A_953] : memref<10000x128xf32, #tpu.memory_space<hbm>> -> memref<10000x128xf32, #tpu.memory_space<hbm>>
      tpu.wait_indirect_dma semaphore(%arg44 : memref<!tpu.dma_semaphore, #tpu.memory_space<semaphore_mem>>) src(%dma_wait3A_954 : memref<10000x128xf32, #tpu.memory_space<hbm>>) dst(%arg23 : memref<80x128xf32, #tpu.memory_space<vmem>>)
      %dma_start3A_955 = arith.constant 0 : i32
      %dma_start3A_956 = arith.constant 0 : i32
      %dma_start3A_957 = tpu.memref_slice %arg26[%dma_start3A_955, %dma_start3A_956] : memref<10112x128xf32, #tpu.memory_space<vmem_shared>> -> memref<10112x128xf32, #tpu.memory_space<vmem_shared>>
      tpu.enqueue_indirect_dma source(%arg23 : memref<80x128xf32, #tpu.memory_space<vmem>>) target(%dma_start3A_957 : memref<10112x128xf32, #tpu.memory_space<vmem_shared>>) offsets(%arg15 : memref<80xi32, #tpu.memory_space<vmem>>) semaphore(%arg48 : memref<!tpu.dma_semaphore, #tpu.memory_space<semaphore_mem>>) {add = true}
      %add3A_958 = arith.constant 4 : i32
      %add3A_959 = arith.addi %add3A_951, %add3A_958 : i32
      %dma_start3A_960 = arith.constant 0 : i32
      %dma_start3A_961 = arith.constant 0 : i32
      %dma_start3A_962 = tpu.memref_slice %arg3[%dma_start3A_960, %add3A, %add3A_959, %dma_start3A_961] : memref<2x32x125x80xi32, #tpu.memory_space<hbm>> -> memref<1x1x1x80xi32, #tpu.memory_space<hbm>>
      %dma_start3A_963 = tpu.memref_squeeze %dma_start3A_962 : memref<1x1x1x80xi32, #tpu.memory_space<hbm>> -> memref<80xi32, #tpu.memory_space<hbm>>
      %dma_start3A_964 = arith.constant 0 : i32
      %dma_start3A_965 = tpu.memref_slice %arg3[%dma_start3A_960, %add3A, %add3A_959, %dma_start3A_964] : memref<2x32x125x80xi32, #tpu.memory_space<hbm>> -> memref<1x1x1x80xi32, #tpu.memory_space<hbm>>
      %dma_start3A_966 = tpu.memref_squeeze %dma_start3A_965 : memref<1x1x1x80xi32, #tpu.memory_space<hbm>> -> memref<80xi32, #tpu.memory_space<hbm>>
      tpu.enqueue_dma source(%dma_start3A_966 : memref<80xi32, #tpu.memory_space<hbm>>) target(%arg11 : memref<80xi32, #tpu.memory_space<vmem>>) target_semaphore(%arg32 : memref<!tpu.dma_semaphore, #tpu.memory_space<semaphore_mem>>)
      %dma_start3A_967 = arith.constant 1 : i32
      %dma_start3A_968 = arith.constant 0 : i32
      %dma_start3A_969 = tpu.memref_slice %arg3[%dma_start3A_967, %add3A, %add3A_959, %dma_start3A_968] : memref<2x32x125x80xi32, #tpu.memory_space<hbm>> -> memref<1x1x1x80xi32, #tpu.memory_space<hbm>>
      %dma_start3A_970 = tpu.memref_squeeze %dma_start3A_969 : memref<1x1x1x80xi32, #tpu.memory_space<hbm>> -> memref<80xi32, #tpu.memory_space<hbm>>
      %dma_start3A_971 = arith.constant 0 : i32
      %dma_start3A_972 = tpu.memref_slice %arg3[%dma_start3A_967, %add3A, %add3A_959, %dma_start3A_971] : memref<2x32x125x80xi32, #tpu.memory_space<hbm>> -> memref<1x1x1x80xi32, #tpu.memory_space<hbm>>
      %dma_start3A_973 = tpu.memref_squeeze %dma_start3A_972 : memref<1x1x1x80xi32, #tpu.memory_space<hbm>> -> memref<80xi32, #tpu.memory_space<hbm>>
      tpu.enqueue_dma source(%dma_start3A_973 : memref<80xi32, #tpu.memory_space<hbm>>) target(%arg19 : memref<80xi32, #tpu.memory_space<vmem>>) target_semaphore(%arg40 : memref<!tpu.dma_semaphore, #tpu.memory_space<semaphore_mem>>)
      %dma_wait3A_974 = arith.constant 0 : i32
      %dma_wait3A_975 = arith.constant 0 : i32
      %dma_wait3A_976 = tpu.memref_slice %arg26[%dma_wait3A_974, %dma_wait3A_975] : memref<10112x128xf32, #tpu.memory_space<vmem_shared>> -> memref<10112x128xf32, #tpu.memory_space<vmem_shared>>
      tpu.wait_indirect_dma semaphore(%arg50 : memref<!tpu.dma_semaphore, #tpu.memory_space<semaphore_mem>>) src(%arg22 : memref<80x128xf32, #tpu.memory_space<vmem>>) dst(%dma_wait3A_976 : memref<10112x128xf32, #tpu.memory_space<vmem_shared>>)
      %dma_wait3A_977 = arith.constant 0 : i32
      %dma_wait3A_978 = arith.constant 0 : i32
      %dma_wait3A_979 = arith.constant 0 : i32
      %dma_wait3A_980 = arith.constant 0 : i32
      %dma_wait3A_981 = tpu.memref_slice %arg3[%dma_wait3A_977, %dma_wait3A_978, %dma_wait3A_979, %dma_wait3A_980] : memref<2x32x125x80xi32, #tpu.memory_space<hbm>> -> memref<1x1x1x80xi32, #tpu.memory_space<hbm>>
      %dma_wait3A_982 = tpu.memref_squeeze %dma_wait3A_981 : memref<1x1x1x80xi32, #tpu.memory_space<hbm>> -> memref<80xi32, #tpu.memory_space<hbm>>
      %dma_wait3A_983 = arith.constant 0 : i32
      %dma_wait3A_984 = tpu.memref_slice %arg3[%dma_wait3A_977, %dma_wait3A_978, %dma_wait3A_979, %dma_wait3A_983] : memref<2x32x125x80xi32, #tpu.memory_space<hbm>> -> memref<1x1x1x80xi32, #tpu.memory_space<hbm>>
      %dma_wait3A_985 = tpu.memref_squeeze %dma_wait3A_984 : memref<1x1x1x80xi32, #tpu.memory_space<hbm>> -> memref<80xi32, #tpu.memory_space<hbm>>
      tpu.wait_dma2 semaphore(%arg30 : memref<!tpu.dma_semaphore, #tpu.memory_space<semaphore_mem>>) src(%dma_wait3A_985 : memref<80xi32, #tpu.memory_space<hbm>>) dst(%arg9 : memref<80xi32, #tpu.memory_space<vmem>>)
      %dma_wait3A_986 = arith.constant 1 : i32
      %dma_wait3A_987 = arith.constant 0 : i32
      %dma_wait3A_988 = arith.constant 0 : i32
      %dma_wait3A_989 = arith.constant 0 : i32
      %dma_wait3A_990 = tpu.memref_slice %arg3[%dma_wait3A_986, %dma_wait3A_987, %dma_wait3A_988, %dma_wait3A_989] : memref<2x32x125x80xi32, #tpu.memory_space<hbm>> -> memref<1x1x1x80xi32, #tpu.memory_space<hbm>>
      %dma_wait3A_991 = tpu.memref_squeeze %dma_wait3A_990 : memref<1x1x1x80xi32, #tpu.memory_space<hbm>> -> memref<80xi32, #tpu.memory_space<hbm>>
      %dma_wait3A_992 = arith.constant 0 : i32
      %dma_wait3A_993 = tpu.memref_slice %arg3[%dma_wait3A_986, %dma_wait3A_987, %dma_wait3A_988, %dma_wait3A_992] : memref<2x32x125x80xi32, #tpu.memory_space<hbm>> -> memref<1x1x1x80xi32, #tpu.memory_space<hbm>>
      %dma_wait3A_994 = tpu.memref_squeeze %dma_wait3A_993 : memref<1x1x1x80xi32, #tpu.memory_space<hbm>> -> memref<80xi32, #tpu.memory_space<hbm>>
      tpu.wait_dma2 semaphore(%arg38 : memref<!tpu.dma_semaphore, #tpu.memory_space<semaphore_mem>>) src(%dma_wait3A_994 : memref<80xi32, #tpu.memory_space<hbm>>) dst(%arg17 : memref<80xi32, #tpu.memory_space<vmem>>)
      %dma_start3A_995 = arith.constant 0 : i32
      %dma_start3A_996 = arith.constant 0 : i32
      %dma_start3A_997 = tpu.memref_slice %arg2[%dma_start3A_995, %dma_start3A_996] : memref<10000x128xf32, #tpu.memory_space<hbm>> -> memref<10000x128xf32, #tpu.memory_space<hbm>>
      tpu.enqueue_indirect_dma source(%dma_start3A_997 : memref<10000x128xf32, #tpu.memory_space<hbm>>) target(%arg25 : memref<80x128xf32, #tpu.memory_space<vmem>>) offsets(%arg9 : memref<80xi32, #tpu.memory_space<vmem>>) semaphore(%arg46 : memref<!tpu.dma_semaphore, #tpu.memory_space<semaphore_mem>>)
    }
    %scan3A_197 = arith.constant 14 : i32
    %dma_wait3A_198 = arith.constant 0 : i32
    %dma_wait3A_199 = arith.constant 0 : i32
    %dma_wait3A_200 = tpu.memref_slice %arg2[%dma_wait3A_198, %dma_wait3A_199] : memref<10000x128xf32, #tpu.memory_space<hbm>> -> memref<10000x128xf32, #tpu.memory_space<hbm>>
    tpu.wait_indirect_dma semaphore(%arg45 : memref<!tpu.dma_semaphore, #tpu.memory_space<semaphore_mem>>) src(%dma_wait3A_200 : memref<10000x128xf32, #tpu.memory_space<hbm>>) dst(%arg24 : memref<80x128xf32, #tpu.memory_space<vmem>>)
    %dma_start3A_201 = arith.constant 0 : i32
    %dma_start3A_202 = arith.constant 0 : i32
    %dma_start3A_203 = tpu.memref_slice %arg26[%dma_start3A_201, %dma_start3A_202] : memref<10112x128xf32, #tpu.memory_space<vmem_shared>> -> memref<10112x128xf32, #tpu.memory_space<vmem_shared>>
    tpu.enqueue_indirect_dma source(%arg24 : memref<80x128xf32, #tpu.memory_space<vmem>>) target(%dma_start3A_203 : memref<10112x128xf32, #tpu.memory_space<vmem_shared>>) offsets(%arg16 : memref<80xi32, #tpu.memory_space<vmem>>) semaphore(%arg49 : memref<!tpu.dma_semaphore, #tpu.memory_space<semaphore_mem>>) {add = true}
    %dma_start3A_204 = arith.constant 0 : i32
    %dma_start3A_205 = arith.constant 118 : i32
    %dma_start3A_206 = arith.constant 0 : i32
    %dma_start3A_207 = tpu.memref_slice %arg3[%dma_start3A_204, %add3A, %dma_start3A_205, %dma_start3A_206] : memref<2x32x125x80xi32, #tpu.memory_space<hbm>> -> memref<1x1x1x80xi32, #tpu.memory_space<hbm>>
    %dma_start3A_208 = tpu.memref_squeeze %dma_start3A_207 : memref<1x1x1x80xi32, #tpu.memory_space<hbm>> -> memref<80xi32, #tpu.memory_space<hbm>>
    %dma_start3A_209 = arith.constant 0 : i32
    %dma_start3A_210 = tpu.memref_slice %arg3[%dma_start3A_204, %add3A, %dma_start3A_205, %dma_start3A_209] : memref<2x32x125x80xi32, #tpu.memory_space<hbm>> -> memref<1x1x1x80xi32, #tpu.memory_space<hbm>>
    %dma_start3A_211 = tpu.memref_squeeze %dma_start3A_210 : memref<1x1x1x80xi32, #tpu.memory_space<hbm>> -> memref<80xi32, #tpu.memory_space<hbm>>
    tpu.enqueue_dma source(%dma_start3A_211 : memref<80xi32, #tpu.memory_space<hbm>>) target(%arg12 : memref<80xi32, #tpu.memory_space<vmem>>) target_semaphore(%arg33 : memref<!tpu.dma_semaphore, #tpu.memory_space<semaphore_mem>>)
    %dma_start3A_212 = arith.constant 1 : i32
    %dma_start3A_213 = arith.constant 118 : i32
    %dma_start3A_214 = arith.constant 0 : i32
    %dma_start3A_215 = tpu.memref_slice %arg3[%dma_start3A_212, %add3A, %dma_start3A_213, %dma_start3A_214] : memref<2x32x125x80xi32, #tpu.memory_space<hbm>> -> memref<1x1x1x80xi32, #tpu.memory_space<hbm>>
    %dma_start3A_216 = tpu.memref_squeeze %dma_start3A_215 : memref<1x1x1x80xi32, #tpu.memory_space<hbm>> -> memref<80xi32, #tpu.memory_space<hbm>>
    %dma_start3A_217 = arith.constant 0 : i32
    %dma_start3A_218 = tpu.memref_slice %arg3[%dma_start3A_212, %add3A, %dma_start3A_213, %dma_start3A_217] : memref<2x32x125x80xi32, #tpu.memory_space<hbm>> -> memref<1x1x1x80xi32, #tpu.memory_space<hbm>>
    %dma_start3A_219 = tpu.memref_squeeze %dma_start3A_218 : memref<1x1x1x80xi32, #tpu.memory_space<hbm>> -> memref<80xi32, #tpu.memory_space<hbm>>
    tpu.enqueue_dma source(%dma_start3A_219 : memref<80xi32, #tpu.memory_space<hbm>>) target(%arg20 : memref<80xi32, #tpu.memory_space<vmem>>) target_semaphore(%arg41 : memref<!tpu.dma_semaphore, #tpu.memory_space<semaphore_mem>>)
    %dma_wait3A_220 = arith.constant 0 : i32
    %dma_wait3A_221 = arith.constant 0 : i32
    %dma_wait3A_222 = tpu.memref_slice %arg26[%dma_wait3A_220, %dma_wait3A_221] : memref<10112x128xf32, #tpu.memory_space<vmem_shared>> -> memref<10112x128xf32, #tpu.memory_space<vmem_shared>>
    tpu.wait_indirect_dma semaphore(%arg47 : memref<!tpu.dma_semaphore, #tpu.memory_space<semaphore_mem>>) src(%arg22 : memref<80x128xf32, #tpu.memory_space<vmem>>) dst(%dma_wait3A_222 : memref<10112x128xf32, #tpu.memory_space<vmem_shared>>)
    %dma_wait3A_223 = arith.constant 0 : i32
    %dma_wait3A_224 = arith.constant 0 : i32
    %dma_wait3A_225 = arith.constant 0 : i32
    %dma_wait3A_226 = arith.constant 0 : i32
    %dma_wait3A_227 = tpu.memref_slice %arg3[%dma_wait3A_223, %dma_wait3A_224, %dma_wait3A_225, %dma_wait3A_226] : memref<2x32x125x80xi32, #tpu.memory_space<hbm>> -> memref<1x1x1x80xi32, #tpu.memory_space<hbm>>
    %dma_wait3A_228 = tpu.memref_squeeze %dma_wait3A_227 : memref<1x1x1x80xi32, #tpu.memory_space<hbm>> -> memref<80xi32, #tpu.memory_space<hbm>>
    %dma_wait3A_229 = arith.constant 0 : i32
    %dma_wait3A_230 = tpu.memref_slice %arg3[%dma_wait3A_223, %dma_wait3A_224, %dma_wait3A_225, %dma_wait3A_229] : memref<2x32x125x80xi32, #tpu.memory_space<hbm>> -> memref<1x1x1x80xi32, #tpu.memory_space<hbm>>
    %dma_wait3A_231 = tpu.memref_squeeze %dma_wait3A_230 : memref<1x1x1x80xi32, #tpu.memory_space<hbm>> -> memref<80xi32, #tpu.memory_space<hbm>>
    tpu.wait_dma2 semaphore(%arg31 : memref<!tpu.dma_semaphore, #tpu.memory_space<semaphore_mem>>) src(%dma_wait3A_231 : memref<80xi32, #tpu.memory_space<hbm>>) dst(%arg10 : memref<80xi32, #tpu.memory_space<vmem>>)
    %dma_wait3A_232 = arith.constant 1 : i32
    %dma_wait3A_233 = arith.constant 0 : i32
    %dma_wait3A_234 = arith.constant 0 : i32
    %dma_wait3A_235 = arith.constant 0 : i32
    %dma_wait3A_236 = tpu.memref_slice %arg3[%dma_wait3A_232, %dma_wait3A_233, %dma_wait3A_234, %dma_wait3A_235] : memref<2x32x125x80xi32, #tpu.memory_space<hbm>> -> memref<1x1x1x80xi32, #tpu.memory_space<hbm>>
    %dma_wait3A_237 = tpu.memref_squeeze %dma_wait3A_236 : memref<1x1x1x80xi32, #tpu.memory_space<hbm>> -> memref<80xi32, #tpu.memory_space<hbm>>
    %dma_wait3A_238 = arith.constant 0 : i32
    %dma_wait3A_239 = tpu.memref_slice %arg3[%dma_wait3A_232, %dma_wait3A_233, %dma_wait3A_234, %dma_wait3A_238] : memref<2x32x125x80xi32, #tpu.memory_space<hbm>> -> memref<1x1x1x80xi32, #tpu.memory_space<hbm>>
    %dma_wait3A_240 = tpu.memref_squeeze %dma_wait3A_239 : memref<1x1x1x80xi32, #tpu.memory_space<hbm>> -> memref<80xi32, #tpu.memory_space<hbm>>
    tpu.wait_dma2 semaphore(%arg39 : memref<!tpu.dma_semaphore, #tpu.memory_space<semaphore_mem>>) src(%dma_wait3A_240 : memref<80xi32, #tpu.memory_space<hbm>>) dst(%arg18 : memref<80xi32, #tpu.memory_space<vmem>>)
    %dma_start3A_241 = arith.constant 0 : i32
    %dma_start3A_242 = arith.constant 0 : i32
    %dma_start3A_243 = tpu.memref_slice %arg2[%dma_start3A_241, %dma_start3A_242] : memref<10000x128xf32, #tpu.memory_space<hbm>> -> memref<10000x128xf32, #tpu.memory_space<hbm>>
    tpu.enqueue_indirect_dma source(%dma_start3A_243 : memref<10000x128xf32, #tpu.memory_space<hbm>>) target(%arg22 : memref<80x128xf32, #tpu.memory_space<vmem>>) offsets(%arg10 : memref<80xi32, #tpu.memory_space<vmem>>) semaphore(%arg43 : memref<!tpu.dma_semaphore, #tpu.memory_space<semaphore_mem>>)
    %dma_wait3A_244 = arith.constant 0 : i32
    %dma_wait3A_245 = arith.constant 0 : i32
    %dma_wait3A_246 = tpu.memref_slice %arg2[%dma_wait3A_244, %dma_wait3A_245] : memref<10000x128xf32, #tpu.memory_space<hbm>> -> memref<10000x128xf32, #tpu.memory_space<hbm>>
    tpu.wait_indirect_dma semaphore(%arg46 : memref<!tpu.dma_semaphore, #tpu.memory_space<semaphore_mem>>) src(%dma_wait3A_246 : memref<10000x128xf32, #tpu.memory_space<hbm>>) dst(%arg25 : memref<80x128xf32, #tpu.memory_space<vmem>>)
    %dma_start3A_247 = arith.constant 0 : i32
    %dma_start3A_248 = arith.constant 0 : i32
    %dma_start3A_249 = tpu.memref_slice %arg26[%dma_start3A_247, %dma_start3A_248] : memref<10112x128xf32, #tpu.memory_space<vmem_shared>> -> memref<10112x128xf32, #tpu.memory_space<vmem_shared>>
    tpu.enqueue_indirect_dma source(%arg25 : memref<80x128xf32, #tpu.memory_space<vmem>>) target(%dma_start3A_249 : memref<10112x128xf32, #tpu.memory_space<vmem_shared>>) offsets(%arg17 : memref<80xi32, #tpu.memory_space<vmem>>) semaphore(%arg50 : memref<!tpu.dma_semaphore, #tpu.memory_space<semaphore_mem>>) {add = true}
    %dma_start3A_250 = arith.constant 0 : i32
    %dma_start3A_251 = arith.constant 119 : i32
    %dma_start3A_252 = arith.constant 0 : i32
    %dma_start3A_253 = tpu.memref_slice %arg3[%dma_start3A_250, %add3A, %dma_start3A_251, %dma_start3A_252] : memref<2x32x125x80xi32, #tpu.memory_space<hbm>> -> memref<1x1x1x80xi32, #tpu.memory_space<hbm>>
    %dma_start3A_254 = tpu.memref_squeeze %dma_start3A_253 : memref<1x1x1x80xi32, #tpu.memory_space<hbm>> -> memref<80xi32, #tpu.memory_space<hbm>>
    %dma_start3A_255 = arith.constant 0 : i32
    %dma_start3A_256 = tpu.memref_slice %arg3[%dma_start3A_250, %add3A, %dma_start3A_251, %dma_start3A_255] : memref<2x32x125x80xi32, #tpu.memory_space<hbm>> -> memref<1x1x1x80xi32, #tpu.memory_space<hbm>>
    %dma_start3A_257 = tpu.memref_squeeze %dma_start3A_256 : memref<1x1x1x80xi32, #tpu.memory_space<hbm>> -> memref<80xi32, #tpu.memory_space<hbm>>
    tpu.enqueue_dma source(%dma_start3A_257 : memref<80xi32, #tpu.memory_space<hbm>>) target(%arg13 : memref<80xi32, #tpu.memory_space<vmem>>) target_semaphore(%arg34 : memref<!tpu.dma_semaphore, #tpu.memory_space<semaphore_mem>>)
    %dma_start3A_258 = arith.constant 1 : i32
    %dma_start3A_259 = arith.constant 119 : i32
    %dma_start3A_260 = arith.constant 0 : i32
    %dma_start3A_261 = tpu.memref_slice %arg3[%dma_start3A_258, %add3A, %dma_start3A_259, %dma_start3A_260] : memref<2x32x125x80xi32, #tpu.memory_space<hbm>> -> memref<1x1x1x80xi32, #tpu.memory_space<hbm>>
    %dma_start3A_262 = tpu.memref_squeeze %dma_start3A_261 : memref<1x1x1x80xi32, #tpu.memory_space<hbm>> -> memref<80xi32, #tpu.memory_space<hbm>>
    %dma_start3A_263 = arith.constant 0 : i32
    %dma_start3A_264 = tpu.memref_slice %arg3[%dma_start3A_258, %add3A, %dma_start3A_259, %dma_start3A_263] : memref<2x32x125x80xi32, #tpu.memory_space<hbm>> -> memref<1x1x1x80xi32, #tpu.memory_space<hbm>>
    %dma_start3A_265 = tpu.memref_squeeze %dma_start3A_264 : memref<1x1x1x80xi32, #tpu.memory_space<hbm>> -> memref<80xi32, #tpu.memory_space<hbm>>
    tpu.enqueue_dma source(%dma_start3A_265 : memref<80xi32, #tpu.memory_space<hbm>>) target(%arg21 : memref<80xi32, #tpu.memory_space<vmem>>) target_semaphore(%arg42 : memref<!tpu.dma_semaphore, #tpu.memory_space<semaphore_mem>>)
    %dma_wait3A_266 = arith.constant 0 : i32
    %dma_wait3A_267 = arith.constant 0 : i32
    %dma_wait3A_268 = tpu.memref_slice %arg26[%dma_wait3A_266, %dma_wait3A_267] : memref<10112x128xf32, #tpu.memory_space<vmem_shared>> -> memref<10112x128xf32, #tpu.memory_space<vmem_shared>>
    tpu.wait_indirect_dma semaphore(%arg48 : memref<!tpu.dma_semaphore, #tpu.memory_space<semaphore_mem>>) src(%arg22 : memref<80x128xf32, #tpu.memory_space<vmem>>) dst(%dma_wait3A_268 : memref<10112x128xf32, #tpu.memory_space<vmem_shared>>)
    %dma_wait3A_269 = arith.constant 0 : i32
    %dma_wait3A_270 = arith.constant 0 : i32
    %dma_wait3A_271 = arith.constant 0 : i32
    %dma_wait3A_272 = arith.constant 0 : i32
    %dma_wait3A_273 = tpu.memref_slice %arg3[%dma_wait3A_269, %dma_wait3A_270, %dma_wait3A_271, %dma_wait3A_272] : memref<2x32x125x80xi32, #tpu.memory_space<hbm>> -> memref<1x1x1x80xi32, #tpu.memory_space<hbm>>
    %dma_wait3A_274 = tpu.memref_squeeze %dma_wait3A_273 : memref<1x1x1x80xi32, #tpu.memory_space<hbm>> -> memref<80xi32, #tpu.memory_space<hbm>>
    %dma_wait3A_275 = arith.constant 0 : i32
    %dma_wait3A_276 = tpu.memref_slice %arg3[%dma_wait3A_269, %dma_wait3A_270, %dma_wait3A_271, %dma_wait3A_275] : memref<2x32x125x80xi32, #tpu.memory_space<hbm>> -> memref<1x1x1x80xi32, #tpu.memory_space<hbm>>
    %dma_wait3A_277 = tpu.memref_squeeze %dma_wait3A_276 : memref<1x1x1x80xi32, #tpu.memory_space<hbm>> -> memref<80xi32, #tpu.memory_space<hbm>>
    tpu.wait_dma2 semaphore(%arg32 : memref<!tpu.dma_semaphore, #tpu.memory_space<semaphore_mem>>) src(%dma_wait3A_277 : memref<80xi32, #tpu.memory_space<hbm>>) dst(%arg11 : memref<80xi32, #tpu.memory_space<vmem>>)
    %dma_wait3A_278 = arith.constant 1 : i32
    %dma_wait3A_279 = arith.constant 0 : i32
    %dma_wait3A_280 = arith.constant 0 : i32
    %dma_wait3A_281 = arith.constant 0 : i32
    %dma_wait3A_282 = tpu.memref_slice %arg3[%dma_wait3A_278, %dma_wait3A_279, %dma_wait3A_280, %dma_wait3A_281] : memref<2x32x125x80xi32, #tpu.memory_space<hbm>> -> memref<1x1x1x80xi32, #tpu.memory_space<hbm>>
    %dma_wait3A_283 = tpu.memref_squeeze %dma_wait3A_282 : memref<1x1x1x80xi32, #tpu.memory_space<hbm>> -> memref<80xi32, #tpu.memory_space<hbm>>
    %dma_wait3A_284 = arith.constant 0 : i32
    %dma_wait3A_285 = tpu.memref_slice %arg3[%dma_wait3A_278, %dma_wait3A_279, %dma_wait3A_280, %dma_wait3A_284] : memref<2x32x125x80xi32, #tpu.memory_space<hbm>> -> memref<1x1x1x80xi32, #tpu.memory_space<hbm>>
    %dma_wait3A_286 = tpu.memref_squeeze %dma_wait3A_285 : memref<1x1x1x80xi32, #tpu.memory_space<hbm>> -> memref<80xi32, #tpu.memory_space<hbm>>
    tpu.wait_dma2 semaphore(%arg40 : memref<!tpu.dma_semaphore, #tpu.memory_space<semaphore_mem>>) src(%dma_wait3A_286 : memref<80xi32, #tpu.memory_space<hbm>>) dst(%arg19 : memref<80xi32, #tpu.memory_space<vmem>>)
    %dma_start3A_287 = arith.constant 0 : i32
    %dma_start3A_288 = arith.constant 0 : i32
    %dma_start3A_289 = tpu.memref_slice %arg2[%dma_start3A_287, %dma_start3A_288] : memref<10000x128xf32, #tpu.memory_space<hbm>> -> memref<10000x128xf32, #tpu.memory_space<hbm>>
    tpu.enqueue_indirect_dma source(%dma_start3A_289 : memref<10000x128xf32, #tpu.memory_space<hbm>>) target(%arg23 : memref<80x128xf32, #tpu.memory_space<vmem>>) offsets(%arg11 : memref<80xi32, #tpu.memory_space<vmem>>) semaphore(%arg44 : memref<!tpu.dma_semaphore, #tpu.memory_space<semaphore_mem>>)
    %dma_wait3A_290 = arith.constant 0 : i32
    %dma_wait3A_291 = arith.constant 0 : i32
    %dma_wait3A_292 = tpu.memref_slice %arg2[%dma_wait3A_290, %dma_wait3A_291] : memref<10000x128xf32, #tpu.memory_space<hbm>> -> memref<10000x128xf32, #tpu.memory_space<hbm>>
    tpu.wait_indirect_dma semaphore(%arg43 : memref<!tpu.dma_semaphore, #tpu.memory_space<semaphore_mem>>) src(%dma_wait3A_292 : memref<10000x128xf32, #tpu.memory_space<hbm>>) dst(%arg22 : memref<80x128xf32, #tpu.memory_space<vmem>>)
    %dma_start3A_293 = arith.constant 0 : i32
    %dma_start3A_294 = arith.constant 0 : i32
    %dma_start3A_295 = tpu.memref_slice %arg26[%dma_start3A_293, %dma_start3A_294] : memref<10112x128xf32, #tpu.memory_space<vmem_shared>> -> memref<10112x128xf32, #tpu.memory_space<vmem_shared>>
    tpu.enqueue_indirect_dma source(%arg22 : memref<80x128xf32, #tpu.memory_space<vmem>>) target(%dma_start3A_295 : memref<10112x128xf32, #tpu.memory_space<vmem_shared>>) offsets(%arg18 : memref<80xi32, #tpu.memory_space<vmem>>) semaphore(%arg47 : memref<!tpu.dma_semaphore, #tpu.memory_space<semaphore_mem>>) {add = true}
    %dma_start3A_296 = arith.constant 0 : i32
    %dma_start3A_297 = arith.constant 120 : i32
    %dma_start3A_298 = arith.constant 0 : i32
    %dma_start3A_299 = tpu.memref_slice %arg3[%dma_start3A_296, %add3A, %dma_start3A_297, %dma_start3A_298] : memref<2x32x125x80xi32, #tpu.memory_space<hbm>> -> memref<1x1x1x80xi32, #tpu.memory_space<hbm>>
    %dma_start3A_300 = tpu.memref_squeeze %dma_start3A_299 : memref<1x1x1x80xi32, #tpu.memory_space<hbm>> -> memref<80xi32, #tpu.memory_space<hbm>>
    %dma_start3A_301 = arith.constant 0 : i32
    %dma_start3A_302 = tpu.memref_slice %arg3[%dma_start3A_296, %add3A, %dma_start3A_297, %dma_start3A_301] : memref<2x32x125x80xi32, #tpu.memory_space<hbm>> -> memref<1x1x1x80xi32, #tpu.memory_space<hbm>>
    %dma_start3A_303 = tpu.memref_squeeze %dma_start3A_302 : memref<1x1x1x80xi32, #tpu.memory_space<hbm>> -> memref<80xi32, #tpu.memory_space<hbm>>
    tpu.enqueue_dma source(%dma_start3A_303 : memref<80xi32, #tpu.memory_space<hbm>>) target(%arg6 : memref<80xi32, #tpu.memory_space<vmem>>) target_semaphore(%arg27 : memref<!tpu.dma_semaphore, #tpu.memory_space<semaphore_mem>>)
    %dma_start3A_304 = arith.constant 1 : i32
    %dma_start3A_305 = arith.constant 120 : i32
    %dma_start3A_306 = arith.constant 0 : i32
    %dma_start3A_307 = tpu.memref_slice %arg3[%dma_start3A_304, %add3A, %dma_start3A_305, %dma_start3A_306] : memref<2x32x125x80xi32, #tpu.memory_space<hbm>> -> memref<1x1x1x80xi32, #tpu.memory_space<hbm>>
    %dma_start3A_308 = tpu.memref_squeeze %dma_start3A_307 : memref<1x1x1x80xi32, #tpu.memory_space<hbm>> -> memref<80xi32, #tpu.memory_space<hbm>>
    %dma_start3A_309 = arith.constant 0 : i32
    %dma_start3A_310 = tpu.memref_slice %arg3[%dma_start3A_304, %add3A, %dma_start3A_305, %dma_start3A_309] : memref<2x32x125x80xi32, #tpu.memory_space<hbm>> -> memref<1x1x1x80xi32, #tpu.memory_space<hbm>>
    %dma_start3A_311 = tpu.memref_squeeze %dma_start3A_310 : memref<1x1x1x80xi32, #tpu.memory_space<hbm>> -> memref<80xi32, #tpu.memory_space<hbm>>
    tpu.enqueue_dma source(%dma_start3A_311 : memref<80xi32, #tpu.memory_space<hbm>>) target(%arg14 : memref<80xi32, #tpu.memory_space<vmem>>) target_semaphore(%arg35 : memref<!tpu.dma_semaphore, #tpu.memory_space<semaphore_mem>>)
    %dma_wait3A_312 = arith.constant 0 : i32
    %dma_wait3A_313 = arith.constant 0 : i32
    %dma_wait3A_314 = tpu.memref_slice %arg26[%dma_wait3A_312, %dma_wait3A_313] : memref<10112x128xf32, #tpu.memory_space<vmem_shared>> -> memref<10112x128xf32, #tpu.memory_space<vmem_shared>>
    tpu.wait_indirect_dma semaphore(%arg49 : memref<!tpu.dma_semaphore, #tpu.memory_space<semaphore_mem>>) src(%arg22 : memref<80x128xf32, #tpu.memory_space<vmem>>) dst(%dma_wait3A_314 : memref<10112x128xf32, #tpu.memory_space<vmem_shared>>)
    %dma_wait3A_315 = arith.constant 0 : i32
    %dma_wait3A_316 = arith.constant 0 : i32
    %dma_wait3A_317 = arith.constant 0 : i32
    %dma_wait3A_318 = arith.constant 0 : i32
    %dma_wait3A_319 = tpu.memref_slice %arg3[%dma_wait3A_315, %dma_wait3A_316, %dma_wait3A_317, %dma_wait3A_318] : memref<2x32x125x80xi32, #tpu.memory_space<hbm>> -> memref<1x1x1x80xi32, #tpu.memory_space<hbm>>
    %dma_wait3A_320 = tpu.memref_squeeze %dma_wait3A_319 : memref<1x1x1x80xi32, #tpu.memory_space<hbm>> -> memref<80xi32, #tpu.memory_space<hbm>>
    %dma_wait3A_321 = arith.constant 0 : i32
    %dma_wait3A_322 = tpu.memref_slice %arg3[%dma_wait3A_315, %dma_wait3A_316, %dma_wait3A_317, %dma_wait3A_321] : memref<2x32x125x80xi32, #tpu.memory_space<hbm>> -> memref<1x1x1x80xi32, #tpu.memory_space<hbm>>
    %dma_wait3A_323 = tpu.memref_squeeze %dma_wait3A_322 : memref<1x1x1x80xi32, #tpu.memory_space<hbm>> -> memref<80xi32, #tpu.memory_space<hbm>>
    tpu.wait_dma2 semaphore(%arg33 : memref<!tpu.dma_semaphore, #tpu.memory_space<semaphore_mem>>) src(%dma_wait3A_323 : memref<80xi32, #tpu.memory_space<hbm>>) dst(%arg12 : memref<80xi32, #tpu.memory_space<vmem>>)
    %dma_wait3A_324 = arith.constant 1 : i32
    %dma_wait3A_325 = arith.constant 0 : i32
    %dma_wait3A_326 = arith.constant 0 : i32
    %dma_wait3A_327 = arith.constant 0 : i32
    %dma_wait3A_328 = tpu.memref_slice %arg3[%dma_wait3A_324, %dma_wait3A_325, %dma_wait3A_326, %dma_wait3A_327] : memref<2x32x125x80xi32, #tpu.memory_space<hbm>> -> memref<1x1x1x80xi32, #tpu.memory_space<hbm>>
    %dma_wait3A_329 = tpu.memref_squeeze %dma_wait3A_328 : memref<1x1x1x80xi32, #tpu.memory_space<hbm>> -> memref<80xi32, #tpu.memory_space<hbm>>
    %dma_wait3A_330 = arith.constant 0 : i32
    %dma_wait3A_331 = tpu.memref_slice %arg3[%dma_wait3A_324, %dma_wait3A_325, %dma_wait3A_326, %dma_wait3A_330] : memref<2x32x125x80xi32, #tpu.memory_space<hbm>> -> memref<1x1x1x80xi32, #tpu.memory_space<hbm>>
    %dma_wait3A_332 = tpu.memref_squeeze %dma_wait3A_331 : memref<1x1x1x80xi32, #tpu.memory_space<hbm>> -> memref<80xi32, #tpu.memory_space<hbm>>
    tpu.wait_dma2 semaphore(%arg41 : memref<!tpu.dma_semaphore, #tpu.memory_space<semaphore_mem>>) src(%dma_wait3A_332 : memref<80xi32, #tpu.memory_space<hbm>>) dst(%arg20 : memref<80xi32, #tpu.memory_space<vmem>>)
    %dma_start3A_333 = arith.constant 0 : i32
    %dma_start3A_334 = arith.constant 0 : i32
    %dma_start3A_335 = tpu.memref_slice %arg2[%dma_start3A_333, %dma_start3A_334] : memref<10000x128xf32, #tpu.memory_space<hbm>> -> memref<10000x128xf32, #tpu.memory_space<hbm>>
    tpu.enqueue_indirect_dma source(%dma_start3A_335 : memref<10000x128xf32, #tpu.memory_space<hbm>>) target(%arg24 : memref<80x128xf32, #tpu.memory_space<vmem>>) offsets(%arg12 : memref<80xi32, #tpu.memory_space<vmem>>) semaphore(%arg45 : memref<!tpu.dma_semaphore, #tpu.memory_space<semaphore_mem>>)
    %dma_wait3A_336 = arith.constant 0 : i32
    %dma_wait3A_337 = arith.constant 0 : i32
    %dma_wait3A_338 = tpu.memref_slice %arg2[%dma_wait3A_336, %dma_wait3A_337] : memref<10000x128xf32, #tpu.memory_space<hbm>> -> memref<10000x128xf32, #tpu.memory_space<hbm>>
    tpu.wait_indirect_dma semaphore(%arg44 : memref<!tpu.dma_semaphore, #tpu.memory_space<semaphore_mem>>) src(%dma_wait3A_338 : memref<10000x128xf32, #tpu.memory_space<hbm>>) dst(%arg23 : memref<80x128xf32, #tpu.memory_space<vmem>>)
    %dma_start3A_339 = arith.constant 0 : i32
    %dma_start3A_340 = arith.constant 0 : i32
    %dma_start3A_341 = tpu.memref_slice %arg26[%dma_start3A_339, %dma_start3A_340] : memref<10112x128xf32, #tpu.memory_space<vmem_shared>> -> memref<10112x128xf32, #tpu.memory_space<vmem_shared>>
    tpu.enqueue_indirect_dma source(%arg23 : memref<80x128xf32, #tpu.memory_space<vmem>>) target(%dma_start3A_341 : memref<10112x128xf32, #tpu.memory_space<vmem_shared>>) offsets(%arg19 : memref<80xi32, #tpu.memory_space<vmem>>) semaphore(%arg48 : memref<!tpu.dma_semaphore, #tpu.memory_space<semaphore_mem>>) {add = true}
    %dma_start3A_342 = arith.constant 0 : i32
    %dma_start3A_343 = arith.constant 121 : i32
    %dma_start3A_344 = arith.constant 0 : i32
    %dma_start3A_345 = tpu.memref_slice %arg3[%dma_start3A_342, %add3A, %dma_start3A_343, %dma_start3A_344] : memref<2x32x125x80xi32, #tpu.memory_space<hbm>> -> memref<1x1x1x80xi32, #tpu.memory_space<hbm>>
    %dma_start3A_346 = tpu.memref_squeeze %dma_start3A_345 : memref<1x1x1x80xi32, #tpu.memory_space<hbm>> -> memref<80xi32, #tpu.memory_space<hbm>>
    %dma_start3A_347 = arith.constant 0 : i32
    %dma_start3A_348 = tpu.memref_slice %arg3[%dma_start3A_342, %add3A, %dma_start3A_343, %dma_start3A_347] : memref<2x32x125x80xi32, #tpu.memory_space<hbm>> -> memref<1x1x1x80xi32, #tpu.memory_space<hbm>>
    %dma_start3A_349 = tpu.memref_squeeze %dma_start3A_348 : memref<1x1x1x80xi32, #tpu.memory_space<hbm>> -> memref<80xi32, #tpu.memory_space<hbm>>
    tpu.enqueue_dma source(%dma_start3A_349 : memref<80xi32, #tpu.memory_space<hbm>>) target(%arg7 : memref<80xi32, #tpu.memory_space<vmem>>) target_semaphore(%arg28 : memref<!tpu.dma_semaphore, #tpu.memory_space<semaphore_mem>>)
    %dma_start3A_350 = arith.constant 1 : i32
    %dma_start3A_351 = arith.constant 121 : i32
    %dma_start3A_352 = arith.constant 0 : i32
    %dma_start3A_353 = tpu.memref_slice %arg3[%dma_start3A_350, %add3A, %dma_start3A_351, %dma_start3A_352] : memref<2x32x125x80xi32, #tpu.memory_space<hbm>> -> memref<1x1x1x80xi32, #tpu.memory_space<hbm>>
    %dma_start3A_354 = tpu.memref_squeeze %dma_start3A_353 : memref<1x1x1x80xi32, #tpu.memory_space<hbm>> -> memref<80xi32, #tpu.memory_space<hbm>>
    %dma_start3A_355 = arith.constant 0 : i32
    %dma_start3A_356 = tpu.memref_slice %arg3[%dma_start3A_350, %add3A, %dma_start3A_351, %dma_start3A_355] : memref<2x32x125x80xi32, #tpu.memory_space<hbm>> -> memref<1x1x1x80xi32, #tpu.memory_space<hbm>>
    %dma_start3A_357 = tpu.memref_squeeze %dma_start3A_356 : memref<1x1x1x80xi32, #tpu.memory_space<hbm>> -> memref<80xi32, #tpu.memory_space<hbm>>
    tpu.enqueue_dma source(%dma_start3A_357 : memref<80xi32, #tpu.memory_space<hbm>>) target(%arg15 : memref<80xi32, #tpu.memory_space<vmem>>) target_semaphore(%arg36 : memref<!tpu.dma_semaphore, #tpu.memory_space<semaphore_mem>>)
    %dma_wait3A_358 = arith.constant 0 : i32
    %dma_wait3A_359 = arith.constant 0 : i32
    %dma_wait3A_360 = tpu.memref_slice %arg26[%dma_wait3A_358, %dma_wait3A_359] : memref<10112x128xf32, #tpu.memory_space<vmem_shared>> -> memref<10112x128xf32, #tpu.memory_space<vmem_shared>>
    tpu.wait_indirect_dma semaphore(%arg50 : memref<!tpu.dma_semaphore, #tpu.memory_space<semaphore_mem>>) src(%arg22 : memref<80x128xf32, #tpu.memory_space<vmem>>) dst(%dma_wait3A_360 : memref<10112x128xf32, #tpu.memory_space<vmem_shared>>)
    %dma_wait3A_361 = arith.constant 0 : i32
    %dma_wait3A_362 = arith.constant 0 : i32
    %dma_wait3A_363 = arith.constant 0 : i32
    %dma_wait3A_364 = arith.constant 0 : i32
    %dma_wait3A_365 = tpu.memref_slice %arg3[%dma_wait3A_361, %dma_wait3A_362, %dma_wait3A_363, %dma_wait3A_364] : memref<2x32x125x80xi32, #tpu.memory_space<hbm>> -> memref<1x1x1x80xi32, #tpu.memory_space<hbm>>
    %dma_wait3A_366 = tpu.memref_squeeze %dma_wait3A_365 : memref<1x1x1x80xi32, #tpu.memory_space<hbm>> -> memref<80xi32, #tpu.memory_space<hbm>>
    %dma_wait3A_367 = arith.constant 0 : i32
    %dma_wait3A_368 = tpu.memref_slice %arg3[%dma_wait3A_361, %dma_wait3A_362, %dma_wait3A_363, %dma_wait3A_367] : memref<2x32x125x80xi32, #tpu.memory_space<hbm>> -> memref<1x1x1x80xi32, #tpu.memory_space<hbm>>
    %dma_wait3A_369 = tpu.memref_squeeze %dma_wait3A_368 : memref<1x1x1x80xi32, #tpu.memory_space<hbm>> -> memref<80xi32, #tpu.memory_space<hbm>>
    tpu.wait_dma2 semaphore(%arg34 : memref<!tpu.dma_semaphore, #tpu.memory_space<semaphore_mem>>) src(%dma_wait3A_369 : memref<80xi32, #tpu.memory_space<hbm>>) dst(%arg13 : memref<80xi32, #tpu.memory_space<vmem>>)
    %dma_wait3A_370 = arith.constant 1 : i32
    %dma_wait3A_371 = arith.constant 0 : i32
    %dma_wait3A_372 = arith.constant 0 : i32
    %dma_wait3A_373 = arith.constant 0 : i32
    %dma_wait3A_374 = tpu.memref_slice %arg3[%dma_wait3A_370, %dma_wait3A_371, %dma_wait3A_372, %dma_wait3A_373] : memref<2x32x125x80xi32, #tpu.memory_space<hbm>> -> memref<1x1x1x80xi32, #tpu.memory_space<hbm>>
    %dma_wait3A_375 = tpu.memref_squeeze %dma_wait3A_374 : memref<1x1x1x80xi32, #tpu.memory_space<hbm>> -> memref<80xi32, #tpu.memory_space<hbm>>
    %dma_wait3A_376 = arith.constant 0 : i32
    %dma_wait3A_377 = tpu.memref_slice %arg3[%dma_wait3A_370, %dma_wait3A_371, %dma_wait3A_372, %dma_wait3A_376] : memref<2x32x125x80xi32, #tpu.memory_space<hbm>> -> memref<1x1x1x80xi32, #tpu.memory_space<hbm>>
    %dma_wait3A_378 = tpu.memref_squeeze %dma_wait3A_377 : memref<1x1x1x80xi32, #tpu.memory_space<hbm>> -> memref<80xi32, #tpu.memory_space<hbm>>
    tpu.wait_dma2 semaphore(%arg42 : memref<!tpu.dma_semaphore, #tpu.memory_space<semaphore_mem>>) src(%dma_wait3A_378 : memref<80xi32, #tpu.memory_space<hbm>>) dst(%arg21 : memref<80xi32, #tpu.memory_space<vmem>>)
    %dma_start3A_379 = arith.constant 0 : i32
    %dma_start3A_380 = arith.constant 0 : i32
    %dma_start3A_381 = tpu.memref_slice %arg2[%dma_start3A_379, %dma_start3A_380] : memref<10000x128xf32, #tpu.memory_space<hbm>> -> memref<10000x128xf32, #tpu.memory_space<hbm>>
    tpu.enqueue_indirect_dma source(%dma_start3A_381 : memref<10000x128xf32, #tpu.memory_space<hbm>>) target(%arg25 : memref<80x128xf32, #tpu.memory_space<vmem>>) offsets(%arg13 : memref<80xi32, #tpu.memory_space<vmem>>) semaphore(%arg46 : memref<!tpu.dma_semaphore, #tpu.memory_space<semaphore_mem>>)
    %dma_wait3A_382 = arith.constant 0 : i32
    %dma_wait3A_383 = arith.constant 0 : i32
    %dma_wait3A_384 = tpu.memref_slice %arg2[%dma_wait3A_382, %dma_wait3A_383] : memref<10000x128xf32, #tpu.memory_space<hbm>> -> memref<10000x128xf32, #tpu.memory_space<hbm>>
    tpu.wait_indirect_dma semaphore(%arg45 : memref<!tpu.dma_semaphore, #tpu.memory_space<semaphore_mem>>) src(%dma_wait3A_384 : memref<10000x128xf32, #tpu.memory_space<hbm>>) dst(%arg24 : memref<80x128xf32, #tpu.memory_space<vmem>>)
    %dma_start3A_385 = arith.constant 0 : i32
    %dma_start3A_386 = arith.constant 0 : i32
    %dma_start3A_387 = tpu.memref_slice %arg26[%dma_start3A_385, %dma_start3A_386] : memref<10112x128xf32, #tpu.memory_space<vmem_shared>> -> memref<10112x128xf32, #tpu.memory_space<vmem_shared>>
    tpu.enqueue_indirect_dma source(%arg24 : memref<80x128xf32, #tpu.memory_space<vmem>>) target(%dma_start3A_387 : memref<10112x128xf32, #tpu.memory_space<vmem_shared>>) offsets(%arg20 : memref<80xi32, #tpu.memory_space<vmem>>) semaphore(%arg49 : memref<!tpu.dma_semaphore, #tpu.memory_space<semaphore_mem>>) {add = true}
    %dma_start3A_388 = arith.constant 0 : i32
    %dma_start3A_389 = arith.constant 122 : i32
    %dma_start3A_390 = arith.constant 0 : i32
    %dma_start3A_391 = tpu.memref_slice %arg3[%dma_start3A_388, %add3A, %dma_start3A_389, %dma_start3A_390] : memref<2x32x125x80xi32, #tpu.memory_space<hbm>> -> memref<1x1x1x80xi32, #tpu.memory_space<hbm>>
    %dma_start3A_392 = tpu.memref_squeeze %dma_start3A_391 : memref<1x1x1x80xi32, #tpu.memory_space<hbm>> -> memref<80xi32, #tpu.memory_space<hbm>>
    %dma_start3A_393 = arith.constant 0 : i32
    %dma_start3A_394 = tpu.memref_slice %arg3[%dma_start3A_388, %add3A, %dma_start3A_389, %dma_start3A_393] : memref<2x32x125x80xi32, #tpu.memory_space<hbm>> -> memref<1x1x1x80xi32, #tpu.memory_space<hbm>>
    %dma_start3A_395 = tpu.memref_squeeze %dma_start3A_394 : memref<1x1x1x80xi32, #tpu.memory_space<hbm>> -> memref<80xi32, #tpu.memory_space<hbm>>
    tpu.enqueue_dma source(%dma_start3A_395 : memref<80xi32, #tpu.memory_space<hbm>>) target(%arg8 : memref<80xi32, #tpu.memory_space<vmem>>) target_semaphore(%arg29 : memref<!tpu.dma_semaphore, #tpu.memory_space<semaphore_mem>>)
    %dma_start3A_396 = arith.constant 1 : i32
    %dma_start3A_397 = arith.constant 122 : i32
    %dma_start3A_398 = arith.constant 0 : i32
    %dma_start3A_399 = tpu.memref_slice %arg3[%dma_start3A_396, %add3A, %dma_start3A_397, %dma_start3A_398] : memref<2x32x125x80xi32, #tpu.memory_space<hbm>> -> memref<1x1x1x80xi32, #tpu.memory_space<hbm>>
    %dma_start3A_400 = tpu.memref_squeeze %dma_start3A_399 : memref<1x1x1x80xi32, #tpu.memory_space<hbm>> -> memref<80xi32, #tpu.memory_space<hbm>>
    %dma_start3A_401 = arith.constant 0 : i32
    %dma_start3A_402 = tpu.memref_slice %arg3[%dma_start3A_396, %add3A, %dma_start3A_397, %dma_start3A_401] : memref<2x32x125x80xi32, #tpu.memory_space<hbm>> -> memref<1x1x1x80xi32, #tpu.memory_space<hbm>>
    %dma_start3A_403 = tpu.memref_squeeze %dma_start3A_402 : memref<1x1x1x80xi32, #tpu.memory_space<hbm>> -> memref<80xi32, #tpu.memory_space<hbm>>
    tpu.enqueue_dma source(%dma_start3A_403 : memref<80xi32, #tpu.memory_space<hbm>>) target(%arg16 : memref<80xi32, #tpu.memory_space<vmem>>) target_semaphore(%arg37 : memref<!tpu.dma_semaphore, #tpu.memory_space<semaphore_mem>>)
    %dma_wait3A_404 = arith.constant 0 : i32
    %dma_wait3A_405 = arith.constant 0 : i32
    %dma_wait3A_406 = tpu.memref_slice %arg26[%dma_wait3A_404, %dma_wait3A_405] : memref<10112x128xf32, #tpu.memory_space<vmem_shared>> -> memref<10112x128xf32, #tpu.memory_space<vmem_shared>>
    tpu.wait_indirect_dma semaphore(%arg47 : memref<!tpu.dma_semaphore, #tpu.memory_space<semaphore_mem>>) src(%arg22 : memref<80x128xf32, #tpu.memory_space<vmem>>) dst(%dma_wait3A_406 : memref<10112x128xf32, #tpu.memory_space<vmem_shared>>)
    %dma_wait3A_407 = arith.constant 0 : i32
    %dma_wait3A_408 = arith.constant 0 : i32
    %dma_wait3A_409 = arith.constant 0 : i32
    %dma_wait3A_410 = arith.constant 0 : i32
    %dma_wait3A_411 = tpu.memref_slice %arg3[%dma_wait3A_407, %dma_wait3A_408, %dma_wait3A_409, %dma_wait3A_410] : memref<2x32x125x80xi32, #tpu.memory_space<hbm>> -> memref<1x1x1x80xi32, #tpu.memory_space<hbm>>
    %dma_wait3A_412 = tpu.memref_squeeze %dma_wait3A_411 : memref<1x1x1x80xi32, #tpu.memory_space<hbm>> -> memref<80xi32, #tpu.memory_space<hbm>>
    %dma_wait3A_413 = arith.constant 0 : i32
    %dma_wait3A_414 = tpu.memref_slice %arg3[%dma_wait3A_407, %dma_wait3A_408, %dma_wait3A_409, %dma_wait3A_413] : memref<2x32x125x80xi32, #tpu.memory_space<hbm>> -> memref<1x1x1x80xi32, #tpu.memory_space<hbm>>
    %dma_wait3A_415 = tpu.memref_squeeze %dma_wait3A_414 : memref<1x1x1x80xi32, #tpu.memory_space<hbm>> -> memref<80xi32, #tpu.memory_space<hbm>>
    tpu.wait_dma2 semaphore(%arg27 : memref<!tpu.dma_semaphore, #tpu.memory_space<semaphore_mem>>) src(%dma_wait3A_415 : memref<80xi32, #tpu.memory_space<hbm>>) dst(%arg6 : memref<80xi32, #tpu.memory_space<vmem>>)
    %dma_wait3A_416 = arith.constant 1 : i32
    %dma_wait3A_417 = arith.constant 0 : i32
    %dma_wait3A_418 = arith.constant 0 : i32
    %dma_wait3A_419 = arith.constant 0 : i32
    %dma_wait3A_420 = tpu.memref_slice %arg3[%dma_wait3A_416, %dma_wait3A_417, %dma_wait3A_418, %dma_wait3A_419] : memref<2x32x125x80xi32, #tpu.memory_space<hbm>> -> memref<1x1x1x80xi32, #tpu.memory_space<hbm>>
    %dma_wait3A_421 = tpu.memref_squeeze %dma_wait3A_420 : memref<1x1x1x80xi32, #tpu.memory_space<hbm>> -> memref<80xi32, #tpu.memory_space<hbm>>
    %dma_wait3A_422 = arith.constant 0 : i32
    %dma_wait3A_423 = tpu.memref_slice %arg3[%dma_wait3A_416, %dma_wait3A_417, %dma_wait3A_418, %dma_wait3A_422] : memref<2x32x125x80xi32, #tpu.memory_space<hbm>> -> memref<1x1x1x80xi32, #tpu.memory_space<hbm>>
    %dma_wait3A_424 = tpu.memref_squeeze %dma_wait3A_423 : memref<1x1x1x80xi32, #tpu.memory_space<hbm>> -> memref<80xi32, #tpu.memory_space<hbm>>
    tpu.wait_dma2 semaphore(%arg35 : memref<!tpu.dma_semaphore, #tpu.memory_space<semaphore_mem>>) src(%dma_wait3A_424 : memref<80xi32, #tpu.memory_space<hbm>>) dst(%arg14 : memref<80xi32, #tpu.memory_space<vmem>>)
    %dma_start3A_425 = arith.constant 0 : i32
    %dma_start3A_426 = arith.constant 0 : i32
    %dma_start3A_427 = tpu.memref_slice %arg2[%dma_start3A_425, %dma_start3A_426] : memref<10000x128xf32, #tpu.memory_space<hbm>> -> memref<10000x128xf32, #tpu.memory_space<hbm>>
    tpu.enqueue_indirect_dma source(%dma_start3A_427 : memref<10000x128xf32, #tpu.memory_space<hbm>>) target(%arg22 : memref<80x128xf32, #tpu.memory_space<vmem>>) offsets(%arg6 : memref<80xi32, #tpu.memory_space<vmem>>) semaphore(%arg43 : memref<!tpu.dma_semaphore, #tpu.memory_space<semaphore_mem>>)
    %dma_wait3A_428 = arith.constant 0 : i32
    %dma_wait3A_429 = arith.constant 0 : i32
    %dma_wait3A_430 = tpu.memref_slice %arg2[%dma_wait3A_428, %dma_wait3A_429] : memref<10000x128xf32, #tpu.memory_space<hbm>> -> memref<10000x128xf32, #tpu.memory_space<hbm>>
    tpu.wait_indirect_dma semaphore(%arg46 : memref<!tpu.dma_semaphore, #tpu.memory_space<semaphore_mem>>) src(%dma_wait3A_430 : memref<10000x128xf32, #tpu.memory_space<hbm>>) dst(%arg25 : memref<80x128xf32, #tpu.memory_space<vmem>>)
    %dma_start3A_431 = arith.constant 0 : i32
    %dma_start3A_432 = arith.constant 0 : i32
    %dma_start3A_433 = tpu.memref_slice %arg26[%dma_start3A_431, %dma_start3A_432] : memref<10112x128xf32, #tpu.memory_space<vmem_shared>> -> memref<10112x128xf32, #tpu.memory_space<vmem_shared>>
    tpu.enqueue_indirect_dma source(%arg25 : memref<80x128xf32, #tpu.memory_space<vmem>>) target(%dma_start3A_433 : memref<10112x128xf32, #tpu.memory_space<vmem_shared>>) offsets(%arg21 : memref<80xi32, #tpu.memory_space<vmem>>) semaphore(%arg50 : memref<!tpu.dma_semaphore, #tpu.memory_space<semaphore_mem>>) {add = true}
    %dma_start3A_434 = arith.constant 0 : i32
    %dma_start3A_435 = arith.constant 123 : i32
    %dma_start3A_436 = arith.constant 0 : i32
    %dma_start3A_437 = tpu.memref_slice %arg3[%dma_start3A_434, %add3A, %dma_start3A_435, %dma_start3A_436] : memref<2x32x125x80xi32, #tpu.memory_space<hbm>> -> memref<1x1x1x80xi32, #tpu.memory_space<hbm>>
    %dma_start3A_438 = tpu.memref_squeeze %dma_start3A_437 : memref<1x1x1x80xi32, #tpu.memory_space<hbm>> -> memref<80xi32, #tpu.memory_space<hbm>>
    %dma_start3A_439 = arith.constant 0 : i32
    %dma_start3A_440 = tpu.memref_slice %arg3[%dma_start3A_434, %add3A, %dma_start3A_435, %dma_start3A_439] : memref<2x32x125x80xi32, #tpu.memory_space<hbm>> -> memref<1x1x1x80xi32, #tpu.memory_space<hbm>>
    %dma_start3A_441 = tpu.memref_squeeze %dma_start3A_440 : memref<1x1x1x80xi32, #tpu.memory_space<hbm>> -> memref<80xi32, #tpu.memory_space<hbm>>
    tpu.enqueue_dma source(%dma_start3A_441 : memref<80xi32, #tpu.memory_space<hbm>>) target(%arg9 : memref<80xi32, #tpu.memory_space<vmem>>) target_semaphore(%arg30 : memref<!tpu.dma_semaphore, #tpu.memory_space<semaphore_mem>>)
    %dma_start3A_442 = arith.constant 1 : i32
    %dma_start3A_443 = arith.constant 123 : i32
    %dma_start3A_444 = arith.constant 0 : i32
    %dma_start3A_445 = tpu.memref_slice %arg3[%dma_start3A_442, %add3A, %dma_start3A_443, %dma_start3A_444] : memref<2x32x125x80xi32, #tpu.memory_space<hbm>> -> memref<1x1x1x80xi32, #tpu.memory_space<hbm>>
    %dma_start3A_446 = tpu.memref_squeeze %dma_start3A_445 : memref<1x1x1x80xi32, #tpu.memory_space<hbm>> -> memref<80xi32, #tpu.memory_space<hbm>>
    %dma_start3A_447 = arith.constant 0 : i32
    %dma_start3A_448 = tpu.memref_slice %arg3[%dma_start3A_442, %add3A, %dma_start3A_443, %dma_start3A_447] : memref<2x32x125x80xi32, #tpu.memory_space<hbm>> -> memref<1x1x1x80xi32, #tpu.memory_space<hbm>>
    %dma_start3A_449 = tpu.memref_squeeze %dma_start3A_448 : memref<1x1x1x80xi32, #tpu.memory_space<hbm>> -> memref<80xi32, #tpu.memory_space<hbm>>
    tpu.enqueue_dma source(%dma_start3A_449 : memref<80xi32, #tpu.memory_space<hbm>>) target(%arg17 : memref<80xi32, #tpu.memory_space<vmem>>) target_semaphore(%arg38 : memref<!tpu.dma_semaphore, #tpu.memory_space<semaphore_mem>>)
    %dma_wait3A_450 = arith.constant 0 : i32
    %dma_wait3A_451 = arith.constant 0 : i32
    %dma_wait3A_452 = tpu.memref_slice %arg26[%dma_wait3A_450, %dma_wait3A_451] : memref<10112x128xf32, #tpu.memory_space<vmem_shared>> -> memref<10112x128xf32, #tpu.memory_space<vmem_shared>>
    tpu.wait_indirect_dma semaphore(%arg48 : memref<!tpu.dma_semaphore, #tpu.memory_space<semaphore_mem>>) src(%arg22 : memref<80x128xf32, #tpu.memory_space<vmem>>) dst(%dma_wait3A_452 : memref<10112x128xf32, #tpu.memory_space<vmem_shared>>)
    %dma_wait3A_453 = arith.constant 0 : i32
    %dma_wait3A_454 = arith.constant 0 : i32
    %dma_wait3A_455 = arith.constant 0 : i32
    %dma_wait3A_456 = arith.constant 0 : i32
    %dma_wait3A_457 = tpu.memref_slice %arg3[%dma_wait3A_453, %dma_wait3A_454, %dma_wait3A_455, %dma_wait3A_456] : memref<2x32x125x80xi32, #tpu.memory_space<hbm>> -> memref<1x1x1x80xi32, #tpu.memory_space<hbm>>
    %dma_wait3A_458 = tpu.memref_squeeze %dma_wait3A_457 : memref<1x1x1x80xi32, #tpu.memory_space<hbm>> -> memref<80xi32, #tpu.memory_space<hbm>>
    %dma_wait3A_459 = arith.constant 0 : i32
    %dma_wait3A_460 = tpu.memref_slice %arg3[%dma_wait3A_453, %dma_wait3A_454, %dma_wait3A_455, %dma_wait3A_459] : memref<2x32x125x80xi32, #tpu.memory_space<hbm>> -> memref<1x1x1x80xi32, #tpu.memory_space<hbm>>
    %dma_wait3A_461 = tpu.memref_squeeze %dma_wait3A_460 : memref<1x1x1x80xi32, #tpu.memory_space<hbm>> -> memref<80xi32, #tpu.memory_space<hbm>>
    tpu.wait_dma2 semaphore(%arg28 : memref<!tpu.dma_semaphore, #tpu.memory_space<semaphore_mem>>) src(%dma_wait3A_461 : memref<80xi32, #tpu.memory_space<hbm>>) dst(%arg7 : memref<80xi32, #tpu.memory_space<vmem>>)
    %dma_wait3A_462 = arith.constant 1 : i32
    %dma_wait3A_463 = arith.constant 0 : i32
    %dma_wait3A_464 = arith.constant 0 : i32
    %dma_wait3A_465 = arith.constant 0 : i32
    %dma_wait3A_466 = tpu.memref_slice %arg3[%dma_wait3A_462, %dma_wait3A_463, %dma_wait3A_464, %dma_wait3A_465] : memref<2x32x125x80xi32, #tpu.memory_space<hbm>> -> memref<1x1x1x80xi32, #tpu.memory_space<hbm>>
    %dma_wait3A_467 = tpu.memref_squeeze %dma_wait3A_466 : memref<1x1x1x80xi32, #tpu.memory_space<hbm>> -> memref<80xi32, #tpu.memory_space<hbm>>
    %dma_wait3A_468 = arith.constant 0 : i32
    %dma_wait3A_469 = tpu.memref_slice %arg3[%dma_wait3A_462, %dma_wait3A_463, %dma_wait3A_464, %dma_wait3A_468] : memref<2x32x125x80xi32, #tpu.memory_space<hbm>> -> memref<1x1x1x80xi32, #tpu.memory_space<hbm>>
    %dma_wait3A_470 = tpu.memref_squeeze %dma_wait3A_469 : memref<1x1x1x80xi32, #tpu.memory_space<hbm>> -> memref<80xi32, #tpu.memory_space<hbm>>
    tpu.wait_dma2 semaphore(%arg36 : memref<!tpu.dma_semaphore, #tpu.memory_space<semaphore_mem>>) src(%dma_wait3A_470 : memref<80xi32, #tpu.memory_space<hbm>>) dst(%arg15 : memref<80xi32, #tpu.memory_space<vmem>>)
    %dma_start3A_471 = arith.constant 0 : i32
    %dma_start3A_472 = arith.constant 0 : i32
    %dma_start3A_473 = tpu.memref_slice %arg2[%dma_start3A_471, %dma_start3A_472] : memref<10000x128xf32, #tpu.memory_space<hbm>> -> memref<10000x128xf32, #tpu.memory_space<hbm>>
    tpu.enqueue_indirect_dma source(%dma_start3A_473 : memref<10000x128xf32, #tpu.memory_space<hbm>>) target(%arg23 : memref<80x128xf32, #tpu.memory_space<vmem>>) offsets(%arg7 : memref<80xi32, #tpu.memory_space<vmem>>) semaphore(%arg44 : memref<!tpu.dma_semaphore, #tpu.memory_space<semaphore_mem>>)
    %dma_wait3A_474 = arith.constant 0 : i32
    %dma_wait3A_475 = arith.constant 0 : i32
    %dma_wait3A_476 = tpu.memref_slice %arg2[%dma_wait3A_474, %dma_wait3A_475] : memref<10000x128xf32, #tpu.memory_space<hbm>> -> memref<10000x128xf32, #tpu.memory_space<hbm>>
    tpu.wait_indirect_dma semaphore(%arg43 : memref<!tpu.dma_semaphore, #tpu.memory_space<semaphore_mem>>) src(%dma_wait3A_476 : memref<10000x128xf32, #tpu.memory_space<hbm>>) dst(%arg22 : memref<80x128xf32, #tpu.memory_space<vmem>>)
    %dma_start3A_477 = arith.constant 0 : i32
    %dma_start3A_478 = arith.constant 0 : i32
    %dma_start3A_479 = tpu.memref_slice %arg26[%dma_start3A_477, %dma_start3A_478] : memref<10112x128xf32, #tpu.memory_space<vmem_shared>> -> memref<10112x128xf32, #tpu.memory_space<vmem_shared>>
    tpu.enqueue_indirect_dma source(%arg22 : memref<80x128xf32, #tpu.memory_space<vmem>>) target(%dma_start3A_479 : memref<10112x128xf32, #tpu.memory_space<vmem_shared>>) offsets(%arg14 : memref<80xi32, #tpu.memory_space<vmem>>) semaphore(%arg47 : memref<!tpu.dma_semaphore, #tpu.memory_space<semaphore_mem>>) {add = true}
    %dma_start3A_480 = arith.constant 0 : i32
    %dma_start3A_481 = arith.constant 124 : i32
    %dma_start3A_482 = arith.constant 0 : i32
    %dma_start3A_483 = tpu.memref_slice %arg3[%dma_start3A_480, %add3A, %dma_start3A_481, %dma_start3A_482] : memref<2x32x125x80xi32, #tpu.memory_space<hbm>> -> memref<1x1x1x80xi32, #tpu.memory_space<hbm>>
    %dma_start3A_484 = tpu.memref_squeeze %dma_start3A_483 : memref<1x1x1x80xi32, #tpu.memory_space<hbm>> -> memref<80xi32, #tpu.memory_space<hbm>>
    %dma_start3A_485 = arith.constant 0 : i32
    %dma_start3A_486 = tpu.memref_slice %arg3[%dma_start3A_480, %add3A, %dma_start3A_481, %dma_start3A_485] : memref<2x32x125x80xi32, #tpu.memory_space<hbm>> -> memref<1x1x1x80xi32, #tpu.memory_space<hbm>>
    %dma_start3A_487 = tpu.memref_squeeze %dma_start3A_486 : memref<1x1x1x80xi32, #tpu.memory_space<hbm>> -> memref<80xi32, #tpu.memory_space<hbm>>
    tpu.enqueue_dma source(%dma_start3A_487 : memref<80xi32, #tpu.memory_space<hbm>>) target(%arg10 : memref<80xi32, #tpu.memory_space<vmem>>) target_semaphore(%arg31 : memref<!tpu.dma_semaphore, #tpu.memory_space<semaphore_mem>>)
    %dma_start3A_488 = arith.constant 1 : i32
    %dma_start3A_489 = arith.constant 124 : i32
    %dma_start3A_490 = arith.constant 0 : i32
    %dma_start3A_491 = tpu.memref_slice %arg3[%dma_start3A_488, %add3A, %dma_start3A_489, %dma_start3A_490] : memref<2x32x125x80xi32, #tpu.memory_space<hbm>> -> memref<1x1x1x80xi32, #tpu.memory_space<hbm>>
    %dma_start3A_492 = tpu.memref_squeeze %dma_start3A_491 : memref<1x1x1x80xi32, #tpu.memory_space<hbm>> -> memref<80xi32, #tpu.memory_space<hbm>>
    %dma_start3A_493 = arith.constant 0 : i32
    %dma_start3A_494 = tpu.memref_slice %arg3[%dma_start3A_488, %add3A, %dma_start3A_489, %dma_start3A_493] : memref<2x32x125x80xi32, #tpu.memory_space<hbm>> -> memref<1x1x1x80xi32, #tpu.memory_space<hbm>>
    %dma_start3A_495 = tpu.memref_squeeze %dma_start3A_494 : memref<1x1x1x80xi32, #tpu.memory_space<hbm>> -> memref<80xi32, #tpu.memory_space<hbm>>
    tpu.enqueue_dma source(%dma_start3A_495 : memref<80xi32, #tpu.memory_space<hbm>>) target(%arg18 : memref<80xi32, #tpu.memory_space<vmem>>) target_semaphore(%arg39 : memref<!tpu.dma_semaphore, #tpu.memory_space<semaphore_mem>>)
    %dma_wait3A_496 = arith.constant 0 : i32
    %dma_wait3A_497 = arith.constant 0 : i32
    %dma_wait3A_498 = tpu.memref_slice %arg26[%dma_wait3A_496, %dma_wait3A_497] : memref<10112x128xf32, #tpu.memory_space<vmem_shared>> -> memref<10112x128xf32, #tpu.memory_space<vmem_shared>>
    tpu.wait_indirect_dma semaphore(%arg49 : memref<!tpu.dma_semaphore, #tpu.memory_space<semaphore_mem>>) src(%arg22 : memref<80x128xf32, #tpu.memory_space<vmem>>) dst(%dma_wait3A_498 : memref<10112x128xf32, #tpu.memory_space<vmem_shared>>)
    %dma_wait3A_499 = arith.constant 0 : i32
    %dma_wait3A_500 = arith.constant 0 : i32
    %dma_wait3A_501 = arith.constant 0 : i32
    %dma_wait3A_502 = arith.constant 0 : i32
    %dma_wait3A_503 = tpu.memref_slice %arg3[%dma_wait3A_499, %dma_wait3A_500, %dma_wait3A_501, %dma_wait3A_502] : memref<2x32x125x80xi32, #tpu.memory_space<hbm>> -> memref<1x1x1x80xi32, #tpu.memory_space<hbm>>
    %dma_wait3A_504 = tpu.memref_squeeze %dma_wait3A_503 : memref<1x1x1x80xi32, #tpu.memory_space<hbm>> -> memref<80xi32, #tpu.memory_space<hbm>>
    %dma_wait3A_505 = arith.constant 0 : i32
    %dma_wait3A_506 = tpu.memref_slice %arg3[%dma_wait3A_499, %dma_wait3A_500, %dma_wait3A_501, %dma_wait3A_505] : memref<2x32x125x80xi32, #tpu.memory_space<hbm>> -> memref<1x1x1x80xi32, #tpu.memory_space<hbm>>
    %dma_wait3A_507 = tpu.memref_squeeze %dma_wait3A_506 : memref<1x1x1x80xi32, #tpu.memory_space<hbm>> -> memref<80xi32, #tpu.memory_space<hbm>>
    tpu.wait_dma2 semaphore(%arg29 : memref<!tpu.dma_semaphore, #tpu.memory_space<semaphore_mem>>) src(%dma_wait3A_507 : memref<80xi32, #tpu.memory_space<hbm>>) dst(%arg8 : memref<80xi32, #tpu.memory_space<vmem>>)
    %dma_wait3A_508 = arith.constant 1 : i32
    %dma_wait3A_509 = arith.constant 0 : i32
    %dma_wait3A_510 = arith.constant 0 : i32
    %dma_wait3A_511 = arith.constant 0 : i32
    %dma_wait3A_512 = tpu.memref_slice %arg3[%dma_wait3A_508, %dma_wait3A_509, %dma_wait3A_510, %dma_wait3A_511] : memref<2x32x125x80xi32, #tpu.memory_space<hbm>> -> memref<1x1x1x80xi32, #tpu.memory_space<hbm>>
    %dma_wait3A_513 = tpu.memref_squeeze %dma_wait3A_512 : memref<1x1x1x80xi32, #tpu.memory_space<hbm>> -> memref<80xi32, #tpu.memory_space<hbm>>
    %dma_wait3A_514 = arith.constant 0 : i32
    %dma_wait3A_515 = tpu.memref_slice %arg3[%dma_wait3A_508, %dma_wait3A_509, %dma_wait3A_510, %dma_wait3A_514] : memref<2x32x125x80xi32, #tpu.memory_space<hbm>> -> memref<1x1x1x80xi32, #tpu.memory_space<hbm>>
    %dma_wait3A_516 = tpu.memref_squeeze %dma_wait3A_515 : memref<1x1x1x80xi32, #tpu.memory_space<hbm>> -> memref<80xi32, #tpu.memory_space<hbm>>
    tpu.wait_dma2 semaphore(%arg37 : memref<!tpu.dma_semaphore, #tpu.memory_space<semaphore_mem>>) src(%dma_wait3A_516 : memref<80xi32, #tpu.memory_space<hbm>>) dst(%arg16 : memref<80xi32, #tpu.memory_space<vmem>>)
    %dma_start3A_517 = arith.constant 0 : i32
    %dma_start3A_518 = arith.constant 0 : i32
    %dma_start3A_519 = tpu.memref_slice %arg2[%dma_start3A_517, %dma_start3A_518] : memref<10000x128xf32, #tpu.memory_space<hbm>> -> memref<10000x128xf32, #tpu.memory_space<hbm>>
    tpu.enqueue_indirect_dma source(%dma_start3A_519 : memref<10000x128xf32, #tpu.memory_space<hbm>>) target(%arg24 : memref<80x128xf32, #tpu.memory_space<vmem>>) offsets(%arg8 : memref<80xi32, #tpu.memory_space<vmem>>) semaphore(%arg45 : memref<!tpu.dma_semaphore, #tpu.memory_space<semaphore_mem>>)
    %dma_wait3A_520 = arith.constant 0 : i32
    %dma_wait3A_521 = arith.constant 0 : i32
    %dma_wait3A_522 = tpu.memref_slice %arg2[%dma_wait3A_520, %dma_wait3A_521] : memref<10000x128xf32, #tpu.memory_space<hbm>> -> memref<10000x128xf32, #tpu.memory_space<hbm>>
    tpu.wait_indirect_dma semaphore(%arg44 : memref<!tpu.dma_semaphore, #tpu.memory_space<semaphore_mem>>) src(%dma_wait3A_522 : memref<10000x128xf32, #tpu.memory_space<hbm>>) dst(%arg23 : memref<80x128xf32, #tpu.memory_space<vmem>>)
    %dma_start3A_523 = arith.constant 0 : i32
    %dma_start3A_524 = arith.constant 0 : i32
    %dma_start3A_525 = tpu.memref_slice %arg26[%dma_start3A_523, %dma_start3A_524] : memref<10112x128xf32, #tpu.memory_space<vmem_shared>> -> memref<10112x128xf32, #tpu.memory_space<vmem_shared>>
    tpu.enqueue_indirect_dma source(%arg23 : memref<80x128xf32, #tpu.memory_space<vmem>>) target(%dma_start3A_525 : memref<10112x128xf32, #tpu.memory_space<vmem_shared>>) offsets(%arg15 : memref<80xi32, #tpu.memory_space<vmem>>) semaphore(%arg48 : memref<!tpu.dma_semaphore, #tpu.memory_space<semaphore_mem>>) {add = true}
    %dma_wait3A_526 = arith.constant 0 : i32
    %dma_wait3A_527 = arith.constant 0 : i32
    %dma_wait3A_528 = tpu.memref_slice %arg26[%dma_wait3A_526, %dma_wait3A_527] : memref<10112x128xf32, #tpu.memory_space<vmem_shared>> -> memref<10112x128xf32, #tpu.memory_space<vmem_shared>>
    tpu.wait_indirect_dma semaphore(%arg50 : memref<!tpu.dma_semaphore, #tpu.memory_space<semaphore_mem>>) src(%arg22 : memref<80x128xf32, #tpu.memory_space<vmem>>) dst(%dma_wait3A_528 : memref<10112x128xf32, #tpu.memory_space<vmem_shared>>)
    %dma_wait3A_529 = arith.constant 0 : i32
    %dma_wait3A_530 = arith.constant 0 : i32
    %dma_wait3A_531 = arith.constant 0 : i32
    %dma_wait3A_532 = arith.constant 0 : i32
    %dma_wait3A_533 = tpu.memref_slice %arg3[%dma_wait3A_529, %dma_wait3A_530, %dma_wait3A_531, %dma_wait3A_532] : memref<2x32x125x80xi32, #tpu.memory_space<hbm>> -> memref<1x1x1x80xi32, #tpu.memory_space<hbm>>
    %dma_wait3A_534 = tpu.memref_squeeze %dma_wait3A_533 : memref<1x1x1x80xi32, #tpu.memory_space<hbm>> -> memref<80xi32, #tpu.memory_space<hbm>>
    %dma_wait3A_535 = arith.constant 0 : i32
    %dma_wait3A_536 = tpu.memref_slice %arg3[%dma_wait3A_529, %dma_wait3A_530, %dma_wait3A_531, %dma_wait3A_535] : memref<2x32x125x80xi32, #tpu.memory_space<hbm>> -> memref<1x1x1x80xi32, #tpu.memory_space<hbm>>
    %dma_wait3A_537 = tpu.memref_squeeze %dma_wait3A_536 : memref<1x1x1x80xi32, #tpu.memory_space<hbm>> -> memref<80xi32, #tpu.memory_space<hbm>>
    tpu.wait_dma2 semaphore(%arg30 : memref<!tpu.dma_semaphore, #tpu.memory_space<semaphore_mem>>) src(%dma_wait3A_537 : memref<80xi32, #tpu.memory_space<hbm>>) dst(%arg9 : memref<80xi32, #tpu.memory_space<vmem>>)
    %dma_wait3A_538 = arith.constant 1 : i32
    %dma_wait3A_539 = arith.constant 0 : i32
    %dma_wait3A_540 = arith.constant 0 : i32
    %dma_wait3A_541 = arith.constant 0 : i32
    %dma_wait3A_542 = tpu.memref_slice %arg3[%dma_wait3A_538, %dma_wait3A_539, %dma_wait3A_540, %dma_wait3A_541] : memref<2x32x125x80xi32, #tpu.memory_space<hbm>> -> memref<1x1x1x80xi32, #tpu.memory_space<hbm>>
    %dma_wait3A_543 = tpu.memref_squeeze %dma_wait3A_542 : memref<1x1x1x80xi32, #tpu.memory_space<hbm>> -> memref<80xi32, #tpu.memory_space<hbm>>
    %dma_wait3A_544 = arith.constant 0 : i32
    %dma_wait3A_545 = tpu.memref_slice %arg3[%dma_wait3A_538, %dma_wait3A_539, %dma_wait3A_540, %dma_wait3A_544] : memref<2x32x125x80xi32, #tpu.memory_space<hbm>> -> memref<1x1x1x80xi32, #tpu.memory_space<hbm>>
    %dma_wait3A_546 = tpu.memref_squeeze %dma_wait3A_545 : memref<1x1x1x80xi32, #tpu.memory_space<hbm>> -> memref<80xi32, #tpu.memory_space<hbm>>
    tpu.wait_dma2 semaphore(%arg38 : memref<!tpu.dma_semaphore, #tpu.memory_space<semaphore_mem>>) src(%dma_wait3A_546 : memref<80xi32, #tpu.memory_space<hbm>>) dst(%arg17 : memref<80xi32, #tpu.memory_space<vmem>>)
    %dma_start3A_547 = arith.constant 0 : i32
    %dma_start3A_548 = arith.constant 0 : i32
    %dma_start3A_549 = tpu.memref_slice %arg2[%dma_start3A_547, %dma_start3A_548] : memref<10000x128xf32, #tpu.memory_space<hbm>> -> memref<10000x128xf32, #tpu.memory_space<hbm>>
    tpu.enqueue_indirect_dma source(%dma_start3A_549 : memref<10000x128xf32, #tpu.memory_space<hbm>>) target(%arg25 : memref<80x128xf32, #tpu.memory_space<vmem>>) offsets(%arg9 : memref<80xi32, #tpu.memory_space<vmem>>) semaphore(%arg46 : memref<!tpu.dma_semaphore, #tpu.memory_space<semaphore_mem>>)
    %dma_wait3A_550 = arith.constant 0 : i32
    %dma_wait3A_551 = arith.constant 0 : i32
    %dma_wait3A_552 = tpu.memref_slice %arg2[%dma_wait3A_550, %dma_wait3A_551] : memref<10000x128xf32, #tpu.memory_space<hbm>> -> memref<10000x128xf32, #tpu.memory_space<hbm>>
    tpu.wait_indirect_dma semaphore(%arg45 : memref<!tpu.dma_semaphore, #tpu.memory_space<semaphore_mem>>) src(%dma_wait3A_552 : memref<10000x128xf32, #tpu.memory_space<hbm>>) dst(%arg24 : memref<80x128xf32, #tpu.memory_space<vmem>>)
    %dma_start3A_553 = arith.constant 0 : i32
    %dma_start3A_554 = arith.constant 0 : i32
    %dma_start3A_555 = tpu.memref_slice %arg26[%dma_start3A_553, %dma_start3A_554] : memref<10112x128xf32, #tpu.memory_space<vmem_shared>> -> memref<10112x128xf32, #tpu.memory_space<vmem_shared>>
    tpu.enqueue_indirect_dma source(%arg24 : memref<80x128xf32, #tpu.memory_space<vmem>>) target(%dma_start3A_555 : memref<10112x128xf32, #tpu.memory_space<vmem_shared>>) offsets(%arg16 : memref<80xi32, #tpu.memory_space<vmem>>) semaphore(%arg49 : memref<!tpu.dma_semaphore, #tpu.memory_space<semaphore_mem>>) {add = true}
    %dma_wait3A_556 = arith.constant 0 : i32
    %dma_wait3A_557 = arith.constant 0 : i32
    %dma_wait3A_558 = tpu.memref_slice %arg26[%dma_wait3A_556, %dma_wait3A_557] : memref<10112x128xf32, #tpu.memory_space<vmem_shared>> -> memref<10112x128xf32, #tpu.memory_space<vmem_shared>>
    tpu.wait_indirect_dma semaphore(%arg47 : memref<!tpu.dma_semaphore, #tpu.memory_space<semaphore_mem>>) src(%arg22 : memref<80x128xf32, #tpu.memory_space<vmem>>) dst(%dma_wait3A_558 : memref<10112x128xf32, #tpu.memory_space<vmem_shared>>)
    %dma_wait3A_559 = arith.constant 0 : i32
    %dma_wait3A_560 = arith.constant 0 : i32
    %dma_wait3A_561 = arith.constant 0 : i32
    %dma_wait3A_562 = arith.constant 0 : i32
    %dma_wait3A_563 = tpu.memref_slice %arg3[%dma_wait3A_559, %dma_wait3A_560, %dma_wait3A_561, %dma_wait3A_562] : memref<2x32x125x80xi32, #tpu.memory_space<hbm>> -> memref<1x1x1x80xi32, #tpu.memory_space<hbm>>
    %dma_wait3A_564 = tpu.memref_squeeze %dma_wait3A_563 : memref<1x1x1x80xi32, #tpu.memory_space<hbm>> -> memref<80xi32, #tpu.memory_space<hbm>>
    %dma_wait3A_565 = arith.constant 0 : i32
    %dma_wait3A_566 = tpu.memref_slice %arg3[%dma_wait3A_559, %dma_wait3A_560, %dma_wait3A_561, %dma_wait3A_565] : memref<2x32x125x80xi32, #tpu.memory_space<hbm>> -> memref<1x1x1x80xi32, #tpu.memory_space<hbm>>
    %dma_wait3A_567 = tpu.memref_squeeze %dma_wait3A_566 : memref<1x1x1x80xi32, #tpu.memory_space<hbm>> -> memref<80xi32, #tpu.memory_space<hbm>>
    tpu.wait_dma2 semaphore(%arg31 : memref<!tpu.dma_semaphore, #tpu.memory_space<semaphore_mem>>) src(%dma_wait3A_567 : memref<80xi32, #tpu.memory_space<hbm>>) dst(%arg10 : memref<80xi32, #tpu.memory_space<vmem>>)
    %dma_wait3A_568 = arith.constant 1 : i32
    %dma_wait3A_569 = arith.constant 0 : i32
    %dma_wait3A_570 = arith.constant 0 : i32
    %dma_wait3A_571 = arith.constant 0 : i32
    %dma_wait3A_572 = tpu.memref_slice %arg3[%dma_wait3A_568, %dma_wait3A_569, %dma_wait3A_570, %dma_wait3A_571] : memref<2x32x125x80xi32, #tpu.memory_space<hbm>> -> memref<1x1x1x80xi32, #tpu.memory_space<hbm>>
    %dma_wait3A_573 = tpu.memref_squeeze %dma_wait3A_572 : memref<1x1x1x80xi32, #tpu.memory_space<hbm>> -> memref<80xi32, #tpu.memory_space<hbm>>
    %dma_wait3A_574 = arith.constant 0 : i32
    %dma_wait3A_575 = tpu.memref_slice %arg3[%dma_wait3A_568, %dma_wait3A_569, %dma_wait3A_570, %dma_wait3A_574] : memref<2x32x125x80xi32, #tpu.memory_space<hbm>> -> memref<1x1x1x80xi32, #tpu.memory_space<hbm>>
    %dma_wait3A_576 = tpu.memref_squeeze %dma_wait3A_575 : memref<1x1x1x80xi32, #tpu.memory_space<hbm>> -> memref<80xi32, #tpu.memory_space<hbm>>
    tpu.wait_dma2 semaphore(%arg39 : memref<!tpu.dma_semaphore, #tpu.memory_space<semaphore_mem>>) src(%dma_wait3A_576 : memref<80xi32, #tpu.memory_space<hbm>>) dst(%arg18 : memref<80xi32, #tpu.memory_space<vmem>>)
    %dma_start3A_577 = arith.constant 0 : i32
    %dma_start3A_578 = arith.constant 0 : i32
    %dma_start3A_579 = tpu.memref_slice %arg2[%dma_start3A_577, %dma_start3A_578] : memref<10000x128xf32, #tpu.memory_space<hbm>> -> memref<10000x128xf32, #tpu.memory_space<hbm>>
    tpu.enqueue_indirect_dma source(%dma_start3A_579 : memref<10000x128xf32, #tpu.memory_space<hbm>>) target(%arg22 : memref<80x128xf32, #tpu.memory_space<vmem>>) offsets(%arg10 : memref<80xi32, #tpu.memory_space<vmem>>) semaphore(%arg43 : memref<!tpu.dma_semaphore, #tpu.memory_space<semaphore_mem>>)
    %dma_wait3A_580 = arith.constant 0 : i32
    %dma_wait3A_581 = arith.constant 0 : i32
    %dma_wait3A_582 = tpu.memref_slice %arg2[%dma_wait3A_580, %dma_wait3A_581] : memref<10000x128xf32, #tpu.memory_space<hbm>> -> memref<10000x128xf32, #tpu.memory_space<hbm>>
    tpu.wait_indirect_dma semaphore(%arg46 : memref<!tpu.dma_semaphore, #tpu.memory_space<semaphore_mem>>) src(%dma_wait3A_582 : memref<10000x128xf32, #tpu.memory_space<hbm>>) dst(%arg25 : memref<80x128xf32, #tpu.memory_space<vmem>>)
    %dma_start3A_583 = arith.constant 0 : i32
    %dma_start3A_584 = arith.constant 0 : i32
    %dma_start3A_585 = tpu.memref_slice %arg26[%dma_start3A_583, %dma_start3A_584] : memref<10112x128xf32, #tpu.memory_space<vmem_shared>> -> memref<10112x128xf32, #tpu.memory_space<vmem_shared>>
    tpu.enqueue_indirect_dma source(%arg25 : memref<80x128xf32, #tpu.memory_space<vmem>>) target(%dma_start3A_585 : memref<10112x128xf32, #tpu.memory_space<vmem_shared>>) offsets(%arg17 : memref<80xi32, #tpu.memory_space<vmem>>) semaphore(%arg50 : memref<!tpu.dma_semaphore, #tpu.memory_space<semaphore_mem>>) {add = true}
    %dma_wait3A_586 = arith.constant 0 : i32
    %dma_wait3A_587 = arith.constant 0 : i32
    %dma_wait3A_588 = tpu.memref_slice %arg26[%dma_wait3A_586, %dma_wait3A_587] : memref<10112x128xf32, #tpu.memory_space<vmem_shared>> -> memref<10112x128xf32, #tpu.memory_space<vmem_shared>>
    tpu.wait_indirect_dma semaphore(%arg48 : memref<!tpu.dma_semaphore, #tpu.memory_space<semaphore_mem>>) src(%arg22 : memref<80x128xf32, #tpu.memory_space<vmem>>) dst(%dma_wait3A_588 : memref<10112x128xf32, #tpu.memory_space<vmem_shared>>)
    %dma_wait3A_589 = arith.constant 0 : i32
    %dma_wait3A_590 = arith.constant 0 : i32
    %dma_wait3A_591 = tpu.memref_slice %arg2[%dma_wait3A_589, %dma_wait3A_590] : memref<10000x128xf32, #tpu.memory_space<hbm>> -> memref<10000x128xf32, #tpu.memory_space<hbm>>
    tpu.wait_indirect_dma semaphore(%arg43 : memref<!tpu.dma_semaphore, #tpu.memory_space<semaphore_mem>>) src(%dma_wait3A_591 : memref<10000x128xf32, #tpu.memory_space<hbm>>) dst(%arg22 : memref<80x128xf32, #tpu.memory_space<vmem>>)
    %dma_start3A_592 = arith.constant 0 : i32
    %dma_start3A_593 = arith.constant 0 : i32
    %dma_start3A_594 = tpu.memref_slice %arg26[%dma_start3A_592, %dma_start3A_593] : memref<10112x128xf32, #tpu.memory_space<vmem_shared>> -> memref<10112x128xf32, #tpu.memory_space<vmem_shared>>
    tpu.enqueue_indirect_dma source(%arg22 : memref<80x128xf32, #tpu.memory_space<vmem>>) target(%dma_start3A_594 : memref<10112x128xf32, #tpu.memory_space<vmem_shared>>) offsets(%arg18 : memref<80xi32, #tpu.memory_space<vmem>>) semaphore(%arg47 : memref<!tpu.dma_semaphore, #tpu.memory_space<semaphore_mem>>) {add = true}
    %dma_wait3A_595 = arith.constant 0 : i32
    %dma_wait3A_596 = arith.constant 0 : i32
    %dma_wait3A_597 = tpu.memref_slice %arg26[%dma_wait3A_595, %dma_wait3A_596] : memref<10112x128xf32, #tpu.memory_space<vmem_shared>> -> memref<10112x128xf32, #tpu.memory_space<vmem_shared>>
    tpu.wait_indirect_dma semaphore(%arg49 : memref<!tpu.dma_semaphore, #tpu.memory_space<semaphore_mem>>) src(%arg22 : memref<80x128xf32, #tpu.memory_space<vmem>>) dst(%dma_wait3A_597 : memref<10112x128xf32, #tpu.memory_space<vmem_shared>>)
    %dma_wait3A_598 = arith.constant 0 : i32
    %dma_wait3A_599 = arith.constant 0 : i32
    %dma_wait3A_600 = tpu.memref_slice %arg26[%dma_wait3A_598, %dma_wait3A_599] : memref<10112x128xf32, #tpu.memory_space<vmem_shared>> -> memref<10112x128xf32, #tpu.memory_space<vmem_shared>>
    tpu.wait_indirect_dma semaphore(%arg50 : memref<!tpu.dma_semaphore, #tpu.memory_space<semaphore_mem>>) src(%arg22 : memref<80x128xf32, #tpu.memory_space<vmem>>) dst(%dma_wait3A_600 : memref<10112x128xf32, #tpu.memory_space<vmem_shared>>)
    %dma_wait3A_601 = arith.constant 0 : i32
    %dma_wait3A_602 = arith.constant 0 : i32
    %dma_wait3A_603 = tpu.memref_slice %arg26[%dma_wait3A_601, %dma_wait3A_602] : memref<10112x128xf32, #tpu.memory_space<vmem_shared>> -> memref<10112x128xf32, #tpu.memory_space<vmem_shared>>
    tpu.wait_indirect_dma semaphore(%arg47 : memref<!tpu.dma_semaphore, #tpu.memory_space<semaphore_mem>>) src(%arg22 : memref<80x128xf32, #tpu.memory_space<vmem>>) dst(%dma_wait3A_603 : memref<10112x128xf32, #tpu.memory_space<vmem_shared>>)
    %barrier3A_604 = arith.constant 0 : index
    tpu.barrier barrier_id(%barrier3A_604)
    %mul3A_605 = arith.constant 632 : i32
    %mul3A_606 = arith.muli %arg1, %mul3A_605 : i32
    %mul3A_607 = arith.constant 632 : i32
    %mul3A_608 = arith.muli %arg1, %mul3A_607 : i32
    "tpu.region"() ({
      %run_scoped3A = tpu.sem_alloc : memref<!tpu.dma_semaphore, #tpu.memory_space<semaphore_mem>>
      %dma_start3A_609 = arith.constant 0 : i32
      %dma_start3A_610 = tpu.memref_slice %arg5[%arg0, %mul3A_608, %dma_start3A_609] : memref<2x10112x128xf32, #tpu.memory_space<hbm>> -> memref<1x632x128xf32, #tpu.memory_space<hbm>>
      %dma_start3A_611 = tpu.memref_squeeze %dma_start3A_610 : memref<1x632x128xf32, #tpu.memory_space<hbm>> -> memref<632x128xf32, #tpu.memory_space<hbm>>
      %dma_start3A_612 = arith.constant 0 : i32
      %dma_start3A_613 = tpu.memref_slice %arg26[%mul3A_606, %dma_start3A_612] : memref<10112x128xf32, #tpu.memory_space<vmem_shared>> -> memref<632x128xf32, #tpu.memory_space<vmem_shared>>
      tpu.enqueue_dma source(%dma_start3A_613 : memref<632x128xf32, #tpu.memory_space<vmem_shared>>) target(%dma_start3A_611 : memref<632x128xf32, #tpu.memory_space<hbm>>) target_semaphore(%run_scoped3A : memref<!tpu.dma_semaphore, #tpu.memory_space<semaphore_mem>>)
      %dma_wait3A_614 = arith.constant 0 : i32
      %dma_wait3A_615 = tpu.memref_slice %arg5[%arg0, %mul3A_608, %dma_wait3A_614] : memref<2x10112x128xf32, #tpu.memory_space<hbm>> -> memref<1x632x128xf32, #tpu.memory_space<hbm>>
      %dma_wait3A_616 = tpu.memref_squeeze %dma_wait3A_615 : memref<1x632x128xf32, #tpu.memory_space<hbm>> -> memref<632x128xf32, #tpu.memory_space<hbm>>
      %dma_wait3A_617 = arith.constant 0 : i32
      %dma_wait3A_618 = tpu.memref_slice %arg26[%mul3A_606, %dma_wait3A_617] : memref<10112x128xf32, #tpu.memory_space<vmem_shared>> -> memref<632x128xf32, #tpu.memory_space<vmem_shared>>
      tpu.wait_dma2 semaphore(%run_scoped3A : memref<!tpu.dma_semaphore, #tpu.memory_space<semaphore_mem>>) src(%dma_wait3A_618 : memref<632x128xf32, #tpu.memory_space<vmem_shared>>) dst(%dma_wait3A_616 : memref<632x128xf32, #tpu.memory_space<hbm>>)
      tpu.yield
    }) : () -> ()
    return
  }
}

#map = affine_map<(d0, d1) -> (0, 0, 0, 0)>
#map1 = affine_map<(d0, d1) -> (0, 0)>
#map2 = affine_map<(d0, d1) -> (0, 0, 0)>
module attributes {stable_mosaic.version = 14 : i64} {
  func.func @deg_hist(%arg0: i32, %arg1: i32, %arg2: memref<2x32x125x80xi32, #tpu.memory_space<hbm>>, %arg3: memref<80x16xf32, #tpu.memory_space<hbm>>, %arg4: memref<632x16xf32, #tpu.memory_space<hbm>>, %arg5: memref<2x10112x16xf32, #tpu.memory_space<hbm>>, %arg6: memref<125x80xi32, #tpu.memory_space<vmem>>, %arg7: memref<80x16xf32, #tpu.memory_space<vmem>>, %arg8: memref<10112x16xf32, #tpu.memory_space<vmem_shared>>, %arg9: memref<!tpu.dma_semaphore, #tpu.memory_space<semaphore_mem>>) attributes {dimension_semantics = [#tpu.dimension_semantics<core_parallel>, #tpu.dimension_semantics<subcore_parallel>], iteration_bounds = array<i64: 2, 16>, scalar_prefetch = 0 : i64, scratch_operands = 4 : i64, tpu.core_type = #tpu.core_type<sc_vector_subcore>, window_params = [{transform_indices = #map}, {transform_indices = #map1}, {transform_indices = #map1}, {transform_indices = #map2}]} {
    %mul3A = arith.constant 2 : i32
    %mul3A_0 = arith.muli %arg1, %mul3A : i32
    %add3A = arith.addi %mul3A_0, %arg0 : i32
    %mul3A_1 = arith.constant 632 : i32
    %mul3A_2 = arith.muli %arg1, %mul3A_1 : i32
    "tpu.region"() ({
      %run_scoped3A_13 = tpu.sem_alloc : memref<!tpu.dma_semaphore, #tpu.memory_space<semaphore_mem>>
      %dma_start3A = arith.constant 0 : i32
      %dma_start3A_14 = tpu.memref_slice %arg8[%mul3A_2, %dma_start3A] : memref<10112x16xf32, #tpu.memory_space<vmem_shared>> -> memref<632x16xf32, #tpu.memory_space<vmem_shared>>
      tpu.enqueue_dma source(%arg4 : memref<632x16xf32, #tpu.memory_space<hbm>>) target(%dma_start3A_14 : memref<632x16xf32, #tpu.memory_space<vmem_shared>>) target_semaphore(%run_scoped3A_13 : memref<!tpu.dma_semaphore, #tpu.memory_space<semaphore_mem>>)
      %dma_wait3A = arith.constant 0 : i32
      %dma_wait3A_15 = tpu.memref_slice %arg8[%mul3A_2, %dma_wait3A] : memref<10112x16xf32, #tpu.memory_space<vmem_shared>> -> memref<632x16xf32, #tpu.memory_space<vmem_shared>>
      tpu.wait_dma2 semaphore(%run_scoped3A_13 : memref<!tpu.dma_semaphore, #tpu.memory_space<semaphore_mem>>) src(%arg4 : memref<632x16xf32, #tpu.memory_space<hbm>>) dst(%dma_wait3A_15 : memref<632x16xf32, #tpu.memory_space<vmem_shared>>)
      tpu.yield
    }) : () -> ()
    "tpu.region"() ({
      %run_scoped3A_13 = tpu.sem_alloc : memref<!tpu.dma_semaphore, #tpu.memory_space<semaphore_mem>>
      tpu.enqueue_dma source(%arg3 : memref<80x16xf32, #tpu.memory_space<hbm>>) target(%arg7 : memref<80x16xf32, #tpu.memory_space<vmem>>) target_semaphore(%run_scoped3A_13 : memref<!tpu.dma_semaphore, #tpu.memory_space<semaphore_mem>>)
      tpu.wait_dma2 semaphore(%run_scoped3A_13 : memref<!tpu.dma_semaphore, #tpu.memory_space<semaphore_mem>>) src(%arg3 : memref<80x16xf32, #tpu.memory_space<hbm>>) dst(%arg7 : memref<80x16xf32, #tpu.memory_space<vmem>>)
      tpu.yield
    }) : () -> ()
    %run_scoped3A = arith.constant 1 : i32
    "tpu.region"() ({
      %run_scoped3A_13 = tpu.sem_alloc : memref<!tpu.dma_semaphore, #tpu.memory_space<semaphore_mem>>
      %dma_start3A = arith.constant 0 : i32
      %dma_start3A_14 = arith.constant 0 : i32
      %dma_start3A_15 = tpu.memref_slice %arg2[%run_scoped3A, %add3A, %dma_start3A, %dma_start3A_14] : memref<2x32x125x80xi32, #tpu.memory_space<hbm>> -> memref<1x1x125x80xi32, #tpu.memory_space<hbm>>
      %dma_start3A_16 = tpu.memref_squeeze %dma_start3A_15 : memref<1x1x125x80xi32, #tpu.memory_space<hbm>> -> memref<125x80xi32, #tpu.memory_space<hbm>>
      %dma_start3A_17 = arith.constant 0 : i32
      %dma_start3A_18 = arith.constant 0 : i32
      %dma_start3A_19 = tpu.memref_slice %arg2[%run_scoped3A, %add3A, %dma_start3A_17, %dma_start3A_18] : memref<2x32x125x80xi32, #tpu.memory_space<hbm>> -> memref<1x1x125x80xi32, #tpu.memory_space<hbm>>
      %dma_start3A_20 = tpu.memref_squeeze %dma_start3A_19 : memref<1x1x125x80xi32, #tpu.memory_space<hbm>> -> memref<125x80xi32, #tpu.memory_space<hbm>>
      tpu.enqueue_dma source(%dma_start3A_20 : memref<125x80xi32, #tpu.memory_space<hbm>>) target(%arg6 : memref<125x80xi32, #tpu.memory_space<vmem>>) target_semaphore(%run_scoped3A_13 : memref<!tpu.dma_semaphore, #tpu.memory_space<semaphore_mem>>)
      %dma_wait3A = arith.constant 0 : i32
      %dma_wait3A_21 = arith.constant 0 : i32
      %dma_wait3A_22 = tpu.memref_slice %arg2[%run_scoped3A, %add3A, %dma_wait3A, %dma_wait3A_21] : memref<2x32x125x80xi32, #tpu.memory_space<hbm>> -> memref<1x1x125x80xi32, #tpu.memory_space<hbm>>
      %dma_wait3A_23 = tpu.memref_squeeze %dma_wait3A_22 : memref<1x1x125x80xi32, #tpu.memory_space<hbm>> -> memref<125x80xi32, #tpu.memory_space<hbm>>
      %dma_wait3A_24 = arith.constant 0 : i32
      %dma_wait3A_25 = arith.constant 0 : i32
      %dma_wait3A_26 = tpu.memref_slice %arg2[%run_scoped3A, %add3A, %dma_wait3A_24, %dma_wait3A_25] : memref<2x32x125x80xi32, #tpu.memory_space<hbm>> -> memref<1x1x125x80xi32, #tpu.memory_space<hbm>>
      %dma_wait3A_27 = tpu.memref_squeeze %dma_wait3A_26 : memref<1x1x125x80xi32, #tpu.memory_space<hbm>> -> memref<125x80xi32, #tpu.memory_space<hbm>>
      tpu.wait_dma2 semaphore(%run_scoped3A_13 : memref<!tpu.dma_semaphore, #tpu.memory_space<semaphore_mem>>) src(%dma_wait3A_27 : memref<125x80xi32, #tpu.memory_space<hbm>>) dst(%arg6 : memref<125x80xi32, #tpu.memory_space<vmem>>)
      tpu.yield
    }) : () -> ()
    %barrier3A = arith.constant 0 : index
    tpu.barrier barrier_id(%barrier3A)
    %scan3A = arith.constant 0 : i32
    %scan3A_3 = arith.constant 0 : i32
    %scan3A_4 = arith.constant 25 : i32
    %scan3A_5 = arith.addi %scan3A_3, %scan3A_4 : i32
    %scan3A_6 = arith.constant 1 : i32
    scf.for %scan3A_13 = %scan3A_3 to %scan3A_5 step %scan3A_6  : i32 {
      %mul3A_14 = arith.constant 5 : i32
      %mul3A_15 = arith.muli %scan3A_13, %mul3A_14 : i32
      %add3A_16 = arith.constant 0 : i32
      %add3A_17 = arith.addi %mul3A_15, %add3A_16 : i32
      %dma_start3A = arith.constant 0 : i32
      %dma_start3A_18 = tpu.memref_slice %arg6[%add3A_17, %dma_start3A] : memref<125x80xi32, #tpu.memory_space<vmem>> -> memref<1x80xi32, #tpu.memory_space<vmem>>
      %dma_start3A_19 = tpu.memref_squeeze %dma_start3A_18 : memref<1x80xi32, #tpu.memory_space<vmem>> -> memref<80xi32, #tpu.memory_space<vmem>>
      %dma_start3A_20 = arith.constant 0 : i32
      %dma_start3A_21 = arith.constant 0 : i32
      %dma_start3A_22 = tpu.memref_slice %arg8[%dma_start3A_20, %dma_start3A_21] : memref<10112x16xf32, #tpu.memory_space<vmem_shared>> -> memref<10112x16xf32, #tpu.memory_space<vmem_shared>>
      tpu.enqueue_indirect_dma source(%arg7 : memref<80x16xf32, #tpu.memory_space<vmem>>) target(%dma_start3A_22 : memref<10112x16xf32, #tpu.memory_space<vmem_shared>>) offsets(%dma_start3A_19 : memref<80xi32, #tpu.memory_space<vmem>>) semaphore(%arg9 : memref<!tpu.dma_semaphore, #tpu.memory_space<semaphore_mem>>) {add = true}
      %mul3A_23 = arith.constant 5 : i32
      %mul3A_24 = arith.muli %scan3A_13, %mul3A_23 : i32
      %add3A_25 = arith.constant 1 : i32
      %add3A_26 = arith.addi %mul3A_24, %add3A_25 : i32
      %dma_start3A_27 = arith.constant 0 : i32
      %dma_start3A_28 = tpu.memref_slice %arg6[%add3A_26, %dma_start3A_27] : memref<125x80xi32, #tpu.memory_space<vmem>> -> memref<1x80xi32, #tpu.memory_space<vmem>>
      %dma_start3A_29 = tpu.memref_squeeze %dma_start3A_28 : memref<1x80xi32, #tpu.memory_space<vmem>> -> memref<80xi32, #tpu.memory_space<vmem>>
      %dma_start3A_30 = arith.constant 0 : i32
      %dma_start3A_31 = arith.constant 0 : i32
      %dma_start3A_32 = tpu.memref_slice %arg8[%dma_start3A_30, %dma_start3A_31] : memref<10112x16xf32, #tpu.memory_space<vmem_shared>> -> memref<10112x16xf32, #tpu.memory_space<vmem_shared>>
      tpu.enqueue_indirect_dma source(%arg7 : memref<80x16xf32, #tpu.memory_space<vmem>>) target(%dma_start3A_32 : memref<10112x16xf32, #tpu.memory_space<vmem_shared>>) offsets(%dma_start3A_29 : memref<80xi32, #tpu.memory_space<vmem>>) semaphore(%arg9 : memref<!tpu.dma_semaphore, #tpu.memory_space<semaphore_mem>>) {add = true}
      %mul3A_33 = arith.constant 5 : i32
      %mul3A_34 = arith.muli %scan3A_13, %mul3A_33 : i32
      %add3A_35 = arith.constant 2 : i32
      %add3A_36 = arith.addi %mul3A_34, %add3A_35 : i32
      %dma_start3A_37 = arith.constant 0 : i32
      %dma_start3A_38 = tpu.memref_slice %arg6[%add3A_36, %dma_start3A_37] : memref<125x80xi32, #tpu.memory_space<vmem>> -> memref<1x80xi32, #tpu.memory_space<vmem>>
      %dma_start3A_39 = tpu.memref_squeeze %dma_start3A_38 : memref<1x80xi32, #tpu.memory_space<vmem>> -> memref<80xi32, #tpu.memory_space<vmem>>
      %dma_start3A_40 = arith.constant 0 : i32
      %dma_start3A_41 = arith.constant 0 : i32
      %dma_start3A_42 = tpu.memref_slice %arg8[%dma_start3A_40, %dma_start3A_41] : memref<10112x16xf32, #tpu.memory_space<vmem_shared>> -> memref<10112x16xf32, #tpu.memory_space<vmem_shared>>
      tpu.enqueue_indirect_dma source(%arg7 : memref<80x16xf32, #tpu.memory_space<vmem>>) target(%dma_start3A_42 : memref<10112x16xf32, #tpu.memory_space<vmem_shared>>) offsets(%dma_start3A_39 : memref<80xi32, #tpu.memory_space<vmem>>) semaphore(%arg9 : memref<!tpu.dma_semaphore, #tpu.memory_space<semaphore_mem>>) {add = true}
      %mul3A_43 = arith.constant 5 : i32
      %mul3A_44 = arith.muli %scan3A_13, %mul3A_43 : i32
      %add3A_45 = arith.constant 3 : i32
      %add3A_46 = arith.addi %mul3A_44, %add3A_45 : i32
      %dma_start3A_47 = arith.constant 0 : i32
      %dma_start3A_48 = tpu.memref_slice %arg6[%add3A_46, %dma_start3A_47] : memref<125x80xi32, #tpu.memory_space<vmem>> -> memref<1x80xi32, #tpu.memory_space<vmem>>
      %dma_start3A_49 = tpu.memref_squeeze %dma_start3A_48 : memref<1x80xi32, #tpu.memory_space<vmem>> -> memref<80xi32, #tpu.memory_space<vmem>>
      %dma_start3A_50 = arith.constant 0 : i32
      %dma_start3A_51 = arith.constant 0 : i32
      %dma_start3A_52 = tpu.memref_slice %arg8[%dma_start3A_50, %dma_start3A_51] : memref<10112x16xf32, #tpu.memory_space<vmem_shared>> -> memref<10112x16xf32, #tpu.memory_space<vmem_shared>>
      tpu.enqueue_indirect_dma source(%arg7 : memref<80x16xf32, #tpu.memory_space<vmem>>) target(%dma_start3A_52 : memref<10112x16xf32, #tpu.memory_space<vmem_shared>>) offsets(%dma_start3A_49 : memref<80xi32, #tpu.memory_space<vmem>>) semaphore(%arg9 : memref<!tpu.dma_semaphore, #tpu.memory_space<semaphore_mem>>) {add = true}
      %mul3A_53 = arith.constant 5 : i32
      %mul3A_54 = arith.muli %scan3A_13, %mul3A_53 : i32
      %add3A_55 = arith.constant 4 : i32
      %add3A_56 = arith.addi %mul3A_54, %add3A_55 : i32
      %dma_start3A_57 = arith.constant 0 : i32
      %dma_start3A_58 = tpu.memref_slice %arg6[%add3A_56, %dma_start3A_57] : memref<125x80xi32, #tpu.memory_space<vmem>> -> memref<1x80xi32, #tpu.memory_space<vmem>>
      %dma_start3A_59 = tpu.memref_squeeze %dma_start3A_58 : memref<1x80xi32, #tpu.memory_space<vmem>> -> memref<80xi32, #tpu.memory_space<vmem>>
      %dma_start3A_60 = arith.constant 0 : i32
      %dma_start3A_61 = arith.constant 0 : i32
      %dma_start3A_62 = tpu.memref_slice %arg8[%dma_start3A_60, %dma_start3A_61] : memref<10112x16xf32, #tpu.memory_space<vmem_shared>> -> memref<10112x16xf32, #tpu.memory_space<vmem_shared>>
      tpu.enqueue_indirect_dma source(%arg7 : memref<80x16xf32, #tpu.memory_space<vmem>>) target(%dma_start3A_62 : memref<10112x16xf32, #tpu.memory_space<vmem_shared>>) offsets(%dma_start3A_59 : memref<80xi32, #tpu.memory_space<vmem>>) semaphore(%arg9 : memref<!tpu.dma_semaphore, #tpu.memory_space<semaphore_mem>>) {add = true}
      %dma_wait3A = arith.constant 0 : i32
      %dma_wait3A_63 = arith.constant 0 : i32
      %dma_wait3A_64 = tpu.memref_slice %arg6[%dma_wait3A, %dma_wait3A_63] : memref<125x80xi32, #tpu.memory_space<vmem>> -> memref<1x80xi32, #tpu.memory_space<vmem>>
      %dma_wait3A_65 = tpu.memref_squeeze %dma_wait3A_64 : memref<1x80xi32, #tpu.memory_space<vmem>> -> memref<80xi32, #tpu.memory_space<vmem>>
      %dma_wait3A_66 = arith.constant 0 : i32
      %dma_wait3A_67 = arith.constant 0 : i32
      %dma_wait3A_68 = tpu.memref_slice %arg8[%dma_wait3A_66, %dma_wait3A_67] : memref<10112x16xf32, #tpu.memory_space<vmem_shared>> -> memref<10112x16xf32, #tpu.memory_space<vmem_shared>>
      tpu.wait_indirect_dma semaphore(%arg9 : memref<!tpu.dma_semaphore, #tpu.memory_space<semaphore_mem>>) src(%arg7 : memref<80x16xf32, #tpu.memory_space<vmem>>) dst(%dma_wait3A_68 : memref<10112x16xf32, #tpu.memory_space<vmem_shared>>)
      %dma_wait3A_69 = arith.constant 0 : i32
      %dma_wait3A_70 = arith.constant 0 : i32
      %dma_wait3A_71 = tpu.memref_slice %arg6[%dma_wait3A_69, %dma_wait3A_70] : memref<125x80xi32, #tpu.memory_space<vmem>> -> memref<1x80xi32, #tpu.memory_space<vmem>>
      %dma_wait3A_72 = tpu.memref_squeeze %dma_wait3A_71 : memref<1x80xi32, #tpu.memory_space<vmem>> -> memref<80xi32, #tpu.memory_space<vmem>>
      %dma_wait3A_73 = arith.constant 0 : i32
      %dma_wait3A_74 = arith.constant 0 : i32
      %dma_wait3A_75 = tpu.memref_slice %arg8[%dma_wait3A_73, %dma_wait3A_74] : memref<10112x16xf32, #tpu.memory_space<vmem_shared>> -> memref<10112x16xf32, #tpu.memory_space<vmem_shared>>
      tpu.wait_indirect_dma semaphore(%arg9 : memref<!tpu.dma_semaphore, #tpu.memory_space<semaphore_mem>>) src(%arg7 : memref<80x16xf32, #tpu.memory_space<vmem>>) dst(%dma_wait3A_75 : memref<10112x16xf32, #tpu.memory_space<vmem_shared>>)
      %dma_wait3A_76 = arith.constant 0 : i32
      %dma_wait3A_77 = arith.constant 0 : i32
      %dma_wait3A_78 = tpu.memref_slice %arg6[%dma_wait3A_76, %dma_wait3A_77] : memref<125x80xi32, #tpu.memory_space<vmem>> -> memref<1x80xi32, #tpu.memory_space<vmem>>
      %dma_wait3A_79 = tpu.memref_squeeze %dma_wait3A_78 : memref<1x80xi32, #tpu.memory_space<vmem>> -> memref<80xi32, #tpu.memory_space<vmem>>
      %dma_wait3A_80 = arith.constant 0 : i32
      %dma_wait3A_81 = arith.constant 0 : i32
      %dma_wait3A_82 = tpu.memref_slice %arg8[%dma_wait3A_80, %dma_wait3A_81] : memref<10112x16xf32, #tpu.memory_space<vmem_shared>> -> memref<10112x16xf32, #tpu.memory_space<vmem_shared>>
      tpu.wait_indirect_dma semaphore(%arg9 : memref<!tpu.dma_semaphore, #tpu.memory_space<semaphore_mem>>) src(%arg7 : memref<80x16xf32, #tpu.memory_space<vmem>>) dst(%dma_wait3A_82 : memref<10112x16xf32, #tpu.memory_space<vmem_shared>>)
      %dma_wait3A_83 = arith.constant 0 : i32
      %dma_wait3A_84 = arith.constant 0 : i32
      %dma_wait3A_85 = tpu.memref_slice %arg6[%dma_wait3A_83, %dma_wait3A_84] : memref<125x80xi32, #tpu.memory_space<vmem>> -> memref<1x80xi32, #tpu.memory_space<vmem>>
      %dma_wait3A_86 = tpu.memref_squeeze %dma_wait3A_85 : memref<1x80xi32, #tpu.memory_space<vmem>> -> memref<80xi32, #tpu.memory_space<vmem>>
      %dma_wait3A_87 = arith.constant 0 : i32
      %dma_wait3A_88 = arith.constant 0 : i32
      %dma_wait3A_89 = tpu.memref_slice %arg8[%dma_wait3A_87, %dma_wait3A_88] : memref<10112x16xf32, #tpu.memory_space<vmem_shared>> -> memref<10112x16xf32, #tpu.memory_space<vmem_shared>>
      tpu.wait_indirect_dma semaphore(%arg9 : memref<!tpu.dma_semaphore, #tpu.memory_space<semaphore_mem>>) src(%arg7 : memref<80x16xf32, #tpu.memory_space<vmem>>) dst(%dma_wait3A_89 : memref<10112x16xf32, #tpu.memory_space<vmem_shared>>)
      %dma_wait3A_90 = arith.constant 0 : i32
      %dma_wait3A_91 = arith.constant 0 : i32
      %dma_wait3A_92 = tpu.memref_slice %arg6[%dma_wait3A_90, %dma_wait3A_91] : memref<125x80xi32, #tpu.memory_space<vmem>> -> memref<1x80xi32, #tpu.memory_space<vmem>>
      %dma_wait3A_93 = tpu.memref_squeeze %dma_wait3A_92 : memref<1x80xi32, #tpu.memory_space<vmem>> -> memref<80xi32, #tpu.memory_space<vmem>>
      %dma_wait3A_94 = arith.constant 0 : i32
      %dma_wait3A_95 = arith.constant 0 : i32
      %dma_wait3A_96 = tpu.memref_slice %arg8[%dma_wait3A_94, %dma_wait3A_95] : memref<10112x16xf32, #tpu.memory_space<vmem_shared>> -> memref<10112x16xf32, #tpu.memory_space<vmem_shared>>
      tpu.wait_indirect_dma semaphore(%arg9 : memref<!tpu.dma_semaphore, #tpu.memory_space<semaphore_mem>>) src(%arg7 : memref<80x16xf32, #tpu.memory_space<vmem>>) dst(%dma_wait3A_96 : memref<10112x16xf32, #tpu.memory_space<vmem_shared>>)
    }
    %scan3A_7 = arith.constant 25 : i32
    %barrier3A_8 = arith.constant 0 : index
    tpu.barrier barrier_id(%barrier3A_8)
    %mul3A_9 = arith.constant 632 : i32
    %mul3A_10 = arith.muli %arg1, %mul3A_9 : i32
    %mul3A_11 = arith.constant 632 : i32
    %mul3A_12 = arith.muli %arg1, %mul3A_11 : i32
    "tpu.region"() ({
      %run_scoped3A_13 = tpu.sem_alloc : memref<!tpu.dma_semaphore, #tpu.memory_space<semaphore_mem>>
      %dma_start3A = arith.constant 0 : i32
      %dma_start3A_14 = tpu.memref_slice %arg5[%arg0, %mul3A_12, %dma_start3A] : memref<2x10112x16xf32, #tpu.memory_space<hbm>> -> memref<1x632x16xf32, #tpu.memory_space<hbm>>
      %dma_start3A_15 = tpu.memref_squeeze %dma_start3A_14 : memref<1x632x16xf32, #tpu.memory_space<hbm>> -> memref<632x16xf32, #tpu.memory_space<hbm>>
      %dma_start3A_16 = arith.constant 0 : i32
      %dma_start3A_17 = tpu.memref_slice %arg8[%mul3A_10, %dma_start3A_16] : memref<10112x16xf32, #tpu.memory_space<vmem_shared>> -> memref<632x16xf32, #tpu.memory_space<vmem_shared>>
      tpu.enqueue_dma source(%dma_start3A_17 : memref<632x16xf32, #tpu.memory_space<vmem_shared>>) target(%dma_start3A_15 : memref<632x16xf32, #tpu.memory_space<hbm>>) target_semaphore(%run_scoped3A_13 : memref<!tpu.dma_semaphore, #tpu.memory_space<semaphore_mem>>)
      %dma_wait3A = arith.constant 0 : i32
      %dma_wait3A_18 = tpu.memref_slice %arg5[%arg0, %mul3A_12, %dma_wait3A] : memref<2x10112x16xf32, #tpu.memory_space<hbm>> -> memref<1x632x16xf32, #tpu.memory_space<hbm>>
      %dma_wait3A_19 = tpu.memref_squeeze %dma_wait3A_18 : memref<1x632x16xf32, #tpu.memory_space<hbm>> -> memref<632x16xf32, #tpu.memory_space<hbm>>
      %dma_wait3A_20 = arith.constant 0 : i32
      %dma_wait3A_21 = tpu.memref_slice %arg8[%mul3A_10, %dma_wait3A_20] : memref<10112x16xf32, #tpu.memory_space<vmem_shared>> -> memref<632x16xf32, #tpu.memory_space<vmem_shared>>
      tpu.wait_dma2 semaphore(%run_scoped3A_13 : memref<!tpu.dma_semaphore, #tpu.memory_space<semaphore_mem>>) src(%dma_wait3A_21 : memref<632x16xf32, #tpu.memory_space<vmem_shared>>) dst(%dma_wait3A_19 : memref<632x16xf32, #tpu.memory_space<hbm>>)
      tpu.yield
    }) : () -> ()
    return
  }
}

#map = affine_map<(d0, d1) -> (0, 0)>
#map1 = affine_map<(d0, d1) -> (0, 0, 0, 0)>
#map2 = affine_map<(d0, d1) -> (0, 0, 0)>
module attributes {stable_mosaic.version = 14 : i64} {
  func.func @edge_agg(%arg0: i32, %arg1: i32, %arg2: memref<10000x128xf32, #tpu.memory_space<hbm>>, %arg3: memref<2x32x125x80xi32, #tpu.memory_space<hbm>>, %arg4: memref<632x128xf32, #tpu.memory_space<hbm>>, %arg5: memref<2x10112x128xf32, #tpu.memory_space<hbm>>, %arg6: memref<80xi32, #tpu.memory_space<vmem>>, %arg7: memref<80xi32, #tpu.memory_space<vmem>>, %arg8: memref<80xi32, #tpu.memory_space<vmem>>, %arg9: memref<80xi32, #tpu.memory_space<vmem>>, %arg10: memref<80xi32, #tpu.memory_space<vmem>>, %arg11: memref<80xi32, #tpu.memory_space<vmem>>, %arg12: memref<80xi32, #tpu.memory_space<vmem>>, %arg13: memref<80xi32, #tpu.memory_space<vmem>>, %arg14: memref<80xi32, #tpu.memory_space<vmem>>, %arg15: memref<80xi32, #tpu.memory_space<vmem>>, %arg16: memref<80xi32, #tpu.memory_space<vmem>>, %arg17: memref<80xi32, #tpu.memory_space<vmem>>, %arg18: memref<80xi32, #tpu.memory_space<vmem>>, %arg19: memref<80xi32, #tpu.memory_space<vmem>>, %arg20: memref<80xi32, #tpu.memory_space<vmem>>, %arg21: memref<80xi32, #tpu.memory_space<vmem>>, %arg22: memref<80x128xf32, #tpu.memory_space<vmem>>, %arg23: memref<80x128xf32, #tpu.memory_space<vmem>>, %arg24: memref<80x128xf32, #tpu.memory_space<vmem>>, %arg25: memref<80x128xf32, #tpu.memory_space<vmem>>, %arg26: memref<10112x128xf32, #tpu.memory_space<vmem_shared>>, %arg27: memref<!tpu.dma_semaphore, #tpu.memory_space<semaphore_mem>>, %arg28: memref<!tpu.dma_semaphore, #tpu.memory_space<semaphore_mem>>, %arg29: memref<!tpu.dma_semaphore, #tpu.memory_space<semaphore_mem>>, %arg30: memref<!tpu.dma_semaphore, #tpu.memory_space<semaphore_mem>>, %arg31: memref<!tpu.dma_semaphore, #tpu.memory_space<semaphore_mem>>, %arg32: memref<!tpu.dma_semaphore, #tpu.memory_space<semaphore_mem>>, %arg33: memref<!tpu.dma_semaphore, #tpu.memory_space<semaphore_mem>>, %arg34: memref<!tpu.dma_semaphore, #tpu.memory_space<semaphore_mem>>, %arg35: memref<!tpu.dma_semaphore, #tpu.memory_space<semaphore_mem>>, %arg36: memref<!tpu.dma_semaphore, #tpu.memory_space<semaphore_mem>>, %arg37: memref<!tpu.dma_semaphore, #tpu.memory_space<semaphore_mem>>, %arg38: memref<!tpu.dma_semaphore, #tpu.memory_space<semaphore_mem>>, %arg39: memref<!tpu.dma_semaphore, #tpu.memory_space<semaphore_mem>>, %arg40: memref<!tpu.dma_semaphore, #tpu.memory_space<semaphore_mem>>, %arg41: memref<!tpu.dma_semaphore, #tpu.memory_space<semaphore_mem>>, %arg42: memref<!tpu.dma_semaphore, #tpu.memory_space<semaphore_mem>>, %arg43: memref<!tpu.dma_semaphore, #tpu.memory_space<semaphore_mem>>, %arg44: memref<!tpu.dma_semaphore, #tpu.memory_space<semaphore_mem>>, %arg45: memref<!tpu.dma_semaphore, #tpu.memory_space<semaphore_mem>>, %arg46: memref<!tpu.dma_semaphore, #tpu.memory_space<semaphore_mem>>, %arg47: memref<!tpu.dma_semaphore, #tpu.memory_space<semaphore_mem>>, %arg48: memref<!tpu.dma_semaphore, #tpu.memory_space<semaphore_mem>>, %arg49: memref<!tpu.dma_semaphore, #tpu.memory_space<semaphore_mem>>, %arg50: memref<!tpu.dma_semaphore, #tpu.memory_space<semaphore_mem>>) attributes {dimension_semantics = [#tpu.dimension_semantics<core_parallel>, #tpu.dimension_semantics<subcore_parallel>], iteration_bounds = array<i64: 2, 16>, scalar_prefetch = 0 : i64, scratch_operands = 45 : i64, tpu.core_type = #tpu.core_type<sc_vector_subcore>, window_params = [{transform_indices = #map}, {transform_indices = #map1}, {transform_indices = #map}, {transform_indices = #map2}]} {
    %mul3A = arith.constant 2 : i32
    %mul3A_0 = arith.muli %arg1, %mul3A : i32
    %add3A = arith.addi %mul3A_0, %arg0 : i32
    %dma_start3A = arith.constant 0 : i32
    %dma_start3A_1 = arith.constant 0 : i32
    %dma_start3A_2 = arith.constant 0 : i32
    %dma_start3A_3 = tpu.memref_slice %arg3[%dma_start3A, %add3A, %dma_start3A_1, %dma_start3A_2] : memref<2x32x125x80xi32, #tpu.memory_space<hbm>> -> memref<1x1x1x80xi32, #tpu.memory_space<hbm>>
    %dma_start3A_4 = tpu.memref_squeeze %dma_start3A_3 : memref<1x1x1x80xi32, #tpu.memory_space<hbm>> -> memref<80xi32, #tpu.memory_space<hbm>>
    %dma_start3A_5 = arith.constant 0 : i32
    %dma_start3A_6 = tpu.memref_slice %arg3[%dma_start3A, %add3A, %dma_start3A_1, %dma_start3A_5] : memref<2x32x125x80xi32, #tpu.memory_space<hbm>> -> memref<1x1x1x80xi32, #tpu.memory_space<hbm>>
    %dma_start3A_7 = tpu.memref_squeeze %dma_start3A_6 : memref<1x1x1x80xi32, #tpu.memory_space<hbm>> -> memref<80xi32, #tpu.memory_space<hbm>>
    tpu.enqueue_dma source(%dma_start3A_7 : memref<80xi32, #tpu.memory_space<hbm>>) target(%arg6 : memref<80xi32, #tpu.memory_space<vmem>>) target_semaphore(%arg27 : memref<!tpu.dma_semaphore, #tpu.memory_space<semaphore_mem>>)
    %dma_start3A_8 = arith.constant 1 : i32
    %dma_start3A_9 = arith.constant 0 : i32
    %dma_start3A_10 = arith.constant 0 : i32
    %dma_start3A_11 = tpu.memref_slice %arg3[%dma_start3A_8, %add3A, %dma_start3A_9, %dma_start3A_10] : memref<2x32x125x80xi32, #tpu.memory_space<hbm>> -> memref<1x1x1x80xi32, #tpu.memory_space<hbm>>
    %dma_start3A_12 = tpu.memref_squeeze %dma_start3A_11 : memref<1x1x1x80xi32, #tpu.memory_space<hbm>> -> memref<80xi32, #tpu.memory_space<hbm>>
    %dma_start3A_13 = arith.constant 0 : i32
    %dma_start3A_14 = tpu.memref_slice %arg3[%dma_start3A_8, %add3A, %dma_start3A_9, %dma_start3A_13] : memref<2x32x125x80xi32, #tpu.memory_space<hbm>> -> memref<1x1x1x80xi32, #tpu.memory_space<hbm>>
    %dma_start3A_15 = tpu.memref_squeeze %dma_start3A_14 : memref<1x1x1x80xi32, #tpu.memory_space<hbm>> -> memref<80xi32, #tpu.memory_space<hbm>>
    tpu.enqueue_dma source(%dma_start3A_15 : memref<80xi32, #tpu.memory_space<hbm>>) target(%arg14 : memref<80xi32, #tpu.memory_space<vmem>>) target_semaphore(%arg35 : memref<!tpu.dma_semaphore, #tpu.memory_space<semaphore_mem>>)
    %dma_start3A_16 = arith.constant 0 : i32
    %dma_start3A_17 = arith.constant 1 : i32
    %dma_start3A_18 = arith.constant 0 : i32
    %dma_start3A_19 = tpu.memref_slice %arg3[%dma_start3A_16, %add3A, %dma_start3A_17, %dma_start3A_18] : memref<2x32x125x80xi32, #tpu.memory_space<hbm>> -> memref<1x1x1x80xi32, #tpu.memory_space<hbm>>
    %dma_start3A_20 = tpu.memref_squeeze %dma_start3A_19 : memref<1x1x1x80xi32, #tpu.memory_space<hbm>> -> memref<80xi32, #tpu.memory_space<hbm>>
    %dma_start3A_21 = arith.constant 0 : i32
    %dma_start3A_22 = tpu.memref_slice %arg3[%dma_start3A_16, %add3A, %dma_start3A_17, %dma_start3A_21] : memref<2x32x125x80xi32, #tpu.memory_space<hbm>> -> memref<1x1x1x80xi32, #tpu.memory_space<hbm>>
    %dma_start3A_23 = tpu.memref_squeeze %dma_start3A_22 : memref<1x1x1x80xi32, #tpu.memory_space<hbm>> -> memref<80xi32, #tpu.memory_space<hbm>>
    tpu.enqueue_dma source(%dma_start3A_23 : memref<80xi32, #tpu.memory_space<hbm>>) target(%arg7 : memref<80xi32, #tpu.memory_space<vmem>>) target_semaphore(%arg28 : memref<!tpu.dma_semaphore, #tpu.memory_space<semaphore_mem>>)
    %dma_start3A_24 = arith.constant 1 : i32
    %dma_start3A_25 = arith.constant 1 : i32
    %dma_start3A_26 = arith.constant 0 : i32
    %dma_start3A_27 = tpu.memref_slice %arg3[%dma_start3A_24, %add3A, %dma_start3A_25, %dma_start3A_26] : memref<2x32x125x80xi32, #tpu.memory_space<hbm>> -> memref<1x1x1x80xi32, #tpu.memory_space<hbm>>
    %dma_start3A_28 = tpu.memref_squeeze %dma_start3A_27 : memref<1x1x1x80xi32, #tpu.memory_space<hbm>> -> memref<80xi32, #tpu.memory_space<hbm>>
    %dma_start3A_29 = arith.constant 0 : i32
    %dma_start3A_30 = tpu.memref_slice %arg3[%dma_start3A_24, %add3A, %dma_start3A_25, %dma_start3A_29] : memref<2x32x125x80xi32, #tpu.memory_space<hbm>> -> memref<1x1x1x80xi32, #tpu.memory_space<hbm>>
    %dma_start3A_31 = tpu.memref_squeeze %dma_start3A_30 : memref<1x1x1x80xi32, #tpu.memory_space<hbm>> -> memref<80xi32, #tpu.memory_space<hbm>>
    tpu.enqueue_dma source(%dma_start3A_31 : memref<80xi32, #tpu.memory_space<hbm>>) target(%arg15 : memref<80xi32, #tpu.memory_space<vmem>>) target_semaphore(%arg36 : memref<!tpu.dma_semaphore, #tpu.memory_space<semaphore_mem>>)
    %dma_start3A_32 = arith.constant 0 : i32
    %dma_start3A_33 = arith.constant 2 : i32
    %dma_start3A_34 = arith.constant 0 : i32
    %dma_start3A_35 = tpu.memref_slice %arg3[%dma_start3A_32, %add3A, %dma_start3A_33, %dma_start3A_34] : memref<2x32x125x80xi32, #tpu.memory_space<hbm>> -> memref<1x1x1x80xi32, #tpu.memory_space<hbm>>
    %dma_start3A_36 = tpu.memref_squeeze %dma_start3A_35 : memref<1x1x1x80xi32, #tpu.memory_space<hbm>> -> memref<80xi32, #tpu.memory_space<hbm>>
    %dma_start3A_37 = arith.constant 0 : i32
    %dma_start3A_38 = tpu.memref_slice %arg3[%dma_start3A_32, %add3A, %dma_start3A_33, %dma_start3A_37] : memref<2x32x125x80xi32, #tpu.memory_space<hbm>> -> memref<1x1x1x80xi32, #tpu.memory_space<hbm>>
    %dma_start3A_39 = tpu.memref_squeeze %dma_start3A_38 : memref<1x1x1x80xi32, #tpu.memory_space<hbm>> -> memref<80xi32, #tpu.memory_space<hbm>>
    tpu.enqueue_dma source(%dma_start3A_39 : memref<80xi32, #tpu.memory_space<hbm>>) target(%arg8 : memref<80xi32, #tpu.memory_space<vmem>>) target_semaphore(%arg29 : memref<!tpu.dma_semaphore, #tpu.memory_space<semaphore_mem>>)
    %dma_start3A_40 = arith.constant 1 : i32
    %dma_start3A_41 = arith.constant 2 : i32
    %dma_start3A_42 = arith.constant 0 : i32
    %dma_start3A_43 = tpu.memref_slice %arg3[%dma_start3A_40, %add3A, %dma_start3A_41, %dma_start3A_42] : memref<2x32x125x80xi32, #tpu.memory_space<hbm>> -> memref<1x1x1x80xi32, #tpu.memory_space<hbm>>
    %dma_start3A_44 = tpu.memref_squeeze %dma_start3A_43 : memref<1x1x1x80xi32, #tpu.memory_space<hbm>> -> memref<80xi32, #tpu.memory_space<hbm>>
    %dma_start3A_45 = arith.constant 0 : i32
    %dma_start3A_46 = tpu.memref_slice %arg3[%dma_start3A_40, %add3A, %dma_start3A_41, %dma_start3A_45] : memref<2x32x125x80xi32, #tpu.memory_space<hbm>> -> memref<1x1x1x80xi32, #tpu.memory_space<hbm>>
    %dma_start3A_47 = tpu.memref_squeeze %dma_start3A_46 : memref<1x1x1x80xi32, #tpu.memory_space<hbm>> -> memref<80xi32, #tpu.memory_space<hbm>>
    tpu.enqueue_dma source(%dma_start3A_47 : memref<80xi32, #tpu.memory_space<hbm>>) target(%arg16 : memref<80xi32, #tpu.memory_space<vmem>>) target_semaphore(%arg37 : memref<!tpu.dma_semaphore, #tpu.memory_space<semaphore_mem>>)
    %dma_start3A_48 = arith.constant 0 : i32
    %dma_start3A_49 = arith.constant 3 : i32
    %dma_start3A_50 = arith.constant 0 : i32
    %dma_start3A_51 = tpu.memref_slice %arg3[%dma_start3A_48, %add3A, %dma_start3A_49, %dma_start3A_50] : memref<2x32x125x80xi32, #tpu.memory_space<hbm>> -> memref<1x1x1x80xi32, #tpu.memory_space<hbm>>
    %dma_start3A_52 = tpu.memref_squeeze %dma_start3A_51 : memref<1x1x1x80xi32, #tpu.memory_space<hbm>> -> memref<80xi32, #tpu.memory_space<hbm>>
    %dma_start3A_53 = arith.constant 0 : i32
    %dma_start3A_54 = tpu.memref_slice %arg3[%dma_start3A_48, %add3A, %dma_start3A_49, %dma_start3A_53] : memref<2x32x125x80xi32, #tpu.memory_space<hbm>> -> memref<1x1x1x80xi32, #tpu.memory_space<hbm>>
    %dma_start3A_55 = tpu.memref_squeeze %dma_start3A_54 : memref<1x1x1x80xi32, #tpu.memory_space<hbm>> -> memref<80xi32, #tpu.memory_space<hbm>>
    tpu.enqueue_dma source(%dma_start3A_55 : memref<80xi32, #tpu.memory_space<hbm>>) target(%arg9 : memref<80xi32, #tpu.memory_space<vmem>>) target_semaphore(%arg30 : memref<!tpu.dma_semaphore, #tpu.memory_space<semaphore_mem>>)
    %dma_start3A_56 = arith.constant 1 : i32
    %dma_start3A_57 = arith.constant 3 : i32
    %dma_start3A_58 = arith.constant 0 : i32
    %dma_start3A_59 = tpu.memref_slice %arg3[%dma_start3A_56, %add3A, %dma_start3A_57, %dma_start3A_58] : memref<2x32x125x80xi32, #tpu.memory_space<hbm>> -> memref<1x1x1x80xi32, #tpu.memory_space<hbm>>
    %dma_start3A_60 = tpu.memref_squeeze %dma_start3A_59 : memref<1x1x1x80xi32, #tpu.memory_space<hbm>> -> memref<80xi32, #tpu.memory_space<hbm>>
    %dma_start3A_61 = arith.constant 0 : i32
    %dma_start3A_62 = tpu.memref_slice %arg3[%dma_start3A_56, %add3A, %dma_start3A_57, %dma_start3A_61] : memref<2x32x125x80xi32, #tpu.memory_space<hbm>> -> memref<1x1x1x80xi32, #tpu.memory_space<hbm>>
    %dma_start3A_63 = tpu.memref_squeeze %dma_start3A_62 : memref<1x1x1x80xi32, #tpu.memory_space<hbm>> -> memref<80xi32, #tpu.memory_space<hbm>>
    tpu.enqueue_dma source(%dma_start3A_63 : memref<80xi32, #tpu.memory_space<hbm>>) target(%arg17 : memref<80xi32, #tpu.memory_space<vmem>>) target_semaphore(%arg38 : memref<!tpu.dma_semaphore, #tpu.memory_space<semaphore_mem>>)
    %mul3A_64 = arith.constant 632 : i32
    %mul3A_65 = arith.muli %arg1, %mul3A_64 : i32
    "tpu.region"() ({
      %run_scoped3A = tpu.sem_alloc : memref<!tpu.dma_semaphore, #tpu.memory_space<semaphore_mem>>
      %dma_start3A_609 = arith.constant 0 : i32
      %dma_start3A_610 = tpu.memref_slice %arg26[%mul3A_65, %dma_start3A_609] : memref<10112x128xf32, #tpu.memory_space<vmem_shared>> -> memref<632x128xf32, #tpu.memory_space<vmem_shared>>
      tpu.enqueue_dma source(%arg4 : memref<632x128xf32, #tpu.memory_space<hbm>>) target(%dma_start3A_610 : memref<632x128xf32, #tpu.memory_space<vmem_shared>>) target_semaphore(%run_scoped3A : memref<!tpu.dma_semaphore, #tpu.memory_space<semaphore_mem>>)
      %dma_wait3A_611 = arith.constant 0 : i32
      %dma_wait3A_612 = tpu.memref_slice %arg26[%mul3A_65, %dma_wait3A_611] : memref<10112x128xf32, #tpu.memory_space<vmem_shared>> -> memref<632x128xf32, #tpu.memory_space<vmem_shared>>
      tpu.wait_dma2 semaphore(%run_scoped3A : memref<!tpu.dma_semaphore, #tpu.memory_space<semaphore_mem>>) src(%arg4 : memref<632x128xf32, #tpu.memory_space<hbm>>) dst(%dma_wait3A_612 : memref<632x128xf32, #tpu.memory_space<vmem_shared>>)
      tpu.yield
    }) : () -> ()
    %dma_wait3A = arith.constant 0 : i32
    %dma_wait3A_66 = arith.constant 0 : i32
    %dma_wait3A_67 = arith.constant 0 : i32
    %dma_wait3A_68 = arith.constant 0 : i32
    %dma_wait3A_69 = tpu.memref_slice %arg3[%dma_wait3A, %dma_wait3A_66, %dma_wait3A_67, %dma_wait3A_68] : memref<2x32x125x80xi32, #tpu.memory_space<hbm>> -> memref<1x1x1x80xi32, #tpu.memory_space<hbm>>
    %dma_wait3A_70 = tpu.memref_squeeze %dma_wait3A_69 : memref<1x1x1x80xi32, #tpu.memory_space<hbm>> -> memref<80xi32, #tpu.memory_space<hbm>>
    %dma_wait3A_71 = arith.constant 0 : i32
    %dma_wait3A_72 = tpu.memref_slice %arg3[%dma_wait3A, %dma_wait3A_66, %dma_wait3A_67, %dma_wait3A_71] : memref<2x32x125x80xi32, #tpu.memory_space<hbm>> -> memref<1x1x1x80xi32, #tpu.memory_space<hbm>>
    %dma_wait3A_73 = tpu.memref_squeeze %dma_wait3A_72 : memref<1x1x1x80xi32, #tpu.memory_space<hbm>> -> memref<80xi32, #tpu.memory_space<hbm>>
    tpu.wait_dma2 semaphore(%arg27 : memref<!tpu.dma_semaphore, #tpu.memory_space<semaphore_mem>>) src(%dma_wait3A_73 : memref<80xi32, #tpu.memory_space<hbm>>) dst(%arg6 : memref<80xi32, #tpu.memory_space<vmem>>)
    %dma_wait3A_74 = arith.constant 1 : i32
    %dma_wait3A_75 = arith.constant 0 : i32
    %dma_wait3A_76 = arith.constant 0 : i32
    %dma_wait3A_77 = arith.constant 0 : i32
    %dma_wait3A_78 = tpu.memref_slice %arg3[%dma_wait3A_74, %dma_wait3A_75, %dma_wait3A_76, %dma_wait3A_77] : memref<2x32x125x80xi32, #tpu.memory_space<hbm>> -> memref<1x1x1x80xi32, #tpu.memory_space<hbm>>
    %dma_wait3A_79 = tpu.memref_squeeze %dma_wait3A_78 : memref<1x1x1x80xi32, #tpu.memory_space<hbm>> -> memref<80xi32, #tpu.memory_space<hbm>>
    %dma_wait3A_80 = arith.constant 0 : i32
    %dma_wait3A_81 = tpu.memref_slice %arg3[%dma_wait3A_74, %dma_wait3A_75, %dma_wait3A_76, %dma_wait3A_80] : memref<2x32x125x80xi32, #tpu.memory_space<hbm>> -> memref<1x1x1x80xi32, #tpu.memory_space<hbm>>
    %dma_wait3A_82 = tpu.memref_squeeze %dma_wait3A_81 : memref<1x1x1x80xi32, #tpu.memory_space<hbm>> -> memref<80xi32, #tpu.memory_space<hbm>>
    tpu.wait_dma2 semaphore(%arg35 : memref<!tpu.dma_semaphore, #tpu.memory_space<semaphore_mem>>) src(%dma_wait3A_82 : memref<80xi32, #tpu.memory_space<hbm>>) dst(%arg14 : memref<80xi32, #tpu.memory_space<vmem>>)
    %dma_start3A_83 = arith.constant 0 : i32
    %dma_start3A_84 = arith.constant 0 : i32
    %dma_start3A_85 = tpu.memref_slice %arg2[%dma_start3A_83, %dma_start3A_84] : memref<10000x128xf32, #tpu.memory_space<hbm>> -> memref<10000x128xf32, #tpu.memory_space<hbm>>
    tpu.enqueue_indirect_dma source(%dma_start3A_85 : memref<10000x128xf32, #tpu.memory_space<hbm>>) target(%arg22 : memref<80x128xf32, #tpu.memory_space<vmem>>) offsets(%arg6 : memref<80xi32, #tpu.memory_space<vmem>>) semaphore(%arg43 : memref<!tpu.dma_semaphore, #tpu.memory_space<semaphore_mem>>)
    %dma_wait3A_86 = arith.constant 0 : i32
    %dma_wait3A_87 = arith.constant 0 : i32
    %dma_wait3A_88 = arith.constant 0 : i32
    %dma_wait3A_89 = arith.constant 0 : i32
    %dma_wait3A_90 = tpu.memref_slice %arg3[%dma_wait3A_86, %dma_wait3A_87, %dma_wait3A_88, %dma_wait3A_89] : memref<2x32x125x80xi32, #tpu.memory_space<hbm>> -> memref<1x1x1x80xi32, #tpu.memory_space<hbm>>
    %dma_wait3A_91 = tpu.memref_squeeze %dma_wait3A_90 : memref<1x1x1x80xi32, #tpu.memory_space<hbm>> -> memref<80xi32, #tpu.memory_space<hbm>>
    %dma_wait3A_92 = arith.constant 0 : i32
    %dma_wait3A_93 = tpu.memref_slice %arg3[%dma_wait3A_86, %dma_wait3A_87, %dma_wait3A_88, %dma_wait3A_92] : memref<2x32x125x80xi32, #tpu.memory_space<hbm>> -> memref<1x1x1x80xi32, #tpu.memory_space<hbm>>
    %dma_wait3A_94 = tpu.memref_squeeze %dma_wait3A_93 : memref<1x1x1x80xi32, #tpu.memory_space<hbm>> -> memref<80xi32, #tpu.memory_space<hbm>>
    tpu.wait_dma2 semaphore(%arg28 : memref<!tpu.dma_semaphore, #tpu.memory_space<semaphore_mem>>) src(%dma_wait3A_94 : memref<80xi32, #tpu.memory_space<hbm>>) dst(%arg7 : memref<80xi32, #tpu.memory_space<vmem>>)
    %dma_wait3A_95 = arith.constant 1 : i32
    %dma_wait3A_96 = arith.constant 0 : i32
    %dma_wait3A_97 = arith.constant 0 : i32
    %dma_wait3A_98 = arith.constant 0 : i32
    %dma_wait3A_99 = tpu.memref_slice %arg3[%dma_wait3A_95, %dma_wait3A_96, %dma_wait3A_97, %dma_wait3A_98] : memref<2x32x125x80xi32, #tpu.memory_space<hbm>> -> memref<1x1x1x80xi32, #tpu.memory_space<hbm>>
    %dma_wait3A_100 = tpu.memref_squeeze %dma_wait3A_99 : memref<1x1x1x80xi32, #tpu.memory_space<hbm>> -> memref<80xi32, #tpu.memory_space<hbm>>
    %dma_wait3A_101 = arith.constant 0 : i32
    %dma_wait3A_102 = tpu.memref_slice %arg3[%dma_wait3A_95, %dma_wait3A_96, %dma_wait3A_97, %dma_wait3A_101] : memref<2x32x125x80xi32, #tpu.memory_space<hbm>> -> memref<1x1x1x80xi32, #tpu.memory_space<hbm>>
    %dma_wait3A_103 = tpu.memref_squeeze %dma_wait3A_102 : memref<1x1x1x80xi32, #tpu.memory_space<hbm>> -> memref<80xi32, #tpu.memory_space<hbm>>
    tpu.wait_dma2 semaphore(%arg36 : memref<!tpu.dma_semaphore, #tpu.memory_space<semaphore_mem>>) src(%dma_wait3A_103 : memref<80xi32, #tpu.memory_space<hbm>>) dst(%arg15 : memref<80xi32, #tpu.memory_space<vmem>>)
    %dma_start3A_104 = arith.constant 0 : i32
    %dma_start3A_105 = arith.constant 0 : i32
    %dma_start3A_106 = tpu.memref_slice %arg2[%dma_start3A_104, %dma_start3A_105] : memref<10000x128xf32, #tpu.memory_space<hbm>> -> memref<10000x128xf32, #tpu.memory_space<hbm>>
    tpu.enqueue_indirect_dma source(%dma_start3A_106 : memref<10000x128xf32, #tpu.memory_space<hbm>>) target(%arg23 : memref<80x128xf32, #tpu.memory_space<vmem>>) offsets(%arg7 : memref<80xi32, #tpu.memory_space<vmem>>) semaphore(%arg44 : memref<!tpu.dma_semaphore, #tpu.memory_space<semaphore_mem>>)
    %barrier3A = arith.constant 0 : index
    tpu.barrier barrier_id(%barrier3A)
    %dma_wait3A_107 = arith.constant 0 : i32
    %dma_wait3A_108 = arith.constant 0 : i32
    %dma_wait3A_109 = tpu.memref_slice %arg2[%dma_wait3A_107, %dma_wait3A_108] : memref<10000x128xf32, #tpu.memory_space<hbm>> -> memref<10000x128xf32, #tpu.memory_space<hbm>>
    tpu.wait_indirect_dma semaphore(%arg43 : memref<!tpu.dma_semaphore, #tpu.memory_space<semaphore_mem>>) src(%dma_wait3A_109 : memref<10000x128xf32, #tpu.memory_space<hbm>>) dst(%arg22 : memref<80x128xf32, #tpu.memory_space<vmem>>)
    %dma_start3A_110 = arith.constant 0 : i32
    %dma_start3A_111 = arith.constant 0 : i32
    %dma_start3A_112 = tpu.memref_slice %arg26[%dma_start3A_110, %dma_start3A_111] : memref<10112x128xf32, #tpu.memory_space<vmem_shared>> -> memref<10112x128xf32, #tpu.memory_space<vmem_shared>>
    tpu.enqueue_indirect_dma source(%arg22 : memref<80x128xf32, #tpu.memory_space<vmem>>) target(%dma_start3A_112 : memref<10112x128xf32, #tpu.memory_space<vmem_shared>>) offsets(%arg14 : memref<80xi32, #tpu.memory_space<vmem>>) semaphore(%arg47 : memref<!tpu.dma_semaphore, #tpu.memory_space<semaphore_mem>>) {add = true}
    %dma_start3A_113 = arith.constant 0 : i32
    %dma_start3A_114 = arith.constant 4 : i32
    %dma_start3A_115 = arith.constant 0 : i32
    %dma_start3A_116 = tpu.memref_slice %arg3[%dma_start3A_113, %add3A, %dma_start3A_114, %dma_start3A_115] : memref<2x32x125x80xi32, #tpu.memory_space<hbm>> -> memref<1x1x1x80xi32, #tpu.memory_space<hbm>>
    %dma_start3A_117 = tpu.memref_squeeze %dma_start3A_116 : memref<1x1x1x80xi32, #tpu.memory_space<hbm>> -> memref<80xi32, #tpu.memory_space<hbm>>
    %dma_start3A_118 = arith.constant 0 : i32
    %dma_start3A_119 = tpu.memref_slice %arg3[%dma_start3A_113, %add3A, %dma_start3A_114, %dma_start3A_118] : memref<2x32x125x80xi32, #tpu.memory_space<hbm>> -> memref<1x1x1x80xi32, #tpu.memory_space<hbm>>
    %dma_start3A_120 = tpu.memref_squeeze %dma_start3A_119 : memref<1x1x1x80xi32, #tpu.memory_space<hbm>> -> memref<80xi32, #tpu.memory_space<hbm>>
    tpu.enqueue_dma source(%dma_start3A_120 : memref<80xi32, #tpu.memory_space<hbm>>) target(%arg10 : memref<80xi32, #tpu.memory_space<vmem>>) target_semaphore(%arg31 : memref<!tpu.dma_semaphore, #tpu.memory_space<semaphore_mem>>)
    %dma_start3A_121 = arith.constant 1 : i32
    %dma_start3A_122 = arith.constant 4 : i32
    %dma_start3A_123 = arith.constant 0 : i32
    %dma_start3A_124 = tpu.memref_slice %arg3[%dma_start3A_121, %add3A, %dma_start3A_122, %dma_start3A_123] : memref<2x32x125x80xi32, #tpu.memory_space<hbm>> -> memref<1x1x1x80xi32, #tpu.memory_space<hbm>>
    %dma_start3A_125 = tpu.memref_squeeze %dma_start3A_124 : memref<1x1x1x80xi32, #tpu.memory_space<hbm>> -> memref<80xi32, #tpu.memory_space<hbm>>
    %dma_start3A_126 = arith.constant 0 : i32
    %dma_start3A_127 = tpu.memref_slice %arg3[%dma_start3A_121, %add3A, %dma_start3A_122, %dma_start3A_126] : memref<2x32x125x80xi32, #tpu.memory_space<hbm>> -> memref<1x1x1x80xi32, #tpu.memory_space<hbm>>
    %dma_start3A_128 = tpu.memref_squeeze %dma_start3A_127 : memref<1x1x1x80xi32, #tpu.memory_space<hbm>> -> memref<80xi32, #tpu.memory_space<hbm>>
    tpu.enqueue_dma source(%dma_start3A_128 : memref<80xi32, #tpu.memory_space<hbm>>) target(%arg18 : memref<80xi32, #tpu.memory_space<vmem>>) target_semaphore(%arg39 : memref<!tpu.dma_semaphore, #tpu.memory_space<semaphore_mem>>)
    %dma_wait3A_129 = arith.constant 0 : i32
    %dma_wait3A_130 = arith.constant 0 : i32
    %dma_wait3A_131 = arith.constant 0 : i32
    %dma_wait3A_132 = arith.constant 0 : i32
    %dma_wait3A_133 = tpu.memref_slice %arg3[%dma_wait3A_129, %dma_wait3A_130, %dma_wait3A_131, %dma_wait3A_132] : memref<2x32x125x80xi32, #tpu.memory_space<hbm>> -> memref<1x1x1x80xi32, #tpu.memory_space<hbm>>
    %dma_wait3A_134 = tpu.memref_squeeze %dma_wait3A_133 : memref<1x1x1x80xi32, #tpu.memory_space<hbm>> -> memref<80xi32, #tpu.memory_space<hbm>>
    %dma_wait3A_135 = arith.constant 0 : i32
    %dma_wait3A_136 = tpu.memref_slice %arg3[%dma_wait3A_129, %dma_wait3A_130, %dma_wait3A_131, %dma_wait3A_135] : memref<2x32x125x80xi32, #tpu.memory_space<hbm>> -> memref<1x1x1x80xi32, #tpu.memory_space<hbm>>
    %dma_wait3A_137 = tpu.memref_squeeze %dma_wait3A_136 : memref<1x1x1x80xi32, #tpu.memory_space<hbm>> -> memref<80xi32, #tpu.memory_space<hbm>>
    tpu.wait_dma2 semaphore(%arg29 : memref<!tpu.dma_semaphore, #tpu.memory_space<semaphore_mem>>) src(%dma_wait3A_137 : memref<80xi32, #tpu.memory_space<hbm>>) dst(%arg8 : memref<80xi32, #tpu.memory_space<vmem>>)
    %dma_wait3A_138 = arith.constant 1 : i32
    %dma_wait3A_139 = arith.constant 0 : i32
    %dma_wait3A_140 = arith.constant 0 : i32
    %dma_wait3A_141 = arith.constant 0 : i32
    %dma_wait3A_142 = tpu.memref_slice %arg3[%dma_wait3A_138, %dma_wait3A_139, %dma_wait3A_140, %dma_wait3A_141] : memref<2x32x125x80xi32, #tpu.memory_space<hbm>> -> memref<1x1x1x80xi32, #tpu.memory_space<hbm>>
    %dma_wait3A_143 = tpu.memref_squeeze %dma_wait3A_142 : memref<1x1x1x80xi32, #tpu.memory_space<hbm>> -> memref<80xi32, #tpu.memory_space<hbm>>
    %dma_wait3A_144 = arith.constant 0 : i32
    %dma_wait3A_145 = tpu.memref_slice %arg3[%dma_wait3A_138, %dma_wait3A_139, %dma_wait3A_140, %dma_wait3A_144] : memref<2x32x125x80xi32, #tpu.memory_space<hbm>> -> memref<1x1x1x80xi32, #tpu.memory_space<hbm>>
    %dma_wait3A_146 = tpu.memref_squeeze %dma_wait3A_145 : memref<1x1x1x80xi32, #tpu.memory_space<hbm>> -> memref<80xi32, #tpu.memory_space<hbm>>
    tpu.wait_dma2 semaphore(%arg37 : memref<!tpu.dma_semaphore, #tpu.memory_space<semaphore_mem>>) src(%dma_wait3A_146 : memref<80xi32, #tpu.memory_space<hbm>>) dst(%arg16 : memref<80xi32, #tpu.memory_space<vmem>>)
    %dma_start3A_147 = arith.constant 0 : i32
    %dma_start3A_148 = arith.constant 0 : i32
    %dma_start3A_149 = tpu.memref_slice %arg2[%dma_start3A_147, %dma_start3A_148] : memref<10000x128xf32, #tpu.memory_space<hbm>> -> memref<10000x128xf32, #tpu.memory_space<hbm>>
    tpu.enqueue_indirect_dma source(%dma_start3A_149 : memref<10000x128xf32, #tpu.memory_space<hbm>>) target(%arg24 : memref<80x128xf32, #tpu.memory_space<vmem>>) offsets(%arg8 : memref<80xi32, #tpu.memory_space<vmem>>) semaphore(%arg45 : memref<!tpu.dma_semaphore, #tpu.memory_space<semaphore_mem>>)
    %dma_wait3A_150 = arith.constant 0 : i32
    %dma_wait3A_151 = arith.constant 0 : i32
    %dma_wait3A_152 = tpu.memref_slice %arg2[%dma_wait3A_150, %dma_wait3A_151] : memref<10000x128xf32, #tpu.memory_space<hbm>> -> memref<10000x128xf32, #tpu.memory_space<hbm>>
    tpu.wait_indirect_dma semaphore(%arg44 : memref<!tpu.dma_semaphore, #tpu.memory_space<semaphore_mem>>) src(%dma_wait3A_152 : memref<10000x128xf32, #tpu.memory_space<hbm>>) dst(%arg23 : memref<80x128xf32, #tpu.memory_space<vmem>>)
    %dma_start3A_153 = arith.constant 0 : i32
    %dma_start3A_154 = arith.constant 0 : i32
    %dma_start3A_155 = tpu.memref_slice %arg26[%dma_start3A_153, %dma_start3A_154] : memref<10112x128xf32, #tpu.memory_space<vmem_shared>> -> memref<10112x128xf32, #tpu.memory_space<vmem_shared>>
    tpu.enqueue_indirect_dma source(%arg23 : memref<80x128xf32, #tpu.memory_space<vmem>>) target(%dma_start3A_155 : memref<10112x128xf32, #tpu.memory_space<vmem_shared>>) offsets(%arg15 : memref<80xi32, #tpu.memory_space<vmem>>) semaphore(%arg48 : memref<!tpu.dma_semaphore, #tpu.memory_space<semaphore_mem>>) {add = true}
    %dma_start3A_156 = arith.constant 0 : i32
    %dma_start3A_157 = arith.constant 5 : i32
    %dma_start3A_158 = arith.constant 0 : i32
    %dma_start3A_159 = tpu.memref_slice %arg3[%dma_start3A_156, %add3A, %dma_start3A_157, %dma_start3A_158] : memref<2x32x125x80xi32, #tpu.memory_space<hbm>> -> memref<1x1x1x80xi32, #tpu.memory_space<hbm>>
    %dma_start3A_160 = tpu.memref_squeeze %dma_start3A_159 : memref<1x1x1x80xi32, #tpu.memory_space<hbm>> -> memref<80xi32, #tpu.memory_space<hbm>>
    %dma_start3A_161 = arith.constant 0 : i32
    %dma_start3A_162 = tpu.memref_slice %arg3[%dma_start3A_156, %add3A, %dma_start3A_157, %dma_start3A_161] : memref<2x32x125x80xi32, #tpu.memory_space<hbm>> -> memref<1x1x1x80xi32, #tpu.memory_space<hbm>>
    %dma_start3A_163 = tpu.memref_squeeze %dma_start3A_162 : memref<1x1x1x80xi32, #tpu.memory_space<hbm>> -> memref<80xi32, #tpu.memory_space<hbm>>
    tpu.enqueue_dma source(%dma_start3A_163 : memref<80xi32, #tpu.memory_space<hbm>>) target(%arg11 : memref<80xi32, #tpu.memory_space<vmem>>) target_semaphore(%arg32 : memref<!tpu.dma_semaphore, #tpu.memory_space<semaphore_mem>>)
    %dma_start3A_164 = arith.constant 1 : i32
    %dma_start3A_165 = arith.constant 5 : i32
    %dma_start3A_166 = arith.constant 0 : i32
    %dma_start3A_167 = tpu.memref_slice %arg3[%dma_start3A_164, %add3A, %dma_start3A_165, %dma_start3A_166] : memref<2x32x125x80xi32, #tpu.memory_space<hbm>> -> memref<1x1x1x80xi32, #tpu.memory_space<hbm>>
    %dma_start3A_168 = tpu.memref_squeeze %dma_start3A_167 : memref<1x1x1x80xi32, #tpu.memory_space<hbm>> -> memref<80xi32, #tpu.memory_space<hbm>>
    %dma_start3A_169 = arith.constant 0 : i32
    %dma_start3A_170 = tpu.memref_slice %arg3[%dma_start3A_164, %add3A, %dma_start3A_165, %dma_start3A_169] : memref<2x32x125x80xi32, #tpu.memory_space<hbm>> -> memref<1x1x1x80xi32, #tpu.memory_space<hbm>>
    %dma_start3A_171 = tpu.memref_squeeze %dma_start3A_170 : memref<1x1x1x80xi32, #tpu.memory_space<hbm>> -> memref<80xi32, #tpu.memory_space<hbm>>
    tpu.enqueue_dma source(%dma_start3A_171 : memref<80xi32, #tpu.memory_space<hbm>>) target(%arg19 : memref<80xi32, #tpu.memory_space<vmem>>) target_semaphore(%arg40 : memref<!tpu.dma_semaphore, #tpu.memory_space<semaphore_mem>>)
    %dma_wait3A_172 = arith.constant 0 : i32
    %dma_wait3A_173 = arith.constant 0 : i32
    %dma_wait3A_174 = arith.constant 0 : i32
    %dma_wait3A_175 = arith.constant 0 : i32
    %dma_wait3A_176 = tpu.memref_slice %arg3[%dma_wait3A_172, %dma_wait3A_173, %dma_wait3A_174, %dma_wait3A_175] : memref<2x32x125x80xi32, #tpu.memory_space<hbm>> -> memref<1x1x1x80xi32, #tpu.memory_space<hbm>>
    %dma_wait3A_177 = tpu.memref_squeeze %dma_wait3A_176 : memref<1x1x1x80xi32, #tpu.memory_space<hbm>> -> memref<80xi32, #tpu.memory_space<hbm>>
    %dma_wait3A_178 = arith.constant 0 : i32
    %dma_wait3A_179 = tpu.memref_slice %arg3[%dma_wait3A_172, %dma_wait3A_173, %dma_wait3A_174, %dma_wait3A_178] : memref<2x32x125x80xi32, #tpu.memory_space<hbm>> -> memref<1x1x1x80xi32, #tpu.memory_space<hbm>>
    %dma_wait3A_180 = tpu.memref_squeeze %dma_wait3A_179 : memref<1x1x1x80xi32, #tpu.memory_space<hbm>> -> memref<80xi32, #tpu.memory_space<hbm>>
    tpu.wait_dma2 semaphore(%arg30 : memref<!tpu.dma_semaphore, #tpu.memory_space<semaphore_mem>>) src(%dma_wait3A_180 : memref<80xi32, #tpu.memory_space<hbm>>) dst(%arg9 : memref<80xi32, #tpu.memory_space<vmem>>)
    %dma_wait3A_181 = arith.constant 1 : i32
    %dma_wait3A_182 = arith.constant 0 : i32
    %dma_wait3A_183 = arith.constant 0 : i32
    %dma_wait3A_184 = arith.constant 0 : i32
    %dma_wait3A_185 = tpu.memref_slice %arg3[%dma_wait3A_181, %dma_wait3A_182, %dma_wait3A_183, %dma_wait3A_184] : memref<2x32x125x80xi32, #tpu.memory_space<hbm>> -> memref<1x1x1x80xi32, #tpu.memory_space<hbm>>
    %dma_wait3A_186 = tpu.memref_squeeze %dma_wait3A_185 : memref<1x1x1x80xi32, #tpu.memory_space<hbm>> -> memref<80xi32, #tpu.memory_space<hbm>>
    %dma_wait3A_187 = arith.constant 0 : i32
    %dma_wait3A_188 = tpu.memref_slice %arg3[%dma_wait3A_181, %dma_wait3A_182, %dma_wait3A_183, %dma_wait3A_187] : memref<2x32x125x80xi32, #tpu.memory_space<hbm>> -> memref<1x1x1x80xi32, #tpu.memory_space<hbm>>
    %dma_wait3A_189 = tpu.memref_squeeze %dma_wait3A_188 : memref<1x1x1x80xi32, #tpu.memory_space<hbm>> -> memref<80xi32, #tpu.memory_space<hbm>>
    tpu.wait_dma2 semaphore(%arg38 : memref<!tpu.dma_semaphore, #tpu.memory_space<semaphore_mem>>) src(%dma_wait3A_189 : memref<80xi32, #tpu.memory_space<hbm>>) dst(%arg17 : memref<80xi32, #tpu.memory_space<vmem>>)
    %dma_start3A_190 = arith.constant 0 : i32
    %dma_start3A_191 = arith.constant 0 : i32
    %dma_start3A_192 = tpu.memref_slice %arg2[%dma_start3A_190, %dma_start3A_191] : memref<10000x128xf32, #tpu.memory_space<hbm>> -> memref<10000x128xf32, #tpu.memory_space<hbm>>
    tpu.enqueue_indirect_dma source(%dma_start3A_192 : memref<10000x128xf32, #tpu.memory_space<hbm>>) target(%arg25 : memref<80x128xf32, #tpu.memory_space<vmem>>) offsets(%arg9 : memref<80xi32, #tpu.memory_space<vmem>>) semaphore(%arg46 : memref<!tpu.dma_semaphore, #tpu.memory_space<semaphore_mem>>)
    %scan3A = arith.constant 0 : i32
    %scan3A_193 = arith.constant 0 : i32
    %scan3A_194 = arith.constant 14 : i32
    %scan3A_195 = arith.addi %scan3A_193, %scan3A_194 : i32
    %scan3A_196 = arith.constant 1 : i32
    scf.for %scan3A_609 = %scan3A_193 to %scan3A_195 step %scan3A_196  : i32 {
      %mul3A_610 = arith.constant 8 : i32
      %mul3A_611 = arith.muli %scan3A_609, %mul3A_610 : i32
      %add3A_612 = arith.constant 2 : i32
      %add3A_613 = arith.addi %add3A_612, %mul3A_611 : i32
      %add3A_614 = arith.constant 0 : i32
      %add3A_615 = arith.addi %add3A_613, %add3A_614 : i32
      %dma_wait3A_616 = arith.constant 0 : i32
      %dma_wait3A_617 = arith.constant 0 : i32
      %dma_wait3A_618 = tpu.memref_slice %arg2[%dma_wait3A_616, %dma_wait3A_617] : memref<10000x128xf32, #tpu.memory_space<hbm>> -> memref<10000x128xf32, #tpu.memory_space<hbm>>
      tpu.wait_indirect_dma semaphore(%arg45 : memref<!tpu.dma_semaphore, #tpu.memory_space<semaphore_mem>>) src(%dma_wait3A_618 : memref<10000x128xf32, #tpu.memory_space<hbm>>) dst(%arg24 : memref<80x128xf32, #tpu.memory_space<vmem>>)
      %dma_start3A_619 = arith.constant 0 : i32
      %dma_start3A_620 = arith.constant 0 : i32
      %dma_start3A_621 = tpu.memref_slice %arg26[%dma_start3A_619, %dma_start3A_620] : memref<10112x128xf32, #tpu.memory_space<vmem_shared>> -> memref<10112x128xf32, #tpu.memory_space<vmem_shared>>
      tpu.enqueue_indirect_dma source(%arg24 : memref<80x128xf32, #tpu.memory_space<vmem>>) target(%dma_start3A_621 : memref<10112x128xf32, #tpu.memory_space<vmem_shared>>) offsets(%arg16 : memref<80xi32, #tpu.memory_space<vmem>>) semaphore(%arg49 : memref<!tpu.dma_semaphore, #tpu.memory_space<semaphore_mem>>) {add = true}
      %add3A_622 = arith.constant 4 : i32
      %add3A_623 = arith.addi %add3A_615, %add3A_622 : i32
      %dma_start3A_624 = arith.constant 0 : i32
      %dma_start3A_625 = arith.constant 0 : i32
      %dma_start3A_626 = tpu.memref_slice %arg3[%dma_start3A_624, %add3A, %add3A_623, %dma_start3A_625] : memref<2x32x125x80xi32, #tpu.memory_space<hbm>> -> memref<1x1x1x80xi32, #tpu.memory_space<hbm>>
      %dma_start3A_627 = tpu.memref_squeeze %dma_start3A_626 : memref<1x1x1x80xi32, #tpu.memory_space<hbm>> -> memref<80xi32, #tpu.memory_space<hbm>>
      %dma_start3A_628 = arith.constant 0 : i32
      %dma_start3A_629 = tpu.memref_slice %arg3[%dma_start3A_624, %add3A, %add3A_623, %dma_start3A_628] : memref<2x32x125x80xi32, #tpu.memory_space<hbm>> -> memref<1x1x1x80xi32, #tpu.memory_space<hbm>>
      %dma_start3A_630 = tpu.memref_squeeze %dma_start3A_629 : memref<1x1x1x80xi32, #tpu.memory_space<hbm>> -> memref<80xi32, #tpu.memory_space<hbm>>
      tpu.enqueue_dma source(%dma_start3A_630 : memref<80xi32, #tpu.memory_space<hbm>>) target(%arg12 : memref<80xi32, #tpu.memory_space<vmem>>) target_semaphore(%arg33 : memref<!tpu.dma_semaphore, #tpu.memory_space<semaphore_mem>>)
      %dma_start3A_631 = arith.constant 1 : i32
      %dma_start3A_632 = arith.constant 0 : i32
      %dma_start3A_633 = tpu.memref_slice %arg3[%dma_start3A_631, %add3A, %add3A_623, %dma_start3A_632] : memref<2x32x125x80xi32, #tpu.memory_space<hbm>> -> memref<1x1x1x80xi32, #tpu.memory_space<hbm>>
      %dma_start3A_634 = tpu.memref_squeeze %dma_start3A_633 : memref<1x1x1x80xi32, #tpu.memory_space<hbm>> -> memref<80xi32, #tpu.memory_space<hbm>>
      %dma_start3A_635 = arith.constant 0 : i32
      %dma_start3A_636 = tpu.memref_slice %arg3[%dma_start3A_631, %add3A, %add3A_623, %dma_start3A_635] : memref<2x32x125x80xi32, #tpu.memory_space<hbm>> -> memref<1x1x1x80xi32, #tpu.memory_space<hbm>>
      %dma_start3A_637 = tpu.memref_squeeze %dma_start3A_636 : memref<1x1x1x80xi32, #tpu.memory_space<hbm>> -> memref<80xi32, #tpu.memory_space<hbm>>
      tpu.enqueue_dma source(%dma_start3A_637 : memref<80xi32, #tpu.memory_space<hbm>>) target(%arg20 : memref<80xi32, #tpu.memory_space<vmem>>) target_semaphore(%arg41 : memref<!tpu.dma_semaphore, #tpu.memory_space<semaphore_mem>>)
      %dma_wait3A_638 = arith.constant 0 : i32
      %dma_wait3A_639 = arith.constant 0 : i32
      %dma_wait3A_640 = tpu.memref_slice %arg26[%dma_wait3A_638, %dma_wait3A_639] : memref<10112x128xf32, #tpu.memory_space<vmem_shared>> -> memref<10112x128xf32, #tpu.memory_space<vmem_shared>>
      tpu.wait_indirect_dma semaphore(%arg47 : memref<!tpu.dma_semaphore, #tpu.memory_space<semaphore_mem>>) src(%arg22 : memref<80x128xf32, #tpu.memory_space<vmem>>) dst(%dma_wait3A_640 : memref<10112x128xf32, #tpu.memory_space<vmem_shared>>)
      %dma_wait3A_641 = arith.constant 0 : i32
      %dma_wait3A_642 = arith.constant 0 : i32
      %dma_wait3A_643 = arith.constant 0 : i32
      %dma_wait3A_644 = arith.constant 0 : i32
      %dma_wait3A_645 = tpu.memref_slice %arg3[%dma_wait3A_641, %dma_wait3A_642, %dma_wait3A_643, %dma_wait3A_644] : memref<2x32x125x80xi32, #tpu.memory_space<hbm>> -> memref<1x1x1x80xi32, #tpu.memory_space<hbm>>
      %dma_wait3A_646 = tpu.memref_squeeze %dma_wait3A_645 : memref<1x1x1x80xi32, #tpu.memory_space<hbm>> -> memref<80xi32, #tpu.memory_space<hbm>>
      %dma_wait3A_647 = arith.constant 0 : i32
      %dma_wait3A_648 = tpu.memref_slice %arg3[%dma_wait3A_641, %dma_wait3A_642, %dma_wait3A_643, %dma_wait3A_647] : memref<2x32x125x80xi32, #tpu.memory_space<hbm>> -> memref<1x1x1x80xi32, #tpu.memory_space<hbm>>
      %dma_wait3A_649 = tpu.memref_squeeze %dma_wait3A_648 : memref<1x1x1x80xi32, #tpu.memory_space<hbm>> -> memref<80xi32, #tpu.memory_space<hbm>>
      tpu.wait_dma2 semaphore(%arg31 : memref<!tpu.dma_semaphore, #tpu.memory_space<semaphore_mem>>) src(%dma_wait3A_649 : memref<80xi32, #tpu.memory_space<hbm>>) dst(%arg10 : memref<80xi32, #tpu.memory_space<vmem>>)
      %dma_wait3A_650 = arith.constant 1 : i32
      %dma_wait3A_651 = arith.constant 0 : i32
      %dma_wait3A_652 = arith.constant 0 : i32
      %dma_wait3A_653 = arith.constant 0 : i32
      %dma_wait3A_654 = tpu.memref_slice %arg3[%dma_wait3A_650, %dma_wait3A_651, %dma_wait3A_652, %dma_wait3A_653] : memref<2x32x125x80xi32, #tpu.memory_space<hbm>> -> memref<1x1x1x80xi32, #tpu.memory_space<hbm>>
      %dma_wait3A_655 = tpu.memref_squeeze %dma_wait3A_654 : memref<1x1x1x80xi32, #tpu.memory_space<hbm>> -> memref<80xi32, #tpu.memory_space<hbm>>
      %dma_wait3A_656 = arith.constant 0 : i32
      %dma_wait3A_657 = tpu.memref_slice %arg3[%dma_wait3A_650, %dma_wait3A_651, %dma_wait3A_652, %dma_wait3A_656] : memref<2x32x125x80xi32, #tpu.memory_space<hbm>> -> memref<1x1x1x80xi32, #tpu.memory_space<hbm>>
      %dma_wait3A_658 = tpu.memref_squeeze %dma_wait3A_657 : memref<1x1x1x80xi32, #tpu.memory_space<hbm>> -> memref<80xi32, #tpu.memory_space<hbm>>
      tpu.wait_dma2 semaphore(%arg39 : memref<!tpu.dma_semaphore, #tpu.memory_space<semaphore_mem>>) src(%dma_wait3A_658 : memref<80xi32, #tpu.memory_space<hbm>>) dst(%arg18 : memref<80xi32, #tpu.memory_space<vmem>>)
      %dma_start3A_659 = arith.constant 0 : i32
      %dma_start3A_660 = arith.constant 0 : i32
      %dma_start3A_661 = tpu.memref_slice %arg2[%dma_start3A_659, %dma_start3A_660] : memref<10000x128xf32, #tpu.memory_space<hbm>> -> memref<10000x128xf32, #tpu.memory_space<hbm>>
      tpu.enqueue_indirect_dma source(%dma_start3A_661 : memref<10000x128xf32, #tpu.memory_space<hbm>>) target(%arg22 : memref<80x128xf32, #tpu.memory_space<vmem>>) offsets(%arg10 : memref<80xi32, #tpu.memory_space<vmem>>) semaphore(%arg43 : memref<!tpu.dma_semaphore, #tpu.memory_space<semaphore_mem>>)
      %add3A_662 = arith.constant 1 : i32
      %add3A_663 = arith.addi %add3A_613, %add3A_662 : i32
      %dma_wait3A_664 = arith.constant 0 : i32
      %dma_wait3A_665 = arith.constant 0 : i32
      %dma_wait3A_666 = tpu.memref_slice %arg2[%dma_wait3A_664, %dma_wait3A_665] : memref<10000x128xf32, #tpu.memory_space<hbm>> -> memref<10000x128xf32, #tpu.memory_space<hbm>>
      tpu.wait_indirect_dma semaphore(%arg46 : memref<!tpu.dma_semaphore, #tpu.memory_space<semaphore_mem>>) src(%dma_wait3A_666 : memref<10000x128xf32, #tpu.memory_space<hbm>>) dst(%arg25 : memref<80x128xf32, #tpu.memory_space<vmem>>)
      %dma_start3A_667 = arith.constant 0 : i32
      %dma_start3A_668 = arith.constant 0 : i32
      %dma_start3A_669 = tpu.memref_slice %arg26[%dma_start3A_667, %dma_start3A_668] : memref<10112x128xf32, #tpu.memory_space<vmem_shared>> -> memref<10112x128xf32, #tpu.memory_space<vmem_shared>>
      tpu.enqueue_indirect_dma source(%arg25 : memref<80x128xf32, #tpu.memory_space<vmem>>) target(%dma_start3A_669 : memref<10112x128xf32, #tpu.memory_space<vmem_shared>>) offsets(%arg17 : memref<80xi32, #tpu.memory_space<vmem>>) semaphore(%arg50 : memref<!tpu.dma_semaphore, #tpu.memory_space<semaphore_mem>>) {add = true}
      %add3A_670 = arith.constant 4 : i32
      %add3A_671 = arith.addi %add3A_663, %add3A_670 : i32
      %dma_start3A_672 = arith.constant 0 : i32
      %dma_start3A_673 = arith.constant 0 : i32
      %dma_start3A_674 = tpu.memref_slice %arg3[%dma_start3A_672, %add3A, %add3A_671, %dma_start3A_673] : memref<2x32x125x80xi32, #tpu.memory_space<hbm>> -> memref<1x1x1x80xi32, #tpu.memory_space<hbm>>
      %dma_start3A_675 = tpu.memref_squeeze %dma_start3A_674 : memref<1x1x1x80xi32, #tpu.memory_space<hbm>> -> memref<80xi32, #tpu.memory_space<hbm>>
      %dma_start3A_676 = arith.constant 0 : i32
      %dma_start3A_677 = tpu.memref_slice %arg3[%dma_start3A_672, %add3A, %add3A_671, %dma_start3A_676] : memref<2x32x125x80xi32, #tpu.memory_space<hbm>> -> memref<1x1x1x80xi32, #tpu.memory_space<hbm>>
      %dma_start3A_678 = tpu.memref_squeeze %dma_start3A_677 : memref<1x1x1x80xi32, #tpu.memory_space<hbm>> -> memref<80xi32, #tpu.memory_space<hbm>>
      tpu.enqueue_dma source(%dma_start3A_678 : memref<80xi32, #tpu.memory_space<hbm>>) target(%arg13 : memref<80xi32, #tpu.memory_space<vmem>>) target_semaphore(%arg34 : memref<!tpu.dma_semaphore, #tpu.memory_space<semaphore_mem>>)
      %dma_start3A_679 = arith.constant 1 : i32
      %dma_start3A_680 = arith.constant 0 : i32
      %dma_start3A_681 = tpu.memref_slice %arg3[%dma_start3A_679, %add3A, %add3A_671, %dma_start3A_680] : memref<2x32x125x80xi32, #tpu.memory_space<hbm>> -> memref<1x1x1x80xi32, #tpu.memory_space<hbm>>
      %dma_start3A_682 = tpu.memref_squeeze %dma_start3A_681 : memref<1x1x1x80xi32, #tpu.memory_space<hbm>> -> memref<80xi32, #tpu.memory_space<hbm>>
      %dma_start3A_683 = arith.constant 0 : i32
      %dma_start3A_684 = tpu.memref_slice %arg3[%dma_start3A_679, %add3A, %add3A_671, %dma_start3A_683] : memref<2x32x125x80xi32, #tpu.memory_space<hbm>> -> memref<1x1x1x80xi32, #tpu.memory_space<hbm>>
      %dma_start3A_685 = tpu.memref_squeeze %dma_start3A_684 : memref<1x1x1x80xi32, #tpu.memory_space<hbm>> -> memref<80xi32, #tpu.memory_space<hbm>>
      tpu.enqueue_dma source(%dma_start3A_685 : memref<80xi32, #tpu.memory_space<hbm>>) target(%arg21 : memref<80xi32, #tpu.memory_space<vmem>>) target_semaphore(%arg42 : memref<!tpu.dma_semaphore, #tpu.memory_space<semaphore_mem>>)
      %dma_wait3A_686 = arith.constant 0 : i32
      %dma_wait3A_687 = arith.constant 0 : i32
      %dma_wait3A_688 = tpu.memref_slice %arg26[%dma_wait3A_686, %dma_wait3A_687] : memref<10112x128xf32, #tpu.memory_space<vmem_shared>> -> memref<10112x128xf32, #tpu.memory_space<vmem_shared>>
      tpu.wait_indirect_dma semaphore(%arg48 : memref<!tpu.dma_semaphore, #tpu.memory_space<semaphore_mem>>) src(%arg22 : memref<80x128xf32, #tpu.memory_space<vmem>>) dst(%dma_wait3A_688 : memref<10112x128xf32, #tpu.memory_space<vmem_shared>>)
      %dma_wait3A_689 = arith.constant 0 : i32
      %dma_wait3A_690 = arith.constant 0 : i32
      %dma_wait3A_691 = arith.constant 0 : i32
      %dma_wait3A_692 = arith.constant 0 : i32
      %dma_wait3A_693 = tpu.memref_slice %arg3[%dma_wait3A_689, %dma_wait3A_690, %dma_wait3A_691, %dma_wait3A_692] : memref<2x32x125x80xi32, #tpu.memory_space<hbm>> -> memref<1x1x1x80xi32, #tpu.memory_space<hbm>>
      %dma_wait3A_694 = tpu.memref_squeeze %dma_wait3A_693 : memref<1x1x1x80xi32, #tpu.memory_space<hbm>> -> memref<80xi32, #tpu.memory_space<hbm>>
      %dma_wait3A_695 = arith.constant 0 : i32
      %dma_wait3A_696 = tpu.memref_slice %arg3[%dma_wait3A_689, %dma_wait3A_690, %dma_wait3A_691, %dma_wait3A_695] : memref<2x32x125x80xi32, #tpu.memory_space<hbm>> -> memref<1x1x1x80xi32, #tpu.memory_space<hbm>>
      %dma_wait3A_697 = tpu.memref_squeeze %dma_wait3A_696 : memref<1x1x1x80xi32, #tpu.memory_space<hbm>> -> memref<80xi32, #tpu.memory_space<hbm>>
      tpu.wait_dma2 semaphore(%arg32 : memref<!tpu.dma_semaphore, #tpu.memory_space<semaphore_mem>>) src(%dma_wait3A_697 : memref<80xi32, #tpu.memory_space<hbm>>) dst(%arg11 : memref<80xi32, #tpu.memory_space<vmem>>)
      %dma_wait3A_698 = arith.constant 1 : i32
      %dma_wait3A_699 = arith.constant 0 : i32
      %dma_wait3A_700 = arith.constant 0 : i32
      %dma_wait3A_701 = arith.constant 0 : i32
      %dma_wait3A_702 = tpu.memref_slice %arg3[%dma_wait3A_698, %dma_wait3A_699, %dma_wait3A_700, %dma_wait3A_701] : memref<2x32x125x80xi32, #tpu.memory_space<hbm>> -> memref<1x1x1x80xi32, #tpu.memory_space<hbm>>
      %dma_wait3A_703 = tpu.memref_squeeze %dma_wait3A_702 : memref<1x1x1x80xi32, #tpu.memory_space<hbm>> -> memref<80xi32, #tpu.memory_space<hbm>>
      %dma_wait3A_704 = arith.constant 0 : i32
      %dma_wait3A_705 = tpu.memref_slice %arg3[%dma_wait3A_698, %dma_wait3A_699, %dma_wait3A_700, %dma_wait3A_704] : memref<2x32x125x80xi32, #tpu.memory_space<hbm>> -> memref<1x1x1x80xi32, #tpu.memory_space<hbm>>
      %dma_wait3A_706 = tpu.memref_squeeze %dma_wait3A_705 : memref<1x1x1x80xi32, #tpu.memory_space<hbm>> -> memref<80xi32, #tpu.memory_space<hbm>>
      tpu.wait_dma2 semaphore(%arg40 : memref<!tpu.dma_semaphore, #tpu.memory_space<semaphore_mem>>) src(%dma_wait3A_706 : memref<80xi32, #tpu.memory_space<hbm>>) dst(%arg19 : memref<80xi32, #tpu.memory_space<vmem>>)
      %dma_start3A_707 = arith.constant 0 : i32
      %dma_start3A_708 = arith.constant 0 : i32
      %dma_start3A_709 = tpu.memref_slice %arg2[%dma_start3A_707, %dma_start3A_708] : memref<10000x128xf32, #tpu.memory_space<hbm>> -> memref<10000x128xf32, #tpu.memory_space<hbm>>
      tpu.enqueue_indirect_dma source(%dma_start3A_709 : memref<10000x128xf32, #tpu.memory_space<hbm>>) target(%arg23 : memref<80x128xf32, #tpu.memory_space<vmem>>) offsets(%arg11 : memref<80xi32, #tpu.memory_space<vmem>>) semaphore(%arg44 : memref<!tpu.dma_semaphore, #tpu.memory_space<semaphore_mem>>)
      %add3A_710 = arith.constant 2 : i32
      %add3A_711 = arith.addi %add3A_613, %add3A_710 : i32
      %dma_wait3A_712 = arith.constant 0 : i32
      %dma_wait3A_713 = arith.constant 0 : i32
      %dma_wait3A_714 = tpu.memref_slice %arg2[%dma_wait3A_712, %dma_wait3A_713] : memref<10000x128xf32, #tpu.memory_space<hbm>> -> memref<10000x128xf32, #tpu.memory_space<hbm>>
      tpu.wait_indirect_dma semaphore(%arg43 : memref<!tpu.dma_semaphore, #tpu.memory_space<semaphore_mem>>) src(%dma_wait3A_714 : memref<10000x128xf32, #tpu.memory_space<hbm>>) dst(%arg22 : memref<80x128xf32, #tpu.memory_space<vmem>>)
      %dma_start3A_715 = arith.constant 0 : i32
      %dma_start3A_716 = arith.constant 0 : i32
      %dma_start3A_717 = tpu.memref_slice %arg26[%dma_start3A_715, %dma_start3A_716] : memref<10112x128xf32, #tpu.memory_space<vmem_shared>> -> memref<10112x128xf32, #tpu.memory_space<vmem_shared>>
      tpu.enqueue_indirect_dma source(%arg22 : memref<80x128xf32, #tpu.memory_space<vmem>>) target(%dma_start3A_717 : memref<10112x128xf32, #tpu.memory_space<vmem_shared>>) offsets(%arg18 : memref<80xi32, #tpu.memory_space<vmem>>) semaphore(%arg47 : memref<!tpu.dma_semaphore, #tpu.memory_space<semaphore_mem>>) {add = true}
      %add3A_718 = arith.constant 4 : i32
      %add3A_719 = arith.addi %add3A_711, %add3A_718 : i32
      %dma_start3A_720 = arith.constant 0 : i32
      %dma_start3A_721 = arith.constant 0 : i32
      %dma_start3A_722 = tpu.memref_slice %arg3[%dma_start3A_720, %add3A, %add3A_719, %dma_start3A_721] : memref<2x32x125x80xi32, #tpu.memory_space<hbm>> -> memref<1x1x1x80xi32, #tpu.memory_space<hbm>>
      %dma_start3A_723 = tpu.memref_squeeze %dma_start3A_722 : memref<1x1x1x80xi32, #tpu.memory_space<hbm>> -> memref<80xi32, #tpu.memory_space<hbm>>
      %dma_start3A_724 = arith.constant 0 : i32
      %dma_start3A_725 = tpu.memref_slice %arg3[%dma_start3A_720, %add3A, %add3A_719, %dma_start3A_724] : memref<2x32x125x80xi32, #tpu.memory_space<hbm>> -> memref<1x1x1x80xi32, #tpu.memory_space<hbm>>
      %dma_start3A_726 = tpu.memref_squeeze %dma_start3A_725 : memref<1x1x1x80xi32, #tpu.memory_space<hbm>> -> memref<80xi32, #tpu.memory_space<hbm>>
      tpu.enqueue_dma source(%dma_start3A_726 : memref<80xi32, #tpu.memory_space<hbm>>) target(%arg6 : memref<80xi32, #tpu.memory_space<vmem>>) target_semaphore(%arg27 : memref<!tpu.dma_semaphore, #tpu.memory_space<semaphore_mem>>)
      %dma_start3A_727 = arith.constant 1 : i32
      %dma_start3A_728 = arith.constant 0 : i32
      %dma_start3A_729 = tpu.memref_slice %arg3[%dma_start3A_727, %add3A, %add3A_719, %dma_start3A_728] : memref<2x32x125x80xi32, #tpu.memory_space<hbm>> -> memref<1x1x1x80xi32, #tpu.memory_space<hbm>>
      %dma_start3A_730 = tpu.memref_squeeze %dma_start3A_729 : memref<1x1x1x80xi32, #tpu.memory_space<hbm>> -> memref<80xi32, #tpu.memory_space<hbm>>
      %dma_start3A_731 = arith.constant 0 : i32
      %dma_start3A_732 = tpu.memref_slice %arg3[%dma_start3A_727, %add3A, %add3A_719, %dma_start3A_731] : memref<2x32x125x80xi32, #tpu.memory_space<hbm>> -> memref<1x1x1x80xi32, #tpu.memory_space<hbm>>
      %dma_start3A_733 = tpu.memref_squeeze %dma_start3A_732 : memref<1x1x1x80xi32, #tpu.memory_space<hbm>> -> memref<80xi32, #tpu.memory_space<hbm>>
      tpu.enqueue_dma source(%dma_start3A_733 : memref<80xi32, #tpu.memory_space<hbm>>) target(%arg14 : memref<80xi32, #tpu.memory_space<vmem>>) target_semaphore(%arg35 : memref<!tpu.dma_semaphore, #tpu.memory_space<semaphore_mem>>)
      %dma_wait3A_734 = arith.constant 0 : i32
      %dma_wait3A_735 = arith.constant 0 : i32
      %dma_wait3A_736 = tpu.memref_slice %arg26[%dma_wait3A_734, %dma_wait3A_735] : memref<10112x128xf32, #tpu.memory_space<vmem_shared>> -> memref<10112x128xf32, #tpu.memory_space<vmem_shared>>
      tpu.wait_indirect_dma semaphore(%arg49 : memref<!tpu.dma_semaphore, #tpu.memory_space<semaphore_mem>>) src(%arg22 : memref<80x128xf32, #tpu.memory_space<vmem>>) dst(%dma_wait3A_736 : memref<10112x128xf32, #tpu.memory_space<vmem_shared>>)
      %dma_wait3A_737 = arith.constant 0 : i32
      %dma_wait3A_738 = arith.constant 0 : i32
      %dma_wait3A_739 = arith.constant 0 : i32
      %dma_wait3A_740 = arith.constant 0 : i32
      %dma_wait3A_741 = tpu.memref_slice %arg3[%dma_wait3A_737, %dma_wait3A_738, %dma_wait3A_739, %dma_wait3A_740] : memref<2x32x125x80xi32, #tpu.memory_space<hbm>> -> memref<1x1x1x80xi32, #tpu.memory_space<hbm>>
      %dma_wait3A_742 = tpu.memref_squeeze %dma_wait3A_741 : memref<1x1x1x80xi32, #tpu.memory_space<hbm>> -> memref<80xi32, #tpu.memory_space<hbm>>
      %dma_wait3A_743 = arith.constant 0 : i32
      %dma_wait3A_744 = tpu.memref_slice %arg3[%dma_wait3A_737, %dma_wait3A_738, %dma_wait3A_739, %dma_wait3A_743] : memref<2x32x125x80xi32, #tpu.memory_space<hbm>> -> memref<1x1x1x80xi32, #tpu.memory_space<hbm>>
      %dma_wait3A_745 = tpu.memref_squeeze %dma_wait3A_744 : memref<1x1x1x80xi32, #tpu.memory_space<hbm>> -> memref<80xi32, #tpu.memory_space<hbm>>
      tpu.wait_dma2 semaphore(%arg33 : memref<!tpu.dma_semaphore, #tpu.memory_space<semaphore_mem>>) src(%dma_wait3A_745 : memref<80xi32, #tpu.memory_space<hbm>>) dst(%arg12 : memref<80xi32, #tpu.memory_space<vmem>>)
      %dma_wait3A_746 = arith.constant 1 : i32
      %dma_wait3A_747 = arith.constant 0 : i32
      %dma_wait3A_748 = arith.constant 0 : i32
      %dma_wait3A_749 = arith.constant 0 : i32
      %dma_wait3A_750 = tpu.memref_slice %arg3[%dma_wait3A_746, %dma_wait3A_747, %dma_wait3A_748, %dma_wait3A_749] : memref<2x32x125x80xi32, #tpu.memory_space<hbm>> -> memref<1x1x1x80xi32, #tpu.memory_space<hbm>>
      %dma_wait3A_751 = tpu.memref_squeeze %dma_wait3A_750 : memref<1x1x1x80xi32, #tpu.memory_space<hbm>> -> memref<80xi32, #tpu.memory_space<hbm>>
      %dma_wait3A_752 = arith.constant 0 : i32
      %dma_wait3A_753 = tpu.memref_slice %arg3[%dma_wait3A_746, %dma_wait3A_747, %dma_wait3A_748, %dma_wait3A_752] : memref<2x32x125x80xi32, #tpu.memory_space<hbm>> -> memref<1x1x1x80xi32, #tpu.memory_space<hbm>>
      %dma_wait3A_754 = tpu.memref_squeeze %dma_wait3A_753 : memref<1x1x1x80xi32, #tpu.memory_space<hbm>> -> memref<80xi32, #tpu.memory_space<hbm>>
      tpu.wait_dma2 semaphore(%arg41 : memref<!tpu.dma_semaphore, #tpu.memory_space<semaphore_mem>>) src(%dma_wait3A_754 : memref<80xi32, #tpu.memory_space<hbm>>) dst(%arg20 : memref<80xi32, #tpu.memory_space<vmem>>)
      %dma_start3A_755 = arith.constant 0 : i32
      %dma_start3A_756 = arith.constant 0 : i32
      %dma_start3A_757 = tpu.memref_slice %arg2[%dma_start3A_755, %dma_start3A_756] : memref<10000x128xf32, #tpu.memory_space<hbm>> -> memref<10000x128xf32, #tpu.memory_space<hbm>>
      tpu.enqueue_indirect_dma source(%dma_start3A_757 : memref<10000x128xf32, #tpu.memory_space<hbm>>) target(%arg24 : memref<80x128xf32, #tpu.memory_space<vmem>>) offsets(%arg12 : memref<80xi32, #tpu.memory_space<vmem>>) semaphore(%arg45 : memref<!tpu.dma_semaphore, #tpu.memory_space<semaphore_mem>>)
      %add3A_758 = arith.constant 3 : i32
      %add3A_759 = arith.addi %add3A_613, %add3A_758 : i32
      %dma_wait3A_760 = arith.constant 0 : i32
      %dma_wait3A_761 = arith.constant 0 : i32
      %dma_wait3A_762 = tpu.memref_slice %arg2[%dma_wait3A_760, %dma_wait3A_761] : memref<10000x128xf32, #tpu.memory_space<hbm>> -> memref<10000x128xf32, #tpu.memory_space<hbm>>
      tpu.wait_indirect_dma semaphore(%arg44 : memref<!tpu.dma_semaphore, #tpu.memory_space<semaphore_mem>>) src(%dma_wait3A_762 : memref<10000x128xf32, #tpu.memory_space<hbm>>) dst(%arg23 : memref<80x128xf32, #tpu.memory_space<vmem>>)
      %dma_start3A_763 = arith.constant 0 : i32
      %dma_start3A_764 = arith.constant 0 : i32
      %dma_start3A_765 = tpu.memref_slice %arg26[%dma_start3A_763, %dma_start3A_764] : memref<10112x128xf32, #tpu.memory_space<vmem_shared>> -> memref<10112x128xf32, #tpu.memory_space<vmem_shared>>
      tpu.enqueue_indirect_dma source(%arg23 : memref<80x128xf32, #tpu.memory_space<vmem>>) target(%dma_start3A_765 : memref<10112x128xf32, #tpu.memory_space<vmem_shared>>) offsets(%arg19 : memref<80xi32, #tpu.memory_space<vmem>>) semaphore(%arg48 : memref<!tpu.dma_semaphore, #tpu.memory_space<semaphore_mem>>) {add = true}
      %add3A_766 = arith.constant 4 : i32
      %add3A_767 = arith.addi %add3A_759, %add3A_766 : i32
      %dma_start3A_768 = arith.constant 0 : i32
      %dma_start3A_769 = arith.constant 0 : i32
      %dma_start3A_770 = tpu.memref_slice %arg3[%dma_start3A_768, %add3A, %add3A_767, %dma_start3A_769] : memref<2x32x125x80xi32, #tpu.memory_space<hbm>> -> memref<1x1x1x80xi32, #tpu.memory_space<hbm>>
      %dma_start3A_771 = tpu.memref_squeeze %dma_start3A_770 : memref<1x1x1x80xi32, #tpu.memory_space<hbm>> -> memref<80xi32, #tpu.memory_space<hbm>>
      %dma_start3A_772 = arith.constant 0 : i32
      %dma_start3A_773 = tpu.memref_slice %arg3[%dma_start3A_768, %add3A, %add3A_767, %dma_start3A_772] : memref<2x32x125x80xi32, #tpu.memory_space<hbm>> -> memref<1x1x1x80xi32, #tpu.memory_space<hbm>>
      %dma_start3A_774 = tpu.memref_squeeze %dma_start3A_773 : memref<1x1x1x80xi32, #tpu.memory_space<hbm>> -> memref<80xi32, #tpu.memory_space<hbm>>
      tpu.enqueue_dma source(%dma_start3A_774 : memref<80xi32, #tpu.memory_space<hbm>>) target(%arg7 : memref<80xi32, #tpu.memory_space<vmem>>) target_semaphore(%arg28 : memref<!tpu.dma_semaphore, #tpu.memory_space<semaphore_mem>>)
      %dma_start3A_775 = arith.constant 1 : i32
      %dma_start3A_776 = arith.constant 0 : i32
      %dma_start3A_777 = tpu.memref_slice %arg3[%dma_start3A_775, %add3A, %add3A_767, %dma_start3A_776] : memref<2x32x125x80xi32, #tpu.memory_space<hbm>> -> memref<1x1x1x80xi32, #tpu.memory_space<hbm>>
      %dma_start3A_778 = tpu.memref_squeeze %dma_start3A_777 : memref<1x1x1x80xi32, #tpu.memory_space<hbm>> -> memref<80xi32, #tpu.memory_space<hbm>>
      %dma_start3A_779 = arith.constant 0 : i32
      %dma_start3A_780 = tpu.memref_slice %arg3[%dma_start3A_775, %add3A, %add3A_767, %dma_start3A_779] : memref<2x32x125x80xi32, #tpu.memory_space<hbm>> -> memref<1x1x1x80xi32, #tpu.memory_space<hbm>>
      %dma_start3A_781 = tpu.memref_squeeze %dma_start3A_780 : memref<1x1x1x80xi32, #tpu.memory_space<hbm>> -> memref<80xi32, #tpu.memory_space<hbm>>
      tpu.enqueue_dma source(%dma_start3A_781 : memref<80xi32, #tpu.memory_space<hbm>>) target(%arg15 : memref<80xi32, #tpu.memory_space<vmem>>) target_semaphore(%arg36 : memref<!tpu.dma_semaphore, #tpu.memory_space<semaphore_mem>>)
      %dma_wait3A_782 = arith.constant 0 : i32
      %dma_wait3A_783 = arith.constant 0 : i32
      %dma_wait3A_784 = tpu.memref_slice %arg26[%dma_wait3A_782, %dma_wait3A_783] : memref<10112x128xf32, #tpu.memory_space<vmem_shared>> -> memref<10112x128xf32, #tpu.memory_space<vmem_shared>>
      tpu.wait_indirect_dma semaphore(%arg50 : memref<!tpu.dma_semaphore, #tpu.memory_space<semaphore_mem>>) src(%arg22 : memref<80x128xf32, #tpu.memory_space<vmem>>) dst(%dma_wait3A_784 : memref<10112x128xf32, #tpu.memory_space<vmem_shared>>)
      %dma_wait3A_785 = arith.constant 0 : i32
      %dma_wait3A_786 = arith.constant 0 : i32
      %dma_wait3A_787 = arith.constant 0 : i32
      %dma_wait3A_788 = arith.constant 0 : i32
      %dma_wait3A_789 = tpu.memref_slice %arg3[%dma_wait3A_785, %dma_wait3A_786, %dma_wait3A_787, %dma_wait3A_788] : memref<2x32x125x80xi32, #tpu.memory_space<hbm>> -> memref<1x1x1x80xi32, #tpu.memory_space<hbm>>
      %dma_wait3A_790 = tpu.memref_squeeze %dma_wait3A_789 : memref<1x1x1x80xi32, #tpu.memory_space<hbm>> -> memref<80xi32, #tpu.memory_space<hbm>>
      %dma_wait3A_791 = arith.constant 0 : i32
      %dma_wait3A_792 = tpu.memref_slice %arg3[%dma_wait3A_785, %dma_wait3A_786, %dma_wait3A_787, %dma_wait3A_791] : memref<2x32x125x80xi32, #tpu.memory_space<hbm>> -> memref<1x1x1x80xi32, #tpu.memory_space<hbm>>
      %dma_wait3A_793 = tpu.memref_squeeze %dma_wait3A_792 : memref<1x1x1x80xi32, #tpu.memory_space<hbm>> -> memref<80xi32, #tpu.memory_space<hbm>>
      tpu.wait_dma2 semaphore(%arg34 : memref<!tpu.dma_semaphore, #tpu.memory_space<semaphore_mem>>) src(%dma_wait3A_793 : memref<80xi32, #tpu.memory_space<hbm>>) dst(%arg13 : memref<80xi32, #tpu.memory_space<vmem>>)
      %dma_wait3A_794 = arith.constant 1 : i32
      %dma_wait3A_795 = arith.constant 0 : i32
      %dma_wait3A_796 = arith.constant 0 : i32
      %dma_wait3A_797 = arith.constant 0 : i32
      %dma_wait3A_798 = tpu.memref_slice %arg3[%dma_wait3A_794, %dma_wait3A_795, %dma_wait3A_796, %dma_wait3A_797] : memref<2x32x125x80xi32, #tpu.memory_space<hbm>> -> memref<1x1x1x80xi32, #tpu.memory_space<hbm>>
      %dma_wait3A_799 = tpu.memref_squeeze %dma_wait3A_798 : memref<1x1x1x80xi32, #tpu.memory_space<hbm>> -> memref<80xi32, #tpu.memory_space<hbm>>
      %dma_wait3A_800 = arith.constant 0 : i32
      %dma_wait3A_801 = tpu.memref_slice %arg3[%dma_wait3A_794, %dma_wait3A_795, %dma_wait3A_796, %dma_wait3A_800] : memref<2x32x125x80xi32, #tpu.memory_space<hbm>> -> memref<1x1x1x80xi32, #tpu.memory_space<hbm>>
      %dma_wait3A_802 = tpu.memref_squeeze %dma_wait3A_801 : memref<1x1x1x80xi32, #tpu.memory_space<hbm>> -> memref<80xi32, #tpu.memory_space<hbm>>
      tpu.wait_dma2 semaphore(%arg42 : memref<!tpu.dma_semaphore, #tpu.memory_space<semaphore_mem>>) src(%dma_wait3A_802 : memref<80xi32, #tpu.memory_space<hbm>>) dst(%arg21 : memref<80xi32, #tpu.memory_space<vmem>>)
      %dma_start3A_803 = arith.constant 0 : i32
      %dma_start3A_804 = arith.constant 0 : i32
      %dma_start3A_805 = tpu.memref_slice %arg2[%dma_start3A_803, %dma_start3A_804] : memref<10000x128xf32, #tpu.memory_space<hbm>> -> memref<10000x128xf32, #tpu.memory_space<hbm>>
      tpu.enqueue_indirect_dma source(%dma_start3A_805 : memref<10000x128xf32, #tpu.memory_space<hbm>>) target(%arg25 : memref<80x128xf32, #tpu.memory_space<vmem>>) offsets(%arg13 : memref<80xi32, #tpu.memory_space<vmem>>) semaphore(%arg46 : memref<!tpu.dma_semaphore, #tpu.memory_space<semaphore_mem>>)
      %add3A_806 = arith.constant 4 : i32
      %add3A_807 = arith.addi %add3A_613, %add3A_806 : i32
      %dma_wait3A_808 = arith.constant 0 : i32
      %dma_wait3A_809 = arith.constant 0 : i32
      %dma_wait3A_810 = tpu.memref_slice %arg2[%dma_wait3A_808, %dma_wait3A_809] : memref<10000x128xf32, #tpu.memory_space<hbm>> -> memref<10000x128xf32, #tpu.memory_space<hbm>>
      tpu.wait_indirect_dma semaphore(%arg45 : memref<!tpu.dma_semaphore, #tpu.memory_space<semaphore_mem>>) src(%dma_wait3A_810 : memref<10000x128xf32, #tpu.memory_space<hbm>>) dst(%arg24 : memref<80x128xf32, #tpu.memory_space<vmem>>)
      %dma_start3A_811 = arith.constant 0 : i32
      %dma_start3A_812 = arith.constant 0 : i32
      %dma_start3A_813 = tpu.memref_slice %arg26[%dma_start3A_811, %dma_start3A_812] : memref<10112x128xf32, #tpu.memory_space<vmem_shared>> -> memref<10112x128xf32, #tpu.memory_space<vmem_shared>>
      tpu.enqueue_indirect_dma source(%arg24 : memref<80x128xf32, #tpu.memory_space<vmem>>) target(%dma_start3A_813 : memref<10112x128xf32, #tpu.memory_space<vmem_shared>>) offsets(%arg20 : memref<80xi32, #tpu.memory_space<vmem>>) semaphore(%arg49 : memref<!tpu.dma_semaphore, #tpu.memory_space<semaphore_mem>>) {add = true}
      %add3A_814 = arith.constant 4 : i32
      %add3A_815 = arith.addi %add3A_807, %add3A_814 : i32
      %dma_start3A_816 = arith.constant 0 : i32
      %dma_start3A_817 = arith.constant 0 : i32
      %dma_start3A_818 = tpu.memref_slice %arg3[%dma_start3A_816, %add3A, %add3A_815, %dma_start3A_817] : memref<2x32x125x80xi32, #tpu.memory_space<hbm>> -> memref<1x1x1x80xi32, #tpu.memory_space<hbm>>
      %dma_start3A_819 = tpu.memref_squeeze %dma_start3A_818 : memref<1x1x1x80xi32, #tpu.memory_space<hbm>> -> memref<80xi32, #tpu.memory_space<hbm>>
      %dma_start3A_820 = arith.constant 0 : i32
      %dma_start3A_821 = tpu.memref_slice %arg3[%dma_start3A_816, %add3A, %add3A_815, %dma_start3A_820] : memref<2x32x125x80xi32, #tpu.memory_space<hbm>> -> memref<1x1x1x80xi32, #tpu.memory_space<hbm>>
      %dma_start3A_822 = tpu.memref_squeeze %dma_start3A_821 : memref<1x1x1x80xi32, #tpu.memory_space<hbm>> -> memref<80xi32, #tpu.memory_space<hbm>>
      tpu.enqueue_dma source(%dma_start3A_822 : memref<80xi32, #tpu.memory_space<hbm>>) target(%arg8 : memref<80xi32, #tpu.memory_space<vmem>>) target_semaphore(%arg29 : memref<!tpu.dma_semaphore, #tpu.memory_space<semaphore_mem>>)
      %dma_start3A_823 = arith.constant 1 : i32
      %dma_start3A_824 = arith.constant 0 : i32
      %dma_start3A_825 = tpu.memref_slice %arg3[%dma_start3A_823, %add3A, %add3A_815, %dma_start3A_824] : memref<2x32x125x80xi32, #tpu.memory_space<hbm>> -> memref<1x1x1x80xi32, #tpu.memory_space<hbm>>
      %dma_start3A_826 = tpu.memref_squeeze %dma_start3A_825 : memref<1x1x1x80xi32, #tpu.memory_space<hbm>> -> memref<80xi32, #tpu.memory_space<hbm>>
      %dma_start3A_827 = arith.constant 0 : i32
      %dma_start3A_828 = tpu.memref_slice %arg3[%dma_start3A_823, %add3A, %add3A_815, %dma_start3A_827] : memref<2x32x125x80xi32, #tpu.memory_space<hbm>> -> memref<1x1x1x80xi32, #tpu.memory_space<hbm>>
      %dma_start3A_829 = tpu.memref_squeeze %dma_start3A_828 : memref<1x1x1x80xi32, #tpu.memory_space<hbm>> -> memref<80xi32, #tpu.memory_space<hbm>>
      tpu.enqueue_dma source(%dma_start3A_829 : memref<80xi32, #tpu.memory_space<hbm>>) target(%arg16 : memref<80xi32, #tpu.memory_space<vmem>>) target_semaphore(%arg37 : memref<!tpu.dma_semaphore, #tpu.memory_space<semaphore_mem>>)
      %dma_wait3A_830 = arith.constant 0 : i32
      %dma_wait3A_831 = arith.constant 0 : i32
      %dma_wait3A_832 = tpu.memref_slice %arg26[%dma_wait3A_830, %dma_wait3A_831] : memref<10112x128xf32, #tpu.memory_space<vmem_shared>> -> memref<10112x128xf32, #tpu.memory_space<vmem_shared>>
      tpu.wait_indirect_dma semaphore(%arg47 : memref<!tpu.dma_semaphore, #tpu.memory_space<semaphore_mem>>) src(%arg22 : memref<80x128xf32, #tpu.memory_space<vmem>>) dst(%dma_wait3A_832 : memref<10112x128xf32, #tpu.memory_space<vmem_shared>>)
      %dma_wait3A_833 = arith.constant 0 : i32
      %dma_wait3A_834 = arith.constant 0 : i32
      %dma_wait3A_835 = arith.constant 0 : i32
      %dma_wait3A_836 = arith.constant 0 : i32
      %dma_wait3A_837 = tpu.memref_slice %arg3[%dma_wait3A_833, %dma_wait3A_834, %dma_wait3A_835, %dma_wait3A_836] : memref<2x32x125x80xi32, #tpu.memory_space<hbm>> -> memref<1x1x1x80xi32, #tpu.memory_space<hbm>>
      %dma_wait3A_838 = tpu.memref_squeeze %dma_wait3A_837 : memref<1x1x1x80xi32, #tpu.memory_space<hbm>> -> memref<80xi32, #tpu.memory_space<hbm>>
      %dma_wait3A_839 = arith.constant 0 : i32
      %dma_wait3A_840 = tpu.memref_slice %arg3[%dma_wait3A_833, %dma_wait3A_834, %dma_wait3A_835, %dma_wait3A_839] : memref<2x32x125x80xi32, #tpu.memory_space<hbm>> -> memref<1x1x1x80xi32, #tpu.memory_space<hbm>>
      %dma_wait3A_841 = tpu.memref_squeeze %dma_wait3A_840 : memref<1x1x1x80xi32, #tpu.memory_space<hbm>> -> memref<80xi32, #tpu.memory_space<hbm>>
      tpu.wait_dma2 semaphore(%arg27 : memref<!tpu.dma_semaphore, #tpu.memory_space<semaphore_mem>>) src(%dma_wait3A_841 : memref<80xi32, #tpu.memory_space<hbm>>) dst(%arg6 : memref<80xi32, #tpu.memory_space<vmem>>)
      %dma_wait3A_842 = arith.constant 1 : i32
      %dma_wait3A_843 = arith.constant 0 : i32
      %dma_wait3A_844 = arith.constant 0 : i32
      %dma_wait3A_845 = arith.constant 0 : i32
      %dma_wait3A_846 = tpu.memref_slice %arg3[%dma_wait3A_842, %dma_wait3A_843, %dma_wait3A_844, %dma_wait3A_845] : memref<2x32x125x80xi32, #tpu.memory_space<hbm>> -> memref<1x1x1x80xi32, #tpu.memory_space<hbm>>
      %dma_wait3A_847 = tpu.memref_squeeze %dma_wait3A_846 : memref<1x1x1x80xi32, #tpu.memory_space<hbm>> -> memref<80xi32, #tpu.memory_space<hbm>>
      %dma_wait3A_848 = arith.constant 0 : i32
      %dma_wait3A_849 = tpu.memref_slice %arg3[%dma_wait3A_842, %dma_wait3A_843, %dma_wait3A_844, %dma_wait3A_848] : memref<2x32x125x80xi32, #tpu.memory_space<hbm>> -> memref<1x1x1x80xi32, #tpu.memory_space<hbm>>
      %dma_wait3A_850 = tpu.memref_squeeze %dma_wait3A_849 : memref<1x1x1x80xi32, #tpu.memory_space<hbm>> -> memref<80xi32, #tpu.memory_space<hbm>>
      tpu.wait_dma2 semaphore(%arg35 : memref<!tpu.dma_semaphore, #tpu.memory_space<semaphore_mem>>) src(%dma_wait3A_850 : memref<80xi32, #tpu.memory_space<hbm>>) dst(%arg14 : memref<80xi32, #tpu.memory_space<vmem>>)
      %dma_start3A_851 = arith.constant 0 : i32
      %dma_start3A_852 = arith.constant 0 : i32
      %dma_start3A_853 = tpu.memref_slice %arg2[%dma_start3A_851, %dma_start3A_852] : memref<10000x128xf32, #tpu.memory_space<hbm>> -> memref<10000x128xf32, #tpu.memory_space<hbm>>
      tpu.enqueue_indirect_dma source(%dma_start3A_853 : memref<10000x128xf32, #tpu.memory_space<hbm>>) target(%arg22 : memref<80x128xf32, #tpu.memory_space<vmem>>) offsets(%arg6 : memref<80xi32, #tpu.memory_space<vmem>>) semaphore(%arg43 : memref<!tpu.dma_semaphore, #tpu.memory_space<semaphore_mem>>)
      %add3A_854 = arith.constant 5 : i32
      %add3A_855 = arith.addi %add3A_613, %add3A_854 : i32
      %dma_wait3A_856 = arith.constant 0 : i32
      %dma_wait3A_857 = arith.constant 0 : i32
      %dma_wait3A_858 = tpu.memref_slice %arg2[%dma_wait3A_856, %dma_wait3A_857] : memref<10000x128xf32, #tpu.memory_space<hbm>> -> memref<10000x128xf32, #tpu.memory_space<hbm>>
      tpu.wait_indirect_dma semaphore(%arg46 : memref<!tpu.dma_semaphore, #tpu.memory_space<semaphore_mem>>) src(%dma_wait3A_858 : memref<10000x128xf32, #tpu.memory_space<hbm>>) dst(%arg25 : memref<80x128xf32, #tpu.memory_space<vmem>>)
      %dma_start3A_859 = arith.constant 0 : i32
      %dma_start3A_860 = arith.constant 0 : i32
      %dma_start3A_861 = tpu.memref_slice %arg26[%dma_start3A_859, %dma_start3A_860] : memref<10112x128xf32, #tpu.memory_space<vmem_shared>> -> memref<10112x128xf32, #tpu.memory_space<vmem_shared>>
      tpu.enqueue_indirect_dma source(%arg25 : memref<80x128xf32, #tpu.memory_space<vmem>>) target(%dma_start3A_861 : memref<10112x128xf32, #tpu.memory_space<vmem_shared>>) offsets(%arg21 : memref<80xi32, #tpu.memory_space<vmem>>) semaphore(%arg50 : memref<!tpu.dma_semaphore, #tpu.memory_space<semaphore_mem>>) {add = true}
      %add3A_862 = arith.constant 4 : i32
      %add3A_863 = arith.addi %add3A_855, %add3A_862 : i32
      %dma_start3A_864 = arith.constant 0 : i32
      %dma_start3A_865 = arith.constant 0 : i32
      %dma_start3A_866 = tpu.memref_slice %arg3[%dma_start3A_864, %add3A, %add3A_863, %dma_start3A_865] : memref<2x32x125x80xi32, #tpu.memory_space<hbm>> -> memref<1x1x1x80xi32, #tpu.memory_space<hbm>>
      %dma_start3A_867 = tpu.memref_squeeze %dma_start3A_866 : memref<1x1x1x80xi32, #tpu.memory_space<hbm>> -> memref<80xi32, #tpu.memory_space<hbm>>
      %dma_start3A_868 = arith.constant 0 : i32
      %dma_start3A_869 = tpu.memref_slice %arg3[%dma_start3A_864, %add3A, %add3A_863, %dma_start3A_868] : memref<2x32x125x80xi32, #tpu.memory_space<hbm>> -> memref<1x1x1x80xi32, #tpu.memory_space<hbm>>
      %dma_start3A_870 = tpu.memref_squeeze %dma_start3A_869 : memref<1x1x1x80xi32, #tpu.memory_space<hbm>> -> memref<80xi32, #tpu.memory_space<hbm>>
      tpu.enqueue_dma source(%dma_start3A_870 : memref<80xi32, #tpu.memory_space<hbm>>) target(%arg9 : memref<80xi32, #tpu.memory_space<vmem>>) target_semaphore(%arg30 : memref<!tpu.dma_semaphore, #tpu.memory_space<semaphore_mem>>)
      %dma_start3A_871 = arith.constant 1 : i32
      %dma_start3A_872 = arith.constant 0 : i32
      %dma_start3A_873 = tpu.memref_slice %arg3[%dma_start3A_871, %add3A, %add3A_863, %dma_start3A_872] : memref<2x32x125x80xi32, #tpu.memory_space<hbm>> -> memref<1x1x1x80xi32, #tpu.memory_space<hbm>>
      %dma_start3A_874 = tpu.memref_squeeze %dma_start3A_873 : memref<1x1x1x80xi32, #tpu.memory_space<hbm>> -> memref<80xi32, #tpu.memory_space<hbm>>
      %dma_start3A_875 = arith.constant 0 : i32
      %dma_start3A_876 = tpu.memref_slice %arg3[%dma_start3A_871, %add3A, %add3A_863, %dma_start3A_875] : memref<2x32x125x80xi32, #tpu.memory_space<hbm>> -> memref<1x1x1x80xi32, #tpu.memory_space<hbm>>
      %dma_start3A_877 = tpu.memref_squeeze %dma_start3A_876 : memref<1x1x1x80xi32, #tpu.memory_space<hbm>> -> memref<80xi32, #tpu.memory_space<hbm>>
      tpu.enqueue_dma source(%dma_start3A_877 : memref<80xi32, #tpu.memory_space<hbm>>) target(%arg17 : memref<80xi32, #tpu.memory_space<vmem>>) target_semaphore(%arg38 : memref<!tpu.dma_semaphore, #tpu.memory_space<semaphore_mem>>)
      %dma_wait3A_878 = arith.constant 0 : i32
      %dma_wait3A_879 = arith.constant 0 : i32
      %dma_wait3A_880 = tpu.memref_slice %arg26[%dma_wait3A_878, %dma_wait3A_879] : memref<10112x128xf32, #tpu.memory_space<vmem_shared>> -> memref<10112x128xf32, #tpu.memory_space<vmem_shared>>
      tpu.wait_indirect_dma semaphore(%arg48 : memref<!tpu.dma_semaphore, #tpu.memory_space<semaphore_mem>>) src(%arg22 : memref<80x128xf32, #tpu.memory_space<vmem>>) dst(%dma_wait3A_880 : memref<10112x128xf32, #tpu.memory_space<vmem_shared>>)
      %dma_wait3A_881 = arith.constant 0 : i32
      %dma_wait3A_882 = arith.constant 0 : i32
      %dma_wait3A_883 = arith.constant 0 : i32
      %dma_wait3A_884 = arith.constant 0 : i32
      %dma_wait3A_885 = tpu.memref_slice %arg3[%dma_wait3A_881, %dma_wait3A_882, %dma_wait3A_883, %dma_wait3A_884] : memref<2x32x125x80xi32, #tpu.memory_space<hbm>> -> memref<1x1x1x80xi32, #tpu.memory_space<hbm>>
      %dma_wait3A_886 = tpu.memref_squeeze %dma_wait3A_885 : memref<1x1x1x80xi32, #tpu.memory_space<hbm>> -> memref<80xi32, #tpu.memory_space<hbm>>
      %dma_wait3A_887 = arith.constant 0 : i32
      %dma_wait3A_888 = tpu.memref_slice %arg3[%dma_wait3A_881, %dma_wait3A_882, %dma_wait3A_883, %dma_wait3A_887] : memref<2x32x125x80xi32, #tpu.memory_space<hbm>> -> memref<1x1x1x80xi32, #tpu.memory_space<hbm>>
      %dma_wait3A_889 = tpu.memref_squeeze %dma_wait3A_888 : memref<1x1x1x80xi32, #tpu.memory_space<hbm>> -> memref<80xi32, #tpu.memory_space<hbm>>
      tpu.wait_dma2 semaphore(%arg28 : memref<!tpu.dma_semaphore, #tpu.memory_space<semaphore_mem>>) src(%dma_wait3A_889 : memref<80xi32, #tpu.memory_space<hbm>>) dst(%arg7 : memref<80xi32, #tpu.memory_space<vmem>>)
      %dma_wait3A_890 = arith.constant 1 : i32
      %dma_wait3A_891 = arith.constant 0 : i32
      %dma_wait3A_892 = arith.constant 0 : i32
      %dma_wait3A_893 = arith.constant 0 : i32
      %dma_wait3A_894 = tpu.memref_slice %arg3[%dma_wait3A_890, %dma_wait3A_891, %dma_wait3A_892, %dma_wait3A_893] : memref<2x32x125x80xi32, #tpu.memory_space<hbm>> -> memref<1x1x1x80xi32, #tpu.memory_space<hbm>>
      %dma_wait3A_895 = tpu.memref_squeeze %dma_wait3A_894 : memref<1x1x1x80xi32, #tpu.memory_space<hbm>> -> memref<80xi32, #tpu.memory_space<hbm>>
      %dma_wait3A_896 = arith.constant 0 : i32
      %dma_wait3A_897 = tpu.memref_slice %arg3[%dma_wait3A_890, %dma_wait3A_891, %dma_wait3A_892, %dma_wait3A_896] : memref<2x32x125x80xi32, #tpu.memory_space<hbm>> -> memref<1x1x1x80xi32, #tpu.memory_space<hbm>>
      %dma_wait3A_898 = tpu.memref_squeeze %dma_wait3A_897 : memref<1x1x1x80xi32, #tpu.memory_space<hbm>> -> memref<80xi32, #tpu.memory_space<hbm>>
      tpu.wait_dma2 semaphore(%arg36 : memref<!tpu.dma_semaphore, #tpu.memory_space<semaphore_mem>>) src(%dma_wait3A_898 : memref<80xi32, #tpu.memory_space<hbm>>) dst(%arg15 : memref<80xi32, #tpu.memory_space<vmem>>)
      %dma_start3A_899 = arith.constant 0 : i32
      %dma_start3A_900 = arith.constant 0 : i32
      %dma_start3A_901 = tpu.memref_slice %arg2[%dma_start3A_899, %dma_start3A_900] : memref<10000x128xf32, #tpu.memory_space<hbm>> -> memref<10000x128xf32, #tpu.memory_space<hbm>>
      tpu.enqueue_indirect_dma source(%dma_start3A_901 : memref<10000x128xf32, #tpu.memory_space<hbm>>) target(%arg23 : memref<80x128xf32, #tpu.memory_space<vmem>>) offsets(%arg7 : memref<80xi32, #tpu.memory_space<vmem>>) semaphore(%arg44 : memref<!tpu.dma_semaphore, #tpu.memory_space<semaphore_mem>>)
      %add3A_902 = arith.constant 6 : i32
      %add3A_903 = arith.addi %add3A_613, %add3A_902 : i32
      %dma_wait3A_904 = arith.constant 0 : i32
      %dma_wait3A_905 = arith.constant 0 : i32
      %dma_wait3A_906 = tpu.memref_slice %arg2[%dma_wait3A_904, %dma_wait3A_905] : memref<10000x128xf32, #tpu.memory_space<hbm>> -> memref<10000x128xf32, #tpu.memory_space<hbm>>
      tpu.wait_indirect_dma semaphore(%arg43 : memref<!tpu.dma_semaphore, #tpu.memory_space<semaphore_mem>>) src(%dma_wait3A_906 : memref<10000x128xf32, #tpu.memory_space<hbm>>) dst(%arg22 : memref<80x128xf32, #tpu.memory_space<vmem>>)
      %dma_start3A_907 = arith.constant 0 : i32
      %dma_start3A_908 = arith.constant 0 : i32
      %dma_start3A_909 = tpu.memref_slice %arg26[%dma_start3A_907, %dma_start3A_908] : memref<10112x128xf32, #tpu.memory_space<vmem_shared>> -> memref<10112x128xf32, #tpu.memory_space<vmem_shared>>
      tpu.enqueue_indirect_dma source(%arg22 : memref<80x128xf32, #tpu.memory_space<vmem>>) target(%dma_start3A_909 : memref<10112x128xf32, #tpu.memory_space<vmem_shared>>) offsets(%arg14 : memref<80xi32, #tpu.memory_space<vmem>>) semaphore(%arg47 : memref<!tpu.dma_semaphore, #tpu.memory_space<semaphore_mem>>) {add = true}
      %add3A_910 = arith.constant 4 : i32
      %add3A_911 = arith.addi %add3A_903, %add3A_910 : i32
      %dma_start3A_912 = arith.constant 0 : i32
      %dma_start3A_913 = arith.constant 0 : i32
      %dma_start3A_914 = tpu.memref_slice %arg3[%dma_start3A_912, %add3A, %add3A_911, %dma_start3A_913] : memref<2x32x125x80xi32, #tpu.memory_space<hbm>> -> memref<1x1x1x80xi32, #tpu.memory_space<hbm>>
      %dma_start3A_915 = tpu.memref_squeeze %dma_start3A_914 : memref<1x1x1x80xi32, #tpu.memory_space<hbm>> -> memref<80xi32, #tpu.memory_space<hbm>>
      %dma_start3A_916 = arith.constant 0 : i32
      %dma_start3A_917 = tpu.memref_slice %arg3[%dma_start3A_912, %add3A, %add3A_911, %dma_start3A_916] : memref<2x32x125x80xi32, #tpu.memory_space<hbm>> -> memref<1x1x1x80xi32, #tpu.memory_space<hbm>>
      %dma_start3A_918 = tpu.memref_squeeze %dma_start3A_917 : memref<1x1x1x80xi32, #tpu.memory_space<hbm>> -> memref<80xi32, #tpu.memory_space<hbm>>
      tpu.enqueue_dma source(%dma_start3A_918 : memref<80xi32, #tpu.memory_space<hbm>>) target(%arg10 : memref<80xi32, #tpu.memory_space<vmem>>) target_semaphore(%arg31 : memref<!tpu.dma_semaphore, #tpu.memory_space<semaphore_mem>>)
      %dma_start3A_919 = arith.constant 1 : i32
      %dma_start3A_920 = arith.constant 0 : i32
      %dma_start3A_921 = tpu.memref_slice %arg3[%dma_start3A_919, %add3A, %add3A_911, %dma_start3A_920] : memref<2x32x125x80xi32, #tpu.memory_space<hbm>> -> memref<1x1x1x80xi32, #tpu.memory_space<hbm>>
      %dma_start3A_922 = tpu.memref_squeeze %dma_start3A_921 : memref<1x1x1x80xi32, #tpu.memory_space<hbm>> -> memref<80xi32, #tpu.memory_space<hbm>>
      %dma_start3A_923 = arith.constant 0 : i32
      %dma_start3A_924 = tpu.memref_slice %arg3[%dma_start3A_919, %add3A, %add3A_911, %dma_start3A_923] : memref<2x32x125x80xi32, #tpu.memory_space<hbm>> -> memref<1x1x1x80xi32, #tpu.memory_space<hbm>>
      %dma_start3A_925 = tpu.memref_squeeze %dma_start3A_924 : memref<1x1x1x80xi32, #tpu.memory_space<hbm>> -> memref<80xi32, #tpu.memory_space<hbm>>
      tpu.enqueue_dma source(%dma_start3A_925 : memref<80xi32, #tpu.memory_space<hbm>>) target(%arg18 : memref<80xi32, #tpu.memory_space<vmem>>) target_semaphore(%arg39 : memref<!tpu.dma_semaphore, #tpu.memory_space<semaphore_mem>>)
      %dma_wait3A_926 = arith.constant 0 : i32
      %dma_wait3A_927 = arith.constant 0 : i32
      %dma_wait3A_928 = tpu.memref_slice %arg26[%dma_wait3A_926, %dma_wait3A_927] : memref<10112x128xf32, #tpu.memory_space<vmem_shared>> -> memref<10112x128xf32, #tpu.memory_space<vmem_shared>>
      tpu.wait_indirect_dma semaphore(%arg49 : memref<!tpu.dma_semaphore, #tpu.memory_space<semaphore_mem>>) src(%arg22 : memref<80x128xf32, #tpu.memory_space<vmem>>) dst(%dma_wait3A_928 : memref<10112x128xf32, #tpu.memory_space<vmem_shared>>)
      %dma_wait3A_929 = arith.constant 0 : i32
      %dma_wait3A_930 = arith.constant 0 : i32
      %dma_wait3A_931 = arith.constant 0 : i32
      %dma_wait3A_932 = arith.constant 0 : i32
      %dma_wait3A_933 = tpu.memref_slice %arg3[%dma_wait3A_929, %dma_wait3A_930, %dma_wait3A_931, %dma_wait3A_932] : memref<2x32x125x80xi32, #tpu.memory_space<hbm>> -> memref<1x1x1x80xi32, #tpu.memory_space<hbm>>
      %dma_wait3A_934 = tpu.memref_squeeze %dma_wait3A_933 : memref<1x1x1x80xi32, #tpu.memory_space<hbm>> -> memref<80xi32, #tpu.memory_space<hbm>>
      %dma_wait3A_935 = arith.constant 0 : i32
      %dma_wait3A_936 = tpu.memref_slice %arg3[%dma_wait3A_929, %dma_wait3A_930, %dma_wait3A_931, %dma_wait3A_935] : memref<2x32x125x80xi32, #tpu.memory_space<hbm>> -> memref<1x1x1x80xi32, #tpu.memory_space<hbm>>
      %dma_wait3A_937 = tpu.memref_squeeze %dma_wait3A_936 : memref<1x1x1x80xi32, #tpu.memory_space<hbm>> -> memref<80xi32, #tpu.memory_space<hbm>>
      tpu.wait_dma2 semaphore(%arg29 : memref<!tpu.dma_semaphore, #tpu.memory_space<semaphore_mem>>) src(%dma_wait3A_937 : memref<80xi32, #tpu.memory_space<hbm>>) dst(%arg8 : memref<80xi32, #tpu.memory_space<vmem>>)
      %dma_wait3A_938 = arith.constant 1 : i32
      %dma_wait3A_939 = arith.constant 0 : i32
      %dma_wait3A_940 = arith.constant 0 : i32
      %dma_wait3A_941 = arith.constant 0 : i32
      %dma_wait3A_942 = tpu.memref_slice %arg3[%dma_wait3A_938, %dma_wait3A_939, %dma_wait3A_940, %dma_wait3A_941] : memref<2x32x125x80xi32, #tpu.memory_space<hbm>> -> memref<1x1x1x80xi32, #tpu.memory_space<hbm>>
      %dma_wait3A_943 = tpu.memref_squeeze %dma_wait3A_942 : memref<1x1x1x80xi32, #tpu.memory_space<hbm>> -> memref<80xi32, #tpu.memory_space<hbm>>
      %dma_wait3A_944 = arith.constant 0 : i32
      %dma_wait3A_945 = tpu.memref_slice %arg3[%dma_wait3A_938, %dma_wait3A_939, %dma_wait3A_940, %dma_wait3A_944] : memref<2x32x125x80xi32, #tpu.memory_space<hbm>> -> memref<1x1x1x80xi32, #tpu.memory_space<hbm>>
      %dma_wait3A_946 = tpu.memref_squeeze %dma_wait3A_945 : memref<1x1x1x80xi32, #tpu.memory_space<hbm>> -> memref<80xi32, #tpu.memory_space<hbm>>
      tpu.wait_dma2 semaphore(%arg37 : memref<!tpu.dma_semaphore, #tpu.memory_space<semaphore_mem>>) src(%dma_wait3A_946 : memref<80xi32, #tpu.memory_space<hbm>>) dst(%arg16 : memref<80xi32, #tpu.memory_space<vmem>>)
      %dma_start3A_947 = arith.constant 0 : i32
      %dma_start3A_948 = arith.constant 0 : i32
      %dma_start3A_949 = tpu.memref_slice %arg2[%dma_start3A_947, %dma_start3A_948] : memref<10000x128xf32, #tpu.memory_space<hbm>> -> memref<10000x128xf32, #tpu.memory_space<hbm>>
      tpu.enqueue_indirect_dma source(%dma_start3A_949 : memref<10000x128xf32, #tpu.memory_space<hbm>>) target(%arg24 : memref<80x128xf32, #tpu.memory_space<vmem>>) offsets(%arg8 : memref<80xi32, #tpu.memory_space<vmem>>) semaphore(%arg45 : memref<!tpu.dma_semaphore, #tpu.memory_space<semaphore_mem>>)
      %add3A_950 = arith.constant 7 : i32
      %add3A_951 = arith.addi %add3A_613, %add3A_950 : i32
      %dma_wait3A_952 = arith.constant 0 : i32
      %dma_wait3A_953 = arith.constant 0 : i32
      %dma_wait3A_954 = tpu.memref_slice %arg2[%dma_wait3A_952, %dma_wait3A_953] : memref<10000x128xf32, #tpu.memory_space<hbm>> -> memref<10000x128xf32, #tpu.memory_space<hbm>>
      tpu.wait_indirect_dma semaphore(%arg44 : memref<!tpu.dma_semaphore, #tpu.memory_space<semaphore_mem>>) src(%dma_wait3A_954 : memref<10000x128xf32, #tpu.memory_space<hbm>>) dst(%arg23 : memref<80x128xf32, #tpu.memory_space<vmem>>)
      %dma_start3A_955 = arith.constant 0 : i32
      %dma_start3A_956 = arith.constant 0 : i32
      %dma_start3A_957 = tpu.memref_slice %arg26[%dma_start3A_955, %dma_start3A_956] : memref<10112x128xf32, #tpu.memory_space<vmem_shared>> -> memref<10112x128xf32, #tpu.memory_space<vmem_shared>>
      tpu.enqueue_indirect_dma source(%arg23 : memref<80x128xf32, #tpu.memory_space<vmem>>) target(%dma_start3A_957 : memref<10112x128xf32, #tpu.memory_space<vmem_shared>>) offsets(%arg15 : memref<80xi32, #tpu.memory_space<vmem>>) semaphore(%arg48 : memref<!tpu.dma_semaphore, #tpu.memory_space<semaphore_mem>>) {add = true}
      %add3A_958 = arith.constant 4 : i32
      %add3A_959 = arith.addi %add3A_951, %add3A_958 : i32
      %dma_start3A_960 = arith.constant 0 : i32
      %dma_start3A_961 = arith.constant 0 : i32
      %dma_start3A_962 = tpu.memref_slice %arg3[%dma_start3A_960, %add3A, %add3A_959, %dma_start3A_961] : memref<2x32x125x80xi32, #tpu.memory_space<hbm>> -> memref<1x1x1x80xi32, #tpu.memory_space<hbm>>
      %dma_start3A_963 = tpu.memref_squeeze %dma_start3A_962 : memref<1x1x1x80xi32, #tpu.memory_space<hbm>> -> memref<80xi32, #tpu.memory_space<hbm>>
      %dma_start3A_964 = arith.constant 0 : i32
      %dma_start3A_965 = tpu.memref_slice %arg3[%dma_start3A_960, %add3A, %add3A_959, %dma_start3A_964] : memref<2x32x125x80xi32, #tpu.memory_space<hbm>> -> memref<1x1x1x80xi32, #tpu.memory_space<hbm>>
      %dma_start3A_966 = tpu.memref_squeeze %dma_start3A_965 : memref<1x1x1x80xi32, #tpu.memory_space<hbm>> -> memref<80xi32, #tpu.memory_space<hbm>>
      tpu.enqueue_dma source(%dma_start3A_966 : memref<80xi32, #tpu.memory_space<hbm>>) target(%arg11 : memref<80xi32, #tpu.memory_space<vmem>>) target_semaphore(%arg32 : memref<!tpu.dma_semaphore, #tpu.memory_space<semaphore_mem>>)
      %dma_start3A_967 = arith.constant 1 : i32
      %dma_start3A_968 = arith.constant 0 : i32
      %dma_start3A_969 = tpu.memref_slice %arg3[%dma_start3A_967, %add3A, %add3A_959, %dma_start3A_968] : memref<2x32x125x80xi32, #tpu.memory_space<hbm>> -> memref<1x1x1x80xi32, #tpu.memory_space<hbm>>
      %dma_start3A_970 = tpu.memref_squeeze %dma_start3A_969 : memref<1x1x1x80xi32, #tpu.memory_space<hbm>> -> memref<80xi32, #tpu.memory_space<hbm>>
      %dma_start3A_971 = arith.constant 0 : i32
      %dma_start3A_972 = tpu.memref_slice %arg3[%dma_start3A_967, %add3A, %add3A_959, %dma_start3A_971] : memref<2x32x125x80xi32, #tpu.memory_space<hbm>> -> memref<1x1x1x80xi32, #tpu.memory_space<hbm>>
      %dma_start3A_973 = tpu.memref_squeeze %dma_start3A_972 : memref<1x1x1x80xi32, #tpu.memory_space<hbm>> -> memref<80xi32, #tpu.memory_space<hbm>>
      tpu.enqueue_dma source(%dma_start3A_973 : memref<80xi32, #tpu.memory_space<hbm>>) target(%arg19 : memref<80xi32, #tpu.memory_space<vmem>>) target_semaphore(%arg40 : memref<!tpu.dma_semaphore, #tpu.memory_space<semaphore_mem>>)
      %dma_wait3A_974 = arith.constant 0 : i32
      %dma_wait3A_975 = arith.constant 0 : i32
      %dma_wait3A_976 = tpu.memref_slice %arg26[%dma_wait3A_974, %dma_wait3A_975] : memref<10112x128xf32, #tpu.memory_space<vmem_shared>> -> memref<10112x128xf32, #tpu.memory_space<vmem_shared>>
      tpu.wait_indirect_dma semaphore(%arg50 : memref<!tpu.dma_semaphore, #tpu.memory_space<semaphore_mem>>) src(%arg22 : memref<80x128xf32, #tpu.memory_space<vmem>>) dst(%dma_wait3A_976 : memref<10112x128xf32, #tpu.memory_space<vmem_shared>>)
      %dma_wait3A_977 = arith.constant 0 : i32
      %dma_wait3A_978 = arith.constant 0 : i32
      %dma_wait3A_979 = arith.constant 0 : i32
      %dma_wait3A_980 = arith.constant 0 : i32
      %dma_wait3A_981 = tpu.memref_slice %arg3[%dma_wait3A_977, %dma_wait3A_978, %dma_wait3A_979, %dma_wait3A_980] : memref<2x32x125x80xi32, #tpu.memory_space<hbm>> -> memref<1x1x1x80xi32, #tpu.memory_space<hbm>>
      %dma_wait3A_982 = tpu.memref_squeeze %dma_wait3A_981 : memref<1x1x1x80xi32, #tpu.memory_space<hbm>> -> memref<80xi32, #tpu.memory_space<hbm>>
      %dma_wait3A_983 = arith.constant 0 : i32
      %dma_wait3A_984 = tpu.memref_slice %arg3[%dma_wait3A_977, %dma_wait3A_978, %dma_wait3A_979, %dma_wait3A_983] : memref<2x32x125x80xi32, #tpu.memory_space<hbm>> -> memref<1x1x1x80xi32, #tpu.memory_space<hbm>>
      %dma_wait3A_985 = tpu.memref_squeeze %dma_wait3A_984 : memref<1x1x1x80xi32, #tpu.memory_space<hbm>> -> memref<80xi32, #tpu.memory_space<hbm>>
      tpu.wait_dma2 semaphore(%arg30 : memref<!tpu.dma_semaphore, #tpu.memory_space<semaphore_mem>>) src(%dma_wait3A_985 : memref<80xi32, #tpu.memory_space<hbm>>) dst(%arg9 : memref<80xi32, #tpu.memory_space<vmem>>)
      %dma_wait3A_986 = arith.constant 1 : i32
      %dma_wait3A_987 = arith.constant 0 : i32
      %dma_wait3A_988 = arith.constant 0 : i32
      %dma_wait3A_989 = arith.constant 0 : i32
      %dma_wait3A_990 = tpu.memref_slice %arg3[%dma_wait3A_986, %dma_wait3A_987, %dma_wait3A_988, %dma_wait3A_989] : memref<2x32x125x80xi32, #tpu.memory_space<hbm>> -> memref<1x1x1x80xi32, #tpu.memory_space<hbm>>
      %dma_wait3A_991 = tpu.memref_squeeze %dma_wait3A_990 : memref<1x1x1x80xi32, #tpu.memory_space<hbm>> -> memref<80xi32, #tpu.memory_space<hbm>>
      %dma_wait3A_992 = arith.constant 0 : i32
      %dma_wait3A_993 = tpu.memref_slice %arg3[%dma_wait3A_986, %dma_wait3A_987, %dma_wait3A_988, %dma_wait3A_992] : memref<2x32x125x80xi32, #tpu.memory_space<hbm>> -> memref<1x1x1x80xi32, #tpu.memory_space<hbm>>
      %dma_wait3A_994 = tpu.memref_squeeze %dma_wait3A_993 : memref<1x1x1x80xi32, #tpu.memory_space<hbm>> -> memref<80xi32, #tpu.memory_space<hbm>>
      tpu.wait_dma2 semaphore(%arg38 : memref<!tpu.dma_semaphore, #tpu.memory_space<semaphore_mem>>) src(%dma_wait3A_994 : memref<80xi32, #tpu.memory_space<hbm>>) dst(%arg17 : memref<80xi32, #tpu.memory_space<vmem>>)
      %dma_start3A_995 = arith.constant 0 : i32
      %dma_start3A_996 = arith.constant 0 : i32
      %dma_start3A_997 = tpu.memref_slice %arg2[%dma_start3A_995, %dma_start3A_996] : memref<10000x128xf32, #tpu.memory_space<hbm>> -> memref<10000x128xf32, #tpu.memory_space<hbm>>
      tpu.enqueue_indirect_dma source(%dma_start3A_997 : memref<10000x128xf32, #tpu.memory_space<hbm>>) target(%arg25 : memref<80x128xf32, #tpu.memory_space<vmem>>) offsets(%arg9 : memref<80xi32, #tpu.memory_space<vmem>>) semaphore(%arg46 : memref<!tpu.dma_semaphore, #tpu.memory_space<semaphore_mem>>)
    }
    %scan3A_197 = arith.constant 14 : i32
    %dma_wait3A_198 = arith.constant 0 : i32
    %dma_wait3A_199 = arith.constant 0 : i32
    %dma_wait3A_200 = tpu.memref_slice %arg2[%dma_wait3A_198, %dma_wait3A_199] : memref<10000x128xf32, #tpu.memory_space<hbm>> -> memref<10000x128xf32, #tpu.memory_space<hbm>>
    tpu.wait_indirect_dma semaphore(%arg45 : memref<!tpu.dma_semaphore, #tpu.memory_space<semaphore_mem>>) src(%dma_wait3A_200 : memref<10000x128xf32, #tpu.memory_space<hbm>>) dst(%arg24 : memref<80x128xf32, #tpu.memory_space<vmem>>)
    %dma_start3A_201 = arith.constant 0 : i32
    %dma_start3A_202 = arith.constant 0 : i32
    %dma_start3A_203 = tpu.memref_slice %arg26[%dma_start3A_201, %dma_start3A_202] : memref<10112x128xf32, #tpu.memory_space<vmem_shared>> -> memref<10112x128xf32, #tpu.memory_space<vmem_shared>>
    tpu.enqueue_indirect_dma source(%arg24 : memref<80x128xf32, #tpu.memory_space<vmem>>) target(%dma_start3A_203 : memref<10112x128xf32, #tpu.memory_space<vmem_shared>>) offsets(%arg16 : memref<80xi32, #tpu.memory_space<vmem>>) semaphore(%arg49 : memref<!tpu.dma_semaphore, #tpu.memory_space<semaphore_mem>>) {add = true}
    %dma_start3A_204 = arith.constant 0 : i32
    %dma_start3A_205 = arith.constant 118 : i32
    %dma_start3A_206 = arith.constant 0 : i32
    %dma_start3A_207 = tpu.memref_slice %arg3[%dma_start3A_204, %add3A, %dma_start3A_205, %dma_start3A_206] : memref<2x32x125x80xi32, #tpu.memory_space<hbm>> -> memref<1x1x1x80xi32, #tpu.memory_space<hbm>>
    %dma_start3A_208 = tpu.memref_squeeze %dma_start3A_207 : memref<1x1x1x80xi32, #tpu.memory_space<hbm>> -> memref<80xi32, #tpu.memory_space<hbm>>
    %dma_start3A_209 = arith.constant 0 : i32
    %dma_start3A_210 = tpu.memref_slice %arg3[%dma_start3A_204, %add3A, %dma_start3A_205, %dma_start3A_209] : memref<2x32x125x80xi32, #tpu.memory_space<hbm>> -> memref<1x1x1x80xi32, #tpu.memory_space<hbm>>
    %dma_start3A_211 = tpu.memref_squeeze %dma_start3A_210 : memref<1x1x1x80xi32, #tpu.memory_space<hbm>> -> memref<80xi32, #tpu.memory_space<hbm>>
    tpu.enqueue_dma source(%dma_start3A_211 : memref<80xi32, #tpu.memory_space<hbm>>) target(%arg12 : memref<80xi32, #tpu.memory_space<vmem>>) target_semaphore(%arg33 : memref<!tpu.dma_semaphore, #tpu.memory_space<semaphore_mem>>)
    %dma_start3A_212 = arith.constant 1 : i32
    %dma_start3A_213 = arith.constant 118 : i32
    %dma_start3A_214 = arith.constant 0 : i32
    %dma_start3A_215 = tpu.memref_slice %arg3[%dma_start3A_212, %add3A, %dma_start3A_213, %dma_start3A_214] : memref<2x32x125x80xi32, #tpu.memory_space<hbm>> -> memref<1x1x1x80xi32, #tpu.memory_space<hbm>>
    %dma_start3A_216 = tpu.memref_squeeze %dma_start3A_215 : memref<1x1x1x80xi32, #tpu.memory_space<hbm>> -> memref<80xi32, #tpu.memory_space<hbm>>
    %dma_start3A_217 = arith.constant 0 : i32
    %dma_start3A_218 = tpu.memref_slice %arg3[%dma_start3A_212, %add3A, %dma_start3A_213, %dma_start3A_217] : memref<2x32x125x80xi32, #tpu.memory_space<hbm>> -> memref<1x1x1x80xi32, #tpu.memory_space<hbm>>
    %dma_start3A_219 = tpu.memref_squeeze %dma_start3A_218 : memref<1x1x1x80xi32, #tpu.memory_space<hbm>> -> memref<80xi32, #tpu.memory_space<hbm>>
    tpu.enqueue_dma source(%dma_start3A_219 : memref<80xi32, #tpu.memory_space<hbm>>) target(%arg20 : memref<80xi32, #tpu.memory_space<vmem>>) target_semaphore(%arg41 : memref<!tpu.dma_semaphore, #tpu.memory_space<semaphore_mem>>)
    %dma_wait3A_220 = arith.constant 0 : i32
    %dma_wait3A_221 = arith.constant 0 : i32
    %dma_wait3A_222 = tpu.memref_slice %arg26[%dma_wait3A_220, %dma_wait3A_221] : memref<10112x128xf32, #tpu.memory_space<vmem_shared>> -> memref<10112x128xf32, #tpu.memory_space<vmem_shared>>
    tpu.wait_indirect_dma semaphore(%arg47 : memref<!tpu.dma_semaphore, #tpu.memory_space<semaphore_mem>>) src(%arg22 : memref<80x128xf32, #tpu.memory_space<vmem>>) dst(%dma_wait3A_222 : memref<10112x128xf32, #tpu.memory_space<vmem_shared>>)
    %dma_wait3A_223 = arith.constant 0 : i32
    %dma_wait3A_224 = arith.constant 0 : i32
    %dma_wait3A_225 = arith.constant 0 : i32
    %dma_wait3A_226 = arith.constant 0 : i32
    %dma_wait3A_227 = tpu.memref_slice %arg3[%dma_wait3A_223, %dma_wait3A_224, %dma_wait3A_225, %dma_wait3A_226] : memref<2x32x125x80xi32, #tpu.memory_space<hbm>> -> memref<1x1x1x80xi32, #tpu.memory_space<hbm>>
    %dma_wait3A_228 = tpu.memref_squeeze %dma_wait3A_227 : memref<1x1x1x80xi32, #tpu.memory_space<hbm>> -> memref<80xi32, #tpu.memory_space<hbm>>
    %dma_wait3A_229 = arith.constant 0 : i32
    %dma_wait3A_230 = tpu.memref_slice %arg3[%dma_wait3A_223, %dma_wait3A_224, %dma_wait3A_225, %dma_wait3A_229] : memref<2x32x125x80xi32, #tpu.memory_space<hbm>> -> memref<1x1x1x80xi32, #tpu.memory_space<hbm>>
    %dma_wait3A_231 = tpu.memref_squeeze %dma_wait3A_230 : memref<1x1x1x80xi32, #tpu.memory_space<hbm>> -> memref<80xi32, #tpu.memory_space<hbm>>
    tpu.wait_dma2 semaphore(%arg31 : memref<!tpu.dma_semaphore, #tpu.memory_space<semaphore_mem>>) src(%dma_wait3A_231 : memref<80xi32, #tpu.memory_space<hbm>>) dst(%arg10 : memref<80xi32, #tpu.memory_space<vmem>>)
    %dma_wait3A_232 = arith.constant 1 : i32
    %dma_wait3A_233 = arith.constant 0 : i32
    %dma_wait3A_234 = arith.constant 0 : i32
    %dma_wait3A_235 = arith.constant 0 : i32
    %dma_wait3A_236 = tpu.memref_slice %arg3[%dma_wait3A_232, %dma_wait3A_233, %dma_wait3A_234, %dma_wait3A_235] : memref<2x32x125x80xi32, #tpu.memory_space<hbm>> -> memref<1x1x1x80xi32, #tpu.memory_space<hbm>>
    %dma_wait3A_237 = tpu.memref_squeeze %dma_wait3A_236 : memref<1x1x1x80xi32, #tpu.memory_space<hbm>> -> memref<80xi32, #tpu.memory_space<hbm>>
    %dma_wait3A_238 = arith.constant 0 : i32
    %dma_wait3A_239 = tpu.memref_slice %arg3[%dma_wait3A_232, %dma_wait3A_233, %dma_wait3A_234, %dma_wait3A_238] : memref<2x32x125x80xi32, #tpu.memory_space<hbm>> -> memref<1x1x1x80xi32, #tpu.memory_space<hbm>>
    %dma_wait3A_240 = tpu.memref_squeeze %dma_wait3A_239 : memref<1x1x1x80xi32, #tpu.memory_space<hbm>> -> memref<80xi32, #tpu.memory_space<hbm>>
    tpu.wait_dma2 semaphore(%arg39 : memref<!tpu.dma_semaphore, #tpu.memory_space<semaphore_mem>>) src(%dma_wait3A_240 : memref<80xi32, #tpu.memory_space<hbm>>) dst(%arg18 : memref<80xi32, #tpu.memory_space<vmem>>)
    %dma_start3A_241 = arith.constant 0 : i32
    %dma_start3A_242 = arith.constant 0 : i32
    %dma_start3A_243 = tpu.memref_slice %arg2[%dma_start3A_241, %dma_start3A_242] : memref<10000x128xf32, #tpu.memory_space<hbm>> -> memref<10000x128xf32, #tpu.memory_space<hbm>>
    tpu.enqueue_indirect_dma source(%dma_start3A_243 : memref<10000x128xf32, #tpu.memory_space<hbm>>) target(%arg22 : memref<80x128xf32, #tpu.memory_space<vmem>>) offsets(%arg10 : memref<80xi32, #tpu.memory_space<vmem>>) semaphore(%arg43 : memref<!tpu.dma_semaphore, #tpu.memory_space<semaphore_mem>>)
    %dma_wait3A_244 = arith.constant 0 : i32
    %dma_wait3A_245 = arith.constant 0 : i32
    %dma_wait3A_246 = tpu.memref_slice %arg2[%dma_wait3A_244, %dma_wait3A_245] : memref<10000x128xf32, #tpu.memory_space<hbm>> -> memref<10000x128xf32, #tpu.memory_space<hbm>>
    tpu.wait_indirect_dma semaphore(%arg46 : memref<!tpu.dma_semaphore, #tpu.memory_space<semaphore_mem>>) src(%dma_wait3A_246 : memref<10000x128xf32, #tpu.memory_space<hbm>>) dst(%arg25 : memref<80x128xf32, #tpu.memory_space<vmem>>)
    %dma_start3A_247 = arith.constant 0 : i32
    %dma_start3A_248 = arith.constant 0 : i32
    %dma_start3A_249 = tpu.memref_slice %arg26[%dma_start3A_247, %dma_start3A_248] : memref<10112x128xf32, #tpu.memory_space<vmem_shared>> -> memref<10112x128xf32, #tpu.memory_space<vmem_shared>>
    tpu.enqueue_indirect_dma source(%arg25 : memref<80x128xf32, #tpu.memory_space<vmem>>) target(%dma_start3A_249 : memref<10112x128xf32, #tpu.memory_space<vmem_shared>>) offsets(%arg17 : memref<80xi32, #tpu.memory_space<vmem>>) semaphore(%arg50 : memref<!tpu.dma_semaphore, #tpu.memory_space<semaphore_mem>>) {add = true}
    %dma_start3A_250 = arith.constant 0 : i32
    %dma_start3A_251 = arith.constant 119 : i32
    %dma_start3A_252 = arith.constant 0 : i32
    %dma_start3A_253 = tpu.memref_slice %arg3[%dma_start3A_250, %add3A, %dma_start3A_251, %dma_start3A_252] : memref<2x32x125x80xi32, #tpu.memory_space<hbm>> -> memref<1x1x1x80xi32, #tpu.memory_space<hbm>>
    %dma_start3A_254 = tpu.memref_squeeze %dma_start3A_253 : memref<1x1x1x80xi32, #tpu.memory_space<hbm>> -> memref<80xi32, #tpu.memory_space<hbm>>
    %dma_start3A_255 = arith.constant 0 : i32
    %dma_start3A_256 = tpu.memref_slice %arg3[%dma_start3A_250, %add3A, %dma_start3A_251, %dma_start3A_255] : memref<2x32x125x80xi32, #tpu.memory_space<hbm>> -> memref<1x1x1x80xi32, #tpu.memory_space<hbm>>
    %dma_start3A_257 = tpu.memref_squeeze %dma_start3A_256 : memref<1x1x1x80xi32, #tpu.memory_space<hbm>> -> memref<80xi32, #tpu.memory_space<hbm>>
    tpu.enqueue_dma source(%dma_start3A_257 : memref<80xi32, #tpu.memory_space<hbm>>) target(%arg13 : memref<80xi32, #tpu.memory_space<vmem>>) target_semaphore(%arg34 : memref<!tpu.dma_semaphore, #tpu.memory_space<semaphore_mem>>)
    %dma_start3A_258 = arith.constant 1 : i32
    %dma_start3A_259 = arith.constant 119 : i32
    %dma_start3A_260 = arith.constant 0 : i32
    %dma_start3A_261 = tpu.memref_slice %arg3[%dma_start3A_258, %add3A, %dma_start3A_259, %dma_start3A_260] : memref<2x32x125x80xi32, #tpu.memory_space<hbm>> -> memref<1x1x1x80xi32, #tpu.memory_space<hbm>>
    %dma_start3A_262 = tpu.memref_squeeze %dma_start3A_261 : memref<1x1x1x80xi32, #tpu.memory_space<hbm>> -> memref<80xi32, #tpu.memory_space<hbm>>
    %dma_start3A_263 = arith.constant 0 : i32
    %dma_start3A_264 = tpu.memref_slice %arg3[%dma_start3A_258, %add3A, %dma_start3A_259, %dma_start3A_263] : memref<2x32x125x80xi32, #tpu.memory_space<hbm>> -> memref<1x1x1x80xi32, #tpu.memory_space<hbm>>
    %dma_start3A_265 = tpu.memref_squeeze %dma_start3A_264 : memref<1x1x1x80xi32, #tpu.memory_space<hbm>> -> memref<80xi32, #tpu.memory_space<hbm>>
    tpu.enqueue_dma source(%dma_start3A_265 : memref<80xi32, #tpu.memory_space<hbm>>) target(%arg21 : memref<80xi32, #tpu.memory_space<vmem>>) target_semaphore(%arg42 : memref<!tpu.dma_semaphore, #tpu.memory_space<semaphore_mem>>)
    %dma_wait3A_266 = arith.constant 0 : i32
    %dma_wait3A_267 = arith.constant 0 : i32
    %dma_wait3A_268 = tpu.memref_slice %arg26[%dma_wait3A_266, %dma_wait3A_267] : memref<10112x128xf32, #tpu.memory_space<vmem_shared>> -> memref<10112x128xf32, #tpu.memory_space<vmem_shared>>
    tpu.wait_indirect_dma semaphore(%arg48 : memref<!tpu.dma_semaphore, #tpu.memory_space<semaphore_mem>>) src(%arg22 : memref<80x128xf32, #tpu.memory_space<vmem>>) dst(%dma_wait3A_268 : memref<10112x128xf32, #tpu.memory_space<vmem_shared>>)
    %dma_wait3A_269 = arith.constant 0 : i32
    %dma_wait3A_270 = arith.constant 0 : i32
    %dma_wait3A_271 = arith.constant 0 : i32
    %dma_wait3A_272 = arith.constant 0 : i32
    %dma_wait3A_273 = tpu.memref_slice %arg3[%dma_wait3A_269, %dma_wait3A_270, %dma_wait3A_271, %dma_wait3A_272] : memref<2x32x125x80xi32, #tpu.memory_space<hbm>> -> memref<1x1x1x80xi32, #tpu.memory_space<hbm>>
    %dma_wait3A_274 = tpu.memref_squeeze %dma_wait3A_273 : memref<1x1x1x80xi32, #tpu.memory_space<hbm>> -> memref<80xi32, #tpu.memory_space<hbm>>
    %dma_wait3A_275 = arith.constant 0 : i32
    %dma_wait3A_276 = tpu.memref_slice %arg3[%dma_wait3A_269, %dma_wait3A_270, %dma_wait3A_271, %dma_wait3A_275] : memref<2x32x125x80xi32, #tpu.memory_space<hbm>> -> memref<1x1x1x80xi32, #tpu.memory_space<hbm>>
    %dma_wait3A_277 = tpu.memref_squeeze %dma_wait3A_276 : memref<1x1x1x80xi32, #tpu.memory_space<hbm>> -> memref<80xi32, #tpu.memory_space<hbm>>
    tpu.wait_dma2 semaphore(%arg32 : memref<!tpu.dma_semaphore, #tpu.memory_space<semaphore_mem>>) src(%dma_wait3A_277 : memref<80xi32, #tpu.memory_space<hbm>>) dst(%arg11 : memref<80xi32, #tpu.memory_space<vmem>>)
    %dma_wait3A_278 = arith.constant 1 : i32
    %dma_wait3A_279 = arith.constant 0 : i32
    %dma_wait3A_280 = arith.constant 0 : i32
    %dma_wait3A_281 = arith.constant 0 : i32
    %dma_wait3A_282 = tpu.memref_slice %arg3[%dma_wait3A_278, %dma_wait3A_279, %dma_wait3A_280, %dma_wait3A_281] : memref<2x32x125x80xi32, #tpu.memory_space<hbm>> -> memref<1x1x1x80xi32, #tpu.memory_space<hbm>>
    %dma_wait3A_283 = tpu.memref_squeeze %dma_wait3A_282 : memref<1x1x1x80xi32, #tpu.memory_space<hbm>> -> memref<80xi32, #tpu.memory_space<hbm>>
    %dma_wait3A_284 = arith.constant 0 : i32
    %dma_wait3A_285 = tpu.memref_slice %arg3[%dma_wait3A_278, %dma_wait3A_279, %dma_wait3A_280, %dma_wait3A_284] : memref<2x32x125x80xi32, #tpu.memory_space<hbm>> -> memref<1x1x1x80xi32, #tpu.memory_space<hbm>>
    %dma_wait3A_286 = tpu.memref_squeeze %dma_wait3A_285 : memref<1x1x1x80xi32, #tpu.memory_space<hbm>> -> memref<80xi32, #tpu.memory_space<hbm>>
    tpu.wait_dma2 semaphore(%arg40 : memref<!tpu.dma_semaphore, #tpu.memory_space<semaphore_mem>>) src(%dma_wait3A_286 : memref<80xi32, #tpu.memory_space<hbm>>) dst(%arg19 : memref<80xi32, #tpu.memory_space<vmem>>)
    %dma_start3A_287 = arith.constant 0 : i32
    %dma_start3A_288 = arith.constant 0 : i32
    %dma_start3A_289 = tpu.memref_slice %arg2[%dma_start3A_287, %dma_start3A_288] : memref<10000x128xf32, #tpu.memory_space<hbm>> -> memref<10000x128xf32, #tpu.memory_space<hbm>>
    tpu.enqueue_indirect_dma source(%dma_start3A_289 : memref<10000x128xf32, #tpu.memory_space<hbm>>) target(%arg23 : memref<80x128xf32, #tpu.memory_space<vmem>>) offsets(%arg11 : memref<80xi32, #tpu.memory_space<vmem>>) semaphore(%arg44 : memref<!tpu.dma_semaphore, #tpu.memory_space<semaphore_mem>>)
    %dma_wait3A_290 = arith.constant 0 : i32
    %dma_wait3A_291 = arith.constant 0 : i32
    %dma_wait3A_292 = tpu.memref_slice %arg2[%dma_wait3A_290, %dma_wait3A_291] : memref<10000x128xf32, #tpu.memory_space<hbm>> -> memref<10000x128xf32, #tpu.memory_space<hbm>>
    tpu.wait_indirect_dma semaphore(%arg43 : memref<!tpu.dma_semaphore, #tpu.memory_space<semaphore_mem>>) src(%dma_wait3A_292 : memref<10000x128xf32, #tpu.memory_space<hbm>>) dst(%arg22 : memref<80x128xf32, #tpu.memory_space<vmem>>)
    %dma_start3A_293 = arith.constant 0 : i32
    %dma_start3A_294 = arith.constant 0 : i32
    %dma_start3A_295 = tpu.memref_slice %arg26[%dma_start3A_293, %dma_start3A_294] : memref<10112x128xf32, #tpu.memory_space<vmem_shared>> -> memref<10112x128xf32, #tpu.memory_space<vmem_shared>>
    tpu.enqueue_indirect_dma source(%arg22 : memref<80x128xf32, #tpu.memory_space<vmem>>) target(%dma_start3A_295 : memref<10112x128xf32, #tpu.memory_space<vmem_shared>>) offsets(%arg18 : memref<80xi32, #tpu.memory_space<vmem>>) semaphore(%arg47 : memref<!tpu.dma_semaphore, #tpu.memory_space<semaphore_mem>>) {add = true}
    %dma_start3A_296 = arith.constant 0 : i32
    %dma_start3A_297 = arith.constant 120 : i32
    %dma_start3A_298 = arith.constant 0 : i32
    %dma_start3A_299 = tpu.memref_slice %arg3[%dma_start3A_296, %add3A, %dma_start3A_297, %dma_start3A_298] : memref<2x32x125x80xi32, #tpu.memory_space<hbm>> -> memref<1x1x1x80xi32, #tpu.memory_space<hbm>>
    %dma_start3A_300 = tpu.memref_squeeze %dma_start3A_299 : memref<1x1x1x80xi32, #tpu.memory_space<hbm>> -> memref<80xi32, #tpu.memory_space<hbm>>
    %dma_start3A_301 = arith.constant 0 : i32
    %dma_start3A_302 = tpu.memref_slice %arg3[%dma_start3A_296, %add3A, %dma_start3A_297, %dma_start3A_301] : memref<2x32x125x80xi32, #tpu.memory_space<hbm>> -> memref<1x1x1x80xi32, #tpu.memory_space<hbm>>
    %dma_start3A_303 = tpu.memref_squeeze %dma_start3A_302 : memref<1x1x1x80xi32, #tpu.memory_space<hbm>> -> memref<80xi32, #tpu.memory_space<hbm>>
    tpu.enqueue_dma source(%dma_start3A_303 : memref<80xi32, #tpu.memory_space<hbm>>) target(%arg6 : memref<80xi32, #tpu.memory_space<vmem>>) target_semaphore(%arg27 : memref<!tpu.dma_semaphore, #tpu.memory_space<semaphore_mem>>)
    %dma_start3A_304 = arith.constant 1 : i32
    %dma_start3A_305 = arith.constant 120 : i32
    %dma_start3A_306 = arith.constant 0 : i32
    %dma_start3A_307 = tpu.memref_slice %arg3[%dma_start3A_304, %add3A, %dma_start3A_305, %dma_start3A_306] : memref<2x32x125x80xi32, #tpu.memory_space<hbm>> -> memref<1x1x1x80xi32, #tpu.memory_space<hbm>>
    %dma_start3A_308 = tpu.memref_squeeze %dma_start3A_307 : memref<1x1x1x80xi32, #tpu.memory_space<hbm>> -> memref<80xi32, #tpu.memory_space<hbm>>
    %dma_start3A_309 = arith.constant 0 : i32
    %dma_start3A_310 = tpu.memref_slice %arg3[%dma_start3A_304, %add3A, %dma_start3A_305, %dma_start3A_309] : memref<2x32x125x80xi32, #tpu.memory_space<hbm>> -> memref<1x1x1x80xi32, #tpu.memory_space<hbm>>
    %dma_start3A_311 = tpu.memref_squeeze %dma_start3A_310 : memref<1x1x1x80xi32, #tpu.memory_space<hbm>> -> memref<80xi32, #tpu.memory_space<hbm>>
    tpu.enqueue_dma source(%dma_start3A_311 : memref<80xi32, #tpu.memory_space<hbm>>) target(%arg14 : memref<80xi32, #tpu.memory_space<vmem>>) target_semaphore(%arg35 : memref<!tpu.dma_semaphore, #tpu.memory_space<semaphore_mem>>)
    %dma_wait3A_312 = arith.constant 0 : i32
    %dma_wait3A_313 = arith.constant 0 : i32
    %dma_wait3A_314 = tpu.memref_slice %arg26[%dma_wait3A_312, %dma_wait3A_313] : memref<10112x128xf32, #tpu.memory_space<vmem_shared>> -> memref<10112x128xf32, #tpu.memory_space<vmem_shared>>
    tpu.wait_indirect_dma semaphore(%arg49 : memref<!tpu.dma_semaphore, #tpu.memory_space<semaphore_mem>>) src(%arg22 : memref<80x128xf32, #tpu.memory_space<vmem>>) dst(%dma_wait3A_314 : memref<10112x128xf32, #tpu.memory_space<vmem_shared>>)
    %dma_wait3A_315 = arith.constant 0 : i32
    %dma_wait3A_316 = arith.constant 0 : i32
    %dma_wait3A_317 = arith.constant 0 : i32
    %dma_wait3A_318 = arith.constant 0 : i32
    %dma_wait3A_319 = tpu.memref_slice %arg3[%dma_wait3A_315, %dma_wait3A_316, %dma_wait3A_317, %dma_wait3A_318] : memref<2x32x125x80xi32, #tpu.memory_space<hbm>> -> memref<1x1x1x80xi32, #tpu.memory_space<hbm>>
    %dma_wait3A_320 = tpu.memref_squeeze %dma_wait3A_319 : memref<1x1x1x80xi32, #tpu.memory_space<hbm>> -> memref<80xi32, #tpu.memory_space<hbm>>
    %dma_wait3A_321 = arith.constant 0 : i32
    %dma_wait3A_322 = tpu.memref_slice %arg3[%dma_wait3A_315, %dma_wait3A_316, %dma_wait3A_317, %dma_wait3A_321] : memref<2x32x125x80xi32, #tpu.memory_space<hbm>> -> memref<1x1x1x80xi32, #tpu.memory_space<hbm>>
    %dma_wait3A_323 = tpu.memref_squeeze %dma_wait3A_322 : memref<1x1x1x80xi32, #tpu.memory_space<hbm>> -> memref<80xi32, #tpu.memory_space<hbm>>
    tpu.wait_dma2 semaphore(%arg33 : memref<!tpu.dma_semaphore, #tpu.memory_space<semaphore_mem>>) src(%dma_wait3A_323 : memref<80xi32, #tpu.memory_space<hbm>>) dst(%arg12 : memref<80xi32, #tpu.memory_space<vmem>>)
    %dma_wait3A_324 = arith.constant 1 : i32
    %dma_wait3A_325 = arith.constant 0 : i32
    %dma_wait3A_326 = arith.constant 0 : i32
    %dma_wait3A_327 = arith.constant 0 : i32
    %dma_wait3A_328 = tpu.memref_slice %arg3[%dma_wait3A_324, %dma_wait3A_325, %dma_wait3A_326, %dma_wait3A_327] : memref<2x32x125x80xi32, #tpu.memory_space<hbm>> -> memref<1x1x1x80xi32, #tpu.memory_space<hbm>>
    %dma_wait3A_329 = tpu.memref_squeeze %dma_wait3A_328 : memref<1x1x1x80xi32, #tpu.memory_space<hbm>> -> memref<80xi32, #tpu.memory_space<hbm>>
    %dma_wait3A_330 = arith.constant 0 : i32
    %dma_wait3A_331 = tpu.memref_slice %arg3[%dma_wait3A_324, %dma_wait3A_325, %dma_wait3A_326, %dma_wait3A_330] : memref<2x32x125x80xi32, #tpu.memory_space<hbm>> -> memref<1x1x1x80xi32, #tpu.memory_space<hbm>>
    %dma_wait3A_332 = tpu.memref_squeeze %dma_wait3A_331 : memref<1x1x1x80xi32, #tpu.memory_space<hbm>> -> memref<80xi32, #tpu.memory_space<hbm>>
    tpu.wait_dma2 semaphore(%arg41 : memref<!tpu.dma_semaphore, #tpu.memory_space<semaphore_mem>>) src(%dma_wait3A_332 : memref<80xi32, #tpu.memory_space<hbm>>) dst(%arg20 : memref<80xi32, #tpu.memory_space<vmem>>)
    %dma_start3A_333 = arith.constant 0 : i32
    %dma_start3A_334 = arith.constant 0 : i32
    %dma_start3A_335 = tpu.memref_slice %arg2[%dma_start3A_333, %dma_start3A_334] : memref<10000x128xf32, #tpu.memory_space<hbm>> -> memref<10000x128xf32, #tpu.memory_space<hbm>>
    tpu.enqueue_indirect_dma source(%dma_start3A_335 : memref<10000x128xf32, #tpu.memory_space<hbm>>) target(%arg24 : memref<80x128xf32, #tpu.memory_space<vmem>>) offsets(%arg12 : memref<80xi32, #tpu.memory_space<vmem>>) semaphore(%arg45 : memref<!tpu.dma_semaphore, #tpu.memory_space<semaphore_mem>>)
    %dma_wait3A_336 = arith.constant 0 : i32
    %dma_wait3A_337 = arith.constant 0 : i32
    %dma_wait3A_338 = tpu.memref_slice %arg2[%dma_wait3A_336, %dma_wait3A_337] : memref<10000x128xf32, #tpu.memory_space<hbm>> -> memref<10000x128xf32, #tpu.memory_space<hbm>>
    tpu.wait_indirect_dma semaphore(%arg44 : memref<!tpu.dma_semaphore, #tpu.memory_space<semaphore_mem>>) src(%dma_wait3A_338 : memref<10000x128xf32, #tpu.memory_space<hbm>>) dst(%arg23 : memref<80x128xf32, #tpu.memory_space<vmem>>)
    %dma_start3A_339 = arith.constant 0 : i32
    %dma_start3A_340 = arith.constant 0 : i32
    %dma_start3A_341 = tpu.memref_slice %arg26[%dma_start3A_339, %dma_start3A_340] : memref<10112x128xf32, #tpu.memory_space<vmem_shared>> -> memref<10112x128xf32, #tpu.memory_space<vmem_shared>>
    tpu.enqueue_indirect_dma source(%arg23 : memref<80x128xf32, #tpu.memory_space<vmem>>) target(%dma_start3A_341 : memref<10112x128xf32, #tpu.memory_space<vmem_shared>>) offsets(%arg19 : memref<80xi32, #tpu.memory_space<vmem>>) semaphore(%arg48 : memref<!tpu.dma_semaphore, #tpu.memory_space<semaphore_mem>>) {add = true}
    %dma_start3A_342 = arith.constant 0 : i32
    %dma_start3A_343 = arith.constant 121 : i32
    %dma_start3A_344 = arith.constant 0 : i32
    %dma_start3A_345 = tpu.memref_slice %arg3[%dma_start3A_342, %add3A, %dma_start3A_343, %dma_start3A_344] : memref<2x32x125x80xi32, #tpu.memory_space<hbm>> -> memref<1x1x1x80xi32, #tpu.memory_space<hbm>>
    %dma_start3A_346 = tpu.memref_squeeze %dma_start3A_345 : memref<1x1x1x80xi32, #tpu.memory_space<hbm>> -> memref<80xi32, #tpu.memory_space<hbm>>
    %dma_start3A_347 = arith.constant 0 : i32
    %dma_start3A_348 = tpu.memref_slice %arg3[%dma_start3A_342, %add3A, %dma_start3A_343, %dma_start3A_347] : memref<2x32x125x80xi32, #tpu.memory_space<hbm>> -> memref<1x1x1x80xi32, #tpu.memory_space<hbm>>
    %dma_start3A_349 = tpu.memref_squeeze %dma_start3A_348 : memref<1x1x1x80xi32, #tpu.memory_space<hbm>> -> memref<80xi32, #tpu.memory_space<hbm>>
    tpu.enqueue_dma source(%dma_start3A_349 : memref<80xi32, #tpu.memory_space<hbm>>) target(%arg7 : memref<80xi32, #tpu.memory_space<vmem>>) target_semaphore(%arg28 : memref<!tpu.dma_semaphore, #tpu.memory_space<semaphore_mem>>)
    %dma_start3A_350 = arith.constant 1 : i32
    %dma_start3A_351 = arith.constant 121 : i32
    %dma_start3A_352 = arith.constant 0 : i32
    %dma_start3A_353 = tpu.memref_slice %arg3[%dma_start3A_350, %add3A, %dma_start3A_351, %dma_start3A_352] : memref<2x32x125x80xi32, #tpu.memory_space<hbm>> -> memref<1x1x1x80xi32, #tpu.memory_space<hbm>>
    %dma_start3A_354 = tpu.memref_squeeze %dma_start3A_353 : memref<1x1x1x80xi32, #tpu.memory_space<hbm>> -> memref<80xi32, #tpu.memory_space<hbm>>
    %dma_start3A_355 = arith.constant 0 : i32
    %dma_start3A_356 = tpu.memref_slice %arg3[%dma_start3A_350, %add3A, %dma_start3A_351, %dma_start3A_355] : memref<2x32x125x80xi32, #tpu.memory_space<hbm>> -> memref<1x1x1x80xi32, #tpu.memory_space<hbm>>
    %dma_start3A_357 = tpu.memref_squeeze %dma_start3A_356 : memref<1x1x1x80xi32, #tpu.memory_space<hbm>> -> memref<80xi32, #tpu.memory_space<hbm>>
    tpu.enqueue_dma source(%dma_start3A_357 : memref<80xi32, #tpu.memory_space<hbm>>) target(%arg15 : memref<80xi32, #tpu.memory_space<vmem>>) target_semaphore(%arg36 : memref<!tpu.dma_semaphore, #tpu.memory_space<semaphore_mem>>)
    %dma_wait3A_358 = arith.constant 0 : i32
    %dma_wait3A_359 = arith.constant 0 : i32
    %dma_wait3A_360 = tpu.memref_slice %arg26[%dma_wait3A_358, %dma_wait3A_359] : memref<10112x128xf32, #tpu.memory_space<vmem_shared>> -> memref<10112x128xf32, #tpu.memory_space<vmem_shared>>
    tpu.wait_indirect_dma semaphore(%arg50 : memref<!tpu.dma_semaphore, #tpu.memory_space<semaphore_mem>>) src(%arg22 : memref<80x128xf32, #tpu.memory_space<vmem>>) dst(%dma_wait3A_360 : memref<10112x128xf32, #tpu.memory_space<vmem_shared>>)
    %dma_wait3A_361 = arith.constant 0 : i32
    %dma_wait3A_362 = arith.constant 0 : i32
    %dma_wait3A_363 = arith.constant 0 : i32
    %dma_wait3A_364 = arith.constant 0 : i32
    %dma_wait3A_365 = tpu.memref_slice %arg3[%dma_wait3A_361, %dma_wait3A_362, %dma_wait3A_363, %dma_wait3A_364] : memref<2x32x125x80xi32, #tpu.memory_space<hbm>> -> memref<1x1x1x80xi32, #tpu.memory_space<hbm>>
    %dma_wait3A_366 = tpu.memref_squeeze %dma_wait3A_365 : memref<1x1x1x80xi32, #tpu.memory_space<hbm>> -> memref<80xi32, #tpu.memory_space<hbm>>
    %dma_wait3A_367 = arith.constant 0 : i32
    %dma_wait3A_368 = tpu.memref_slice %arg3[%dma_wait3A_361, %dma_wait3A_362, %dma_wait3A_363, %dma_wait3A_367] : memref<2x32x125x80xi32, #tpu.memory_space<hbm>> -> memref<1x1x1x80xi32, #tpu.memory_space<hbm>>
    %dma_wait3A_369 = tpu.memref_squeeze %dma_wait3A_368 : memref<1x1x1x80xi32, #tpu.memory_space<hbm>> -> memref<80xi32, #tpu.memory_space<hbm>>
    tpu.wait_dma2 semaphore(%arg34 : memref<!tpu.dma_semaphore, #tpu.memory_space<semaphore_mem>>) src(%dma_wait3A_369 : memref<80xi32, #tpu.memory_space<hbm>>) dst(%arg13 : memref<80xi32, #tpu.memory_space<vmem>>)
    %dma_wait3A_370 = arith.constant 1 : i32
    %dma_wait3A_371 = arith.constant 0 : i32
    %dma_wait3A_372 = arith.constant 0 : i32
    %dma_wait3A_373 = arith.constant 0 : i32
    %dma_wait3A_374 = tpu.memref_slice %arg3[%dma_wait3A_370, %dma_wait3A_371, %dma_wait3A_372, %dma_wait3A_373] : memref<2x32x125x80xi32, #tpu.memory_space<hbm>> -> memref<1x1x1x80xi32, #tpu.memory_space<hbm>>
    %dma_wait3A_375 = tpu.memref_squeeze %dma_wait3A_374 : memref<1x1x1x80xi32, #tpu.memory_space<hbm>> -> memref<80xi32, #tpu.memory_space<hbm>>
    %dma_wait3A_376 = arith.constant 0 : i32
    %dma_wait3A_377 = tpu.memref_slice %arg3[%dma_wait3A_370, %dma_wait3A_371, %dma_wait3A_372, %dma_wait3A_376] : memref<2x32x125x80xi32, #tpu.memory_space<hbm>> -> memref<1x1x1x80xi32, #tpu.memory_space<hbm>>
    %dma_wait3A_378 = tpu.memref_squeeze %dma_wait3A_377 : memref<1x1x1x80xi32, #tpu.memory_space<hbm>> -> memref<80xi32, #tpu.memory_space<hbm>>
    tpu.wait_dma2 semaphore(%arg42 : memref<!tpu.dma_semaphore, #tpu.memory_space<semaphore_mem>>) src(%dma_wait3A_378 : memref<80xi32, #tpu.memory_space<hbm>>) dst(%arg21 : memref<80xi32, #tpu.memory_space<vmem>>)
    %dma_start3A_379 = arith.constant 0 : i32
    %dma_start3A_380 = arith.constant 0 : i32
    %dma_start3A_381 = tpu.memref_slice %arg2[%dma_start3A_379, %dma_start3A_380] : memref<10000x128xf32, #tpu.memory_space<hbm>> -> memref<10000x128xf32, #tpu.memory_space<hbm>>
    tpu.enqueue_indirect_dma source(%dma_start3A_381 : memref<10000x128xf32, #tpu.memory_space<hbm>>) target(%arg25 : memref<80x128xf32, #tpu.memory_space<vmem>>) offsets(%arg13 : memref<80xi32, #tpu.memory_space<vmem>>) semaphore(%arg46 : memref<!tpu.dma_semaphore, #tpu.memory_space<semaphore_mem>>)
    %dma_wait3A_382 = arith.constant 0 : i32
    %dma_wait3A_383 = arith.constant 0 : i32
    %dma_wait3A_384 = tpu.memref_slice %arg2[%dma_wait3A_382, %dma_wait3A_383] : memref<10000x128xf32, #tpu.memory_space<hbm>> -> memref<10000x128xf32, #tpu.memory_space<hbm>>
    tpu.wait_indirect_dma semaphore(%arg45 : memref<!tpu.dma_semaphore, #tpu.memory_space<semaphore_mem>>) src(%dma_wait3A_384 : memref<10000x128xf32, #tpu.memory_space<hbm>>) dst(%arg24 : memref<80x128xf32, #tpu.memory_space<vmem>>)
    %dma_start3A_385 = arith.constant 0 : i32
    %dma_start3A_386 = arith.constant 0 : i32
    %dma_start3A_387 = tpu.memref_slice %arg26[%dma_start3A_385, %dma_start3A_386] : memref<10112x128xf32, #tpu.memory_space<vmem_shared>> -> memref<10112x128xf32, #tpu.memory_space<vmem_shared>>
    tpu.enqueue_indirect_dma source(%arg24 : memref<80x128xf32, #tpu.memory_space<vmem>>) target(%dma_start3A_387 : memref<10112x128xf32, #tpu.memory_space<vmem_shared>>) offsets(%arg20 : memref<80xi32, #tpu.memory_space<vmem>>) semaphore(%arg49 : memref<!tpu.dma_semaphore, #tpu.memory_space<semaphore_mem>>) {add = true}
    %dma_start3A_388 = arith.constant 0 : i32
    %dma_start3A_389 = arith.constant 122 : i32
    %dma_start3A_390 = arith.constant 0 : i32
    %dma_start3A_391 = tpu.memref_slice %arg3[%dma_start3A_388, %add3A, %dma_start3A_389, %dma_start3A_390] : memref<2x32x125x80xi32, #tpu.memory_space<hbm>> -> memref<1x1x1x80xi32, #tpu.memory_space<hbm>>
    %dma_start3A_392 = tpu.memref_squeeze %dma_start3A_391 : memref<1x1x1x80xi32, #tpu.memory_space<hbm>> -> memref<80xi32, #tpu.memory_space<hbm>>
    %dma_start3A_393 = arith.constant 0 : i32
    %dma_start3A_394 = tpu.memref_slice %arg3[%dma_start3A_388, %add3A, %dma_start3A_389, %dma_start3A_393] : memref<2x32x125x80xi32, #tpu.memory_space<hbm>> -> memref<1x1x1x80xi32, #tpu.memory_space<hbm>>
    %dma_start3A_395 = tpu.memref_squeeze %dma_start3A_394 : memref<1x1x1x80xi32, #tpu.memory_space<hbm>> -> memref<80xi32, #tpu.memory_space<hbm>>
    tpu.enqueue_dma source(%dma_start3A_395 : memref<80xi32, #tpu.memory_space<hbm>>) target(%arg8 : memref<80xi32, #tpu.memory_space<vmem>>) target_semaphore(%arg29 : memref<!tpu.dma_semaphore, #tpu.memory_space<semaphore_mem>>)
    %dma_start3A_396 = arith.constant 1 : i32
    %dma_start3A_397 = arith.constant 122 : i32
    %dma_start3A_398 = arith.constant 0 : i32
    %dma_start3A_399 = tpu.memref_slice %arg3[%dma_start3A_396, %add3A, %dma_start3A_397, %dma_start3A_398] : memref<2x32x125x80xi32, #tpu.memory_space<hbm>> -> memref<1x1x1x80xi32, #tpu.memory_space<hbm>>
    %dma_start3A_400 = tpu.memref_squeeze %dma_start3A_399 : memref<1x1x1x80xi32, #tpu.memory_space<hbm>> -> memref<80xi32, #tpu.memory_space<hbm>>
    %dma_start3A_401 = arith.constant 0 : i32
    %dma_start3A_402 = tpu.memref_slice %arg3[%dma_start3A_396, %add3A, %dma_start3A_397, %dma_start3A_401] : memref<2x32x125x80xi32, #tpu.memory_space<hbm>> -> memref<1x1x1x80xi32, #tpu.memory_space<hbm>>
    %dma_start3A_403 = tpu.memref_squeeze %dma_start3A_402 : memref<1x1x1x80xi32, #tpu.memory_space<hbm>> -> memref<80xi32, #tpu.memory_space<hbm>>
    tpu.enqueue_dma source(%dma_start3A_403 : memref<80xi32, #tpu.memory_space<hbm>>) target(%arg16 : memref<80xi32, #tpu.memory_space<vmem>>) target_semaphore(%arg37 : memref<!tpu.dma_semaphore, #tpu.memory_space<semaphore_mem>>)
    %dma_wait3A_404 = arith.constant 0 : i32
    %dma_wait3A_405 = arith.constant 0 : i32
    %dma_wait3A_406 = tpu.memref_slice %arg26[%dma_wait3A_404, %dma_wait3A_405] : memref<10112x128xf32, #tpu.memory_space<vmem_shared>> -> memref<10112x128xf32, #tpu.memory_space<vmem_shared>>
    tpu.wait_indirect_dma semaphore(%arg47 : memref<!tpu.dma_semaphore, #tpu.memory_space<semaphore_mem>>) src(%arg22 : memref<80x128xf32, #tpu.memory_space<vmem>>) dst(%dma_wait3A_406 : memref<10112x128xf32, #tpu.memory_space<vmem_shared>>)
    %dma_wait3A_407 = arith.constant 0 : i32
    %dma_wait3A_408 = arith.constant 0 : i32
    %dma_wait3A_409 = arith.constant 0 : i32
    %dma_wait3A_410 = arith.constant 0 : i32
    %dma_wait3A_411 = tpu.memref_slice %arg3[%dma_wait3A_407, %dma_wait3A_408, %dma_wait3A_409, %dma_wait3A_410] : memref<2x32x125x80xi32, #tpu.memory_space<hbm>> -> memref<1x1x1x80xi32, #tpu.memory_space<hbm>>
    %dma_wait3A_412 = tpu.memref_squeeze %dma_wait3A_411 : memref<1x1x1x80xi32, #tpu.memory_space<hbm>> -> memref<80xi32, #tpu.memory_space<hbm>>
    %dma_wait3A_413 = arith.constant 0 : i32
    %dma_wait3A_414 = tpu.memref_slice %arg3[%dma_wait3A_407, %dma_wait3A_408, %dma_wait3A_409, %dma_wait3A_413] : memref<2x32x125x80xi32, #tpu.memory_space<hbm>> -> memref<1x1x1x80xi32, #tpu.memory_space<hbm>>
    %dma_wait3A_415 = tpu.memref_squeeze %dma_wait3A_414 : memref<1x1x1x80xi32, #tpu.memory_space<hbm>> -> memref<80xi32, #tpu.memory_space<hbm>>
    tpu.wait_dma2 semaphore(%arg27 : memref<!tpu.dma_semaphore, #tpu.memory_space<semaphore_mem>>) src(%dma_wait3A_415 : memref<80xi32, #tpu.memory_space<hbm>>) dst(%arg6 : memref<80xi32, #tpu.memory_space<vmem>>)
    %dma_wait3A_416 = arith.constant 1 : i32
    %dma_wait3A_417 = arith.constant 0 : i32
    %dma_wait3A_418 = arith.constant 0 : i32
    %dma_wait3A_419 = arith.constant 0 : i32
    %dma_wait3A_420 = tpu.memref_slice %arg3[%dma_wait3A_416, %dma_wait3A_417, %dma_wait3A_418, %dma_wait3A_419] : memref<2x32x125x80xi32, #tpu.memory_space<hbm>> -> memref<1x1x1x80xi32, #tpu.memory_space<hbm>>
    %dma_wait3A_421 = tpu.memref_squeeze %dma_wait3A_420 : memref<1x1x1x80xi32, #tpu.memory_space<hbm>> -> memref<80xi32, #tpu.memory_space<hbm>>
    %dma_wait3A_422 = arith.constant 0 : i32
    %dma_wait3A_423 = tpu.memref_slice %arg3[%dma_wait3A_416, %dma_wait3A_417, %dma_wait3A_418, %dma_wait3A_422] : memref<2x32x125x80xi32, #tpu.memory_space<hbm>> -> memref<1x1x1x80xi32, #tpu.memory_space<hbm>>
    %dma_wait3A_424 = tpu.memref_squeeze %dma_wait3A_423 : memref<1x1x1x80xi32, #tpu.memory_space<hbm>> -> memref<80xi32, #tpu.memory_space<hbm>>
    tpu.wait_dma2 semaphore(%arg35 : memref<!tpu.dma_semaphore, #tpu.memory_space<semaphore_mem>>) src(%dma_wait3A_424 : memref<80xi32, #tpu.memory_space<hbm>>) dst(%arg14 : memref<80xi32, #tpu.memory_space<vmem>>)
    %dma_start3A_425 = arith.constant 0 : i32
    %dma_start3A_426 = arith.constant 0 : i32
    %dma_start3A_427 = tpu.memref_slice %arg2[%dma_start3A_425, %dma_start3A_426] : memref<10000x128xf32, #tpu.memory_space<hbm>> -> memref<10000x128xf32, #tpu.memory_space<hbm>>
    tpu.enqueue_indirect_dma source(%dma_start3A_427 : memref<10000x128xf32, #tpu.memory_space<hbm>>) target(%arg22 : memref<80x128xf32, #tpu.memory_space<vmem>>) offsets(%arg6 : memref<80xi32, #tpu.memory_space<vmem>>) semaphore(%arg43 : memref<!tpu.dma_semaphore, #tpu.memory_space<semaphore_mem>>)
    %dma_wait3A_428 = arith.constant 0 : i32
    %dma_wait3A_429 = arith.constant 0 : i32
    %dma_wait3A_430 = tpu.memref_slice %arg2[%dma_wait3A_428, %dma_wait3A_429] : memref<10000x128xf32, #tpu.memory_space<hbm>> -> memref<10000x128xf32, #tpu.memory_space<hbm>>
    tpu.wait_indirect_dma semaphore(%arg46 : memref<!tpu.dma_semaphore, #tpu.memory_space<semaphore_mem>>) src(%dma_wait3A_430 : memref<10000x128xf32, #tpu.memory_space<hbm>>) dst(%arg25 : memref<80x128xf32, #tpu.memory_space<vmem>>)
    %dma_start3A_431 = arith.constant 0 : i32
    %dma_start3A_432 = arith.constant 0 : i32
    %dma_start3A_433 = tpu.memref_slice %arg26[%dma_start3A_431, %dma_start3A_432] : memref<10112x128xf32, #tpu.memory_space<vmem_shared>> -> memref<10112x128xf32, #tpu.memory_space<vmem_shared>>
    tpu.enqueue_indirect_dma source(%arg25 : memref<80x128xf32, #tpu.memory_space<vmem>>) target(%dma_start3A_433 : memref<10112x128xf32, #tpu.memory_space<vmem_shared>>) offsets(%arg21 : memref<80xi32, #tpu.memory_space<vmem>>) semaphore(%arg50 : memref<!tpu.dma_semaphore, #tpu.memory_space<semaphore_mem>>) {add = true}
    %dma_start3A_434 = arith.constant 0 : i32
    %dma_start3A_435 = arith.constant 123 : i32
    %dma_start3A_436 = arith.constant 0 : i32
    %dma_start3A_437 = tpu.memref_slice %arg3[%dma_start3A_434, %add3A, %dma_start3A_435, %dma_start3A_436] : memref<2x32x125x80xi32, #tpu.memory_space<hbm>> -> memref<1x1x1x80xi32, #tpu.memory_space<hbm>>
    %dma_start3A_438 = tpu.memref_squeeze %dma_start3A_437 : memref<1x1x1x80xi32, #tpu.memory_space<hbm>> -> memref<80xi32, #tpu.memory_space<hbm>>
    %dma_start3A_439 = arith.constant 0 : i32
    %dma_start3A_440 = tpu.memref_slice %arg3[%dma_start3A_434, %add3A, %dma_start3A_435, %dma_start3A_439] : memref<2x32x125x80xi32, #tpu.memory_space<hbm>> -> memref<1x1x1x80xi32, #tpu.memory_space<hbm>>
    %dma_start3A_441 = tpu.memref_squeeze %dma_start3A_440 : memref<1x1x1x80xi32, #tpu.memory_space<hbm>> -> memref<80xi32, #tpu.memory_space<hbm>>
    tpu.enqueue_dma source(%dma_start3A_441 : memref<80xi32, #tpu.memory_space<hbm>>) target(%arg9 : memref<80xi32, #tpu.memory_space<vmem>>) target_semaphore(%arg30 : memref<!tpu.dma_semaphore, #tpu.memory_space<semaphore_mem>>)
    %dma_start3A_442 = arith.constant 1 : i32
    %dma_start3A_443 = arith.constant 123 : i32
    %dma_start3A_444 = arith.constant 0 : i32
    %dma_start3A_445 = tpu.memref_slice %arg3[%dma_start3A_442, %add3A, %dma_start3A_443, %dma_start3A_444] : memref<2x32x125x80xi32, #tpu.memory_space<hbm>> -> memref<1x1x1x80xi32, #tpu.memory_space<hbm>>
    %dma_start3A_446 = tpu.memref_squeeze %dma_start3A_445 : memref<1x1x1x80xi32, #tpu.memory_space<hbm>> -> memref<80xi32, #tpu.memory_space<hbm>>
    %dma_start3A_447 = arith.constant 0 : i32
    %dma_start3A_448 = tpu.memref_slice %arg3[%dma_start3A_442, %add3A, %dma_start3A_443, %dma_start3A_447] : memref<2x32x125x80xi32, #tpu.memory_space<hbm>> -> memref<1x1x1x80xi32, #tpu.memory_space<hbm>>
    %dma_start3A_449 = tpu.memref_squeeze %dma_start3A_448 : memref<1x1x1x80xi32, #tpu.memory_space<hbm>> -> memref<80xi32, #tpu.memory_space<hbm>>
    tpu.enqueue_dma source(%dma_start3A_449 : memref<80xi32, #tpu.memory_space<hbm>>) target(%arg17 : memref<80xi32, #tpu.memory_space<vmem>>) target_semaphore(%arg38 : memref<!tpu.dma_semaphore, #tpu.memory_space<semaphore_mem>>)
    %dma_wait3A_450 = arith.constant 0 : i32
    %dma_wait3A_451 = arith.constant 0 : i32
    %dma_wait3A_452 = tpu.memref_slice %arg26[%dma_wait3A_450, %dma_wait3A_451] : memref<10112x128xf32, #tpu.memory_space<vmem_shared>> -> memref<10112x128xf32, #tpu.memory_space<vmem_shared>>
    tpu.wait_indirect_dma semaphore(%arg48 : memref<!tpu.dma_semaphore, #tpu.memory_space<semaphore_mem>>) src(%arg22 : memref<80x128xf32, #tpu.memory_space<vmem>>) dst(%dma_wait3A_452 : memref<10112x128xf32, #tpu.memory_space<vmem_shared>>)
    %dma_wait3A_453 = arith.constant 0 : i32
    %dma_wait3A_454 = arith.constant 0 : i32
    %dma_wait3A_455 = arith.constant 0 : i32
    %dma_wait3A_456 = arith.constant 0 : i32
    %dma_wait3A_457 = tpu.memref_slice %arg3[%dma_wait3A_453, %dma_wait3A_454, %dma_wait3A_455, %dma_wait3A_456] : memref<2x32x125x80xi32, #tpu.memory_space<hbm>> -> memref<1x1x1x80xi32, #tpu.memory_space<hbm>>
    %dma_wait3A_458 = tpu.memref_squeeze %dma_wait3A_457 : memref<1x1x1x80xi32, #tpu.memory_space<hbm>> -> memref<80xi32, #tpu.memory_space<hbm>>
    %dma_wait3A_459 = arith.constant 0 : i32
    %dma_wait3A_460 = tpu.memref_slice %arg3[%dma_wait3A_453, %dma_wait3A_454, %dma_wait3A_455, %dma_wait3A_459] : memref<2x32x125x80xi32, #tpu.memory_space<hbm>> -> memref<1x1x1x80xi32, #tpu.memory_space<hbm>>
    %dma_wait3A_461 = tpu.memref_squeeze %dma_wait3A_460 : memref<1x1x1x80xi32, #tpu.memory_space<hbm>> -> memref<80xi32, #tpu.memory_space<hbm>>
    tpu.wait_dma2 semaphore(%arg28 : memref<!tpu.dma_semaphore, #tpu.memory_space<semaphore_mem>>) src(%dma_wait3A_461 : memref<80xi32, #tpu.memory_space<hbm>>) dst(%arg7 : memref<80xi32, #tpu.memory_space<vmem>>)
    %dma_wait3A_462 = arith.constant 1 : i32
    %dma_wait3A_463 = arith.constant 0 : i32
    %dma_wait3A_464 = arith.constant 0 : i32
    %dma_wait3A_465 = arith.constant 0 : i32
    %dma_wait3A_466 = tpu.memref_slice %arg3[%dma_wait3A_462, %dma_wait3A_463, %dma_wait3A_464, %dma_wait3A_465] : memref<2x32x125x80xi32, #tpu.memory_space<hbm>> -> memref<1x1x1x80xi32, #tpu.memory_space<hbm>>
    %dma_wait3A_467 = tpu.memref_squeeze %dma_wait3A_466 : memref<1x1x1x80xi32, #tpu.memory_space<hbm>> -> memref<80xi32, #tpu.memory_space<hbm>>
    %dma_wait3A_468 = arith.constant 0 : i32
    %dma_wait3A_469 = tpu.memref_slice %arg3[%dma_wait3A_462, %dma_wait3A_463, %dma_wait3A_464, %dma_wait3A_468] : memref<2x32x125x80xi32, #tpu.memory_space<hbm>> -> memref<1x1x1x80xi32, #tpu.memory_space<hbm>>
    %dma_wait3A_470 = tpu.memref_squeeze %dma_wait3A_469 : memref<1x1x1x80xi32, #tpu.memory_space<hbm>> -> memref<80xi32, #tpu.memory_space<hbm>>
    tpu.wait_dma2 semaphore(%arg36 : memref<!tpu.dma_semaphore, #tpu.memory_space<semaphore_mem>>) src(%dma_wait3A_470 : memref<80xi32, #tpu.memory_space<hbm>>) dst(%arg15 : memref<80xi32, #tpu.memory_space<vmem>>)
    %dma_start3A_471 = arith.constant 0 : i32
    %dma_start3A_472 = arith.constant 0 : i32
    %dma_start3A_473 = tpu.memref_slice %arg2[%dma_start3A_471, %dma_start3A_472] : memref<10000x128xf32, #tpu.memory_space<hbm>> -> memref<10000x128xf32, #tpu.memory_space<hbm>>
    tpu.enqueue_indirect_dma source(%dma_start3A_473 : memref<10000x128xf32, #tpu.memory_space<hbm>>) target(%arg23 : memref<80x128xf32, #tpu.memory_space<vmem>>) offsets(%arg7 : memref<80xi32, #tpu.memory_space<vmem>>) semaphore(%arg44 : memref<!tpu.dma_semaphore, #tpu.memory_space<semaphore_mem>>)
    %dma_wait3A_474 = arith.constant 0 : i32
    %dma_wait3A_475 = arith.constant 0 : i32
    %dma_wait3A_476 = tpu.memref_slice %arg2[%dma_wait3A_474, %dma_wait3A_475] : memref<10000x128xf32, #tpu.memory_space<hbm>> -> memref<10000x128xf32, #tpu.memory_space<hbm>>
    tpu.wait_indirect_dma semaphore(%arg43 : memref<!tpu.dma_semaphore, #tpu.memory_space<semaphore_mem>>) src(%dma_wait3A_476 : memref<10000x128xf32, #tpu.memory_space<hbm>>) dst(%arg22 : memref<80x128xf32, #tpu.memory_space<vmem>>)
    %dma_start3A_477 = arith.constant 0 : i32
    %dma_start3A_478 = arith.constant 0 : i32
    %dma_start3A_479 = tpu.memref_slice %arg26[%dma_start3A_477, %dma_start3A_478] : memref<10112x128xf32, #tpu.memory_space<vmem_shared>> -> memref<10112x128xf32, #tpu.memory_space<vmem_shared>>
    tpu.enqueue_indirect_dma source(%arg22 : memref<80x128xf32, #tpu.memory_space<vmem>>) target(%dma_start3A_479 : memref<10112x128xf32, #tpu.memory_space<vmem_shared>>) offsets(%arg14 : memref<80xi32, #tpu.memory_space<vmem>>) semaphore(%arg47 : memref<!tpu.dma_semaphore, #tpu.memory_space<semaphore_mem>>) {add = true}
    %dma_start3A_480 = arith.constant 0 : i32
    %dma_start3A_481 = arith.constant 124 : i32
    %dma_start3A_482 = arith.constant 0 : i32
    %dma_start3A_483 = tpu.memref_slice %arg3[%dma_start3A_480, %add3A, %dma_start3A_481, %dma_start3A_482] : memref<2x32x125x80xi32, #tpu.memory_space<hbm>> -> memref<1x1x1x80xi32, #tpu.memory_space<hbm>>
    %dma_start3A_484 = tpu.memref_squeeze %dma_start3A_483 : memref<1x1x1x80xi32, #tpu.memory_space<hbm>> -> memref<80xi32, #tpu.memory_space<hbm>>
    %dma_start3A_485 = arith.constant 0 : i32
    %dma_start3A_486 = tpu.memref_slice %arg3[%dma_start3A_480, %add3A, %dma_start3A_481, %dma_start3A_485] : memref<2x32x125x80xi32, #tpu.memory_space<hbm>> -> memref<1x1x1x80xi32, #tpu.memory_space<hbm>>
    %dma_start3A_487 = tpu.memref_squeeze %dma_start3A_486 : memref<1x1x1x80xi32, #tpu.memory_space<hbm>> -> memref<80xi32, #tpu.memory_space<hbm>>
    tpu.enqueue_dma source(%dma_start3A_487 : memref<80xi32, #tpu.memory_space<hbm>>) target(%arg10 : memref<80xi32, #tpu.memory_space<vmem>>) target_semaphore(%arg31 : memref<!tpu.dma_semaphore, #tpu.memory_space<semaphore_mem>>)
    %dma_start3A_488 = arith.constant 1 : i32
    %dma_start3A_489 = arith.constant 124 : i32
    %dma_start3A_490 = arith.constant 0 : i32
    %dma_start3A_491 = tpu.memref_slice %arg3[%dma_start3A_488, %add3A, %dma_start3A_489, %dma_start3A_490] : memref<2x32x125x80xi32, #tpu.memory_space<hbm>> -> memref<1x1x1x80xi32, #tpu.memory_space<hbm>>
    %dma_start3A_492 = tpu.memref_squeeze %dma_start3A_491 : memref<1x1x1x80xi32, #tpu.memory_space<hbm>> -> memref<80xi32, #tpu.memory_space<hbm>>
    %dma_start3A_493 = arith.constant 0 : i32
    %dma_start3A_494 = tpu.memref_slice %arg3[%dma_start3A_488, %add3A, %dma_start3A_489, %dma_start3A_493] : memref<2x32x125x80xi32, #tpu.memory_space<hbm>> -> memref<1x1x1x80xi32, #tpu.memory_space<hbm>>
    %dma_start3A_495 = tpu.memref_squeeze %dma_start3A_494 : memref<1x1x1x80xi32, #tpu.memory_space<hbm>> -> memref<80xi32, #tpu.memory_space<hbm>>
    tpu.enqueue_dma source(%dma_start3A_495 : memref<80xi32, #tpu.memory_space<hbm>>) target(%arg18 : memref<80xi32, #tpu.memory_space<vmem>>) target_semaphore(%arg39 : memref<!tpu.dma_semaphore, #tpu.memory_space<semaphore_mem>>)
    %dma_wait3A_496 = arith.constant 0 : i32
    %dma_wait3A_497 = arith.constant 0 : i32
    %dma_wait3A_498 = tpu.memref_slice %arg26[%dma_wait3A_496, %dma_wait3A_497] : memref<10112x128xf32, #tpu.memory_space<vmem_shared>> -> memref<10112x128xf32, #tpu.memory_space<vmem_shared>>
    tpu.wait_indirect_dma semaphore(%arg49 : memref<!tpu.dma_semaphore, #tpu.memory_space<semaphore_mem>>) src(%arg22 : memref<80x128xf32, #tpu.memory_space<vmem>>) dst(%dma_wait3A_498 : memref<10112x128xf32, #tpu.memory_space<vmem_shared>>)
    %dma_wait3A_499 = arith.constant 0 : i32
    %dma_wait3A_500 = arith.constant 0 : i32
    %dma_wait3A_501 = arith.constant 0 : i32
    %dma_wait3A_502 = arith.constant 0 : i32
    %dma_wait3A_503 = tpu.memref_slice %arg3[%dma_wait3A_499, %dma_wait3A_500, %dma_wait3A_501, %dma_wait3A_502] : memref<2x32x125x80xi32, #tpu.memory_space<hbm>> -> memref<1x1x1x80xi32, #tpu.memory_space<hbm>>
    %dma_wait3A_504 = tpu.memref_squeeze %dma_wait3A_503 : memref<1x1x1x80xi32, #tpu.memory_space<hbm>> -> memref<80xi32, #tpu.memory_space<hbm>>
    %dma_wait3A_505 = arith.constant 0 : i32
    %dma_wait3A_506 = tpu.memref_slice %arg3[%dma_wait3A_499, %dma_wait3A_500, %dma_wait3A_501, %dma_wait3A_505] : memref<2x32x125x80xi32, #tpu.memory_space<hbm>> -> memref<1x1x1x80xi32, #tpu.memory_space<hbm>>
    %dma_wait3A_507 = tpu.memref_squeeze %dma_wait3A_506 : memref<1x1x1x80xi32, #tpu.memory_space<hbm>> -> memref<80xi32, #tpu.memory_space<hbm>>
    tpu.wait_dma2 semaphore(%arg29 : memref<!tpu.dma_semaphore, #tpu.memory_space<semaphore_mem>>) src(%dma_wait3A_507 : memref<80xi32, #tpu.memory_space<hbm>>) dst(%arg8 : memref<80xi32, #tpu.memory_space<vmem>>)
    %dma_wait3A_508 = arith.constant 1 : i32
    %dma_wait3A_509 = arith.constant 0 : i32
    %dma_wait3A_510 = arith.constant 0 : i32
    %dma_wait3A_511 = arith.constant 0 : i32
    %dma_wait3A_512 = tpu.memref_slice %arg3[%dma_wait3A_508, %dma_wait3A_509, %dma_wait3A_510, %dma_wait3A_511] : memref<2x32x125x80xi32, #tpu.memory_space<hbm>> -> memref<1x1x1x80xi32, #tpu.memory_space<hbm>>
    %dma_wait3A_513 = tpu.memref_squeeze %dma_wait3A_512 : memref<1x1x1x80xi32, #tpu.memory_space<hbm>> -> memref<80xi32, #tpu.memory_space<hbm>>
    %dma_wait3A_514 = arith.constant 0 : i32
    %dma_wait3A_515 = tpu.memref_slice %arg3[%dma_wait3A_508, %dma_wait3A_509, %dma_wait3A_510, %dma_wait3A_514] : memref<2x32x125x80xi32, #tpu.memory_space<hbm>> -> memref<1x1x1x80xi32, #tpu.memory_space<hbm>>
    %dma_wait3A_516 = tpu.memref_squeeze %dma_wait3A_515 : memref<1x1x1x80xi32, #tpu.memory_space<hbm>> -> memref<80xi32, #tpu.memory_space<hbm>>
    tpu.wait_dma2 semaphore(%arg37 : memref<!tpu.dma_semaphore, #tpu.memory_space<semaphore_mem>>) src(%dma_wait3A_516 : memref<80xi32, #tpu.memory_space<hbm>>) dst(%arg16 : memref<80xi32, #tpu.memory_space<vmem>>)
    %dma_start3A_517 = arith.constant 0 : i32
    %dma_start3A_518 = arith.constant 0 : i32
    %dma_start3A_519 = tpu.memref_slice %arg2[%dma_start3A_517, %dma_start3A_518] : memref<10000x128xf32, #tpu.memory_space<hbm>> -> memref<10000x128xf32, #tpu.memory_space<hbm>>
    tpu.enqueue_indirect_dma source(%dma_start3A_519 : memref<10000x128xf32, #tpu.memory_space<hbm>>) target(%arg24 : memref<80x128xf32, #tpu.memory_space<vmem>>) offsets(%arg8 : memref<80xi32, #tpu.memory_space<vmem>>) semaphore(%arg45 : memref<!tpu.dma_semaphore, #tpu.memory_space<semaphore_mem>>)
    %dma_wait3A_520 = arith.constant 0 : i32
    %dma_wait3A_521 = arith.constant 0 : i32
    %dma_wait3A_522 = tpu.memref_slice %arg2[%dma_wait3A_520, %dma_wait3A_521] : memref<10000x128xf32, #tpu.memory_space<hbm>> -> memref<10000x128xf32, #tpu.memory_space<hbm>>
    tpu.wait_indirect_dma semaphore(%arg44 : memref<!tpu.dma_semaphore, #tpu.memory_space<semaphore_mem>>) src(%dma_wait3A_522 : memref<10000x128xf32, #tpu.memory_space<hbm>>) dst(%arg23 : memref<80x128xf32, #tpu.memory_space<vmem>>)
    %dma_start3A_523 = arith.constant 0 : i32
    %dma_start3A_524 = arith.constant 0 : i32
    %dma_start3A_525 = tpu.memref_slice %arg26[%dma_start3A_523, %dma_start3A_524] : memref<10112x128xf32, #tpu.memory_space<vmem_shared>> -> memref<10112x128xf32, #tpu.memory_space<vmem_shared>>
    tpu.enqueue_indirect_dma source(%arg23 : memref<80x128xf32, #tpu.memory_space<vmem>>) target(%dma_start3A_525 : memref<10112x128xf32, #tpu.memory_space<vmem_shared>>) offsets(%arg15 : memref<80xi32, #tpu.memory_space<vmem>>) semaphore(%arg48 : memref<!tpu.dma_semaphore, #tpu.memory_space<semaphore_mem>>) {add = true}
    %dma_wait3A_526 = arith.constant 0 : i32
    %dma_wait3A_527 = arith.constant 0 : i32
    %dma_wait3A_528 = tpu.memref_slice %arg26[%dma_wait3A_526, %dma_wait3A_527] : memref<10112x128xf32, #tpu.memory_space<vmem_shared>> -> memref<10112x128xf32, #tpu.memory_space<vmem_shared>>
    tpu.wait_indirect_dma semaphore(%arg50 : memref<!tpu.dma_semaphore, #tpu.memory_space<semaphore_mem>>) src(%arg22 : memref<80x128xf32, #tpu.memory_space<vmem>>) dst(%dma_wait3A_528 : memref<10112x128xf32, #tpu.memory_space<vmem_shared>>)
    %dma_wait3A_529 = arith.constant 0 : i32
    %dma_wait3A_530 = arith.constant 0 : i32
    %dma_wait3A_531 = arith.constant 0 : i32
    %dma_wait3A_532 = arith.constant 0 : i32
    %dma_wait3A_533 = tpu.memref_slice %arg3[%dma_wait3A_529, %dma_wait3A_530, %dma_wait3A_531, %dma_wait3A_532] : memref<2x32x125x80xi32, #tpu.memory_space<hbm>> -> memref<1x1x1x80xi32, #tpu.memory_space<hbm>>
    %dma_wait3A_534 = tpu.memref_squeeze %dma_wait3A_533 : memref<1x1x1x80xi32, #tpu.memory_space<hbm>> -> memref<80xi32, #tpu.memory_space<hbm>>
    %dma_wait3A_535 = arith.constant 0 : i32
    %dma_wait3A_536 = tpu.memref_slice %arg3[%dma_wait3A_529, %dma_wait3A_530, %dma_wait3A_531, %dma_wait3A_535] : memref<2x32x125x80xi32, #tpu.memory_space<hbm>> -> memref<1x1x1x80xi32, #tpu.memory_space<hbm>>
    %dma_wait3A_537 = tpu.memref_squeeze %dma_wait3A_536 : memref<1x1x1x80xi32, #tpu.memory_space<hbm>> -> memref<80xi32, #tpu.memory_space<hbm>>
    tpu.wait_dma2 semaphore(%arg30 : memref<!tpu.dma_semaphore, #tpu.memory_space<semaphore_mem>>) src(%dma_wait3A_537 : memref<80xi32, #tpu.memory_space<hbm>>) dst(%arg9 : memref<80xi32, #tpu.memory_space<vmem>>)
    %dma_wait3A_538 = arith.constant 1 : i32
    %dma_wait3A_539 = arith.constant 0 : i32
    %dma_wait3A_540 = arith.constant 0 : i32
    %dma_wait3A_541 = arith.constant 0 : i32
    %dma_wait3A_542 = tpu.memref_slice %arg3[%dma_wait3A_538, %dma_wait3A_539, %dma_wait3A_540, %dma_wait3A_541] : memref<2x32x125x80xi32, #tpu.memory_space<hbm>> -> memref<1x1x1x80xi32, #tpu.memory_space<hbm>>
    %dma_wait3A_543 = tpu.memref_squeeze %dma_wait3A_542 : memref<1x1x1x80xi32, #tpu.memory_space<hbm>> -> memref<80xi32, #tpu.memory_space<hbm>>
    %dma_wait3A_544 = arith.constant 0 : i32
    %dma_wait3A_545 = tpu.memref_slice %arg3[%dma_wait3A_538, %dma_wait3A_539, %dma_wait3A_540, %dma_wait3A_544] : memref<2x32x125x80xi32, #tpu.memory_space<hbm>> -> memref<1x1x1x80xi32, #tpu.memory_space<hbm>>
    %dma_wait3A_546 = tpu.memref_squeeze %dma_wait3A_545 : memref<1x1x1x80xi32, #tpu.memory_space<hbm>> -> memref<80xi32, #tpu.memory_space<hbm>>
    tpu.wait_dma2 semaphore(%arg38 : memref<!tpu.dma_semaphore, #tpu.memory_space<semaphore_mem>>) src(%dma_wait3A_546 : memref<80xi32, #tpu.memory_space<hbm>>) dst(%arg17 : memref<80xi32, #tpu.memory_space<vmem>>)
    %dma_start3A_547 = arith.constant 0 : i32
    %dma_start3A_548 = arith.constant 0 : i32
    %dma_start3A_549 = tpu.memref_slice %arg2[%dma_start3A_547, %dma_start3A_548] : memref<10000x128xf32, #tpu.memory_space<hbm>> -> memref<10000x128xf32, #tpu.memory_space<hbm>>
    tpu.enqueue_indirect_dma source(%dma_start3A_549 : memref<10000x128xf32, #tpu.memory_space<hbm>>) target(%arg25 : memref<80x128xf32, #tpu.memory_space<vmem>>) offsets(%arg9 : memref<80xi32, #tpu.memory_space<vmem>>) semaphore(%arg46 : memref<!tpu.dma_semaphore, #tpu.memory_space<semaphore_mem>>)
    %dma_wait3A_550 = arith.constant 0 : i32
    %dma_wait3A_551 = arith.constant 0 : i32
    %dma_wait3A_552 = tpu.memref_slice %arg2[%dma_wait3A_550, %dma_wait3A_551] : memref<10000x128xf32, #tpu.memory_space<hbm>> -> memref<10000x128xf32, #tpu.memory_space<hbm>>
    tpu.wait_indirect_dma semaphore(%arg45 : memref<!tpu.dma_semaphore, #tpu.memory_space<semaphore_mem>>) src(%dma_wait3A_552 : memref<10000x128xf32, #tpu.memory_space<hbm>>) dst(%arg24 : memref<80x128xf32, #tpu.memory_space<vmem>>)
    %dma_start3A_553 = arith.constant 0 : i32
    %dma_start3A_554 = arith.constant 0 : i32
    %dma_start3A_555 = tpu.memref_slice %arg26[%dma_start3A_553, %dma_start3A_554] : memref<10112x128xf32, #tpu.memory_space<vmem_shared>> -> memref<10112x128xf32, #tpu.memory_space<vmem_shared>>
    tpu.enqueue_indirect_dma source(%arg24 : memref<80x128xf32, #tpu.memory_space<vmem>>) target(%dma_start3A_555 : memref<10112x128xf32, #tpu.memory_space<vmem_shared>>) offsets(%arg16 : memref<80xi32, #tpu.memory_space<vmem>>) semaphore(%arg49 : memref<!tpu.dma_semaphore, #tpu.memory_space<semaphore_mem>>) {add = true}
    %dma_wait3A_556 = arith.constant 0 : i32
    %dma_wait3A_557 = arith.constant 0 : i32
    %dma_wait3A_558 = tpu.memref_slice %arg26[%dma_wait3A_556, %dma_wait3A_557] : memref<10112x128xf32, #tpu.memory_space<vmem_shared>> -> memref<10112x128xf32, #tpu.memory_space<vmem_shared>>
    tpu.wait_indirect_dma semaphore(%arg47 : memref<!tpu.dma_semaphore, #tpu.memory_space<semaphore_mem>>) src(%arg22 : memref<80x128xf32, #tpu.memory_space<vmem>>) dst(%dma_wait3A_558 : memref<10112x128xf32, #tpu.memory_space<vmem_shared>>)
    %dma_wait3A_559 = arith.constant 0 : i32
    %dma_wait3A_560 = arith.constant 0 : i32
    %dma_wait3A_561 = arith.constant 0 : i32
    %dma_wait3A_562 = arith.constant 0 : i32
    %dma_wait3A_563 = tpu.memref_slice %arg3[%dma_wait3A_559, %dma_wait3A_560, %dma_wait3A_561, %dma_wait3A_562] : memref<2x32x125x80xi32, #tpu.memory_space<hbm>> -> memref<1x1x1x80xi32, #tpu.memory_space<hbm>>
    %dma_wait3A_564 = tpu.memref_squeeze %dma_wait3A_563 : memref<1x1x1x80xi32, #tpu.memory_space<hbm>> -> memref<80xi32, #tpu.memory_space<hbm>>
    %dma_wait3A_565 = arith.constant 0 : i32
    %dma_wait3A_566 = tpu.memref_slice %arg3[%dma_wait3A_559, %dma_wait3A_560, %dma_wait3A_561, %dma_wait3A_565] : memref<2x32x125x80xi32, #tpu.memory_space<hbm>> -> memref<1x1x1x80xi32, #tpu.memory_space<hbm>>
    %dma_wait3A_567 = tpu.memref_squeeze %dma_wait3A_566 : memref<1x1x1x80xi32, #tpu.memory_space<hbm>> -> memref<80xi32, #tpu.memory_space<hbm>>
    tpu.wait_dma2 semaphore(%arg31 : memref<!tpu.dma_semaphore, #tpu.memory_space<semaphore_mem>>) src(%dma_wait3A_567 : memref<80xi32, #tpu.memory_space<hbm>>) dst(%arg10 : memref<80xi32, #tpu.memory_space<vmem>>)
    %dma_wait3A_568 = arith.constant 1 : i32
    %dma_wait3A_569 = arith.constant 0 : i32
    %dma_wait3A_570 = arith.constant 0 : i32
    %dma_wait3A_571 = arith.constant 0 : i32
    %dma_wait3A_572 = tpu.memref_slice %arg3[%dma_wait3A_568, %dma_wait3A_569, %dma_wait3A_570, %dma_wait3A_571] : memref<2x32x125x80xi32, #tpu.memory_space<hbm>> -> memref<1x1x1x80xi32, #tpu.memory_space<hbm>>
    %dma_wait3A_573 = tpu.memref_squeeze %dma_wait3A_572 : memref<1x1x1x80xi32, #tpu.memory_space<hbm>> -> memref<80xi32, #tpu.memory_space<hbm>>
    %dma_wait3A_574 = arith.constant 0 : i32
    %dma_wait3A_575 = tpu.memref_slice %arg3[%dma_wait3A_568, %dma_wait3A_569, %dma_wait3A_570, %dma_wait3A_574] : memref<2x32x125x80xi32, #tpu.memory_space<hbm>> -> memref<1x1x1x80xi32, #tpu.memory_space<hbm>>
    %dma_wait3A_576 = tpu.memref_squeeze %dma_wait3A_575 : memref<1x1x1x80xi32, #tpu.memory_space<hbm>> -> memref<80xi32, #tpu.memory_space<hbm>>
    tpu.wait_dma2 semaphore(%arg39 : memref<!tpu.dma_semaphore, #tpu.memory_space<semaphore_mem>>) src(%dma_wait3A_576 : memref<80xi32, #tpu.memory_space<hbm>>) dst(%arg18 : memref<80xi32, #tpu.memory_space<vmem>>)
    %dma_start3A_577 = arith.constant 0 : i32
    %dma_start3A_578 = arith.constant 0 : i32
    %dma_start3A_579 = tpu.memref_slice %arg2[%dma_start3A_577, %dma_start3A_578] : memref<10000x128xf32, #tpu.memory_space<hbm>> -> memref<10000x128xf32, #tpu.memory_space<hbm>>
    tpu.enqueue_indirect_dma source(%dma_start3A_579 : memref<10000x128xf32, #tpu.memory_space<hbm>>) target(%arg22 : memref<80x128xf32, #tpu.memory_space<vmem>>) offsets(%arg10 : memref<80xi32, #tpu.memory_space<vmem>>) semaphore(%arg43 : memref<!tpu.dma_semaphore, #tpu.memory_space<semaphore_mem>>)
    %dma_wait3A_580 = arith.constant 0 : i32
    %dma_wait3A_581 = arith.constant 0 : i32
    %dma_wait3A_582 = tpu.memref_slice %arg2[%dma_wait3A_580, %dma_wait3A_581] : memref<10000x128xf32, #tpu.memory_space<hbm>> -> memref<10000x128xf32, #tpu.memory_space<hbm>>
    tpu.wait_indirect_dma semaphore(%arg46 : memref<!tpu.dma_semaphore, #tpu.memory_space<semaphore_mem>>) src(%dma_wait3A_582 : memref<10000x128xf32, #tpu.memory_space<hbm>>) dst(%arg25 : memref<80x128xf32, #tpu.memory_space<vmem>>)
    %dma_start3A_583 = arith.constant 0 : i32
    %dma_start3A_584 = arith.constant 0 : i32
    %dma_start3A_585 = tpu.memref_slice %arg26[%dma_start3A_583, %dma_start3A_584] : memref<10112x128xf32, #tpu.memory_space<vmem_shared>> -> memref<10112x128xf32, #tpu.memory_space<vmem_shared>>
    tpu.enqueue_indirect_dma source(%arg25 : memref<80x128xf32, #tpu.memory_space<vmem>>) target(%dma_start3A_585 : memref<10112x128xf32, #tpu.memory_space<vmem_shared>>) offsets(%arg17 : memref<80xi32, #tpu.memory_space<vmem>>) semaphore(%arg50 : memref<!tpu.dma_semaphore, #tpu.memory_space<semaphore_mem>>) {add = true}
    %dma_wait3A_586 = arith.constant 0 : i32
    %dma_wait3A_587 = arith.constant 0 : i32
    %dma_wait3A_588 = tpu.memref_slice %arg26[%dma_wait3A_586, %dma_wait3A_587] : memref<10112x128xf32, #tpu.memory_space<vmem_shared>> -> memref<10112x128xf32, #tpu.memory_space<vmem_shared>>
    tpu.wait_indirect_dma semaphore(%arg48 : memref<!tpu.dma_semaphore, #tpu.memory_space<semaphore_mem>>) src(%arg22 : memref<80x128xf32, #tpu.memory_space<vmem>>) dst(%dma_wait3A_588 : memref<10112x128xf32, #tpu.memory_space<vmem_shared>>)
    %dma_wait3A_589 = arith.constant 0 : i32
    %dma_wait3A_590 = arith.constant 0 : i32
    %dma_wait3A_591 = tpu.memref_slice %arg2[%dma_wait3A_589, %dma_wait3A_590] : memref<10000x128xf32, #tpu.memory_space<hbm>> -> memref<10000x128xf32, #tpu.memory_space<hbm>>
    tpu.wait_indirect_dma semaphore(%arg43 : memref<!tpu.dma_semaphore, #tpu.memory_space<semaphore_mem>>) src(%dma_wait3A_591 : memref<10000x128xf32, #tpu.memory_space<hbm>>) dst(%arg22 : memref<80x128xf32, #tpu.memory_space<vmem>>)
    %dma_start3A_592 = arith.constant 0 : i32
    %dma_start3A_593 = arith.constant 0 : i32
    %dma_start3A_594 = tpu.memref_slice %arg26[%dma_start3A_592, %dma_start3A_593] : memref<10112x128xf32, #tpu.memory_space<vmem_shared>> -> memref<10112x128xf32, #tpu.memory_space<vmem_shared>>
    tpu.enqueue_indirect_dma source(%arg22 : memref<80x128xf32, #tpu.memory_space<vmem>>) target(%dma_start3A_594 : memref<10112x128xf32, #tpu.memory_space<vmem_shared>>) offsets(%arg18 : memref<80xi32, #tpu.memory_space<vmem>>) semaphore(%arg47 : memref<!tpu.dma_semaphore, #tpu.memory_space<semaphore_mem>>) {add = true}
    %dma_wait3A_595 = arith.constant 0 : i32
    %dma_wait3A_596 = arith.constant 0 : i32
    %dma_wait3A_597 = tpu.memref_slice %arg26[%dma_wait3A_595, %dma_wait3A_596] : memref<10112x128xf32, #tpu.memory_space<vmem_shared>> -> memref<10112x128xf32, #tpu.memory_space<vmem_shared>>
    tpu.wait_indirect_dma semaphore(%arg49 : memref<!tpu.dma_semaphore, #tpu.memory_space<semaphore_mem>>) src(%arg22 : memref<80x128xf32, #tpu.memory_space<vmem>>) dst(%dma_wait3A_597 : memref<10112x128xf32, #tpu.memory_space<vmem_shared>>)
    %dma_wait3A_598 = arith.constant 0 : i32
    %dma_wait3A_599 = arith.constant 0 : i32
    %dma_wait3A_600 = tpu.memref_slice %arg26[%dma_wait3A_598, %dma_wait3A_599] : memref<10112x128xf32, #tpu.memory_space<vmem_shared>> -> memref<10112x128xf32, #tpu.memory_space<vmem_shared>>
    tpu.wait_indirect_dma semaphore(%arg50 : memref<!tpu.dma_semaphore, #tpu.memory_space<semaphore_mem>>) src(%arg22 : memref<80x128xf32, #tpu.memory_space<vmem>>) dst(%dma_wait3A_600 : memref<10112x128xf32, #tpu.memory_space<vmem_shared>>)
    %dma_wait3A_601 = arith.constant 0 : i32
    %dma_wait3A_602 = arith.constant 0 : i32
    %dma_wait3A_603 = tpu.memref_slice %arg26[%dma_wait3A_601, %dma_wait3A_602] : memref<10112x128xf32, #tpu.memory_space<vmem_shared>> -> memref<10112x128xf32, #tpu.memory_space<vmem_shared>>
    tpu.wait_indirect_dma semaphore(%arg47 : memref<!tpu.dma_semaphore, #tpu.memory_space<semaphore_mem>>) src(%arg22 : memref<80x128xf32, #tpu.memory_space<vmem>>) dst(%dma_wait3A_603 : memref<10112x128xf32, #tpu.memory_space<vmem_shared>>)
    %barrier3A_604 = arith.constant 0 : index
    tpu.barrier barrier_id(%barrier3A_604)
    %mul3A_605 = arith.constant 632 : i32
    %mul3A_606 = arith.muli %arg1, %mul3A_605 : i32
    %mul3A_607 = arith.constant 632 : i32
    %mul3A_608 = arith.muli %arg1, %mul3A_607 : i32
    "tpu.region"() ({
      %run_scoped3A = tpu.sem_alloc : memref<!tpu.dma_semaphore, #tpu.memory_space<semaphore_mem>>
      %dma_start3A_609 = arith.constant 0 : i32
      %dma_start3A_610 = tpu.memref_slice %arg5[%arg0, %mul3A_608, %dma_start3A_609] : memref<2x10112x128xf32, #tpu.memory_space<hbm>> -> memref<1x632x128xf32, #tpu.memory_space<hbm>>
      %dma_start3A_611 = tpu.memref_squeeze %dma_start3A_610 : memref<1x632x128xf32, #tpu.memory_space<hbm>> -> memref<632x128xf32, #tpu.memory_space<hbm>>
      %dma_start3A_612 = arith.constant 0 : i32
      %dma_start3A_613 = tpu.memref_slice %arg26[%mul3A_606, %dma_start3A_612] : memref<10112x128xf32, #tpu.memory_space<vmem_shared>> -> memref<632x128xf32, #tpu.memory_space<vmem_shared>>
      tpu.enqueue_dma source(%dma_start3A_613 : memref<632x128xf32, #tpu.memory_space<vmem_shared>>) target(%dma_start3A_611 : memref<632x128xf32, #tpu.memory_space<hbm>>) target_semaphore(%run_scoped3A : memref<!tpu.dma_semaphore, #tpu.memory_space<semaphore_mem>>)
      %dma_wait3A_614 = arith.constant 0 : i32
      %dma_wait3A_615 = tpu.memref_slice %arg5[%arg0, %mul3A_608, %dma_wait3A_614] : memref<2x10112x128xf32, #tpu.memory_space<hbm>> -> memref<1x632x128xf32, #tpu.memory_space<hbm>>
      %dma_wait3A_616 = tpu.memref_squeeze %dma_wait3A_615 : memref<1x632x128xf32, #tpu.memory_space<hbm>> -> memref<632x128xf32, #tpu.memory_space<hbm>>
      %dma_wait3A_617 = arith.constant 0 : i32
      %dma_wait3A_618 = tpu.memref_slice %arg26[%mul3A_606, %dma_wait3A_617] : memref<10112x128xf32, #tpu.memory_space<vmem_shared>> -> memref<632x128xf32, #tpu.memory_space<vmem_shared>>
      tpu.wait_dma2 semaphore(%run_scoped3A : memref<!tpu.dma_semaphore, #tpu.memory_space<semaphore_mem>>) src(%dma_wait3A_618 : memref<632x128xf32, #tpu.memory_space<vmem_shared>>) dst(%dma_wait3A_616 : memref<632x128xf32, #tpu.memory_space<hbm>>)
      tpu.yield
    }) : () -> ()
    return
  }
}

module attributes {stable_mosaic.version = 14 : i64} {
  func.func @_tc1_body(%arg0: memref<2x10112x16xf32, #tpu.memory_space<vmem>>, %arg1: memref<10000x128xf32, #tpu.memory_space<vmem>>, %arg2: memref<128x128xf32, #tpu.memory_space<vmem>>, %arg3: memref<10000x1xf32, #tpu.memory_space<vmem>>, %arg4: memref<10000x128xf32, #tpu.memory_space<vmem>>) attributes {dimension_semantics = [], scalar_prefetch = 0 : i64, scratch_operands = 0 : i64, tpu.core_type = #tpu.core_type<tc>} {
    %get3A = arith.constant 0 : index
    %get3A_0 = arith.constant 0 : index
    %get3A_1 = arith.constant 0 : index
    %get3A_2 = vector.load %arg0[%get3A, %get3A_0, %get3A_1] : memref<2x10112x16xf32, #tpu.memory_space<vmem>>, vector<1x10000x16xf32>
    %get3A_3 = vector.shape_cast %get3A_2 : vector<1x10000x16xf32> to vector<10000x16xf32>
    %get3A_4 = arith.constant 1 : index
    %get3A_5 = arith.constant 0 : index
    %get3A_6 = arith.constant 0 : index
    %get3A_7 = vector.load %arg0[%get3A_4, %get3A_5, %get3A_6] : memref<2x10112x16xf32, #tpu.memory_space<vmem>>, vector<1x10000x16xf32>
    %get3A_8 = vector.shape_cast %get3A_7 : vector<1x10000x16xf32> to vector<10000x16xf32>
    %add3A = arith.addf %get3A_3, %get3A_8 : vector<10000x16xf32>
    %broadcast_in_dim3A = arith.constant 6.250000e-02 : f32
    %broadcast_in_dim3A_9 = vector.broadcast %broadcast_in_dim3A : f32 to vector<16x1xf32>
    %dot_general3A = arith.constant dense<0.000000e+00> : vector<10000x1xf32>
    %dot_general3A_10 = tpu.matmul %add3A, %broadcast_in_dim3A_9, %dot_general3A {dimension_numbers = #tpu.dot_dimension_numbers<[1], [0], [0], [1], [0, 0, 1, 1], [], []>, transpose_lhs_hint = false} : vector<10000x16xf32>, vector<16x1xf32>, vector<10000x1xf32> -> vector<10000x1xf32>
    %add3A_11 = arith.constant 1.000000e+00 : f32
    %add3A_12 = vector.broadcast %add3A_11 : f32 to vector<10000x1xf32>
    %add3A_13 = arith.addf %dot_general3A_10, %add3A_12 : vector<10000x1xf32>
    %rsqrt3A = math.rsqrt %add3A_13 : vector<10000x1xf32>
    %swap3A = arith.constant 0 : index
    %swap3A_14 = arith.constant 0 : index
    %swap3A_15 = vector.load %arg3[%swap3A, %swap3A_14] : memref<10000x1xf32, #tpu.memory_space<vmem>>, vector<10000x1xf32>
    tpu.vector_store %arg3[%swap3A, %swap3A_14], %rsqrt3A {strides = array<i32>} : memref<10000x1xf32, #tpu.memory_space<vmem>>, vector<10000x1xf32>,
    %get3A_16 = arith.constant 0 : index
    %get3A_17 = arith.constant 0 : index
    %get3A_18 = vector.load %arg1[%get3A_16, %get3A_17] : memref<10000x128xf32, #tpu.memory_space<vmem>>, vector<10000x128xf32>
    %get3A_19 = arith.constant 0 : index
    %get3A_20 = arith.constant 0 : index
    %get3A_21 = vector.load %arg2[%get3A_19, %get3A_20] : memref<128x128xf32, #tpu.memory_space<vmem>>, vector<128x128xf32>
    %dot_general3A_22 = arith.constant dense<0.000000e+00> : vector<10000x128xf32>
    %dot_general3A_23 = tpu.matmul %get3A_18, %get3A_21, %dot_general3A_22 {dimension_numbers = #tpu.dot_dimension_numbers<[1], [0], [0], [1], [0, 0, 1, 1], [], []>, transpose_lhs_hint = false} : vector<10000x128xf32>, vector<128x128xf32>, vector<10000x128xf32> -> vector<10000x128xf32>
    %mul3A = vector.broadcast %rsqrt3A : vector<10000x1xf32> to vector<10000x128xf32>
    %mul3A_24 = arith.mulf %dot_general3A_23, %mul3A : vector<10000x128xf32>
    %swap3A_25 = arith.constant 0 : index
    %swap3A_26 = arith.constant 0 : index
    %swap3A_27 = vector.load %arg4[%swap3A_25, %swap3A_26] : memref<10000x128xf32, #tpu.memory_space<vmem>>, vector<10000x128xf32>
    tpu.vector_store %arg4[%swap3A_25, %swap3A_26], %mul3A_24 {strides = array<i32>} : memref<10000x128xf32, #tpu.memory_space<vmem>>, vector<10000x128xf32>,
    return
  }
}

module attributes {stable_mosaic.version = 14 : i64} {
  func.func @_tc2_body(%arg0: memref<2x10112x128xf32, #tpu.memory_space<vmem>>, %arg1: memref<10000x128xf32, #tpu.memory_space<vmem>>, %arg2: memref<10000x1xf32, #tpu.memory_space<vmem>>, %arg3: memref<128xf32, #tpu.memory_space<vmem>>, %arg4: memref<128x128xf32, #tpu.memory_space<vmem>>, %arg5: memref<10000x128xf32, #tpu.memory_space<vmem>>) attributes {dimension_semantics = [], scalar_prefetch = 0 : i64, scratch_operands = 0 : i64, tpu.core_type = #tpu.core_type<tc>} {
    %get3A = arith.constant 0 : index
    %get3A_0 = arith.constant 0 : index
    %get3A_1 = vector.load %arg2[%get3A, %get3A_0] : memref<10000x1xf32, #tpu.memory_space<vmem>>, vector<10000x1xf32>
    %get3A_2 = arith.constant 0 : index
    %get3A_3 = arith.constant 0 : index
    %get3A_4 = arith.constant 0 : index
    %get3A_5 = vector.load %arg0[%get3A_2, %get3A_3, %get3A_4] : memref<2x10112x128xf32, #tpu.memory_space<vmem>>, vector<1x10000x128xf32>
    %get3A_6 = vector.shape_cast %get3A_5 : vector<1x10000x128xf32> to vector<10000x128xf32>
    %get3A_7 = arith.constant 1 : index
    %get3A_8 = arith.constant 0 : index
    %get3A_9 = arith.constant 0 : index
    %get3A_10 = vector.load %arg0[%get3A_7, %get3A_8, %get3A_9] : memref<2x10112x128xf32, #tpu.memory_space<vmem>>, vector<1x10000x128xf32>
    %get3A_11 = vector.shape_cast %get3A_10 : vector<1x10000x128xf32> to vector<10000x128xf32>
    %add3A = arith.addf %get3A_6, %get3A_11 : vector<10000x128xf32>
    %get3A_12 = arith.constant 0 : index
    %get3A_13 = arith.constant 0 : index
    %get3A_14 = vector.load %arg1[%get3A_12, %get3A_13] : memref<10000x128xf32, #tpu.memory_space<vmem>>, vector<10000x128xf32>
    %add3A_15 = arith.addf %add3A, %get3A_14 : vector<10000x128xf32>
    %mul3A = vector.broadcast %get3A_1 : vector<10000x1xf32> to vector<10000x128xf32>
    %mul3A_16 = arith.mulf %add3A_15, %mul3A : vector<10000x128xf32>
    %get3A_17 = arith.constant 0 : index
    %get3A_18 = vector.load %arg3[%get3A_17] : memref<128xf32, #tpu.memory_space<vmem>>, vector<128xf32>
    %broadcast_in_dim3A = vector.shape_cast %get3A_18 : vector<128xf32> to vector<1x128xf32>
    %add3A_19 = vector.broadcast %broadcast_in_dim3A : vector<1x128xf32> to vector<10000x128xf32>
    %add3A_20 = arith.addf %mul3A_16, %add3A_19 : vector<10000x128xf32>
    %max3A = arith.constant 0.000000e+00 : f32
    %max3A_21 = vector.broadcast %max3A : f32 to vector<10000x128xf32>
    %max3A_22 = arith.maximumf %add3A_20, %max3A_21 : vector<10000x128xf32>
    %get3A_23 = arith.constant 0 : index
    %get3A_24 = arith.constant 0 : index
    %get3A_25 = vector.load %arg4[%get3A_23, %get3A_24] : memref<128x128xf32, #tpu.memory_space<vmem>>, vector<128x128xf32>
    %dot_general3A = arith.constant dense<0.000000e+00> : vector<10000x128xf32>
    %dot_general3A_26 = tpu.matmul %max3A_22, %get3A_25, %dot_general3A {dimension_numbers = #tpu.dot_dimension_numbers<[1], [0], [0], [1], [0, 0, 1, 1], [], []>, transpose_lhs_hint = false} : vector<10000x128xf32>, vector<128x128xf32>, vector<10000x128xf32> -> vector<10000x128xf32>
    %mul3A_27 = vector.broadcast %get3A_1 : vector<10000x1xf32> to vector<10000x128xf32>
    %mul3A_28 = arith.mulf %dot_general3A_26, %mul3A_27 : vector<10000x128xf32>
    %swap3A = arith.constant 0 : index
    %swap3A_29 = arith.constant 0 : index
    %swap3A_30 = vector.load %arg5[%swap3A, %swap3A_29] : memref<10000x128xf32, #tpu.memory_space<vmem>>, vector<10000x128xf32>
    tpu.vector_store %arg5[%swap3A, %swap3A_29], %mul3A_28 {strides = array<i32>} : memref<10000x128xf32, #tpu.memory_space<vmem>>, vector<10000x128xf32>,
    return
  }
}

module attributes {stable_mosaic.version = 14 : i64} {
  func.func @_tc3_body(%arg0: memref<2x10112x128xf32, #tpu.memory_space<vmem>>, %arg1: memref<10000x128xf32, #tpu.memory_space<vmem>>, %arg2: memref<10000x1xf32, #tpu.memory_space<vmem>>, %arg3: memref<128xf32, #tpu.memory_space<vmem>>, %arg4: memref<10000x1xi32, #tpu.memory_space<vmem>>, %arg5: memref<128x10xf32, #tpu.memory_space<vmem>>, %arg6: memref<10xf32, #tpu.memory_space<vmem>>, %arg7: memref<64x10xf32, #tpu.memory_space<vmem>>) attributes {dimension_semantics = [], scalar_prefetch = 0 : i64, scratch_operands = 0 : i64, tpu.core_type = #tpu.core_type<tc>} {
    %get3A = arith.constant 0 : index
    %get3A_0 = arith.constant 0 : index
    %get3A_1 = arith.constant 0 : index
    %get3A_2 = vector.load %arg0[%get3A, %get3A_0, %get3A_1] : memref<2x10112x128xf32, #tpu.memory_space<vmem>>, vector<1x10000x128xf32>
    %get3A_3 = vector.shape_cast %get3A_2 : vector<1x10000x128xf32> to vector<10000x128xf32>
    %get3A_4 = arith.constant 1 : index
    %get3A_5 = arith.constant 0 : index
    %get3A_6 = arith.constant 0 : index
    %get3A_7 = vector.load %arg0[%get3A_4, %get3A_5, %get3A_6] : memref<2x10112x128xf32, #tpu.memory_space<vmem>>, vector<1x10000x128xf32>
    %get3A_8 = vector.shape_cast %get3A_7 : vector<1x10000x128xf32> to vector<10000x128xf32>
    %add3A = arith.addf %get3A_3, %get3A_8 : vector<10000x128xf32>
    %get3A_9 = arith.constant 0 : index
    %get3A_10 = arith.constant 0 : index
    %get3A_11 = vector.load %arg1[%get3A_9, %get3A_10] : memref<10000x128xf32, #tpu.memory_space<vmem>>, vector<10000x128xf32>
    %add3A_12 = arith.addf %add3A, %get3A_11 : vector<10000x128xf32>
    %get3A_13 = arith.constant 0 : index
    %get3A_14 = arith.constant 0 : index
    %get3A_15 = vector.load %arg2[%get3A_13, %get3A_14] : memref<10000x1xf32, #tpu.memory_space<vmem>>, vector<10000x1xf32>
    %mul3A = vector.broadcast %get3A_15 : vector<10000x1xf32> to vector<10000x128xf32>
    %mul3A_16 = arith.mulf %add3A_12, %mul3A : vector<10000x128xf32>
    %get3A_17 = arith.constant 0 : index
    %get3A_18 = vector.load %arg3[%get3A_17] : memref<128xf32, #tpu.memory_space<vmem>>, vector<128xf32>
    %broadcast_in_dim3A = vector.shape_cast %get3A_18 : vector<128xf32> to vector<1x128xf32>
    %add3A_19 = vector.broadcast %broadcast_in_dim3A : vector<1x128xf32> to vector<10000x128xf32>
    %add3A_20 = arith.addf %mul3A_16, %add3A_19 : vector<10000x128xf32>
    %max3A = arith.constant 0.000000e+00 : f32
    %max3A_21 = vector.broadcast %max3A : f32 to vector<10000x128xf32>
    %max3A_22 = arith.maximumf %add3A_20, %max3A_21 : vector<10000x128xf32>
    %iota3A = tpu.iota {dimensions = array<i32: 1>} : vector<10000x64xi32>
    %get3A_23 = arith.constant 0 : index
    %get3A_24 = arith.constant 0 : index
    %get3A_25 = vector.load %arg4[%get3A_23, %get3A_24] : memref<10000x1xi32, #tpu.memory_space<vmem>>, vector<10000x1xi32>
    %eq3A = vector.broadcast %get3A_25 : vector<10000x1xi32> to vector<10000x64xi32>
    %eq3A_26 = arith.cmpi eq, %eq3A, %iota3A : vector<10000x64xi32>
    %convert_element_type3A = arith.extui %eq3A_26 : vector<10000x64xi1> to vector<10000x64xi32>
    %convert_element_type3A_27 = arith.sitofp %convert_element_type3A : vector<10000x64xi32> to vector<10000x64xf32>
    %dot_general3A = arith.constant dense<0.000000e+00> : vector<64x128xf32>
    %dot_general3A_28 = tpu.matmul %convert_element_type3A_27, %max3A_22, %dot_general3A {dimension_numbers = #tpu.dot_dimension_numbers<[0], [0], [1], [1], [0, 1, 1, 1], [], []>, transpose_lhs_hint = false} : vector<10000x64xf32>, vector<10000x128xf32>, vector<64x128xf32> -> vector<64x128xf32>
    %broadcast_in_dim3A_29 = arith.constant 1.000000e+00 : f32
    %broadcast_in_dim3A_30 = vector.broadcast %broadcast_in_dim3A_29 : f32 to vector<10000x1xf32>
    %dot_general3A_31 = arith.constant dense<0.000000e+00> : vector<64x1xf32>
    %dot_general3A_32 = tpu.matmul %convert_element_type3A_27, %broadcast_in_dim3A_30, %dot_general3A_31 {dimension_numbers = #tpu.dot_dimension_numbers<[0], [0], [1], [1], [0, 1, 1, 1], [], []>, transpose_lhs_hint = false} : vector<10000x64xf32>, vector<10000x1xf32>, vector<64x1xf32> -> vector<64x1xf32>
    %max3A_33 = arith.constant 1.000000e+00 : f32
    %max3A_34 = vector.broadcast %max3A_33 : f32 to vector<64x1xf32>
    %max3A_35 = arith.maximumf %dot_general3A_32, %max3A_34 : vector<64x1xf32>
    %div3A = vector.broadcast %max3A_35 : vector<64x1xf32> to vector<64x128xf32>
    %div3A_36 = arith.divf %dot_general3A_28, %div3A : vector<64x128xf32>
    %get3A_37 = arith.constant 0 : index
    %get3A_38 = arith.constant 0 : index
    %get3A_39 = vector.load %arg5[%get3A_37, %get3A_38] : memref<128x10xf32, #tpu.memory_space<vmem>>, vector<128x10xf32>
    %dot_general3A_40 = arith.constant dense<0.000000e+00> : vector<64x10xf32>
    %dot_general3A_41 = tpu.matmul %div3A_36, %get3A_39, %dot_general3A_40 {dimension_numbers = #tpu.dot_dimension_numbers<[1], [0], [0], [1], [0, 0, 1, 1], [], []>, transpose_lhs_hint = false} : vector<64x128xf32>, vector<128x10xf32>, vector<64x10xf32> -> vector<64x10xf32>
    %get3A_42 = arith.constant 0 : index
    %get3A_43 = vector.load %arg6[%get3A_42] : memref<10xf32, #tpu.memory_space<vmem>>, vector<10xf32>
    %broadcast_in_dim3A_44 = vector.shape_cast %get3A_43 : vector<10xf32> to vector<1x10xf32>
    %add3A_45 = vector.broadcast %broadcast_in_dim3A_44 : vector<1x10xf32> to vector<64x10xf32>
    %add3A_46 = arith.addf %dot_general3A_41, %add3A_45 : vector<64x10xf32>
    %reduce_max3A = arith.constant dense<0xFF800000> : vector<64xf32>
    %reduce_max3A_47 = vector.multi_reduction <maximumf>, %add3A_46, %reduce_max3A [1] : vector<64x10xf32> to vector<64xf32>
    %broadcast_in_dim3A_48 = vector.shape_cast %reduce_max3A_47 : vector<64xf32> to vector<64x1xf32>
    %sub3A = vector.broadcast %broadcast_in_dim3A_48 : vector<64x1xf32> to vector<64x10xf32>
    %sub3A_49 = arith.subf %add3A_46, %sub3A : vector<64x10xf32>
    %exp3A = math.exp %sub3A_49 : vector<64x10xf32>
    %reduce_sum3A = arith.constant dense<0.000000e+00> : vector<64xf32>
    %reduce_sum3A_50 = vector.multi_reduction <add>, %exp3A, %reduce_sum3A [1] : vector<64x10xf32> to vector<64xf32>
    %broadcast_in_dim3A_51 = vector.shape_cast %reduce_sum3A_50 : vector<64xf32> to vector<64x1xf32>
    %log3A = math.log %broadcast_in_dim3A_51 : vector<64x1xf32>
    %sub3A_52 = vector.broadcast %log3A : vector<64x1xf32> to vector<64x10xf32>
    %sub3A_53 = arith.subf %sub3A_49, %sub3A_52 : vector<64x10xf32>
    %swap3A = arith.constant 0 : index
    %swap3A_54 = arith.constant 0 : index
    %swap3A_55 = vector.load %arg7[%swap3A, %swap3A_54] : memref<64x10xf32, #tpu.memory_space<vmem>>, vector<64x10xf32>
    tpu.vector_store %arg7[%swap3A, %swap3A_54], %sub3A_53 {strides = array<i32>} : memref<64x10xf32, #tpu.memory_space<vmem>>, vector<64x10xf32>,
    return
  }
}

</mosaic_0001>

<sc_bundles>
// kernel: kernel.11.cloned.1.call-start
scs
__scs_entry_jumppad:
0x0: {  	(pc) =	sbr.rel $0x88, $3  }
0x1: {  	(tag) =	ssettag $0x0;
	lr =	simm.s32 $0x1  }
0x2: {  	[smem:$0x3F98] =	sst lr;
	_ =	strace $0xD0000000  }
0x3: {  	_ = 	snop  }
0x4: {  	_ = 	snop  }
0x5: {  	_ = 	snop  }
0x6: {  	_ = 	snop  }
0x7: {  	_ = 	snop  }
__scs_overlays_trampoline_lowered:
0x8: {  	[smem:$0x3FA7] =	sst s0  }
0x9: {  	[smem:$0x3FA8] =	sst s1  }
0xa: {  	[smem:$0x3FA9] =	sst s2  }
0xb: {  	[smem:$0x3FAA] =	sst s3  }
0xc: {  	[smem:$0x3FAB] =	sst s4  }
0xd: {  	[smem:$0x3FAC] =	sst s5  }
0xe: {  	[smem:$0x3FAD] =	sst s6  }
0xf: {  	[smem:$0x3FAE] =	sst s7  }
0x10: {  	[smem:$0x3FAF] =	sst s8  }
0x11: {  	[smem:$0x3FB0] =	sst s9;
	s0 =	simm.s32 @!p0 $0x0  }
0x12: {  	s1 =	sld [smem:$0x3F96];
	s0 =	simm.s32 @p0 $0x1  }
0x13: {  	[smem:$0x3FB1] =	sst s0;
	s0 =	simm.s32 @!p1 $0x0  }
0x14: {  	s2 =	sld [smem:$0x3F95];
	s0 =	simm.s32 @p1 $0x1  }
0x15: {  	[smem:$0x3FB2] =	sst s0;
	s0 =	simm.s32 @!p2 $0x0  }
0x16: {  	s3 =	sld [smem:$0x3FDB];
	s0 =	simm.s32 @p2 $0x1  }
0x17: {  	s4 =	simm.s32 $0x1BF5;
	[smem:$0x3FB4] =	sst s0  }
0x18: {  	s0 =	sld [smem:$0x3F97];
	_ =	swait.ge [sflag:s4], $0x0  }
0x19: {  	s7 =	sld [smem:$0x3F98]  }
0x1a: {  	s8 =	sadd.s32 $0xFFFFE003, lr  }
0x1b: {  	s9 =	sadd.s32 $0xFFFFFEF7, lr;
	s5 =	simm.s32 $0xFFFFFFFF;
	p2 =	slt.u32 s8, $0xFFFFF086  }
0x1c: {  	p1 =	slt.u32 s9, $0xF7A;
	s5 =	simm.s32 @!p2 $0x0  }
0x1d: {  	s5 =	simm.s32 @p1 $0x1;
	p0 =	seq.s32 s7, s2  }
0x1e: {  	s7 =	smul.u32 @!p0 $0xF7A, s2;
	p2 =	seq.s32 @!p0 s5, $0x0  }
0x1f: {  	s9 =	smul.u32 $0xF7A, s1;
	s8 =	simm.s32 @!p0 $0x1BF5;
	p2 =	por !p2, p0  }
0x20: {  	[sflag:s8] =	ssyncset.s32 @!p0 $0xFFFFF086;
	s6 =	sadd.s32 @!p0 s3, s7;
	s7 =	simm.s32 @!p0 $0x108  }
0x21: {  	s3 =	sadd.s32 s3, s9;
	s6 =	sadd.s32 @!p0 $0x88, s6;
	s7 =	simm.s32 @p2 $0x1082  }
0x22: {  	[simem:s7], [sflag:s8] =	dma.local @!p0 [hbm:s6], $0xF7A  }
0x23: {  	s9 =	sor.u32 $0xD0000000, s2;
	s6 =	simm.s32 $0x108;
	_ =	swait.ge @!p0 [sflag:s8], $0x0  }
0x24: {  	s3 =	sadd.s32 $0x88, s3;
	s6 =	simm.s32 @!p1 $0x1082;
	[sflag:s4] =	ssyncset.s32 $0xFFFFF086  }
0x25: {  	[simem:s6], [sflag:s4] =	dma.local [hbm:s3], $0xF7A  }
0x26: {  	[smem:$0x3F98] =	sst s1;
	(tag) =	ssettag s2;
	_ =	strace s9  }
0x27: {  	s1 =	sld [smem:$0x3FA8]  }
0x28: {  	s2 =	sld [smem:$0x3FA9]  }
0x29: {  	s4 =	sld [smem:$0x3FAB]  }
0x2a: {  	p0 =	seq.s32 s5, $0x0;
	s5 =	sld [smem:$0x3FAC]  }
0x2b: {  	s6 =	sld [smem:$0x3FAD]  }
0x2c: {  	s7 =	sld [smem:$0x3FAE]  }
0x2d: {  	s3 =	simm.s32 $0x108;
	s8 =	sld [smem:$0x3FAF]  }
0x2e: {  	s3 =	simm.s32 @!p0 $0x1082;
	s9 =	sld [smem:$0x3FB0]  }
0x2f: {  	lr =	sadd.s32 s0, s3;
	s0 =	sld [smem:$0x3FA7]  }
0x30: {  	s3 =	sld [smem:$0x3FAA]  }
0x31: {  	[smem:$0x3FB3] =	sst s10  }
0x32: {  	s10 =	sld [smem:$0x3FB1];
	_ =	sdelay $0x3  }
0x33: {  	p0 =	seq.s32 s10, $0x1;
	s10 =	sld [smem:$0x3FB3];
	_ =	sdelay $0x3  }
0x34: {  	[smem:$0x3FB3] =	sst s10  }
0x35: {  	s10 =	sld [smem:$0x3FB2];
	_ =	sdelay $0x3  }
0x36: {  	p1 =	seq.s32 s10, $0x1;
	s10 =	sld [smem:$0x3FB3];
	_ =	sdelay $0x3  }
0x37: {  	[smem:$0x3FB3] =	sst s10  }
0x38: {  	s10 =	sld [smem:$0x3FB4]  }
0x39: {  	_ = 	snop;
	(pc) =	sbr.ind lr, $3  }
0x3a: {  	_ = 	snop  }
0x3b: {  	_ = 	snop  }
0x3c: {  	p2 =	seq.s32 s10, $0x1;
	s10 =	sld [smem:$0x3FB3]  }
0x3d: {  	_ =	shalt  }
0x3e: {  	_ =	shalt  }
0x3f: {  	_ =	shalt  }
0x40: {  	_ =	shalt  }
0x41: {  	_ =	shalt  }
0x42: {  	_ =	shalt  }
0x43: {  	_ =	shalt  }
0x44: {  	_ =	shalt  }
0x45: {  	_ =	shalt  }
0x46: {  	_ =	shalt  }
0x47: {  	_ =	shalt  }
0x48: {  	_ =	shalt  }
0x49: {  	_ =	shalt  }
0x4a: {  	_ =	shalt  }
0x4b: {  	_ =	shalt  }
0x4c: {  	_ =	shalt  }
0x4d: {  	_ =	shalt  }
0x4e: {  	_ =	shalt  }
0x4f: {  	_ =	shalt  }
0x50: {  	_ =	shalt  }
0x51: {  	_ =	shalt  }
0x52: {  	_ =	shalt  }
0x53: {  	_ =	shalt  }
0x54: {  	_ =	shalt  }
0x55: {  	_ =	shalt  }
0x56: {  	_ =	shalt  }
0x57: {  	_ =	shalt  }
0x58: {  	_ =	shalt  }
0x59: {  	_ =	shalt  }
0x5a: {  	_ =	shalt  }
0x5b: {  	_ =	shalt  }
0x5c: {  	_ =	shalt  }
0x5d: {  	_ =	shalt  }
0x5e: {  	_ =	shalt  }
0x5f: {  	_ =	shalt  }
0x60: {  	_ =	shalt  }
0x61: {  	_ =	shalt  }
0x62: {  	_ =	shalt  }
0x63: {  	_ =	shalt  }
0x64: {  	_ =	shalt  }
0x65: {  	_ =	shalt  }
0x66: {  	_ =	shalt  }
0x67: {  	_ =	shalt  }
0x68: {  	_ =	shalt  }
0x69: {  	_ =	shalt  }
0x6a: {  	_ =	shalt  }
0x6b: {  	_ =	shalt  }
0x6c: {  	_ =	shalt  }
0x6d: {  	_ =	shalt  }
0x6e: {  	_ =	shalt  }
0x6f: {  	_ =	shalt  }
0x70: {  	_ =	shalt  }
0x71: {  	_ =	shalt  }
0x72: {  	_ =	shalt  }
0x73: {  	_ =	shalt  }
0x74: {  	_ =	shalt  }
0x75: {  	_ =	shalt  }
0x76: {  	_ =	shalt  }
0x77: {  	_ =	shalt  }
0x78: {  	_ =	shalt  }
0x79: {  	_ =	shalt  }
0x7a: {  	_ =	shalt  }
0x7b: {  	_ =	shalt  }
0x7c: {  	_ =	shalt  }
0x7d: {  	_ =	shalt  }
0x7e: {  	_ =	shalt  }
0x7f: {  	_ =	shalt  }
0x80: {  	_ =	shalt  }
0x81: {  	_ =	shalt  }
0x82: {  	_ =	shalt  }
0x83: {  	_ =	shalt  }
0x84: {  	_ =	shalt  }
0x85: {  	_ =	shalt  }
0x86: {  	_ =	shalt  }
0x87: {  	_ =	shalt  }
.Lfunc_end0:
.L_simem_size_0:
called_computation.1_lowered:
.L_overlay_start_0:
0x88: {  	s2 =	sld [smem:$0x3FD9]  }
0x89: {  	s3 =	sld [smem:$0x3FFE];
	_ =	sdelay $0x1  }
0x8a: {  	s1 =	srdreg.scid  }
0x8b: {  	s0 =	sand.u32 $0x1, s1  }
0x8c: {  	s16 =	sshll.u32 s0, $0xA;
	s2 =	sadd.s32 s3, s2  }
0x8d: {  	s2 =	sadd.s32 s2, s16  }
0x8e: {  	[smem:$0x3FBF] =	sst s2  }
0x8f: {  	_ = 	snop  }
0x90: {  	(tm) =	ssettm $0x1  }
0x91: {  	s17 =	sld [smem:$0x3FFB];
	_ =	sdelay $0x3  }
0x92: {  	_ =	strace s17  }
0x93: {  	s2 =	sld [smem:$0x3FFC];
	_ =	sdelay $0x3  }
0x94: {  	_ =	strace s2  }
0x95: {  	s2 =	sld [smem:$0x3FFD];
	_ =	sdelay $0x3  }
0x96: {  	_ =	strace s2  }
0x97: {  	_ =	strace $0x8FFFFFFF  }
0x98: {  	s18 =	sld [smem:$0x3FDB];
	_ =	sdelay $0x1  }
0x99: {  	s19 =	simm.s32 $_scs_section_size  }
0x9a: {  	s4 =	simm.s32 $_size__tile_overlayer_lowered;
	s5 =	simm.s32 $_tile_overlayer_lowered  }
0x9b: {  	s22 =	simm.s32 $0x1BFF;
	s21 =	sshll.u32 s5, $0x1;
	s2 =	sadd.s32 s19, s18  }
0x9c: {  	s6 =	simm.s32 $0x0;
	s20 =	sshll.u32 s4, $0x1;
	s4 =	sadd.s32 s21, s2  }
0x9d: {  	[timem:s6], [sflag:s22] =	dma.local [hbm:s4], s20  }
0x9e: {  	_ =	swait.ge [sflag:s22], s20  }
0x9f: {  	s3 =	ssub.s32 $0x0, s20;
	[sflag:s22] =	ssyncset.done $0x0  }
0xa0: {  	[sflag:s22] =	ssyncadd.s32 s3;
	_ =	sdelay $0x1  }
0xa1: {  	s23 =	simm.s32 $0x1B8B  }
0xa2: {  	_ =	swait.ge [sflag:s23], $0x1  }
0xa3: {  	[sflag:s23] =	ssyncset.done $0x0  }
0xa4: {  	s25 =	simm.s32 $0x1B8E;
	s24 =	sld [smem:$0x3FFE];
	[sflag:s23] =	ssyncadd.s32 $0xFFFFFFFF  }
0xa5: {  	s26 =	simm.s32 $execute0_lowered;
	[smem:$0x3FD2] =	sst s25  }
0xa6: {  	s4 =	sshll.u32 s26, $0x1;
	_ =	strace $0x80000049;
	[dreg:$0x1] =	wrdreg $0xFFFFFFFF  }
0xa7: {  	s28 =	simm.s32 $_size_execute0_lowered;
	s2 =	sadd.s32 s2, s4;
	[dreg:$0x0] =	wrdreg $0x0  }
0xa8: {  	s4 =	sshll.u32 s28, $0x1;
	[dreg:$0x2] =	wrdreg s2  }
0xa9: {  	[dreg:$0x3] =	wrdreg s4  }
0xaa: {  	[dreg:$0x4] =	wrdreg $0xC0  }
0xab: {  	_ =	task [dreg:s6], $0x5FFFF  }
0xac: {  	[dreg:$0x1] =	wrdreg $0xFFFFFFFF  }
0xad: {  	[dreg:$0x0] =	wrdreg $0x60  }
0xae: {  	[dreg:$0x2] =	wrdreg s24  }
0xaf: {  	[dreg:$0x3] =	wrdreg $0xA5000  }
0xb0: {  	[dreg:$0x4] =	wrdreg $0x9  }
0xb1: {  	_ =	task.clear_ibuf [dreg:s6], $0x5FFFF;
	_ =	strace $0x90000049  }
0xb2: {  	s29 =	simm.s32 $0x9;
	_ =	strace $0x8000004B  }
0xb3: {  	_ =	swait.ge [sflag:s29], $0x1  }
0xb4: {  	[sflag:s29] =	ssyncadd.s32 $0xFFFFFFFF  }
0xb5: {  	_ =	strace $0x9000004B  }
0xb6: {  	_ =	sfence  }
0xb7: {  	s30 =	sld [smem:$0x0];
	_ =	sdelay $0x2  }
0xb8: {  	s31 =	sshll.u32 s1, $0xD;
	s1 =	sshrl.u32 s1, $0x2  }
0xb9: {  	s3 =	sand.u32 $0x4000, s31;
	s1 =	sadd.s32 s1, s30  }
0xba: {  	s0 =	sor.u32 s3, s0;
	s1 =	sshll.u32 s1, $0x11  }
0xbb: {  	s0 =	sor.u32 s1, s0  }
0xbc: {  	s0 =	sadd.s32 $0x8F2B, s0  }
0xbd: {  	[sflag:s0] =	ssyncadd.remote.s32 $0x1  }
0xbe: {  	_ =	sfence.sel $0xFFFF  }
0xbf: {  	[dreg:$0x0] =	wrdreg $0xFFFFFFFF;
	(pc) =	sbr.abs _section_cstart, $3  }
0xc0: {  	[dreg:$0x1] =	wrdreg $0xFFFFFFFF  }
0xc1: {  	_ =	task.clear_ibuf [dreg:s6], $0x2FFFF;
	_ =	strace $0x9FFFFFFF  }
0xc2: {  	(tm) =	ssettm $0x7FFFFFFF  }
0xc3: {  	_ =	shalt  }
tec
execute0_lowered:
.L_overlay_start_1:
0x0: {  	(tag) =	ssettag $0x1  }
0x1: {  	s0 =	rddreg [dreg:$0x0]  }
0x2: {  	s2 =	rddreg [dreg:$0x1]  }
0x3: {  	s3 =	simm.s32 $0x0;
	s1 =	srdreg.scid;
	s10 =	stileid.u32  }
0x4: {  	s5 =	sand.u32 $0x1, s1;
	s6 =	smul.u32 $0x13C00, s10;
	s25 =	sshll.u32 s10, $0x1  }
0x5: {  	[smem:$0x7FF] =	sst s3;
	s19 =	sadd.s32 $0x16600, s0;
	s20 =	sadd.s32 $0x2C00, s0  }
0x6: {  	s8 =	sadd.s32 $0x3D800, s0;
	s31 =	smul.u32 $0x4E20, s10;
	s14 =	sshll.u32 s10, $0x6  }
0x7: {  	s7 =	smul.u32 $0x13C000, s5;
	s1 =	sor.u32 s5, s25;
	_ =	strace $0x8000004A  }
0x8: {  	[dreg:$0x13] =	wrdreg s8;
	s26 =	ssub.s32 $0x2, s5;
	s5 =	smul.u32 $0x2710, s5  }
0x9: {  	s22 =	sor.u32 $0x1C19, s14;
	[dreg:$0x12] =	wrdreg s20;
	s1 =	smul.u32 $0x2710, s1  }
0xa: {  	s9 =	sshrl.u32 s26, $0x1;
	[dreg:$0x1d] =	wrdreg s22;
	s7 =	sadd.s32 s6, s7  }
0xb: {  	s6 =	sadd.s32 s6, s2;
	s5 =	sadd.s32 s5, s31;
	s1 =	sshrl.u32 s1, $0x3  }
0xc: {  	s7 =	sshrl.u32 s7, $0x3;
	[dreg:$0x1c] =	wrdreg s6;
	s11 =	sadd.s32 s20, s1  }
0xd: {  	s17 =	sadd.s32 $0x4E610, s5;
	s28 =	sadd.s32 $0x9C40, s11;
	[dreg:$0x14] =	wrdreg s11  }
0xe: {  	s21 =	sadd.s32 $0x410, s5;
	s29 =	sadd.s32 $0xA, s11;
	[dreg:$0x15] =	wrdreg s28  }
0xf: {  	s23 =	sadd.s32 $0x4E5C0, s5;
	s30 =	sadd.s32 $0x9C4A, s11;
	[dreg:$0x16] =	wrdreg s29  }
0x10: {  	s31 =	sadd.s32 $0x370, s5;
	s4 =	sadd.s32 $0x14, s11;
	[dreg:$0x17] =	wrdreg s30  }
0x11: {  	s1 =	ssub.s32 s26, s9;
	s9 =	sadd.s32 $0x9C54, s11;
	[dreg:$0x18] =	wrdreg s4  }
0x12: {  	s0 =	sadd.s32 s7, s0;
	s12 =	sadd.s32 $0x1E, s11;
	[dreg:$0x19] =	wrdreg s9  }
0x13: {  	s6 =	sshrl.u32 s17, $0x3;
	s13 =	sadd.s32 $0x9C5E, s11;
	[dreg:$0x1a] =	wrdreg s12  }
0x14: {  	s7 =	sshrl.u32 s21, $0x3;
	s15 =	sadd.s32 $0x28, s11;
	[dreg:$0x1b] =	wrdreg s13  }
0x15: {  	s25 =	sshrl.u32 s23, $0x3;
	s16 =	sadd.s32 $0x9C68, s11;
	[dreg:$0x1e] =	wrdreg s15  }
0x16: {  	s17 =	sadd.s32 $0x2D0, s5;
	s18 =	sadd.s32 $0x32, s11;
	[dreg:$0x1f] =	wrdreg s16  }
0x17: {  	s23 =	sadd.s32 $0x4E430, s5;
	s6 =	sadd.s32 s6, s20;
	[smem:$0x7EB] =	sst s18  }
0x18: {  	s24 =	sadd.s32 s7, s20;
	s26 =	sadd.s32 s25, s20;
	[dreg:$0x3] =	wrdreg s6  }
0x19: {  	s25 =	sshrl.u32 s23, $0x3;
	s0 =	sadd.s32 $0x40000, s0;
	[dreg:$0x4] =	wrdreg s24  }
0x1a: {  	s23 =	sadd.s32 $0x4BA, s11;
	s28 =	sadd.s32 $0x3C0, s5;
	[dreg:$0x5] =	wrdreg s26  }
0x1b: {  	s30 =	sadd.s32 $0x4E570, s5;
	s4 =	sshrl.u32 s31, $0x3;
	[smem:$0x7EF] =	sst s0  }
0x1c: {  	s9 =	sadd.s32 $0x4E520, s5;
	s26 =	sadd.s32 s25, s20;
	[smem:$0x7F6] =	sst s23  }
0x1d: {  	s18 =	sshrl.u32 s17, $0x3;
	s17 =	sadd.s32 $0xA0E6, s11;
	[dreg:$0xe] =	wrdreg s26  }
0x1e: {  	s13 =	sadd.s32 $0x4E4D0, s5;
	s25 =	sadd.s32 $0x4C4, s11;
	[smem:$0x7F3] =	sst s17  }
0x1f: {  	s31 =	sadd.s32 $0x1E0, s5;
	s8 =	sadd.s32 s4, s20;
	[smem:$0x7F8] =	sst s25  }
0x20: {  	s10 =	sshrl.u32 s9, $0x3;
	s9 =	sadd.s32 $0x9C72, s11;
	[dreg:$0x8] =	wrdreg s8  }
0x21: {  	s15 =	sshrl.u32 s13, $0x3;
	s13 =	sadd.s32 $0xA0DC, s11;
	[smem:$0x7EC] =	sst s9  }
0x22: {  	s29 =	sshrl.u32 s28, $0x3;
	s26 =	sadd.s32 $0xA104, s11;
	[smem:$0x7EE] =	sst s13  }
0x23: {  	s4 =	sshrl.u32 s31, $0x3;
	s31 =	sadd.s32 $0xA118, s11;
	[smem:$0x7F9] =	sst s26  }
0x24: {  	s7 =	sshrl.u32 s30, $0x3;
	s6 =	sadd.s32 s29, s20;
	[smem:$0x7FD] =	sst s31  }
0x25: {  	s2 =	sadd.s32 s7, s20;
	[dreg:$0x6] =	wrdreg s6  }
0x26: {  	s12 =	sadd.s32 $0x320, s5;
	s16 =	sadd.s32 s15, s20;
	[dreg:$0x7] =	wrdreg s2  }
0x27: {  	s7 =	sshrl.u32 s12, $0x3;
	s12 =	sadd.s32 $0x49C, s11;
	[dreg:$0xb] =	wrdreg s16  }
0x28: {  	s28 =	sadd.s32 $0x230, s5;
	s15 =	sadd.s32 $0x280, s5;
	[smem:$0x7ED] =	sst s12  }
0x29: {  	s29 =	sshrl.u32 s28, $0x3;
	s28 =	sadd.s32 $0x4CE, s11;
	[smem:$0x7F1] =	sst s15  }
0x2a: {  	s6 =	sadd.s32 s10, s20;
	[smem:$0x7FA] =	sst s28  }
0x2b: {  	s14 =	sadd.s32 s7, s20;
	[dreg:$0x9] =	wrdreg s6  }
0x2c: {  	s10 =	sadd.s32 s4, s20;
	[dreg:$0xa] =	wrdreg s14  }
0x2d: {  	s21 =	sadd.s32 $0x4E480, s5;
	s16 =	sadd.s32 $0x4A6, s11;
	[dreg:$0x11] =	wrdreg s10  }
0x2e: {  	s7 =	sshrl.u32 s21, $0x3;
	s21 =	sadd.s32 $0xA0F0, s11;
	[smem:$0x7F2] =	sst s16  }
0x2f: {  	s6 =	sadd.s32 s18, s20;
	[smem:$0x7F5] =	sst s21  }
0x30: {  	s24 =	sadd.s32 s7, s20;
	[dreg:$0xc] =	wrdreg s6  }
0x31: {  	s14 =	smax.u32 s1, $0x1;
	[dreg:$0xd] =	wrdreg s24  }
0x32: {  	s30 =	sadd.s32 $0x4E3E0, s5;
	s18 =	sadd.s32 $0x4B0, s11;
	[smem:$0x7F0] =	sst s14  }
0x33: {  	s7 =	sshrl.u32 s30, $0x3;
	s30 =	sadd.s32 $0x4D8, s11;
	[smem:$0x7F4] =	sst s18  }
0x34: {  	s6 =	sadd.s32 s29, s20;
	[smem:$0x7FC] =	sst s30  }
0x35: {  	s2 =	sadd.s32 s7, s20;
	[dreg:$0xf] =	wrdreg s6  }
0x36: {  	s24 =	sadd.s32 $0xA0FA, s11;
	[dreg:$0x10] =	wrdreg s2  }
0x37: {  	s13 =	simm.s32 $0x50;
	s29 =	sadd.s32 $0xA10E, s11;
	[smem:$0x7F7] =	sst s24  }
0x38: {  	s1 =	simm.s32 $0x0;
	[smem:$0x7FB] =	sst s29;
	s24 =	simm.s32 $0x19  }
.LBB2_1:
0x39: {  	[smem:$0x7E9] =	sst s1  }
0x3a: {  	s0 =	rddreg [dreg:$0x14]  }
0x3b: {  	s26 =	rddreg [dreg:$0x15]  }
0x3c: {  	s29 =	rddreg [dreg:$0x16]  }
0x3d: {  	s30 =	rddreg [dreg:$0x17]  }
0x3e: {  	[tilespmem:s3], [sflag:$0x1] =	stream.linear.gather [hbm4b:s0+s3], $0x50, $0x38;
	[tilespmem:$0x1E100] =	vst v63  }
0x3f: {  	s28 =	simm.s32 $0x280;
	s1 =	rddreg [dreg:$0x18]  }
0x40: {  	[tilespmem:s28], [sflag:$0x9] =	stream.linear.gather [hbm4b:s26+s3], $0x50, $0x38;
	[tilespmem:$0x1E100] =	vst v63  }
0x41: {  	s6 =	rddreg [dreg:$0x19]  }
0x42: {  	[tilespmem:s13], [sflag:$0x2] =	stream.linear.gather [hbm4b:s29+s3], $0x50, $0x38;
	[tilespmem:$0x1E100] =	vst v63  }
0x43: {  	s31 =	simm.s32 $0x2D0;
	s8 =	rddreg [dreg:$0x1a]  }
0x44: {  	[tilespmem:s31], [sflag:$0xA] =	stream.linear.gather [hbm4b:s30+s3], $0x50, $0x38;
	[tilespmem:$0x1E100] =	vst v63  }
0x45: {  	s4 =	simm.s32 $0xA0;
	s11 =	rddreg [dreg:$0x1b]  }
0x46: {  	[tilespmem:s4], [sflag:$0x3] =	stream.linear.gather [hbm4b:s1+s3], $0x50, $0x38;
	[tilespmem:$0x1E100] =	vst v63  }
0x47: {  	s7 =	simm.s32 $0x320;
	s15 =	rddreg [dreg:$0x1c]  }
0x48: {  	[tilespmem:s7], [sflag:$0xB] =	stream.linear.gather [hbm4b:s6+s3], $0x50, $0x38;
	[tilespmem:$0x1E100] =	vst v63  }
0x49: {  	s9 =	simm.s32 $0xF0;
	s21 =	rddreg [dreg:$0x13];
	s16 =	sshrl.u32 s15, $0x3  }
0x4a: {  	[tilespmem:s9], [sflag:$0x4] =	stream.linear.gather [hbm4b:s8+s3], $0x50, $0x38;
	[tilespmem:$0x1E100] =	vst v63  }
0x4b: {  	s14 =	simm.s32 $0x370;
	[smem:$0x7EA] =	sst s16  }
0x4c: {  	[tilespmem:s14], [sflag:$0xC] =	stream.linear.gather [hbm4b:s11+s3], $0x50, $0x38;
	[tilespmem:$0x1E100] =	vst v63  }
0x4d: {  	[spmem:s16], [sflag:s22] =	dma.local [hbm:s21], $0x2780  }
0x4e: {  	_ =	swait.ge [sflag:s24], $0x2780  }
0x4f: {  	[sflag:s24] =	ssyncset.done $0x0  }
0x50: {  	s21 =	simm.s32 $0x1;
	[sflag:s24] =	ssyncadd.s32 $0xFFFFD880  }
0x51: {  	_ =	swait.ge [sflag:s21], $0x50  }
0x52: {  	[sflag:s21] =	ssyncset.done $0x0  }
0x53: {  	s1 =	simm.s32 $0x9;
	[sflag:s21] =	ssyncadd.s32 $0xFFFFFFB0  }
0x54: {  	_ =	swait.ge [sflag:s1], $0x50  }
0x55: {  	[sflag:s1] =	ssyncset.done $0x0  }
0x56: {  	s28 =	simm.s32 $0x500;
	s7 =	simm.s32 $0x2;
	[sflag:s1] =	ssyncadd.s32 $0xFFFFFFB0  }
0x57: {  	[tilespmem:s28], [sflag:$0x11] =	stream.indirect.gather [hbm4b:s19+s13], $0x80, s3, s13, $0xb8;
	[tilespmem:$0x1E100] =	vst v63  }
0x58: {  	_ =	swait.ge [sflag:s7], $0x50  }
0x59: {  	[sflag:s7] =	ssyncset.done $0x0  }
0x5a: {  	s9 =	simm.s32 $0xA;
	[sflag:s7] =	ssyncadd.s32 $0xFFFFFFB0  }
0x5b: {  	_ =	swait.ge [sflag:s9], $0x50  }
0x5c: {  	[sflag:s9] =	ssyncset.done $0x0  }
0x5d: {  	s6 =	simm.s32 $0x2D00;
	[sflag:s9] =	ssyncadd.s32 $0xFFFFFFB0  }
0x5e: {  	[tilespmem:s6], [sflag:$0x12] =	stream.indirect.gather [hbm4b:s19+s13], $0x80, s13, s13, $0xb8;
	[tilespmem:$0x1E100] =	vst v63  }
0x5f: {  	s8 =	simm.s32 $0x11;
	[bflag:$0x0] =	sbarrier.arrive $0xFFFF  }
0x60: {  	_ =	swait.ge [sflag:s8], $0x2800  }
0x61: {  	[sflag:s8] =	ssyncset.done $0x0  }
0x62: {  	[sflag:s8] =	ssyncadd.s32 $0xFFFFD800  }
0x63: {  	s5 =	simm.s32 $0x280;
	s4 =	rddreg [dreg:$0x1]  }
0x64: {  	[spmem:s4] =	stream.indirect.scatter.add.f32 [tilespmem:s28], [sflag:$0x15], $0x80, s5, s13, $0xb8;
	[tilespmem:$0x1E100] =	vst v63  }
0x65: {  	s23 =	simm.s32 $0x140;
	s22 =	rddreg [dreg:$0x1e]  }
0x66: {  	[tilespmem:s23], [sflag:$0x5] =	stream.linear.gather [hbm4b:s22+s3], $0x50, $0x38;
	[tilespmem:$0x1E100] =	vst v63  }
0x67: {  	s25 =	simm.s32 $0x3C0;
	s24 =	rddreg [dreg:$0x1f];
	s5 =	simm.s32 $0x3  }
0x68: {  	[tilespmem:s25], [sflag:$0xD] =	stream.linear.gather [hbm4b:s24+s3], $0x50, $0x38;
	[tilespmem:$0x1E100] =	vst v63  }
0x69: {  	_ =	swait.ge [sflag:s5], $0x50  }
0x6a: {  	[sflag:s5] =	ssyncset.done $0x0  }
0x6b: {  	s11 =	simm.s32 $0xB;
	[sflag:s5] =	ssyncadd.s32 $0xFFFFFFB0  }
0x6c: {  	_ =	swait.ge [sflag:s11], $0x50  }
0x6d: {  	s10 =	simm.s32 $0xA0;
	[sflag:s11] =	ssyncset.done $0x0  }
0x6e: {  	s16 =	simm.s32 $0x5500;
	s25 =	simm.s32 $0x12;
	[sflag:s11] =	ssyncadd.s32 $0xFFFFFFB0  }
0x6f: {  	[tilespmem:s16], [sflag:$0x13] =	stream.indirect.gather [hbm4b:s19+s13], $0x80, s10, s13, $0xb8;
	[tilespmem:$0x1E100] =	vst v63  }
0x70: {  	_ =	swait.ge [sflag:s25], $0x2800  }
0x71: {  	[sflag:s25] =	ssyncset.done $0x0  }
0x72: {  	s2 =	simm.s32 $0x2D0;
	s26 =	sld [smem:$0x7EB];
	[sflag:s25] =	ssyncadd.s32 $0xFFFFD800  }
0x73: {  	[spmem:s4] =	stream.indirect.scatter.add.f32 [tilespmem:s6], [sflag:$0x16], $0x80, s2, s13, $0xb8;
	[tilespmem:$0x1E100] =	vst v63  }
0x74: {  	s29 =	simm.s32 $0x190;
	s30 =	sld [smem:$0x7EC]  }
0x75: {  	[tilespmem:s29], [sflag:$0x6] =	stream.linear.gather [hbm4b:s26+s3], $0x50, $0x38;
	[tilespmem:$0x1E100] =	vst v63  }
0x76: {  	s31 =	simm.s32 $0x410;
	s14 =	simm.s32 $0x4  }
0x77: {  	[tilespmem:s31], [sflag:$0xE] =	stream.linear.gather [hbm4b:s30+s3], $0x50, $0x38;
	[tilespmem:$0x1E100] =	vst v63  }
0x78: {  	_ =	swait.ge [sflag:s14], $0x50  }
0x79: {  	[sflag:s14] =	ssyncset.done $0x0  }
0x7a: {  	s15 =	simm.s32 $0xC;
	[sflag:s14] =	ssyncadd.s32 $0xFFFFFFB0  }
0x7b: {  	_ =	swait.ge [sflag:s15], $0x50  }
0x7c: {  	[sflag:s15] =	ssyncset.done $0x0  }
0x7d: {  	s12 =	simm.s32 $0xF0;
	s29 =	simm.s32 $0x7D00;
	[sflag:s15] =	ssyncadd.s32 $0xFFFFFFB0  }
0x7e: {  	[tilespmem:s29], [sflag:$0x14] =	stream.indirect.gather [hbm4b:s19+s13], $0x80, s12, s13, $0xb8;
	[tilespmem:$0x1E100] =	vst v63  }
0x7f: {  	s12 =	simm.s32 $0x13  }
0x80: {  	_ =	swait.ge [sflag:s12], $0x2800  }
0x81: {  	[sflag:s12] =	ssyncset.done $0x0  }
0x82: {  	s17 =	simm.s32 $0x320;
	s2 =	rddreg [dreg:$0x11];
	[sflag:s12] =	ssyncadd.s32 $0xFFFFD800  }
0x83: {  	[spmem:s4] =	stream.indirect.scatter.add.f32 [tilespmem:s16], [sflag:$0x17], $0x80, s17, s13, $0xb8;
	[tilespmem:$0x1E100] =	vst v63  }
0x84: {  	s26 =	simm.s32 $0x1E0;
	s10 =	rddreg [dreg:$0x10];
	s22 =	sadd.s32 $0x0, s2  }
0x85: {  	[tilespmem:s26], [sflag:$0x7] =	stream.linear.gather [hbm4b:s22+s3], $0x50, $0x38;
	[tilespmem:$0x1E100] =	vst v63  }
0x86: {  	s31 =	simm.s32 $0x460;
	s17 =	sadd.s32 $0x0, s10  }
0x87: {  	[tilespmem:s31], [sflag:$0xF] =	stream.linear.gather [hbm4b:s17+s3], $0x50, $0x38;
	[tilespmem:$0x1E100] =	vst v63  }
0x88: {  	s17 =	simm.s32 $0x15  }
0x89: {  	_ =	swait.ge [sflag:s17], $0x2800  }
0x8a: {  	[sflag:s17] =	ssyncset.done $0x0  }
0x8b: {  	s24 =	simm.s32 $0x5;
	[sflag:s17] =	ssyncadd.s32 $0xFFFFD800  }
0x8c: {  	_ =	swait.ge [sflag:s24], $0x50  }
0x8d: {  	[sflag:s24] =	ssyncset.done $0x0  }
0x8e: {  	s30 =	simm.s32 $0xD;
	[sflag:s24] =	ssyncadd.s32 $0xFFFFFFB0  }
0x8f: {  	_ =	swait.ge [sflag:s30], $0x50  }
0x90: {  	[sflag:s30] =	ssyncset.done $0x0  }
0x91: {  	s23 =	simm.s32 $0x140;
	[sflag:s30] =	ssyncadd.s32 $0xFFFFFFB0;
	s30 =	simm.s32 $0x14  }
0x92: {  	[tilespmem:s28], [sflag:$0x11] =	stream.indirect.gather [hbm4b:s19+s13], $0x80, s23, s13, $0xb8;
	[tilespmem:$0x1E100] =	vst v63  }
0x93: {  	_ =	swait.ge [sflag:s30], $0x2800  }
0x94: {  	[sflag:s30] =	ssyncset.done $0x0  }
0x95: {  	s18 =	simm.s32 $0x370;
	s2 =	rddreg [dreg:$0xf];
	[sflag:s30] =	ssyncadd.s32 $0xFFFFD800  }
0x96: {  	[spmem:s4] =	stream.indirect.scatter.add.f32 [tilespmem:s29], [sflag:$0x18], $0x80, s18, s13, $0xb8;
	[tilespmem:$0x1E100] =	vst v63  }
0x97: {  	s23 =	simm.s32 $0x230;
	s10 =	rddreg [dreg:$0xe];
	s22 =	sadd.s32 $0x0, s2  }
0x98: {  	[tilespmem:s23], [sflag:$0x8] =	stream.linear.gather [hbm4b:s22+s3], $0x50, $0x38;
	[tilespmem:$0x1E100] =	vst v63  }
0x99: {  	s18 =	sadd.s32 $0x0, s10;
	s10 =	simm.s32 $0x4B0  }
0x9a: {  	[tilespmem:s10], [sflag:$0x10] =	stream.linear.gather [hbm4b:s18+s3], $0x50, $0x38;
	[tilespmem:$0x1E100] =	vst v63  }
0x9b: {  	s18 =	simm.s32 $0x16  }
0x9c: {  	_ =	swait.ge [sflag:s18], $0x2800  }
0x9d: {  	[sflag:s18] =	ssyncset.done $0x0  }
0x9e: {  	s22 =	simm.s32 $0x6;
	[sflag:s18] =	ssyncadd.s32 $0xFFFFD800  }
0x9f: {  	_ =	swait.ge [sflag:s22], $0x50  }
0xa0: {  	[sflag:s22] =	ssyncset.done $0x0  }
0xa1: {  	s24 =	simm.s32 $0xE;
	[sflag:s22] =	ssyncadd.s32 $0xFFFFFFB0  }
0xa2: {  	_ =	swait.ge [sflag:s24], $0x50  }
0xa3: {  	[sflag:s24] =	ssyncset.done $0x0  }
0xa4: {  	s2 =	simm.s32 $0x190;
	[sflag:s24] =	ssyncadd.s32 $0xFFFFFFB0  }
0xa5: {  	[tilespmem:s6], [sflag:$0x12] =	stream.indirect.gather [hbm4b:s19+s13], $0x80, s2, s13, $0xb8;
	[tilespmem:$0x1E100] =	vst v63  }
0xa6: {  	_ =	swait.ge [sflag:s8], $0x2800  }
0xa7: {  	[sflag:s8] =	ssyncset.done $0x0;
	s0 =	sld [smem:$0x7F1]  }
0xa8: {  	s2 =	simm.s32 $0x3C0;
	[sflag:s8] =	ssyncadd.s32 $0xFFFFD800  }
0xa9: {  	[spmem:s4] =	stream.indirect.scatter.add.f32 [tilespmem:s28], [sflag:$0x15], $0x80, s2, s13, $0xb8;
	[tilespmem:$0x1E100] =	vst v63  }
0xaa: {  	s22 =	sshrl.u32 s0, $0x3  }
0xab: {  	s24 =	rddreg [dreg:$0xd];
	s22 =	sadd.s32 s20, s22  }
0xac: {  	[tilespmem:s3], [sflag:$0x1] =	stream.linear.gather [hbm4b:s22+s3], $0x50, $0x38;
	[tilespmem:$0x1E100] =	vst v63  }
0xad: {  	s2 =	simm.s32 $0x17;
	s20 =	sadd.s32 $0x0, s24;
	s24 =	simm.s32 $0x280  }
0xae: {  	[tilespmem:s24], [sflag:$0x9] =	stream.linear.gather [hbm4b:s20+s3], $0x50, $0x38;
	[tilespmem:$0x1E100] =	vst v63  }
0xaf: {  	_ =	swait.ge [sflag:s2], $0x2800  }
0xb0: {  	[sflag:s2] =	ssyncset.done $0x0  }
0xb1: {  	s20 =	simm.s32 $0x7;
	[sflag:s2] =	ssyncadd.s32 $0xFFFFD800  }
0xb2: {  	_ =	swait.ge [sflag:s20], $0x50  }
0xb3: {  	[sflag:s20] =	ssyncset.done $0x0  }
0xb4: {  	s24 =	simm.s32 $0xF;
	[sflag:s20] =	ssyncadd.s32 $0xFFFFFFB0  }
0xb5: {  	_ =	swait.ge [sflag:s24], $0x50  }
0xb6: {  	[sflag:s24] =	ssyncset.done $0x0  }
0xb7: {  	[sflag:s24] =	ssyncadd.s32 $0xFFFFFFB0  }
0xb8: {  	[tilespmem:s16], [sflag:$0x13] =	stream.indirect.gather [hbm4b:s19+s13], $0x80, s26, s13, $0xb8;
	[tilespmem:$0x1E100] =	vst v63  }
0xb9: {  	_ =	swait.ge [sflag:s25], $0x2800  }
0xba: {  	[sflag:s25] =	ssyncset.done $0x0  }
0xbb: {  	s26 =	simm.s32 $0x410;
	s22 =	rddreg [dreg:$0xc];
	[sflag:s25] =	ssyncadd.s32 $0xFFFFD800  }
0xbc: {  	[spmem:s4] =	stream.indirect.scatter.add.f32 [tilespmem:s6], [sflag:$0x16], $0x80, s26, s13, $0xb8;
	[tilespmem:$0x1E100] =	vst v63  }
0xbd: {  	s24 =	rddreg [dreg:$0xb];
	s22 =	sadd.s32 $0x0, s22  }
0xbe: {  	[tilespmem:s13], [sflag:$0x2] =	stream.linear.gather [hbm4b:s22+s3], $0x50, $0x38;
	[tilespmem:$0x1E100] =	vst v63  }
0xbf: {  	s20 =	simm.s32 $0x2D0;
	s26 =	sadd.s32 $0x0, s24  }
0xc0: {  	[tilespmem:s20], [sflag:$0xA] =	stream.linear.gather [hbm4b:s26+s3], $0x50, $0x38;
	[tilespmem:$0x1E100] =	vst v63  }
0xc1: {  	s26 =	simm.s32 $0x18  }
0xc2: {  	_ =	swait.ge [sflag:s26], $0x2800  }
0xc3: {  	[sflag:s26] =	ssyncset.done $0x0  }
0xc4: {  	s24 =	simm.s32 $0x8;
	[sflag:s26] =	ssyncadd.s32 $0xFFFFD800  }
0xc5: {  	_ =	swait.ge [sflag:s24], $0x50  }
0xc6: {  	[sflag:s24] =	ssyncset.done $0x0  }
0xc7: {  	[sflag:s24] =	ssyncadd.s32 $0xFFFFFFB0;
	s24 =	simm.s32 $0x10  }
0xc8: {  	_ =	swait.ge [sflag:s24], $0x50  }
0xc9: {  	[sflag:s24] =	ssyncset.done $0x0  }
0xca: {  	[sflag:s24] =	ssyncadd.s32 $0xFFFFFFB0  }
0xcb: {  	[tilespmem:s29], [sflag:$0x14] =	stream.indirect.gather [hbm4b:s19+s13], $0x80, s23, s13, $0xb8;
	[tilespmem:$0x1E100] =	vst v63  }
0xcc: {  	_ =	swait.ge [sflag:s12], $0x2800  }
0xcd: {  	[sflag:s12] =	ssyncset.done $0x0  }
0xce: {  	s24 =	rddreg [dreg:$0xa];
	[sflag:s12] =	ssyncadd.s32 $0xFFFFD800  }
0xcf: {  	[spmem:s4] =	stream.indirect.scatter.add.f32 [tilespmem:s16], [sflag:$0x17], $0x80, s31, s13, $0xb8;
	[tilespmem:$0x1E100] =	vst v63  }
0xd0: {  	s23 =	rddreg [dreg:$0x9];
	s22 =	sadd.s32 $0x0, s24;
	s12 =	simm.s32 $0xA0  }
0xd1: {  	[tilespmem:s12], [sflag:$0x3] =	stream.linear.gather [hbm4b:s22+s3], $0x50, $0x38;
	[tilespmem:$0x1E100] =	vst v63  }
0xd2: {  	s24 =	sadd.s32 $0x0, s23;
	s31 =	simm.s32 $0x320  }
0xd3: {  	[tilespmem:s31], [sflag:$0xB] =	stream.linear.gather [hbm4b:s24+s3], $0x50, $0x38;
	[tilespmem:$0x1E100] =	vst v63  }
0xd4: {  	_ =	swait.ge [sflag:s17], $0x2800  }
0xd5: {  	[sflag:s17] =	ssyncset.done $0x0  }
0xd6: {  	[sflag:s17] =	ssyncadd.s32 $0xFFFFD800  }
0xd7: {  	_ =	swait.ge [sflag:s21], $0x50  }
0xd8: {  	[sflag:s21] =	ssyncset.done $0x0  }
0xd9: {  	[sflag:s21] =	ssyncadd.s32 $0xFFFFFFB0  }
0xda: {  	_ =	swait.ge [sflag:s1], $0x50  }
0xdb: {  	[sflag:s1] =	ssyncset.done $0x0  }
0xdc: {  	[sflag:s1] =	ssyncadd.s32 $0xFFFFFFB0  }
0xdd: {  	[tilespmem:s28], [sflag:$0x11] =	stream.indirect.gather [hbm4b:s19+s13], $0x80, s3, s13, $0xb8;
	[tilespmem:$0x1E100] =	vst v63  }
0xde: {  	_ =	swait.ge [sflag:s30], $0x2800  }
0xdf: {  	[sflag:s30] =	ssyncset.done $0x0  }
0xe0: {  	s21 =	rddreg [dreg:$0x8];
	[sflag:s30] =	ssyncadd.s32 $0xFFFFD800  }
0xe1: {  	[spmem:s4] =	stream.indirect.scatter.add.f32 [tilespmem:s29], [sflag:$0x18], $0x80, s10, s13, $0xb8;
	[tilespmem:$0x1E100] =	vst v63  }
0xe2: {  	s23 =	rddreg [dreg:$0x7];
	s22 =	sadd.s32 $0x0, s21;
	s29 =	simm.s32 $0xF0  }
0xe3: {  	[tilespmem:s29], [sflag:$0x4] =	stream.linear.gather [hbm4b:s22+s3], $0x50, $0x38;
	[tilespmem:$0x1E100] =	vst v63  }
0xe4: {  	s31 =	simm.s32 $0x370;
	s30 =	sadd.s32 $0x0, s23  }
0xe5: {  	[tilespmem:s31], [sflag:$0xC] =	stream.linear.gather [hbm4b:s30+s3], $0x50, $0x38;
	[tilespmem:$0x1E100] =	vst v63  }
0xe6: {  	_ =	swait.ge [sflag:s18], $0x2800  }
0xe7: {  	[sflag:s18] =	ssyncset.done $0x0  }
0xe8: {  	[sflag:s18] =	ssyncadd.s32 $0xFFFFD800  }
0xe9: {  	_ =	swait.ge [sflag:s7], $0x50  }
0xea: {  	[sflag:s7] =	ssyncset.done $0x0  }
0xeb: {  	[sflag:s7] =	ssyncadd.s32 $0xFFFFFFB0  }
0xec: {  	_ =	swait.ge [sflag:s9], $0x50  }
0xed: {  	[sflag:s9] =	ssyncset.done $0x0  }
0xee: {  	[sflag:s9] =	ssyncadd.s32 $0xFFFFFFB0  }
0xef: {  	[tilespmem:s6], [sflag:$0x12] =	stream.indirect.gather [hbm4b:s19+s13], $0x80, s13, s13, $0xb8;
	[tilespmem:$0x1E100] =	vst v63  }
0xf0: {  	_ =	swait.ge [sflag:s8], $0x2800  }
0xf1: {  	[sflag:s8] =	ssyncset.done $0x0  }
0xf2: {  	s17 =	simm.s32 $0x280;
	s9 =	rddreg [dreg:$0x6];
	[sflag:s8] =	ssyncadd.s32 $0xFFFFD800  }
0xf3: {  	[spmem:s4] =	stream.indirect.scatter.add.f32 [tilespmem:s28], [sflag:$0x15], $0x80, s17, s13, $0xb8;
	[tilespmem:$0x1E100] =	vst v63  }
0xf4: {  	s18 =	simm.s32 $0x140;
	s10 =	rddreg [dreg:$0x5];
	s22 =	sadd.s32 $0x0, s9  }
0xf5: {  	[tilespmem:s18], [sflag:$0x5] =	stream.linear.gather [hbm4b:s22+s3], $0x50, $0x38;
	[tilespmem:$0x1E100] =	vst v63  }
0xf6: {  	s23 =	simm.s32 $0x3C0;
	s21 =	sadd.s32 $0x0, s10  }
0xf7: {  	[tilespmem:s23], [sflag:$0xD] =	stream.linear.gather [hbm4b:s21+s3], $0x50, $0x38;
	[tilespmem:$0x1E100] =	vst v63  }
0xf8: {  	_ =	swait.ge [sflag:s2], $0x2800  }
0xf9: {  	[sflag:s2] =	ssyncset.done $0x0  }
0xfa: {  	[sflag:s2] =	ssyncadd.s32 $0xFFFFD800  }
0xfb: {  	_ =	swait.ge [sflag:s5], $0x50  }
0xfc: {  	[sflag:s5] =	ssyncset.done $0x0  }
0xfd: {  	[sflag:s5] =	ssyncadd.s32 $0xFFFFFFB0  }
0xfe: {  	_ =	swait.ge [sflag:s11], $0x50  }
0xff: {  	[sflag:s11] =	ssyncset.done $0x0  }
0x100: {  	[sflag:s11] =	ssyncadd.s32 $0xFFFFFFB0  }
0x101: {  	[tilespmem:s16], [sflag:$0x13] =	stream.indirect.gather [hbm4b:s19+s13], $0x80, s12, s13, $0xb8;
	[tilespmem:$0x1E100] =	vst v63  }
0x102: {  	_ =	swait.ge [sflag:s25], $0x2800  }
0x103: {  	[sflag:s25] =	ssyncset.done $0x0  }
0x104: {  	s24 =	rddreg [dreg:$0x4];
	[sflag:s25] =	ssyncadd.s32 $0xFFFFD800  }
0x105: {  	[spmem:s4] =	stream.indirect.scatter.add.f32 [tilespmem:s6], [sflag:$0x16], $0x80, s20, s13, $0xb8;
	[tilespmem:$0x1E100] =	vst v63  }
0x106: {  	s29 =	simm.s32 $0x190;
	s28 =	rddreg [dreg:$0x3];
	s22 =	sadd.s32 $0x0, s24  }
0x107: {  	[tilespmem:s29], [sflag:$0x6] =	stream.linear.gather [hbm4b:s22+s3], $0x50, $0x38;
	[tilespmem:$0x1E100] =	vst v63  }
0x108: {  	s31 =	simm.s32 $0x410;
	s30 =	sadd.s32 $0x0, s28  }
0x109: {  	[tilespmem:s31], [sflag:$0xE] =	stream.linear.gather [hbm4b:s30+s3], $0x50, $0x38;
	[tilespmem:$0x1E100] =	vst v63  }
0x10a: {  	_ =	swait.ge [sflag:s26], $0x2800  }
0x10b: {  	[sflag:s26] =	ssyncset.done $0x0  }
0x10c: {  	[sflag:s26] =	ssyncadd.s32 $0xFFFFD800  }
0x10d: {  	_ =	swait.ge [sflag:s14], $0x50  }
0x10e: {  	[sflag:s14] =	ssyncset.done $0x0  }
0x10f: {  	[sflag:s14] =	ssyncadd.s32 $0xFFFFFFB0  }
0x110: {  	_ =	swait.ge [sflag:s15], $0x50  }
0x111: {  	[sflag:s15] =	ssyncset.done $0x0  }
0x112: {  	s24 =	sadd.s32 $0x280, s0;
	s22 =	simm.s32 $0x50;
	[sflag:s15] =	ssyncadd.s32 $0xFFFFFFB0  }
.LBB2_2:
0x113: {  	s0 =	simm.s32 $0xF0;
	s29 =	simm.s32 $0x7D00;
	s12 =	simm.s32 $0x13  }
0x114: {  	[tilespmem:s29], [sflag:$0x14] =	stream.indirect.gather [hbm4b:s19+s13], $0x80, s0, s13, $0xb8;
	[tilespmem:$0x1E100] =	vst v63  }
0x115: {  	_ =	swait.ge [sflag:s12], $0x2800  }
0x116: {  	[sflag:s12] =	ssyncset.done $0x0  }
0x117: {  	s26 =	smov.u32 s22;
	s5 =	rddreg [dreg:$0x11];
	[sflag:s12] =	ssyncadd.s32 $0xFFFFD800  }
0x118: {  	s15 =	simm.s32 $0x320;
	s16 =	simm.s32 $0x5500;
	s4 =	rddreg [dreg:$0x1]  }
0x119: {  	[spmem:s4] =	stream.indirect.scatter.add.f32 [tilespmem:s16], [sflag:$0x17], $0x80, s15, s13, $0xb8;
	[tilespmem:$0x1E100] =	vst v63  }
0x11a: {  	s7 =	simm.s32 $0x1E0;
	s1 =	rddreg [dreg:$0x10];
	s0 =	sadd.s32 s26, s5  }
0x11b: {  	[tilespmem:s7], [sflag:$0x7] =	stream.linear.gather [hbm4b:s0+s3], $0x50, $0x38;
	[tilespmem:$0x1E100] =	vst v63  }
0x11c: {  	s14 =	simm.s32 $0x460;
	s17 =	simm.s32 $0x15;
	s6 =	sadd.s32 s26, s1  }
0x11d: {  	[tilespmem:s14], [sflag:$0xF] =	stream.linear.gather [hbm4b:s6+s3], $0x50, $0x38;
	[tilespmem:$0x1E100] =	vst v63  }
0x11e: {  	_ =	swait.ge [sflag:s17], $0x2800  }
0x11f: {  	[sflag:s17] =	ssyncset.done $0x0  }
0x120: {  	s8 =	simm.s32 $0x5;
	[sflag:s17] =	ssyncadd.s32 $0xFFFFD800  }
0x121: {  	_ =	swait.ge [sflag:s8], $0x50  }
0x122: {  	[sflag:s8] =	ssyncset.done $0x0  }
0x123: {  	s9 =	simm.s32 $0xD;
	[sflag:s8] =	ssyncadd.s32 $0xFFFFFFB0  }
0x124: {  	_ =	swait.ge [sflag:s9], $0x50  }
0x125: {  	s20 =	simm.s32 $0x140;
	[sflag:s9] =	ssyncset.done $0x0  }
0x126: {  	s28 =	simm.s32 $0x500;
	s30 =	simm.s32 $0x14;
	[sflag:s9] =	ssyncadd.s32 $0xFFFFFFB0  }
0x127: {  	[tilespmem:s28], [sflag:$0x11] =	stream.indirect.gather [hbm4b:s19+s13], $0x80, s20, s13, $0xb8;
	[tilespmem:$0x1E100] =	vst v63  }
0x128: {  	_ =	swait.ge [sflag:s30], $0x2800  }
0x129: {  	[sflag:s30] =	ssyncset.done $0x0  }
0x12a: {  	s9 =	simm.s32 $0x370;
	s10 =	rddreg [dreg:$0xf];
	[sflag:s30] =	ssyncadd.s32 $0xFFFFD800  }
0x12b: {  	[spmem:s4] =	stream.indirect.scatter.add.f32 [tilespmem:s29], [sflag:$0x18], $0x80, s9, s13, $0xb8;
	[tilespmem:$0x1E100] =	vst v63  }
0x12c: {  	s23 =	simm.s32 $0x230;
	s11 =	rddreg [dreg:$0xe];
	s0 =	sadd.s32 s26, s10  }
0x12d: {  	[tilespmem:s23], [sflag:$0x8] =	stream.linear.gather [hbm4b:s0+s3], $0x50, $0x38;
	[tilespmem:$0x1E100] =	vst v63  }
0x12e: {  	s18 =	sadd.s32 s26, s11;
	s10 =	simm.s32 $0x4B0  }
0x12f: {  	[tilespmem:s10], [sflag:$0x10] =	stream.linear.gather [hbm4b:s18+s3], $0x50, $0x38;
	[tilespmem:$0x1E100] =	vst v63  }
0x130: {  	s18 =	simm.s32 $0x16  }
0x131: {  	_ =	swait.ge [sflag:s18], $0x2800  }
0x132: {  	[sflag:s18] =	ssyncset.done $0x0  }
0x133: {  	s21 =	simm.s32 $0x6;
	[sflag:s18] =	ssyncadd.s32 $0xFFFFD800  }
0x134: {  	_ =	swait.ge [sflag:s21], $0x50  }
0x135: {  	[sflag:s21] =	ssyncset.done $0x0  }
0x136: {  	s25 =	simm.s32 $0xE;
	[sflag:s21] =	ssyncadd.s32 $0xFFFFFFB0  }
0x137: {  	_ =	swait.ge [sflag:s25], $0x50  }
0x138: {  	s31 =	simm.s32 $0x190;
	[sflag:s25] =	ssyncset.done $0x0  }
0x139: {  	s6 =	simm.s32 $0x2D00;
	s8 =	simm.s32 $0x11;
	[sflag:s25] =	ssyncadd.s32 $0xFFFFFFB0  }
0x13a: {  	[tilespmem:s6], [sflag:$0x12] =	stream.indirect.gather [hbm4b:s19+s13], $0x80, s31, s13, $0xb8;
	[tilespmem:$0x1E100] =	vst v63  }
0x13b: {  	_ =	swait.ge [sflag:s8], $0x2800  }
0x13c: {  	s1 =	sshrl.u32 s24, $0x3;
	[sflag:s8] =	ssyncset.done $0x0  }
0x13d: {  	s5 =	simm.s32 $0x3C0;
	s2 =	rddreg [dreg:$0x12];
	[sflag:s8] =	ssyncadd.s32 $0xFFFFD800  }
0x13e: {  	[spmem:s4] =	stream.indirect.scatter.add.f32 [tilespmem:s28], [sflag:$0x15], $0x80, s5, s13, $0xb8;
	[tilespmem:$0x1E100] =	vst v63  }
0x13f: {  	s11 =	rddreg [dreg:$0xd];
	s0 =	sadd.s32 s2, s1  }
0x140: {  	[tilespmem:s3], [sflag:$0x1] =	stream.linear.gather [hbm4b:s0+s3], $0x50, $0x38;
	[tilespmem:$0x1E100] =	vst v63  }
0x141: {  	s21 =	sadd.s32 s26, s11;
	s11 =	simm.s32 $0x280;
	s2 =	simm.s32 $0x17  }
0x142: {  	[tilespmem:s11], [sflag:$0x9] =	stream.linear.gather [hbm4b:s21+s3], $0x50, $0x38;
	[tilespmem:$0x1E100] =	vst v63  }
0x143: {  	_ =	swait.ge [sflag:s2], $0x2800  }
0x144: {  	[sflag:s2] =	ssyncset.done $0x0  }
0x145: {  	s25 =	simm.s32 $0x7;
	[sflag:s2] =	ssyncadd.s32 $0xFFFFD800  }
0x146: {  	_ =	swait.ge [sflag:s25], $0x50  }
0x147: {  	[sflag:s25] =	ssyncset.done $0x0  }
0x148: {  	s31 =	simm.s32 $0xF;
	[sflag:s25] =	ssyncadd.s32 $0xFFFFFFB0  }
0x149: {  	_ =	swait.ge [sflag:s31], $0x50  }
0x14a: {  	[sflag:s31] =	ssyncset.done $0x0  }
0x14b: {  	s25 =	simm.s32 $0x12;
	[sflag:s31] =	ssyncadd.s32 $0xFFFFFFB0  }
0x14c: {  	[tilespmem:s16], [sflag:$0x13] =	stream.indirect.gather [hbm4b:s19+s13], $0x80, s7, s13, $0xb8;
	[tilespmem:$0x1E100] =	vst v63  }
0x14d: {  	_ =	swait.ge [sflag:s25], $0x2800  }
0x14e: {  	[sflag:s25] =	ssyncset.done $0x0  }
0x14f: {  	s21 =	simm.s32 $0x410;
	s1 =	rddreg [dreg:$0xc];
	[sflag:s25] =	ssyncadd.s32 $0xFFFFD800  }
0x150: {  	[spmem:s4] =	stream.indirect.scatter.add.f32 [tilespmem:s6], [sflag:$0x16], $0x80, s21, s13, $0xb8;
	[tilespmem:$0x1E100] =	vst v63  }
0x151: {  	s7 =	rddreg [dreg:$0xb];
	s0 =	sadd.s32 s26, s1  }
0x152: {  	[tilespmem:s13], [sflag:$0x2] =	stream.linear.gather [hbm4b:s0+s3], $0x50, $0x38;
	[tilespmem:$0x1E100] =	vst v63  }
0x153: {  	s31 =	sadd.s32 s26, s7;
	s7 =	simm.s32 $0x2D0  }
0x154: {  	[tilespmem:s7], [sflag:$0xA] =	stream.linear.gather [hbm4b:s31+s3], $0x50, $0x38;
	[tilespmem:$0x1E100] =	vst v63  }
0x155: {  	s31 =	simm.s32 $0x18  }
0x156: {  	_ =	swait.ge [sflag:s31], $0x2800  }
0x157: {  	[sflag:s31] =	ssyncset.done $0x0  }
0x158: {  	s1 =	simm.s32 $0x8;
	[sflag:s31] =	ssyncadd.s32 $0xFFFFD800  }
0x159: {  	_ =	swait.ge [sflag:s1], $0x50  }
0x15a: {  	[sflag:s1] =	ssyncset.done $0x0  }
0x15b: {  	[sflag:s1] =	ssyncadd.s32 $0xFFFFFFB0;
	s1 =	simm.s32 $0x10  }
0x15c: {  	_ =	swait.ge [sflag:s1], $0x50  }
0x15d: {  	[sflag:s1] =	ssyncset.done $0x0  }
0x15e: {  	[sflag:s1] =	ssyncadd.s32 $0xFFFFFFB0  }
0x15f: {  	[tilespmem:s29], [sflag:$0x14] =	stream.indirect.gather [hbm4b:s19+s13], $0x80, s23, s13, $0xb8;
	[tilespmem:$0x1E100] =	vst v63  }
0x160: {  	_ =	swait.ge [sflag:s12], $0x2800  }
0x161: {  	[sflag:s12] =	ssyncset.done $0x0  }
0x162: {  	s1 =	rddreg [dreg:$0xa];
	[sflag:s12] =	ssyncadd.s32 $0xFFFFD800  }
0x163: {  	[spmem:s4] =	stream.indirect.scatter.add.f32 [tilespmem:s16], [sflag:$0x17], $0x80, s14, s13, $0xb8;
	[tilespmem:$0x1E100] =	vst v63  }
0x164: {  	s23 =	rddreg [dreg:$0x9];
	s0 =	sadd.s32 s26, s1;
	s14 =	simm.s32 $0xA0  }
0x165: {  	[tilespmem:s14], [sflag:$0x3] =	stream.linear.gather [hbm4b:s0+s3], $0x50, $0x38;
	[tilespmem:$0x1E100] =	vst v63  }
0x166: {  	s1 =	sadd.s32 s26, s23  }
0x167: {  	[tilespmem:s15], [sflag:$0xB] =	stream.linear.gather [hbm4b:s1+s3], $0x50, $0x38;
	[tilespmem:$0x1E100] =	vst v63  }
0x168: {  	_ =	swait.ge [sflag:s17], $0x2800  }
0x169: {  	[sflag:s17] =	ssyncset.done $0x0  }
0x16a: {  	s12 =	simm.s32 $0x1;
	[sflag:s17] =	ssyncadd.s32 $0xFFFFD800  }
0x16b: {  	_ =	swait.ge [sflag:s12], $0x50  }
0x16c: {  	[sflag:s12] =	ssyncset.done $0x0  }
0x16d: {  	s15 =	simm.s32 $0x9;
	[sflag:s12] =	ssyncadd.s32 $0xFFFFFFB0  }
0x16e: {  	_ =	swait.ge [sflag:s15], $0x50  }
0x16f: {  	[sflag:s15] =	ssyncset.done $0x0  }
0x170: {  	[sflag:s15] =	ssyncadd.s32 $0xFFFFFFB0  }
0x171: {  	[tilespmem:s28], [sflag:$0x11] =	stream.indirect.gather [hbm4b:s19+s13], $0x80, s3, s13, $0xb8;
	[tilespmem:$0x1E100] =	vst v63  }
0x172: {  	_ =	swait.ge [sflag:s30], $0x2800  }
0x173: {  	[sflag:s30] =	ssyncset.done $0x0  }
0x174: {  	s17 =	rddreg [dreg:$0x8];
	[sflag:s30] =	ssyncadd.s32 $0xFFFFD800  }
0x175: {  	[spmem:s4] =	stream.indirect.scatter.add.f32 [tilespmem:s29], [sflag:$0x18], $0x80, s10, s13, $0xb8;
	[tilespmem:$0x1E100] =	vst v63  }
0x176: {  	s23 =	rddreg [dreg:$0x7];
	s0 =	sadd.s32 s26, s17;
	s30 =	simm.s32 $0xF0  }
0x177: {  	[tilespmem:s30], [sflag:$0x4] =	stream.linear.gather [hbm4b:s0+s3], $0x50, $0x38;
	[tilespmem:$0x1E100] =	vst v63  }
0x178: {  	s1 =	sadd.s32 s26, s23  }
0x179: {  	[tilespmem:s9], [sflag:$0xC] =	stream.linear.gather [hbm4b:s1+s3], $0x50, $0x38;
	[tilespmem:$0x1E100] =	vst v63  }
0x17a: {  	_ =	swait.ge [sflag:s18], $0x2800  }
0x17b: {  	[sflag:s18] =	ssyncset.done $0x0  }
0x17c: {  	s9 =	simm.s32 $0x2;
	[sflag:s18] =	ssyncadd.s32 $0xFFFFD800  }
0x17d: {  	_ =	swait.ge [sflag:s9], $0x50  }
0x17e: {  	[sflag:s9] =	ssyncset.done $0x0  }
0x17f: {  	s10 =	simm.s32 $0xA;
	[sflag:s9] =	ssyncadd.s32 $0xFFFFFFB0  }
0x180: {  	_ =	swait.ge [sflag:s10], $0x50  }
0x181: {  	[sflag:s10] =	ssyncset.done $0x0  }
0x182: {  	[sflag:s10] =	ssyncadd.s32 $0xFFFFFFB0  }
0x183: {  	[tilespmem:s6], [sflag:$0x12] =	stream.indirect.gather [hbm4b:s19+s13], $0x80, s13, s13, $0xb8;
	[tilespmem:$0x1E100] =	vst v63  }
0x184: {  	_ =	swait.ge [sflag:s8], $0x2800  }
0x185: {  	[sflag:s8] =	ssyncset.done $0x0  }
0x186: {  	s12 =	rddreg [dreg:$0x6];
	[sflag:s8] =	ssyncadd.s32 $0xFFFFD800  }
0x187: {  	[spmem:s4] =	stream.indirect.scatter.add.f32 [tilespmem:s28], [sflag:$0x15], $0x80, s11, s13, $0xb8;
	[tilespmem:$0x1E100] =	vst v63  }
0x188: {  	s15 =	rddreg [dreg:$0x5];
	s0 =	sadd.s32 s26, s12  }
0x189: {  	[tilespmem:s20], [sflag:$0x5] =	stream.linear.gather [hbm4b:s0+s3], $0x50, $0x38;
	[tilespmem:$0x1E100] =	vst v63  }
0x18a: {  	s17 =	sadd.s32 s26, s15  }
0x18b: {  	[tilespmem:s5], [sflag:$0xD] =	stream.linear.gather [hbm4b:s17+s3], $0x50, $0x38;
	[tilespmem:$0x1E100] =	vst v63  }
0x18c: {  	_ =	swait.ge [sflag:s2], $0x2800  }
0x18d: {  	[sflag:s2] =	ssyncset.done $0x0  }
0x18e: {  	s18 =	simm.s32 $0x3;
	[sflag:s2] =	ssyncadd.s32 $0xFFFFD800  }
0x18f: {  	_ =	swait.ge [sflag:s18], $0x50  }
0x190: {  	[sflag:s18] =	ssyncset.done $0x0  }
0x191: {  	s20 =	simm.s32 $0xB;
	[sflag:s18] =	ssyncadd.s32 $0xFFFFFFB0  }
0x192: {  	_ =	swait.ge [sflag:s20], $0x50  }
0x193: {  	[sflag:s20] =	ssyncset.done $0x0  }
0x194: {  	[sflag:s20] =	ssyncadd.s32 $0xFFFFFFB0  }
0x195: {  	[tilespmem:s16], [sflag:$0x13] =	stream.indirect.gather [hbm4b:s19+s13], $0x80, s14, s13, $0xb8;
	[tilespmem:$0x1E100] =	vst v63  }
0x196: {  	_ =	swait.ge [sflag:s25], $0x2800  }
0x197: {  	[sflag:s25] =	ssyncset.done $0x0  }
0x198: {  	s23 =	rddreg [dreg:$0x4];
	[sflag:s25] =	ssyncadd.s32 $0xFFFFD800  }
0x199: {  	[spmem:s4] =	stream.indirect.scatter.add.f32 [tilespmem:s6], [sflag:$0x16], $0x80, s7, s13, $0xb8;
	[tilespmem:$0x1E100] =	vst v63  }
0x19a: {  	s28 =	simm.s32 $0x190;
	s25 =	rddreg [dreg:$0x3];
	s0 =	sadd.s32 s26, s23  }
0x19b: {  	[tilespmem:s28], [sflag:$0x6] =	stream.linear.gather [hbm4b:s0+s3], $0x50, $0x38;
	[tilespmem:$0x1E100] =	vst v63  }
0x19c: {  	s29 =	sadd.s32 s26, s25  }
0x19d: {  	[tilespmem:s21], [sflag:$0xE] =	stream.linear.gather [hbm4b:s29+s3], $0x50, $0x38;
	[tilespmem:$0x1E100] =	vst v63  }
0x19e: {  	_ =	swait.ge [sflag:s31], $0x2800  }
0x19f: {  	[sflag:s31] =	ssyncset.done $0x0  }
0x1a0: {  	s30 =	simm.s32 $0x4;
	[sflag:s31] =	ssyncadd.s32 $0xFFFFD800  }
0x1a1: {  	p0 =	sne.s32 s22, $0x410;
	_ =	swait.ge [sflag:s30], $0x50  }
.Ltmp0:
0x1a2: {  	[sflag:s30] =	ssyncset.done $0x0;
	(pc) =	sbr.rel @p0 .LBB2_2-.Ltmp0, $4  }
0x1a3: {  	s31 =	simm.s32 $0xC;
	[sflag:s30] =	ssyncadd.s32 $0xFFFFFFB0  }
0x1a4: {  	_ =	swait.ge [sflag:s31], $0x50  }
0x1a5: {  	s22 =	sadd.s32 $0x50, s22;
	s24 =	sadd.s32 $0x280, s24;
	[sflag:s31] =	ssyncset.done $0x0  }
0x1a6: {  	s5 =	simm.s32 $0x190;
	s7 =	simm.s32 $0x410;
	[sflag:s31] =	ssyncadd.s32 $0xFFFFFFB0  }
0x1a7: {  	s15 =	simm.s32 $0xF0;
	s26 =	simm.s32 $0x7D00;
	s12 =	simm.s32 $0x13  }
0x1a8: {  	[tilespmem:s26], [sflag:$0x14] =	stream.indirect.gather [hbm4b:s19+s13], $0x80, s15, s13, $0xb8;
	[tilespmem:$0x1E100] =	vst v63  }
0x1a9: {  	_ =	swait.ge [sflag:s12], $0x2800  }
0x1aa: {  	[sflag:s12] =	ssyncset.done $0x0  }
0x1ab: {  	s0 =	sld [smem:$0x7ED];
	[sflag:s12] =	ssyncadd.s32 $0xFFFFD800  }
0x1ac: {  	s14 =	simm.s32 $0x320;
	s16 =	simm.s32 $0x5500;
	s4 =	rddreg [dreg:$0x1]  }
0x1ad: {  	[spmem:s4] =	stream.indirect.scatter.add.f32 [tilespmem:s16], [sflag:$0x17], $0x80, s14, s13, $0xb8;
	[tilespmem:$0x1E100] =	vst v63  }
0x1ae: {  	s11 =	simm.s32 $0x1E0;
	s24 =	sld [smem:$0x7EE]  }
0x1af: {  	[tilespmem:s11], [sflag:$0x7] =	stream.linear.gather [hbm4b:s0+s3], $0x50, $0x38;
	[tilespmem:$0x1E100] =	vst v63  }
0x1b0: {  	s30 =	simm.s32 $0x460;
	s17 =	simm.s32 $0x15  }
0x1b1: {  	[tilespmem:s30], [sflag:$0xF] =	stream.linear.gather [hbm4b:s24+s3], $0x50, $0x38;
	[tilespmem:$0x1E100] =	vst v63  }
0x1b2: {  	_ =	swait.ge [sflag:s17], $0x2800  }
0x1b3: {  	[sflag:s17] =	ssyncset.done $0x0  }
0x1b4: {  	s21 =	simm.s32 $0x5;
	[sflag:s17] =	ssyncadd.s32 $0xFFFFD800  }
0x1b5: {  	_ =	swait.ge [sflag:s21], $0x50  }
0x1b6: {  	[sflag:s21] =	ssyncset.done $0x0  }
0x1b7: {  	s22 =	simm.s32 $0xD;
	[sflag:s21] =	ssyncadd.s32 $0xFFFFFFB0  }
0x1b8: {  	_ =	swait.ge [sflag:s22], $0x50  }
0x1b9: {  	s20 =	simm.s32 $0x140;
	[sflag:s22] =	ssyncset.done $0x0  }
0x1ba: {  	s28 =	simm.s32 $0x14;
	s24 =	simm.s32 $0x500;
	[sflag:s22] =	ssyncadd.s32 $0xFFFFFFB0  }
0x1bb: {  	[tilespmem:s24], [sflag:$0x11] =	stream.indirect.gather [hbm4b:s19+s13], $0x80, s20, s13, $0xb8;
	[tilespmem:$0x1E100] =	vst v63  }
0x1bc: {  	_ =	swait.ge [sflag:s28], $0x2800  }
0x1bd: {  	[sflag:s28] =	ssyncset.done $0x0  }
0x1be: {  	s9 =	simm.s32 $0x370;
	s25 =	sld [smem:$0x7F2];
	[sflag:s28] =	ssyncadd.s32 $0xFFFFD800  }
0x1bf: {  	[spmem:s4] =	stream.indirect.scatter.add.f32 [tilespmem:s26], [sflag:$0x18], $0x80, s9, s13, $0xb8;
	[tilespmem:$0x1E100] =	vst v63  }
0x1c0: {  	s23 =	simm.s32 $0x230;
	s29 =	sld [smem:$0x7F3]  }
0x1c1: {  	[tilespmem:s23], [sflag:$0x8] =	stream.linear.gather [hbm4b:s25+s3], $0x50, $0x38;
	[tilespmem:$0x1E100] =	vst v63  }
0x1c2: {  	s10 =	simm.s32 $0x4B0;
	s18 =	simm.s32 $0x16  }
0x1c3: {  	[tilespmem:s10], [sflag:$0x10] =	stream.linear.gather [hbm4b:s29+s3], $0x50, $0x38;
	[tilespmem:$0x1E100] =	vst v63  }
0x1c4: {  	_ =	swait.ge [sflag:s18], $0x2800  }
0x1c5: {  	[sflag:s18] =	ssyncset.done $0x0  }
0x1c6: {  	s31 =	simm.s32 $0x6;
	[sflag:s18] =	ssyncadd.s32 $0xFFFFD800  }
0x1c7: {  	_ =	swait.ge [sflag:s31], $0x50  }
0x1c8: {  	[sflag:s31] =	ssyncset.done $0x0  }
0x1c9: {  	s1 =	simm.s32 $0xE;
	[sflag:s31] =	ssyncadd.s32 $0xFFFFFFB0  }
0x1ca: {  	_ =	swait.ge [sflag:s1], $0x50  }
0x1cb: {  	[sflag:s1] =	ssyncset.done $0x0  }
0x1cc: {  	s6 =	simm.s32 $0x2D00;
	s8 =	simm.s32 $0x11;
	[sflag:s1] =	ssyncadd.s32 $0xFFFFFFB0  }
0x1cd: {  	[tilespmem:s6], [sflag:$0x12] =	stream.indirect.gather [hbm4b:s19+s13], $0x80, s5, s13, $0xb8;
	[tilespmem:$0x1E100] =	vst v63  }
0x1ce: {  	_ =	swait.ge [sflag:s8], $0x2800  }
0x1cf: {  	[sflag:s8] =	ssyncset.done $0x0  }
0x1d0: {  	s5 =	simm.s32 $0x3C0;
	s2 =	sld [smem:$0x7F4];
	[sflag:s8] =	ssyncadd.s32 $0xFFFFD800  }
0x1d1: {  	[spmem:s4] =	stream.indirect.scatter.add.f32 [tilespmem:s24], [sflag:$0x15], $0x80, s5, s13, $0xb8;
	[tilespmem:$0x1E100] =	vst v63  }
0x1d2: {  	s25 =	sld [smem:$0x7F5]  }
0x1d3: {  	[tilespmem:s3], [sflag:$0x1] =	stream.linear.gather [hbm4b:s2+s3], $0x50, $0x38;
	[tilespmem:$0x1E100] =	vst v63  }
0x1d4: {  	s1 =	simm.s32 $0x280;
	s2 =	simm.s32 $0x17  }
0x1d5: {  	[tilespmem:s1], [sflag:$0x9] =	stream.linear.gather [hbm4b:s25+s3], $0x50, $0x38;
	[tilespmem:$0x1E100] =	vst v63  }
0x1d6: {  	_ =	swait.ge [sflag:s2], $0x2800  }
0x1d7: {  	[sflag:s2] =	ssyncset.done $0x0  }
0x1d8: {  	s29 =	simm.s32 $0x7;
	[sflag:s2] =	ssyncadd.s32 $0xFFFFD800  }
0x1d9: {  	_ =	swait.ge [sflag:s29], $0x50  }
0x1da: {  	[sflag:s29] =	ssyncset.done $0x0  }
0x1db: {  	s31 =	simm.s32 $0xF;
	[sflag:s29] =	ssyncadd.s32 $0xFFFFFFB0  }
0x1dc: {  	_ =	swait.ge [sflag:s31], $0x50  }
0x1dd: {  	[sflag:s31] =	ssyncset.done $0x0  }
0x1de: {  	s25 =	simm.s32 $0x12;
	[sflag:s31] =	ssyncadd.s32 $0xFFFFFFB0  }
0x1df: {  	[tilespmem:s16], [sflag:$0x13] =	stream.indirect.gather [hbm4b:s19+s13], $0x80, s11, s13, $0xb8;
	[tilespmem:$0x1E100] =	vst v63  }
0x1e0: {  	_ =	swait.ge [sflag:s25], $0x2800  }
0x1e1: {  	[sflag:s25] =	ssyncset.done $0x0  }
0x1e2: {  	s11 =	sld [smem:$0x7F6];
	[sflag:s25] =	ssyncadd.s32 $0xFFFFD800  }
0x1e3: {  	[spmem:s4] =	stream.indirect.scatter.add.f32 [tilespmem:s6], [sflag:$0x16], $0x80, s7, s13, $0xb8;
	[tilespmem:$0x1E100] =	vst v63  }
0x1e4: {  	s29 =	sld [smem:$0x7F7]  }
0x1e5: {  	[tilespmem:s13], [sflag:$0x2] =	stream.linear.gather [hbm4b:s11+s3], $0x50, $0x38;
	[tilespmem:$0x1E100] =	vst v63  }
0x1e6: {  	s7 =	simm.s32 $0x2D0  }
0x1e7: {  	[tilespmem:s7], [sflag:$0xA] =	stream.linear.gather [hbm4b:s29+s3], $0x50, $0x38;
	[tilespmem:$0x1E100] =	vst v63  }
0x1e8: {  	s29 =	simm.s32 $0x18  }
0x1e9: {  	_ =	swait.ge [sflag:s29], $0x2800  }
0x1ea: {  	[sflag:s29] =	ssyncset.done $0x0  }
0x1eb: {  	s31 =	simm.s32 $0x8;
	[sflag:s29] =	ssyncadd.s32 $0xFFFFD800  }
0x1ec: {  	_ =	swait.ge [sflag:s31], $0x50  }
0x1ed: {  	[sflag:s31] =	ssyncset.done $0x0  }
0x1ee: {  	s11 =	simm.s32 $0x10;
	[sflag:s31] =	ssyncadd.s32 $0xFFFFFFB0  }
0x1ef: {  	_ =	swait.ge [sflag:s11], $0x50  }
0x1f0: {  	[sflag:s11] =	ssyncset.done $0x0  }
0x1f1: {  	[sflag:s11] =	ssyncadd.s32 $0xFFFFFFB0  }
0x1f2: {  	[tilespmem:s26], [sflag:$0x14] =	stream.indirect.gather [hbm4b:s19+s13], $0x80, s23, s13, $0xb8;
	[tilespmem:$0x1E100] =	vst v63  }
0x1f3: {  	_ =	swait.ge [sflag:s12], $0x2800  }
0x1f4: {  	[sflag:s12] =	ssyncset.done $0x0  }
0x1f5: {  	s23 =	sld [smem:$0x7F8];
	[sflag:s12] =	ssyncadd.s32 $0xFFFFD800  }
0x1f6: {  	[spmem:s4] =	stream.indirect.scatter.add.f32 [tilespmem:s16], [sflag:$0x17], $0x80, s30, s13, $0xb8;
	[tilespmem:$0x1E100] =	vst v63  }
0x1f7: {  	s11 =	simm.s32 $0xA0;
	s30 =	sld [smem:$0x7F9]  }
0x1f8: {  	[tilespmem:s11], [sflag:$0x3] =	stream.linear.gather [hbm4b:s23+s3], $0x50, $0x38;
	[tilespmem:$0x1E100] =	vst v63  }
0x1f9: {  	_ = 	snop  }
0x1fa: {  	[tilespmem:s14], [sflag:$0xB] =	stream.linear.gather [hbm4b:s30+s3], $0x50, $0x38;
	[tilespmem:$0x1E100] =	vst v63  }
0x1fb: {  	_ =	swait.ge [sflag:s17], $0x2800  }
0x1fc: {  	[sflag:s17] =	ssyncset.done $0x0  }
0x1fd: {  	s31 =	simm.s32 $0x1;
	[sflag:s17] =	ssyncadd.s32 $0xFFFFD800  }
0x1fe: {  	_ =	swait.ge [sflag:s31], $0x50  }
0x1ff: {  	[sflag:s31] =	ssyncset.done $0x0  }
0x200: {  	s23 =	simm.s32 $0x9;
	[sflag:s31] =	ssyncadd.s32 $0xFFFFFFB0  }
0x201: {  	_ =	swait.ge [sflag:s23], $0x50  }
0x202: {  	[sflag:s23] =	ssyncset.done $0x0  }
0x203: {  	[sflag:s23] =	ssyncadd.s32 $0xFFFFFFB0  }
0x204: {  	[tilespmem:s24], [sflag:$0x11] =	stream.indirect.gather [hbm4b:s19+s13], $0x80, s3, s13, $0xb8;
	[tilespmem:$0x1E100] =	vst v63  }
0x205: {  	_ =	swait.ge [sflag:s28], $0x2800  }
0x206: {  	[sflag:s28] =	ssyncset.done $0x0  }
0x207: {  	s30 =	sld [smem:$0x7FA];
	[sflag:s28] =	ssyncadd.s32 $0xFFFFD800  }
0x208: {  	[spmem:s4] =	stream.indirect.scatter.add.f32 [tilespmem:s26], [sflag:$0x18], $0x80, s10, s13, $0xb8;
	[tilespmem:$0x1E100] =	vst v63  }
0x209: {  	s31 =	sld [smem:$0x7FB]  }
0x20a: {  	[tilespmem:s15], [sflag:$0x4] =	stream.linear.gather [hbm4b:s30+s3], $0x50, $0x38;
	[tilespmem:$0x1E100] =	vst v63  }
0x20b: {  	_ = 	snop  }
0x20c: {  	[tilespmem:s9], [sflag:$0xC] =	stream.linear.gather [hbm4b:s31+s3], $0x50, $0x38;
	[tilespmem:$0x1E100] =	vst v63  }
0x20d: {  	_ =	swait.ge [sflag:s18], $0x2800  }
0x20e: {  	[sflag:s18] =	ssyncset.done $0x0  }
0x20f: {  	s10 =	simm.s32 $0x2;
	[sflag:s18] =	ssyncadd.s32 $0xFFFFD800  }
0x210: {  	_ =	swait.ge [sflag:s10], $0x50  }
0x211: {  	[sflag:s10] =	ssyncset.done $0x0  }
0x212: {  	s23 =	simm.s32 $0xA;
	[sflag:s10] =	ssyncadd.s32 $0xFFFFFFB0  }
0x213: {  	_ =	swait.ge [sflag:s23], $0x50  }
0x214: {  	[sflag:s23] =	ssyncset.done $0x0  }
0x215: {  	[sflag:s23] =	ssyncadd.s32 $0xFFFFFFB0  }
0x216: {  	[tilespmem:s6], [sflag:$0x12] =	stream.indirect.gather [hbm4b:s19+s13], $0x80, s13, s13, $0xb8;
	[tilespmem:$0x1E100] =	vst v63  }
0x217: {  	_ =	swait.ge [sflag:s8], $0x2800  }
0x218: {  	[sflag:s8] =	ssyncset.done $0x0  }
0x219: {  	s30 =	sld [smem:$0x7FC];
	[sflag:s8] =	ssyncadd.s32 $0xFFFFD800  }
0x21a: {  	[spmem:s4] =	stream.indirect.scatter.add.f32 [tilespmem:s24], [sflag:$0x15], $0x80, s1, s13, $0xb8;
	[tilespmem:$0x1E100] =	vst v63  }
0x21b: {  	s31 =	sld [smem:$0x7FD]  }
0x21c: {  	[tilespmem:s20], [sflag:$0x5] =	stream.linear.gather [hbm4b:s30+s3], $0x50, $0x38;
	[tilespmem:$0x1E100] =	vst v63  }
0x21d: {  	_ = 	snop  }
0x21e: {  	[tilespmem:s5], [sflag:$0xD] =	stream.linear.gather [hbm4b:s31+s3], $0x50, $0x38;
	[tilespmem:$0x1E100] =	vst v63  }
0x21f: {  	_ =	swait.ge [sflag:s2], $0x2800  }
0x220: {  	[sflag:s2] =	ssyncset.done $0x0  }
0x221: {  	s1 =	simm.s32 $0x3;
	[sflag:s2] =	ssyncadd.s32 $0xFFFFD800  }
0x222: {  	_ =	swait.ge [sflag:s1], $0x50  }
0x223: {  	[sflag:s1] =	ssyncset.done $0x0  }
0x224: {  	s10 =	simm.s32 $0xB;
	[sflag:s1] =	ssyncadd.s32 $0xFFFFFFB0  }
0x225: {  	_ =	swait.ge [sflag:s10], $0x50  }
0x226: {  	[sflag:s10] =	ssyncset.done $0x0  }
0x227: {  	[sflag:s10] =	ssyncadd.s32 $0xFFFFFFB0  }
0x228: {  	[tilespmem:s16], [sflag:$0x13] =	stream.indirect.gather [hbm4b:s19+s13], $0x80, s11, s13, $0xb8;
	[tilespmem:$0x1E100] =	vst v63  }
0x229: {  	_ =	swait.ge [sflag:s25], $0x2800  }
0x22a: {  	[sflag:s25] =	ssyncset.done $0x0  }
0x22b: {  	[sflag:s25] =	ssyncadd.s32 $0xFFFFD800  }
0x22c: {  	[spmem:s4] =	stream.indirect.scatter.add.f32 [tilespmem:s6], [sflag:$0x16], $0x80, s7, s13, $0xb8;
	[tilespmem:$0x1E100] =	vst v63  }
0x22d: {  	_ =	swait.ge [sflag:s29], $0x2800  }
0x22e: {  	[sflag:s29] =	ssyncset.done $0x0  }
0x22f: {  	s23 =	simm.s32 $0x4;
	[sflag:s29] =	ssyncadd.s32 $0xFFFFD800  }
0x230: {  	_ =	swait.ge [sflag:s23], $0x50  }
0x231: {  	[sflag:s23] =	ssyncset.done $0x0  }
0x232: {  	s25 =	simm.s32 $0xC;
	[sflag:s23] =	ssyncadd.s32 $0xFFFFFFB0  }
0x233: {  	_ =	swait.ge [sflag:s25], $0x50  }
0x234: {  	[sflag:s25] =	ssyncset.done $0x0  }
0x235: {  	[sflag:s25] =	ssyncadd.s32 $0xFFFFFFB0  }
0x236: {  	[tilespmem:s26], [sflag:$0x14] =	stream.indirect.gather [hbm4b:s19+s13], $0x80, s15, s13, $0xb8;
	[tilespmem:$0x1E100] =	vst v63  }
0x237: {  	_ =	swait.ge [sflag:s12], $0x2800  }
0x238: {  	[sflag:s12] =	ssyncset.done $0x0  }
0x239: {  	[sflag:s12] =	ssyncadd.s32 $0xFFFFD800  }
0x23a: {  	[spmem:s4] =	stream.indirect.scatter.add.f32 [tilespmem:s16], [sflag:$0x17], $0x80, s14, s13, $0xb8;
	[tilespmem:$0x1E100] =	vst v63  }
0x23b: {  	_ =	swait.ge [sflag:s17], $0x2800  }
0x23c: {  	[sflag:s17] =	ssyncset.done $0x0  }
0x23d: {  	[sflag:s17] =	ssyncadd.s32 $0xFFFFD800  }
0x23e: {  	_ =	swait.ge [sflag:s21], $0x50  }
0x23f: {  	[sflag:s21] =	ssyncset.done $0x0  }
0x240: {  	[sflag:s21] =	ssyncadd.s32 $0xFFFFFFB0  }
0x241: {  	_ =	swait.ge [sflag:s22], $0x50  }
0x242: {  	[sflag:s22] =	ssyncset.done $0x0  }
0x243: {  	[sflag:s22] =	ssyncadd.s32 $0xFFFFFFB0  }
0x244: {  	[tilespmem:s24], [sflag:$0x11] =	stream.indirect.gather [hbm4b:s19+s13], $0x80, s20, s13, $0xb8;
	[tilespmem:$0x1E100] =	vst v63  }
0x245: {  	_ =	swait.ge [sflag:s28], $0x2800  }
0x246: {  	[sflag:s28] =	ssyncset.done $0x0  }
0x247: {  	[sflag:s28] =	ssyncadd.s32 $0xFFFFD800  }
0x248: {  	[spmem:s4] =	stream.indirect.scatter.add.f32 [tilespmem:s26], [sflag:$0x18], $0x80, s9, s13, $0xb8;
	[tilespmem:$0x1E100] =	vst v63  }
0x249: {  	_ =	swait.ge [sflag:s18], $0x2800  }
0x24a: {  	[sflag:s18] =	ssyncset.done $0x0  }
0x24b: {  	[sflag:s18] =	ssyncadd.s32 $0xFFFFD800  }
0x24c: {  	_ =	swait.ge [sflag:s8], $0x2800  }
0x24d: {  	[sflag:s8] =	ssyncset.done $0x0  }
0x24e: {  	[sflag:s8] =	ssyncadd.s32 $0xFFFFD800  }
0x24f: {  	[spmem:s4] =	stream.indirect.scatter.add.f32 [tilespmem:s24], [sflag:$0x15], $0x80, s5, s13, $0xb8;
	[tilespmem:$0x1E100] =	vst v63  }
0x250: {  	_ =	swait.ge [sflag:s2], $0x2800  }
0x251: {  	[sflag:s2] =	ssyncset.done $0x0  }
0x252: {  	[sflag:s2] =	ssyncadd.s32 $0xFFFFD800  }
0x253: {  	_ =	swait.ge [sflag:s29], $0x2800  }
0x254: {  	[sflag:s29] =	ssyncset.done $0x0  }
0x255: {  	[sflag:s29] =	ssyncadd.s32 $0xFFFFD800  }
0x256: {  	_ =	swait.ge [sflag:s17], $0x2800  }
0x257: {  	[sflag:s17] =	ssyncset.done $0x0  }
0x258: {  	[sflag:s17] =	ssyncadd.s32 $0xFFFFD800  }
0x259: {  	[bflag:$0x0] =	sbarrier.arrive $0xFFFF  }
0x25a: {  	s28 =	sld [smem:$0x7EF]  }
0x25b: {  	s29 =	sld [smem:$0x7EA];
	_ =	sdelay $0x1  }
0x25c: {  	s24 =	simm.s32 $0x19;
	s22 =	rddreg [dreg:$0x1d]  }
0x25d: {  	[hbm:s28], [sflag:s22] =	dma.local [spmem:s29], $0x2780  }
0x25e: {  	_ =	swait.ge [sflag:s24], $0x2780  }
0x25f: {  	s30 =	sld [smem:$0x7E9]  }
0x260: {  	s31 =	sld [smem:$0x7F0];
	_ =	sdelay $0x1  }
0x261: {  	s1 =	sadd.s32 $0x1, s30  }
0x262: {  	p0 =	sne.s32 s1, s31  }
.Ltmp1:
0x263: {  	_ = 	snop;
	(pc) =	sbr.rel @p0 .LBB2_1-.Ltmp1, $3  }
0x264: {  	_ =	sdelay $0x1  }
0x265: {  	[sflag:s24] =	ssyncset.done $0x0  }
0x266: {  	s20 =	rddreg [dreg:$0x12];
	[sflag:s24] =	ssyncadd.s32 $0xFFFFD880  }
0x267: {  	_ =	sfence.sel $0x180000  }
0x268: {  	[bflag:$0x0] =	sbarrier.arrive $0xFFFF  }
0x269: {  	_ =	strace $0x9000004A  }
0x26a: {  	s0 =	stileid.u32;
	[bflag:$0x2] =	sbarrier.arrive $0xFFFF  }
0x26b: {  	p0 =	sne.s32 s0, $0x0;
	s0 =	rddreg [dreg:$0x2]  }
0x26c: {  	s0 =	sadd.s32 @!p0 $0x100000, s0  }
0x26d: {  	[sflag:s0] =	ssyncadd.tile.s32 @!p0 $0x1;
	_ =	shalt  }
.Lfunc_end2:
_tile_overlayer_lowered:
.L_overlay_start_2:
0x26e: {  	(tag) =	ssettag $0x2  }
0x26f: {  	s0 =	rddreg [dreg:$0x0];
	s2 =	stileid.u32  }
0x270: {  	s1 =	rddreg [dreg:$0x1];
	p0 =	sne.s32 s2, $0x0  }
0x271: {  	s3 =	rddreg [dreg:$0x2];
	[bflag:$0x3] =	sbarrier.arrive $0xFFFF;
	s2 =	simm.s32 @!p0 $0x1C19  }
0x272: {  	[timem:s3], [sflag:s2] =	dma.local @!p0 [hbm:s0], s1  }
0x273: {  	s0 =	simm.s32 @!p0 $0x19  }
0x274: {  	_ =	swait.ge @!p0 [sflag:s0], s1  }
0x275: {  	s1 =	ssub.s32 @!p0 $0x0, s1;
	[sflag:s0] =	ssyncset.done @!p0 $0x0  }
0x276: {  	[sflag:s0] =	ssyncadd.s32 @!p0 s1  }
0x277: {  	[bflag:$0x3] =	sbarrier.arrive $0xFFFF  }
0x278: {  	_ =	shalt  }

// kernel: kernel.14.cloned.1.call-start
scs
__scs_entry_jumppad:
0x0: {  	(pc) =	sbr.rel $0x88, $3  }
0x1: {  	(tag) =	ssettag $0x0;
	lr =	simm.s32 $0x1  }
0x2: {  	[smem:$0x3F98] =	sst lr;
	_ =	strace $0xD0000000  }
0x3: {  	_ = 	snop  }
0x4: {  	_ = 	snop  }
0x5: {  	_ = 	snop  }
0x6: {  	_ = 	snop  }
0x7: {  	_ = 	snop  }
__scs_overlays_trampoline_lowered:
0x8: {  	[smem:$0x3FA7] =	sst s0  }
0x9: {  	[smem:$0x3FA8] =	sst s1  }
0xa: {  	[smem:$0x3FA9] =	sst s2  }
0xb: {  	[smem:$0x3FAA] =	sst s3  }
0xc: {  	[smem:$0x3FAB] =	sst s4  }
0xd: {  	[smem:$0x3FAC] =	sst s5  }
0xe: {  	[smem:$0x3FAD] =	sst s6  }
0xf: {  	[smem:$0x3FAE] =	sst s7  }
0x10: {  	[smem:$0x3FAF] =	sst s8  }
0x11: {  	[smem:$0x3FB0] =	sst s9;
	s0 =	simm.s32 @!p0 $0x0  }
0x12: {  	s1 =	sld [smem:$0x3F96];
	s0 =	simm.s32 @p0 $0x1  }
0x13: {  	[smem:$0x3FB1] =	sst s0;
	s0 =	simm.s32 @!p1 $0x0  }
0x14: {  	s2 =	sld [smem:$0x3F95];
	s0 =	simm.s32 @p1 $0x1  }
0x15: {  	[smem:$0x3FB2] =	sst s0;
	s0 =	simm.s32 @!p2 $0x0  }
0x16: {  	s3 =	sld [smem:$0x3FDB];
	s0 =	simm.s32 @p2 $0x1  }
0x17: {  	s4 =	simm.s32 $0x1BF5;
	[smem:$0x3FB4] =	sst s0  }
0x18: {  	s0 =	sld [smem:$0x3F97];
	_ =	swait.ge [sflag:s4], $0x0  }
0x19: {  	s7 =	sld [smem:$0x3F98]  }
0x1a: {  	s8 =	sadd.s32 $0xFFFFE003, lr  }
0x1b: {  	s9 =	sadd.s32 $0xFFFFFEF7, lr;
	s5 =	simm.s32 $0xFFFFFFFF;
	p2 =	slt.u32 s8, $0xFFFFF086  }
0x1c: {  	p1 =	slt.u32 s9, $0xF7A;
	s5 =	simm.s32 @!p2 $0x0  }
0x1d: {  	s5 =	simm.s32 @p1 $0x1;
	p0 =	seq.s32 s7, s2  }
0x1e: {  	s7 =	smul.u32 @!p0 $0xF7A, s2;
	p2 =	seq.s32 @!p0 s5, $0x0  }
0x1f: {  	s9 =	smul.u32 $0xF7A, s1;
	s8 =	simm.s32 @!p0 $0x1BF5;
	p2 =	por !p2, p0  }
0x20: {  	[sflag:s8] =	ssyncset.s32 @!p0 $0xFFFFF086;
	s6 =	sadd.s32 @!p0 s3, s7;
	s7 =	simm.s32 @!p0 $0x108  }
0x21: {  	s3 =	sadd.s32 s3, s9;
	s6 =	sadd.s32 @!p0 $0x88, s6;
	s7 =	simm.s32 @p2 $0x1082  }
0x22: {  	[simem:s7], [sflag:s8] =	dma.local @!p0 [hbm:s6], $0xF7A  }
0x23: {  	s9 =	sor.u32 $0xD0000000, s2;
	s6 =	simm.s32 $0x108;
	_ =	swait.ge @!p0 [sflag:s8], $0x0  }
0x24: {  	s3 =	sadd.s32 $0x88, s3;
	s6 =	simm.s32 @!p1 $0x1082;
	[sflag:s4] =	ssyncset.s32 $0xFFFFF086  }
0x25: {  	[simem:s6], [sflag:s4] =	dma.local [hbm:s3], $0xF7A  }
0x26: {  	[smem:$0x3F98] =	sst s1;
	(tag) =	ssettag s2;
	_ =	strace s9  }
0x27: {  	s1 =	sld [smem:$0x3FA8]  }
0x28: {  	s2 =	sld [smem:$0x3FA9]  }
0x29: {  	s4 =	sld [smem:$0x3FAB]  }
0x2a: {  	p0 =	seq.s32 s5, $0x0;
	s5 =	sld [smem:$0x3FAC]  }
0x2b: {  	s6 =	sld [smem:$0x3FAD]  }
0x2c: {  	s7 =	sld [smem:$0x3FAE]  }
0x2d: {  	s3 =	simm.s32 $0x108;
	s8 =	sld [smem:$0x3FAF]  }
0x2e: {  	s3 =	simm.s32 @!p0 $0x1082;
	s9 =	sld [smem:$0x3FB0]  }
0x2f: {  	lr =	sadd.s32 s0, s3;
	s0 =	sld [smem:$0x3FA7]  }
0x30: {  	s3 =	sld [smem:$0x3FAA]  }
0x31: {  	[smem:$0x3FB3] =	sst s10  }
0x32: {  	s10 =	sld [smem:$0x3FB1];
	_ =	sdelay $0x3  }
0x33: {  	p0 =	seq.s32 s10, $0x1;
	s10 =	sld [smem:$0x3FB3];
	_ =	sdelay $0x3  }
0x34: {  	[smem:$0x3FB3] =	sst s10  }
0x35: {  	s10 =	sld [smem:$0x3FB2];
	_ =	sdelay $0x3  }
0x36: {  	p1 =	seq.s32 s10, $0x1;
	s10 =	sld [smem:$0x3FB3];
	_ =	sdelay $0x3  }
0x37: {  	[smem:$0x3FB3] =	sst s10  }
0x38: {  	s10 =	sld [smem:$0x3FB4]  }
0x39: {  	_ = 	snop;
	(pc) =	sbr.ind lr, $3  }
0x3a: {  	_ = 	snop  }
0x3b: {  	_ = 	snop  }
0x3c: {  	p2 =	seq.s32 s10, $0x1;
	s10 =	sld [smem:$0x3FB3]  }
0x3d: {  	_ =	shalt  }
0x3e: {  	_ =	shalt  }
0x3f: {  	_ =	shalt  }
0x40: {  	_ =	shalt  }
0x41: {  	_ =	shalt  }
0x42: {  	_ =	shalt  }
0x43: {  	_ =	shalt  }
0x44: {  	_ =	shalt  }
0x45: {  	_ =	shalt  }
0x46: {  	_ =	shalt  }
0x47: {  	_ =	shalt  }
0x48: {  	_ =	shalt  }
0x49: {  	_ =	shalt  }
0x4a: {  	_ =	shalt  }
0x4b: {  	_ =	shalt  }
0x4c: {  	_ =	shalt  }
0x4d: {  	_ =	shalt  }
0x4e: {  	_ =	shalt  }
0x4f: {  	_ =	shalt  }
0x50: {  	_ =	shalt  }
0x51: {  	_ =	shalt  }
0x52: {  	_ =	shalt  }
0x53: {  	_ =	shalt  }
0x54: {  	_ =	shalt  }
0x55: {  	_ =	shalt  }
0x56: {  	_ =	shalt  }
0x57: {  	_ =	shalt  }
0x58: {  	_ =	shalt  }
0x59: {  	_ =	shalt  }
0x5a: {  	_ =	shalt  }
0x5b: {  	_ =	shalt  }
0x5c: {  	_ =	shalt  }
0x5d: {  	_ =	shalt  }
0x5e: {  	_ =	shalt  }
0x5f: {  	_ =	shalt  }
0x60: {  	_ =	shalt  }
0x61: {  	_ =	shalt  }
0x62: {  	_ =	shalt  }
0x63: {  	_ =	shalt  }
0x64: {  	_ =	shalt  }
0x65: {  	_ =	shalt  }
0x66: {  	_ =	shalt  }
0x67: {  	_ =	shalt  }
0x68: {  	_ =	shalt  }
0x69: {  	_ =	shalt  }
0x6a: {  	_ =	shalt  }
0x6b: {  	_ =	shalt  }
0x6c: {  	_ =	shalt  }
0x6d: {  	_ =	shalt  }
0x6e: {  	_ =	shalt  }
0x6f: {  	_ =	shalt  }
0x70: {  	_ =	shalt  }
0x71: {  	_ =	shalt  }
0x72: {  	_ =	shalt  }
0x73: {  	_ =	shalt  }
0x74: {  	_ =	shalt  }
0x75: {  	_ =	shalt  }
0x76: {  	_ =	shalt  }
0x77: {  	_ =	shalt  }
0x78: {  	_ =	shalt  }
0x79: {  	_ =	shalt  }
0x7a: {  	_ =	shalt  }
0x7b: {  	_ =	shalt  }
0x7c: {  	_ =	shalt  }
0x7d: {  	_ =	shalt  }
0x7e: {  	_ =	shalt  }
0x7f: {  	_ =	shalt  }
0x80: {  	_ =	shalt  }
0x81: {  	_ =	shalt  }
0x82: {  	_ =	shalt  }
0x83: {  	_ =	shalt  }
0x84: {  	_ =	shalt  }
0x85: {  	_ =	shalt  }
0x86: {  	_ =	shalt  }
0x87: {  	_ =	shalt  }
.Lfunc_end0:
.L_simem_size_0:
called_computation.2_lowered:
.L_overlay_start_0:
0x88: {  	s2 =	sld [smem:$0x3FD9]  }
0x89: {  	s3 =	sld [smem:$0x3FFE];
	_ =	sdelay $0x1  }
0x8a: {  	s1 =	srdreg.scid  }
0x8b: {  	s0 =	sand.u32 $0x1, s1  }
0x8c: {  	s16 =	sshll.u32 s0, $0xA;
	s2 =	sadd.s32 s3, s2  }
0x8d: {  	s2 =	sadd.s32 s2, s16  }
0x8e: {  	[smem:$0x3FBF] =	sst s2  }
0x8f: {  	_ = 	snop  }
0x90: {  	(tm) =	ssettm $0x1  }
0x91: {  	s17 =	sld [smem:$0x3FFB];
	_ =	sdelay $0x3  }
0x92: {  	_ =	strace s17  }
0x93: {  	s2 =	sld [smem:$0x3FFC];
	_ =	sdelay $0x3  }
0x94: {  	_ =	strace s2  }
0x95: {  	s2 =	sld [smem:$0x3FFD];
	_ =	sdelay $0x3  }
0x96: {  	_ =	strace s2  }
0x97: {  	_ =	strace $0x8FFFFFFF  }
0x98: {  	s18 =	sld [smem:$0x3FDB];
	_ =	sdelay $0x1  }
0x99: {  	s19 =	simm.s32 $_scs_section_size  }
0x9a: {  	s4 =	simm.s32 $_size__tile_overlayer_lowered;
	s5 =	simm.s32 $_tile_overlayer_lowered  }
0x9b: {  	s22 =	simm.s32 $0x1BFF;
	s21 =	sshll.u32 s5, $0x1;
	s2 =	sadd.s32 s19, s18  }
0x9c: {  	s6 =	simm.s32 $0x0;
	s20 =	sshll.u32 s4, $0x1;
	s4 =	sadd.s32 s21, s2  }
0x9d: {  	[timem:s6], [sflag:s22] =	dma.local [hbm:s4], s20  }
0x9e: {  	_ =	swait.ge [sflag:s22], s20  }
0x9f: {  	s3 =	ssub.s32 $0x0, s20;
	[sflag:s22] =	ssyncset.done $0x0  }
0xa0: {  	[sflag:s22] =	ssyncadd.s32 s3;
	_ =	sdelay $0x1  }
0xa1: {  	s23 =	simm.s32 $0x1B8B  }
0xa2: {  	_ =	swait.ge [sflag:s23], $0x1  }
0xa3: {  	[sflag:s23] =	ssyncset.done $0x0  }
0xa4: {  	s25 =	simm.s32 $0x1B8E;
	s24 =	sld [smem:$0x3FFE];
	[sflag:s23] =	ssyncadd.s32 $0xFFFFFFFF  }
0xa5: {  	s26 =	simm.s32 $execute0_lowered;
	[smem:$0x3FD2] =	sst s25  }
0xa6: {  	s4 =	sshll.u32 s26, $0x1;
	_ =	strace $0x8000004C;
	[dreg:$0x1] =	wrdreg $0xFFFFFFFF  }
0xa7: {  	s28 =	simm.s32 $_size_execute0_lowered;
	s2 =	sadd.s32 s2, s4;
	[dreg:$0x0] =	wrdreg $0x0  }
0xa8: {  	s4 =	sshll.u32 s28, $0x1;
	[dreg:$0x2] =	wrdreg s2  }
0xa9: {  	[dreg:$0x3] =	wrdreg s4  }
0xaa: {  	[dreg:$0x4] =	wrdreg $0xC0  }
0xab: {  	_ =	task [dreg:s6], $0x5FFFF  }
0xac: {  	[dreg:$0x1] =	wrdreg $0xFFFFFFFF  }
0xad: {  	[dreg:$0x0] =	wrdreg $0x60  }
0xae: {  	[dreg:$0x2] =	wrdreg s24  }
0xaf: {  	[dreg:$0x3] =	wrdreg $0xA5000  }
0xb0: {  	[dreg:$0x4] =	wrdreg $0x9  }
0xb1: {  	_ =	task.clear_ibuf [dreg:s6], $0x5FFFF;
	_ =	strace $0x9000004C  }
0xb2: {  	s29 =	simm.s32 $0x9;
	_ =	strace $0x8000004E  }
0xb3: {  	_ =	swait.ge [sflag:s29], $0x1  }
0xb4: {  	[sflag:s29] =	ssyncadd.s32 $0xFFFFFFFF  }
0xb5: {  	_ =	strace $0x9000004E  }
0xb6: {  	_ =	sfence  }
0xb7: {  	s30 =	sld [smem:$0x0];
	_ =	sdelay $0x2  }
0xb8: {  	s31 =	sshll.u32 s1, $0xD;
	s1 =	sshrl.u32 s1, $0x2  }
0xb9: {  	s3 =	sand.u32 $0x4000, s31;
	s1 =	sadd.s32 s1, s30  }
0xba: {  	s0 =	sor.u32 s3, s0;
	s1 =	sshll.u32 s1, $0x11  }
0xbb: {  	s0 =	sor.u32 s1, s0  }
0xbc: {  	s0 =	sadd.s32 $0x8F2B, s0  }
0xbd: {  	[sflag:s0] =	ssyncadd.remote.s32 $0x1  }
0xbe: {  	_ =	sfence.sel $0xFFFF  }
0xbf: {  	[dreg:$0x0] =	wrdreg $0xFFFFFFFF;
	(pc) =	sbr.abs _section_cstart, $3  }
0xc0: {  	[dreg:$0x1] =	wrdreg $0xFFFFFFFF  }
0xc1: {  	_ =	task.clear_ibuf [dreg:s6], $0x2FFFF;
	_ =	strace $0x9FFFFFFF  }
0xc2: {  	(tm) =	ssettm $0x7FFFFFFF  }
0xc3: {  	_ =	shalt  }
tec
execute0_lowered:
.L_overlay_start_1:
0x0: {  	(tag) =	ssettag $0x1  }
0x1: {  	s0 =	rddreg [dreg:$0x0]  }
0x2: {  	s2 =	rddreg [dreg:$0x1]  }
0x3: {  	s3 =	simm.s32 $0x0;
	s1 =	srdreg.scid;
	s10 =	stileid.u32  }
0x4: {  	s5 =	sand.u32 $0x1, s1;
	s6 =	smul.u32 $0x13C00, s10;
	s25 =	sshll.u32 s10, $0x1  }
0x5: {  	[smem:$0x7FF] =	sst s3;
	s19 =	sadd.s32 $0x16600, s0;
	s20 =	sadd.s32 $0x2C00, s0  }
0x6: {  	s8 =	sadd.s32 $0x3D800, s0;
	s31 =	smul.u32 $0x4E20, s10;
	s14 =	sshll.u32 s10, $0x6  }
0x7: {  	s7 =	smul.u32 $0x13C000, s5;
	s1 =	sor.u32 s5, s25;
	_ =	strace $0x8000004D  }
0x8: {  	[dreg:$0x13] =	wrdreg s8;
	s26 =	ssub.s32 $0x2, s5;
	s5 =	smul.u32 $0x2710, s5  }
0x9: {  	s22 =	sor.u32 $0x1C19, s14;
	[dreg:$0x12] =	wrdreg s20;
	s1 =	smul.u32 $0x2710, s1  }
0xa: {  	s9 =	sshrl.u32 s26, $0x1;
	[dreg:$0x1d] =	wrdreg s22;
	s7 =	sadd.s32 s6, s7  }
0xb: {  	s6 =	sadd.s32 s6, s2;
	s5 =	sadd.s32 s5, s31;
	s1 =	sshrl.u32 s1, $0x3  }
0xc: {  	s7 =	sshrl.u32 s7, $0x3;
	[dreg:$0x1c] =	wrdreg s6;
	s11 =	sadd.s32 s20, s1  }
0xd: {  	s17 =	sadd.s32 $0x4E610, s5;
	s28 =	sadd.s32 $0x9C40, s11;
	[dreg:$0x14] =	wrdreg s11  }
0xe: {  	s21 =	sadd.s32 $0x410, s5;
	s29 =	sadd.s32 $0xA, s11;
	[dreg:$0x15] =	wrdreg s28  }
0xf: {  	s23 =	sadd.s32 $0x4E5C0, s5;
	s30 =	sadd.s32 $0x9C4A, s11;
	[dreg:$0x16] =	wrdreg s29  }
0x10: {  	s31 =	sadd.s32 $0x370, s5;
	s4 =	sadd.s32 $0x14, s11;
	[dreg:$0x17] =	wrdreg s30  }
0x11: {  	s1 =	ssub.s32 s26, s9;
	s9 =	sadd.s32 $0x9C54, s11;
	[dreg:$0x18] =	wrdreg s4  }
0x12: {  	s0 =	sadd.s32 s7, s0;
	s12 =	sadd.s32 $0x1E, s11;
	[dreg:$0x19] =	wrdreg s9  }
0x13: {  	s6 =	sshrl.u32 s17, $0x3;
	s13 =	sadd.s32 $0x9C5E, s11;
	[dreg:$0x1a] =	wrdreg s12  }
0x14: {  	s7 =	sshrl.u32 s21, $0x3;
	s15 =	sadd.s32 $0x28, s11;
	[dreg:$0x1b] =	wrdreg s13  }
0x15: {  	s25 =	sshrl.u32 s23, $0x3;
	s16 =	sadd.s32 $0x9C68, s11;
	[dreg:$0x1e] =	wrdreg s15  }
0x16: {  	s17 =	sadd.s32 $0x2D0, s5;
	s18 =	sadd.s32 $0x32, s11;
	[dreg:$0x1f] =	wrdreg s16  }
0x17: {  	s23 =	sadd.s32 $0x4E430, s5;
	s6 =	sadd.s32 s6, s20;
	[smem:$0x7EB] =	sst s18  }
0x18: {  	s24 =	sadd.s32 s7, s20;
	s26 =	sadd.s32 s25, s20;
	[dreg:$0x3] =	wrdreg s6  }
0x19: {  	s25 =	sshrl.u32 s23, $0x3;
	s0 =	sadd.s32 $0x40000, s0;
	[dreg:$0x4] =	wrdreg s24  }
0x1a: {  	s23 =	sadd.s32 $0x4BA, s11;
	s28 =	sadd.s32 $0x3C0, s5;
	[dreg:$0x5] =	wrdreg s26  }
0x1b: {  	s30 =	sadd.s32 $0x4E570, s5;
	s4 =	sshrl.u32 s31, $0x3;
	[smem:$0x7EF] =	sst s0  }
0x1c: {  	s9 =	sadd.s32 $0x4E520, s5;
	s26 =	sadd.s32 s25, s20;
	[smem:$0x7F6] =	sst s23  }
0x1d: {  	s18 =	sshrl.u32 s17, $0x3;
	s17 =	sadd.s32 $0xA0E6, s11;
	[dreg:$0xe] =	wrdreg s26  }
0x1e: {  	s13 =	sadd.s32 $0x4E4D0, s5;
	s25 =	sadd.s32 $0x4C4, s11;
	[smem:$0x7F3] =	sst s17  }
0x1f: {  	s31 =	sadd.s32 $0x1E0, s5;
	s8 =	sadd.s32 s4, s20;
	[smem:$0x7F8] =	sst s25  }
0x20: {  	s10 =	sshrl.u32 s9, $0x3;
	s9 =	sadd.s32 $0x9C72, s11;
	[dreg:$0x8] =	wrdreg s8  }
0x21: {  	s15 =	sshrl.u32 s13, $0x3;
	s13 =	sadd.s32 $0xA0DC, s11;
	[smem:$0x7EC] =	sst s9  }
0x22: {  	s29 =	sshrl.u32 s28, $0x3;
	s26 =	sadd.s32 $0xA104, s11;
	[smem:$0x7EE] =	sst s13  }
0x23: {  	s4 =	sshrl.u32 s31, $0x3;
	s31 =	sadd.s32 $0xA118, s11;
	[smem:$0x7F9] =	sst s26  }
0x24: {  	s7 =	sshrl.u32 s30, $0x3;
	s6 =	sadd.s32 s29, s20;
	[smem:$0x7FD] =	sst s31  }
0x25: {  	s2 =	sadd.s32 s7, s20;
	[dreg:$0x6] =	wrdreg s6  }
0x26: {  	s12 =	sadd.s32 $0x320, s5;
	s16 =	sadd.s32 s15, s20;
	[dreg:$0x7] =	wrdreg s2  }
0x27: {  	s7 =	sshrl.u32 s12, $0x3;
	s12 =	sadd.s32 $0x49C, s11;
	[dreg:$0xb] =	wrdreg s16  }
0x28: {  	s28 =	sadd.s32 $0x230, s5;
	s15 =	sadd.s32 $0x280, s5;
	[smem:$0x7ED] =	sst s12  }
0x29: {  	s29 =	sshrl.u32 s28, $0x3;
	s28 =	sadd.s32 $0x4CE, s11;
	[smem:$0x7F1] =	sst s15  }
0x2a: {  	s6 =	sadd.s32 s10, s20;
	[smem:$0x7FA] =	sst s28  }
0x2b: {  	s14 =	sadd.s32 s7, s20;
	[dreg:$0x9] =	wrdreg s6  }
0x2c: {  	s10 =	sadd.s32 s4, s20;
	[dreg:$0xa] =	wrdreg s14  }
0x2d: {  	s21 =	sadd.s32 $0x4E480, s5;
	s16 =	sadd.s32 $0x4A6, s11;
	[dreg:$0x11] =	wrdreg s10  }
0x2e: {  	s7 =	sshrl.u32 s21, $0x3;
	s21 =	sadd.s32 $0xA0F0, s11;
	[smem:$0x7F2] =	sst s16  }
0x2f: {  	s6 =	sadd.s32 s18, s20;
	[smem:$0x7F5] =	sst s21  }
0x30: {  	s24 =	sadd.s32 s7, s20;
	[dreg:$0xc] =	wrdreg s6  }
0x31: {  	s14 =	smax.u32 s1, $0x1;
	[dreg:$0xd] =	wrdreg s24  }
0x32: {  	s30 =	sadd.s32 $0x4E3E0, s5;
	s18 =	sadd.s32 $0x4B0, s11;
	[smem:$0x7F0] =	sst s14  }
0x33: {  	s7 =	sshrl.u32 s30, $0x3;
	s30 =	sadd.s32 $0x4D8, s11;
	[smem:$0x7F4] =	sst s18  }
0x34: {  	s6 =	sadd.s32 s29, s20;
	[smem:$0x7FC] =	sst s30  }
0x35: {  	s2 =	sadd.s32 s7, s20;
	[dreg:$0xf] =	wrdreg s6  }
0x36: {  	s24 =	sadd.s32 $0xA0FA, s11;
	[dreg:$0x10] =	wrdreg s2  }
0x37: {  	s13 =	simm.s32 $0x50;
	s29 =	sadd.s32 $0xA10E, s11;
	[smem:$0x7F7] =	sst s24  }
0x38: {  	s1 =	simm.s32 $0x0;
	[smem:$0x7FB] =	sst s29;
	s24 =	simm.s32 $0x19  }
.LBB2_1:
0x39: {  	[smem:$0x7E9] =	sst s1  }
0x3a: {  	s0 =	rddreg [dreg:$0x14]  }
0x3b: {  	s26 =	rddreg [dreg:$0x15]  }
0x3c: {  	s29 =	rddreg [dreg:$0x16]  }
0x3d: {  	s30 =	rddreg [dreg:$0x17]  }
0x3e: {  	[tilespmem:s3], [sflag:$0x1] =	stream.linear.gather [hbm4b:s0+s3], $0x50, $0x38;
	[tilespmem:$0x1E100] =	vst v63  }
0x3f: {  	s28 =	simm.s32 $0x280;
	s1 =	rddreg [dreg:$0x18]  }
0x40: {  	[tilespmem:s28], [sflag:$0x9] =	stream.linear.gather [hbm4b:s26+s3], $0x50, $0x38;
	[tilespmem:$0x1E100] =	vst v63  }
0x41: {  	s6 =	rddreg [dreg:$0x19]  }
0x42: {  	[tilespmem:s13], [sflag:$0x2] =	stream.linear.gather [hbm4b:s29+s3], $0x50, $0x38;
	[tilespmem:$0x1E100] =	vst v63  }
0x43: {  	s31 =	simm.s32 $0x2D0;
	s8 =	rddreg [dreg:$0x1a]  }
0x44: {  	[tilespmem:s31], [sflag:$0xA] =	stream.linear.gather [hbm4b:s30+s3], $0x50, $0x38;
	[tilespmem:$0x1E100] =	vst v63  }
0x45: {  	s4 =	simm.s32 $0xA0;
	s11 =	rddreg [dreg:$0x1b]  }
0x46: {  	[tilespmem:s4], [sflag:$0x3] =	stream.linear.gather [hbm4b:s1+s3], $0x50, $0x38;
	[tilespmem:$0x1E100] =	vst v63  }
0x47: {  	s7 =	simm.s32 $0x320;
	s15 =	rddreg [dreg:$0x1c]  }
0x48: {  	[tilespmem:s7], [sflag:$0xB] =	stream.linear.gather [hbm4b:s6+s3], $0x50, $0x38;
	[tilespmem:$0x1E100] =	vst v63  }
0x49: {  	s9 =	simm.s32 $0xF0;
	s21 =	rddreg [dreg:$0x13];
	s16 =	sshrl.u32 s15, $0x3  }
0x4a: {  	[tilespmem:s9], [sflag:$0x4] =	stream.linear.gather [hbm4b:s8+s3], $0x50, $0x38;
	[tilespmem:$0x1E100] =	vst v63  }
0x4b: {  	s14 =	simm.s32 $0x370;
	[smem:$0x7EA] =	sst s16  }
0x4c: {  	[tilespmem:s14], [sflag:$0xC] =	stream.linear.gather [hbm4b:s11+s3], $0x50, $0x38;
	[tilespmem:$0x1E100] =	vst v63  }
0x4d: {  	[spmem:s16], [sflag:s22] =	dma.local [hbm:s21], $0x2780  }
0x4e: {  	_ =	swait.ge [sflag:s24], $0x2780  }
0x4f: {  	[sflag:s24] =	ssyncset.done $0x0  }
0x50: {  	s21 =	simm.s32 $0x1;
	[sflag:s24] =	ssyncadd.s32 $0xFFFFD880  }
0x51: {  	_ =	swait.ge [sflag:s21], $0x50  }
0x52: {  	[sflag:s21] =	ssyncset.done $0x0  }
0x53: {  	s1 =	simm.s32 $0x9;
	[sflag:s21] =	ssyncadd.s32 $0xFFFFFFB0  }
0x54: {  	_ =	swait.ge [sflag:s1], $0x50  }
0x55: {  	[sflag:s1] =	ssyncset.done $0x0  }
0x56: {  	s28 =	simm.s32 $0x500;
	s7 =	simm.s32 $0x2;
	[sflag:s1] =	ssyncadd.s32 $0xFFFFFFB0  }
0x57: {  	[tilespmem:s28], [sflag:$0x11] =	stream.indirect.gather [hbm4b:s19+s13], $0x80, s3, s13, $0xb8;
	[tilespmem:$0x1E100] =	vst v63  }
0x58: {  	_ =	swait.ge [sflag:s7], $0x50  }
0x59: {  	[sflag:s7] =	ssyncset.done $0x0  }
0x5a: {  	s9 =	simm.s32 $0xA;
	[sflag:s7] =	ssyncadd.s32 $0xFFFFFFB0  }
0x5b: {  	_ =	swait.ge [sflag:s9], $0x50  }
0x5c: {  	[sflag:s9] =	ssyncset.done $0x0  }
0x5d: {  	s6 =	simm.s32 $0x2D00;
	[sflag:s9] =	ssyncadd.s32 $0xFFFFFFB0  }
0x5e: {  	[tilespmem:s6], [sflag:$0x12] =	stream.indirect.gather [hbm4b:s19+s13], $0x80, s13, s13, $0xb8;
	[tilespmem:$0x1E100] =	vst v63  }
0x5f: {  	s8 =	simm.s32 $0x11;
	[bflag:$0x0] =	sbarrier.arrive $0xFFFF  }
0x60: {  	_ =	swait.ge [sflag:s8], $0x2800  }
0x61: {  	[sflag:s8] =	ssyncset.done $0x0  }
0x62: {  	[sflag:s8] =	ssyncadd.s32 $0xFFFFD800  }
0x63: {  	s5 =	simm.s32 $0x280;
	s4 =	rddreg [dreg:$0x1]  }
0x64: {  	[spmem:s4] =	stream.indirect.scatter.add.f32 [tilespmem:s28], [sflag:$0x15], $0x80, s5, s13, $0xb8;
	[tilespmem:$0x1E100] =	vst v63  }
0x65: {  	s23 =	simm.s32 $0x140;
	s22 =	rddreg [dreg:$0x1e]  }
0x66: {  	[tilespmem:s23], [sflag:$0x5] =	stream.linear.gather [hbm4b:s22+s3], $0x50, $0x38;
	[tilespmem:$0x1E100] =	vst v63  }
0x67: {  	s25 =	simm.s32 $0x3C0;
	s24 =	rddreg [dreg:$0x1f];
	s5 =	simm.s32 $0x3  }
0x68: {  	[tilespmem:s25], [sflag:$0xD] =	stream.linear.gather [hbm4b:s24+s3], $0x50, $0x38;
	[tilespmem:$0x1E100] =	vst v63  }
0x69: {  	_ =	swait.ge [sflag:s5], $0x50  }
0x6a: {  	[sflag:s5] =	ssyncset.done $0x0  }
0x6b: {  	s11 =	simm.s32 $0xB;
	[sflag:s5] =	ssyncadd.s32 $0xFFFFFFB0  }
0x6c: {  	_ =	swait.ge [sflag:s11], $0x50  }
0x6d: {  	s10 =	simm.s32 $0xA0;
	[sflag:s11] =	ssyncset.done $0x0  }
0x6e: {  	s16 =	simm.s32 $0x5500;
	s25 =	simm.s32 $0x12;
	[sflag:s11] =	ssyncadd.s32 $0xFFFFFFB0  }
0x6f: {  	[tilespmem:s16], [sflag:$0x13] =	stream.indirect.gather [hbm4b:s19+s13], $0x80, s10, s13, $0xb8;
	[tilespmem:$0x1E100] =	vst v63  }
0x70: {  	_ =	swait.ge [sflag:s25], $0x2800  }
0x71: {  	[sflag:s25] =	ssyncset.done $0x0  }
0x72: {  	s2 =	simm.s32 $0x2D0;
	s26 =	sld [smem:$0x7EB];
	[sflag:s25] =	ssyncadd.s32 $0xFFFFD800  }
0x73: {  	[spmem:s4] =	stream.indirect.scatter.add.f32 [tilespmem:s6], [sflag:$0x16], $0x80, s2, s13, $0xb8;
	[tilespmem:$0x1E100] =	vst v63  }
0x74: {  	s29 =	simm.s32 $0x190;
	s30 =	sld [smem:$0x7EC]  }
0x75: {  	[tilespmem:s29], [sflag:$0x6] =	stream.linear.gather [hbm4b:s26+s3], $0x50, $0x38;
	[tilespmem:$0x1E100] =	vst v63  }
0x76: {  	s31 =	simm.s32 $0x410;
	s14 =	simm.s32 $0x4  }
0x77: {  	[tilespmem:s31], [sflag:$0xE] =	stream.linear.gather [hbm4b:s30+s3], $0x50, $0x38;
	[tilespmem:$0x1E100] =	vst v63  }
0x78: {  	_ =	swait.ge [sflag:s14], $0x50  }
0x79: {  	[sflag:s14] =	ssyncset.done $0x0  }
0x7a: {  	s15 =	simm.s32 $0xC;
	[sflag:s14] =	ssyncadd.s32 $0xFFFFFFB0  }
0x7b: {  	_ =	swait.ge [sflag:s15], $0x50  }
0x7c: {  	[sflag:s15] =	ssyncset.done $0x0  }
0x7d: {  	s12 =	simm.s32 $0xF0;
	s29 =	simm.s32 $0x7D00;
	[sflag:s15] =	ssyncadd.s32 $0xFFFFFFB0  }
0x7e: {  	[tilespmem:s29], [sflag:$0x14] =	stream.indirect.gather [hbm4b:s19+s13], $0x80, s12, s13, $0xb8;
	[tilespmem:$0x1E100] =	vst v63  }
0x7f: {  	s12 =	simm.s32 $0x13  }
0x80: {  	_ =	swait.ge [sflag:s12], $0x2800  }
0x81: {  	[sflag:s12] =	ssyncset.done $0x0  }
0x82: {  	s17 =	simm.s32 $0x320;
	s2 =	rddreg [dreg:$0x11];
	[sflag:s12] =	ssyncadd.s32 $0xFFFFD800  }
0x83: {  	[spmem:s4] =	stream.indirect.scatter.add.f32 [tilespmem:s16], [sflag:$0x17], $0x80, s17, s13, $0xb8;
	[tilespmem:$0x1E100] =	vst v63  }
0x84: {  	s26 =	simm.s32 $0x1E0;
	s10 =	rddreg [dreg:$0x10];
	s22 =	sadd.s32 $0x0, s2  }
0x85: {  	[tilespmem:s26], [sflag:$0x7] =	stream.linear.gather [hbm4b:s22+s3], $0x50, $0x38;
	[tilespmem:$0x1E100] =	vst v63  }
0x86: {  	s31 =	simm.s32 $0x460;
	s17 =	sadd.s32 $0x0, s10  }
0x87: {  	[tilespmem:s31], [sflag:$0xF] =	stream.linear.gather [hbm4b:s17+s3], $0x50, $0x38;
	[tilespmem:$0x1E100] =	vst v63  }
0x88: {  	s17 =	simm.s32 $0x15  }
0x89: {  	_ =	swait.ge [sflag:s17], $0x2800  }
0x8a: {  	[sflag:s17] =	ssyncset.done $0x0  }
0x8b: {  	s24 =	simm.s32 $0x5;
	[sflag:s17] =	ssyncadd.s32 $0xFFFFD800  }
0x8c: {  	_ =	swait.ge [sflag:s24], $0x50  }
0x8d: {  	[sflag:s24] =	ssyncset.done $0x0  }
0x8e: {  	s30 =	simm.s32 $0xD;
	[sflag:s24] =	ssyncadd.s32 $0xFFFFFFB0  }
0x8f: {  	_ =	swait.ge [sflag:s30], $0x50  }
0x90: {  	[sflag:s30] =	ssyncset.done $0x0  }
0x91: {  	s23 =	simm.s32 $0x140;
	[sflag:s30] =	ssyncadd.s32 $0xFFFFFFB0;
	s30 =	simm.s32 $0x14  }
0x92: {  	[tilespmem:s28], [sflag:$0x11] =	stream.indirect.gather [hbm4b:s19+s13], $0x80, s23, s13, $0xb8;
	[tilespmem:$0x1E100] =	vst v63  }
0x93: {  	_ =	swait.ge [sflag:s30], $0x2800  }
0x94: {  	[sflag:s30] =	ssyncset.done $0x0  }
0x95: {  	s18 =	simm.s32 $0x370;
	s2 =	rddreg [dreg:$0xf];
	[sflag:s30] =	ssyncadd.s32 $0xFFFFD800  }
0x96: {  	[spmem:s4] =	stream.indirect.scatter.add.f32 [tilespmem:s29], [sflag:$0x18], $0x80, s18, s13, $0xb8;
	[tilespmem:$0x1E100] =	vst v63  }
0x97: {  	s23 =	simm.s32 $0x230;
	s10 =	rddreg [dreg:$0xe];
	s22 =	sadd.s32 $0x0, s2  }
0x98: {  	[tilespmem:s23], [sflag:$0x8] =	stream.linear.gather [hbm4b:s22+s3], $0x50, $0x38;
	[tilespmem:$0x1E100] =	vst v63  }
0x99: {  	s18 =	sadd.s32 $0x0, s10;
	s10 =	simm.s32 $0x4B0  }
0x9a: {  	[tilespmem:s10], [sflag:$0x10] =	stream.linear.gather [hbm4b:s18+s3], $0x50, $0x38;
	[tilespmem:$0x1E100] =	vst v63  }
0x9b: {  	s18 =	simm.s32 $0x16  }
0x9c: {  	_ =	swait.ge [sflag:s18], $0x2800  }
0x9d: {  	[sflag:s18] =	ssyncset.done $0x0  }
0x9e: {  	s22 =	simm.s32 $0x6;
	[sflag:s18] =	ssyncadd.s32 $0xFFFFD800  }
0x9f: {  	_ =	swait.ge [sflag:s22], $0x50  }
0xa0: {  	[sflag:s22] =	ssyncset.done $0x0  }
0xa1: {  	s24 =	simm.s32 $0xE;
	[sflag:s22] =	ssyncadd.s32 $0xFFFFFFB0  }
0xa2: {  	_ =	swait.ge [sflag:s24], $0x50  }
0xa3: {  	[sflag:s24] =	ssyncset.done $0x0  }
0xa4: {  	s2 =	simm.s32 $0x190;
	[sflag:s24] =	ssyncadd.s32 $0xFFFFFFB0  }
0xa5: {  	[tilespmem:s6], [sflag:$0x12] =	stream.indirect.gather [hbm4b:s19+s13], $0x80, s2, s13, $0xb8;
	[tilespmem:$0x1E100] =	vst v63  }
0xa6: {  	_ =	swait.ge [sflag:s8], $0x2800  }
0xa7: {  	[sflag:s8] =	ssyncset.done $0x0;
	s0 =	sld [smem:$0x7F1]  }
0xa8: {  	s2 =	simm.s32 $0x3C0;
	[sflag:s8] =	ssyncadd.s32 $0xFFFFD800  }
0xa9: {  	[spmem:s4] =	stream.indirect.scatter.add.f32 [tilespmem:s28], [sflag:$0x15], $0x80, s2, s13, $0xb8;
	[tilespmem:$0x1E100] =	vst v63  }
0xaa: {  	s22 =	sshrl.u32 s0, $0x3  }
0xab: {  	s24 =	rddreg [dreg:$0xd];
	s22 =	sadd.s32 s20, s22  }
0xac: {  	[tilespmem:s3], [sflag:$0x1] =	stream.linear.gather [hbm4b:s22+s3], $0x50, $0x38;
	[tilespmem:$0x1E100] =	vst v63  }
0xad: {  	s2 =	simm.s32 $0x17;
	s20 =	sadd.s32 $0x0, s24;
	s24 =	simm.s32 $0x280  }
0xae: {  	[tilespmem:s24], [sflag:$0x9] =	stream.linear.gather [hbm4b:s20+s3], $0x50, $0x38;
	[tilespmem:$0x1E100] =	vst v63  }
0xaf: {  	_ =	swait.ge [sflag:s2], $0x2800  }
0xb0: {  	[sflag:s2] =	ssyncset.done $0x0  }
0xb1: {  	s20 =	simm.s32 $0x7;
	[sflag:s2] =	ssyncadd.s32 $0xFFFFD800  }
0xb2: {  	_ =	swait.ge [sflag:s20], $0x50  }
0xb3: {  	[sflag:s20] =	ssyncset.done $0x0  }
0xb4: {  	s24 =	simm.s32 $0xF;
	[sflag:s20] =	ssyncadd.s32 $0xFFFFFFB0  }
0xb5: {  	_ =	swait.ge [sflag:s24], $0x50  }
0xb6: {  	[sflag:s24] =	ssyncset.done $0x0  }
0xb7: {  	[sflag:s24] =	ssyncadd.s32 $0xFFFFFFB0  }
0xb8: {  	[tilespmem:s16], [sflag:$0x13] =	stream.indirect.gather [hbm4b:s19+s13], $0x80, s26, s13, $0xb8;
	[tilespmem:$0x1E100] =	vst v63  }
0xb9: {  	_ =	swait.ge [sflag:s25], $0x2800  }
0xba: {  	[sflag:s25] =	ssyncset.done $0x0  }
0xbb: {  	s26 =	simm.s32 $0x410;
	s22 =	rddreg [dreg:$0xc];
	[sflag:s25] =	ssyncadd.s32 $0xFFFFD800  }
0xbc: {  	[spmem:s4] =	stream.indirect.scatter.add.f32 [tilespmem:s6], [sflag:$0x16], $0x80, s26, s13, $0xb8;
	[tilespmem:$0x1E100] =	vst v63  }
0xbd: {  	s24 =	rddreg [dreg:$0xb];
	s22 =	sadd.s32 $0x0, s22  }
0xbe: {  	[tilespmem:s13], [sflag:$0x2] =	stream.linear.gather [hbm4b:s22+s3], $0x50, $0x38;
	[tilespmem:$0x1E100] =	vst v63  }
0xbf: {  	s20 =	simm.s32 $0x2D0;
	s26 =	sadd.s32 $0x0, s24  }
0xc0: {  	[tilespmem:s20], [sflag:$0xA] =	stream.linear.gather [hbm4b:s26+s3], $0x50, $0x38;
	[tilespmem:$0x1E100] =	vst v63  }
0xc1: {  	s26 =	simm.s32 $0x18  }
0xc2: {  	_ =	swait.ge [sflag:s26], $0x2800  }
0xc3: {  	[sflag:s26] =	ssyncset.done $0x0  }
0xc4: {  	s24 =	simm.s32 $0x8;
	[sflag:s26] =	ssyncadd.s32 $0xFFFFD800  }
0xc5: {  	_ =	swait.ge [sflag:s24], $0x50  }
0xc6: {  	[sflag:s24] =	ssyncset.done $0x0  }
0xc7: {  	[sflag:s24] =	ssyncadd.s32 $0xFFFFFFB0;
	s24 =	simm.s32 $0x10  }
0xc8: {  	_ =	swait.ge [sflag:s24], $0x50  }
0xc9: {  	[sflag:s24] =	ssyncset.done $0x0  }
0xca: {  	[sflag:s24] =	ssyncadd.s32 $0xFFFFFFB0  }
0xcb: {  	[tilespmem:s29], [sflag:$0x14] =	stream.indirect.gather [hbm4b:s19+s13], $0x80, s23, s13, $0xb8;
	[tilespmem:$0x1E100] =	vst v63  }
0xcc: {  	_ =	swait.ge [sflag:s12], $0x2800  }
0xcd: {  	[sflag:s12] =	ssyncset.done $0x0  }
0xce: {  	s24 =	rddreg [dreg:$0xa];
	[sflag:s12] =	ssyncadd.s32 $0xFFFFD800  }
0xcf: {  	[spmem:s4] =	stream.indirect.scatter.add.f32 [tilespmem:s16], [sflag:$0x17], $0x80, s31, s13, $0xb8;
	[tilespmem:$0x1E100] =	vst v63  }
0xd0: {  	s23 =	rddreg [dreg:$0x9];
	s22 =	sadd.s32 $0x0, s24;
	s12 =	simm.s32 $0xA0  }
0xd1: {  	[tilespmem:s12], [sflag:$0x3] =	stream.linear.gather [hbm4b:s22+s3], $0x50, $0x38;
	[tilespmem:$0x1E100] =	vst v63  }
0xd2: {  	s24 =	sadd.s32 $0x0, s23;
	s31 =	simm.s32 $0x320  }
0xd3: {  	[tilespmem:s31], [sflag:$0xB] =	stream.linear.gather [hbm4b:s24+s3], $0x50, $0x38;
	[tilespmem:$0x1E100] =	vst v63  }
0xd4: {  	_ =	swait.ge [sflag:s17], $0x2800  }
0xd5: {  	[sflag:s17] =	ssyncset.done $0x0  }
0xd6: {  	[sflag:s17] =	ssyncadd.s32 $0xFFFFD800  }
0xd7: {  	_ =	swait.ge [sflag:s21], $0x50  }
0xd8: {  	[sflag:s21] =	ssyncset.done $0x0  }
0xd9: {  	[sflag:s21] =	ssyncadd.s32 $0xFFFFFFB0  }
0xda: {  	_ =	swait.ge [sflag:s1], $0x50  }
0xdb: {  	[sflag:s1] =	ssyncset.done $0x0  }
0xdc: {  	[sflag:s1] =	ssyncadd.s32 $0xFFFFFFB0  }
0xdd: {  	[tilespmem:s28], [sflag:$0x11] =	stream.indirect.gather [hbm4b:s19+s13], $0x80, s3, s13, $0xb8;
	[tilespmem:$0x1E100] =	vst v63  }
0xde: {  	_ =	swait.ge [sflag:s30], $0x2800  }
0xdf: {  	[sflag:s30] =	ssyncset.done $0x0  }
0xe0: {  	s21 =	rddreg [dreg:$0x8];
	[sflag:s30] =	ssyncadd.s32 $0xFFFFD800  }
0xe1: {  	[spmem:s4] =	stream.indirect.scatter.add.f32 [tilespmem:s29], [sflag:$0x18], $0x80, s10, s13, $0xb8;
	[tilespmem:$0x1E100] =	vst v63  }
0xe2: {  	s23 =	rddreg [dreg:$0x7];
	s22 =	sadd.s32 $0x0, s21;
	s29 =	simm.s32 $0xF0  }
0xe3: {  	[tilespmem:s29], [sflag:$0x4] =	stream.linear.gather [hbm4b:s22+s3], $0x50, $0x38;
	[tilespmem:$0x1E100] =	vst v63  }
0xe4: {  	s31 =	simm.s32 $0x370;
	s30 =	sadd.s32 $0x0, s23  }
0xe5: {  	[tilespmem:s31], [sflag:$0xC] =	stream.linear.gather [hbm4b:s30+s3], $0x50, $0x38;
	[tilespmem:$0x1E100] =	vst v63  }
0xe6: {  	_ =	swait.ge [sflag:s18], $0x2800  }
0xe7: {  	[sflag:s18] =	ssyncset.done $0x0  }
0xe8: {  	[sflag:s18] =	ssyncadd.s32 $0xFFFFD800  }
0xe9: {  	_ =	swait.ge [sflag:s7], $0x50  }
0xea: {  	[sflag:s7] =	ssyncset.done $0x0  }
0xeb: {  	[sflag:s7] =	ssyncadd.s32 $0xFFFFFFB0  }
0xec: {  	_ =	swait.ge [sflag:s9], $0x50  }
0xed: {  	[sflag:s9] =	ssyncset.done $0x0  }
0xee: {  	[sflag:s9] =	ssyncadd.s32 $0xFFFFFFB0  }
0xef: {  	[tilespmem:s6], [sflag:$0x12] =	stream.indirect.gather [hbm4b:s19+s13], $0x80, s13, s13, $0xb8;
	[tilespmem:$0x1E100] =	vst v63  }
0xf0: {  	_ =	swait.ge [sflag:s8], $0x2800  }
0xf1: {  	[sflag:s8] =	ssyncset.done $0x0  }
0xf2: {  	s17 =	simm.s32 $0x280;
	s9 =	rddreg [dreg:$0x6];
	[sflag:s8] =	ssyncadd.s32 $0xFFFFD800  }
0xf3: {  	[spmem:s4] =	stream.indirect.scatter.add.f32 [tilespmem:s28], [sflag:$0x15], $0x80, s17, s13, $0xb8;
	[tilespmem:$0x1E100] =	vst v63  }
0xf4: {  	s18 =	simm.s32 $0x140;
	s10 =	rddreg [dreg:$0x5];
	s22 =	sadd.s32 $0x0, s9  }
0xf5: {  	[tilespmem:s18], [sflag:$0x5] =	stream.linear.gather [hbm4b:s22+s3], $0x50, $0x38;
	[tilespmem:$0x1E100] =	vst v63  }
0xf6: {  	s23 =	simm.s32 $0x3C0;
	s21 =	sadd.s32 $0x0, s10  }
0xf7: {  	[tilespmem:s23], [sflag:$0xD] =	stream.linear.gather [hbm4b:s21+s3], $0x50, $0x38;
	[tilespmem:$0x1E100] =	vst v63  }
0xf8: {  	_ =	swait.ge [sflag:s2], $0x2800  }
0xf9: {  	[sflag:s2] =	ssyncset.done $0x0  }
0xfa: {  	[sflag:s2] =	ssyncadd.s32 $0xFFFFD800  }
0xfb: {  	_ =	swait.ge [sflag:s5], $0x50  }
0xfc: {  	[sflag:s5] =	ssyncset.done $0x0  }
0xfd: {  	[sflag:s5] =	ssyncadd.s32 $0xFFFFFFB0  }
0xfe: {  	_ =	swait.ge [sflag:s11], $0x50  }
0xff: {  	[sflag:s11] =	ssyncset.done $0x0  }
0x100: {  	[sflag:s11] =	ssyncadd.s32 $0xFFFFFFB0  }
0x101: {  	[tilespmem:s16], [sflag:$0x13] =	stream.indirect.gather [hbm4b:s19+s13], $0x80, s12, s13, $0xb8;
	[tilespmem:$0x1E100] =	vst v63  }
0x102: {  	_ =	swait.ge [sflag:s25], $0x2800  }
0x103: {  	[sflag:s25] =	ssyncset.done $0x0  }
0x104: {  	s24 =	rddreg [dreg:$0x4];
	[sflag:s25] =	ssyncadd.s32 $0xFFFFD800  }
0x105: {  	[spmem:s4] =	stream.indirect.scatter.add.f32 [tilespmem:s6], [sflag:$0x16], $0x80, s20, s13, $0xb8;
	[tilespmem:$0x1E100] =	vst v63  }
0x106: {  	s29 =	simm.s32 $0x190;
	s28 =	rddreg [dreg:$0x3];
	s22 =	sadd.s32 $0x0, s24  }
0x107: {  	[tilespmem:s29], [sflag:$0x6] =	stream.linear.gather [hbm4b:s22+s3], $0x50, $0x38;
	[tilespmem:$0x1E100] =	vst v63  }
0x108: {  	s31 =	simm.s32 $0x410;
	s30 =	sadd.s32 $0x0, s28  }
0x109: {  	[tilespmem:s31], [sflag:$0xE] =	stream.linear.gather [hbm4b:s30+s3], $0x50, $0x38;
	[tilespmem:$0x1E100] =	vst v63  }
0x10a: {  	_ =	swait.ge [sflag:s26], $0x2800  }
0x10b: {  	[sflag:s26] =	ssyncset.done $0x0  }
0x10c: {  	[sflag:s26] =	ssyncadd.s32 $0xFFFFD800  }
0x10d: {  	_ =	swait.ge [sflag:s14], $0x50  }
0x10e: {  	[sflag:s14] =	ssyncset.done $0x0  }
0x10f: {  	[sflag:s14] =	ssyncadd.s32 $0xFFFFFFB0  }
0x110: {  	_ =	swait.ge [sflag:s15], $0x50  }
0x111: {  	[sflag:s15] =	ssyncset.done $0x0  }
0x112: {  	s24 =	sadd.s32 $0x280, s0;
	s22 =	simm.s32 $0x50;
	[sflag:s15] =	ssyncadd.s32 $0xFFFFFFB0  }
.LBB2_2:
0x113: {  	s0 =	simm.s32 $0xF0;
	s29 =	simm.s32 $0x7D00;
	s12 =	simm.s32 $0x13  }
0x114: {  	[tilespmem:s29], [sflag:$0x14] =	stream.indirect.gather [hbm4b:s19+s13], $0x80, s0, s13, $0xb8;
	[tilespmem:$0x1E100] =	vst v63  }
0x115: {  	_ =	swait.ge [sflag:s12], $0x2800  }
0x116: {  	[sflag:s12] =	ssyncset.done $0x0  }
0x117: {  	s26 =	smov.u32 s22;
	s5 =	rddreg [dreg:$0x11];
	[sflag:s12] =	ssyncadd.s32 $0xFFFFD800  }
0x118: {  	s15 =	simm.s32 $0x320;
	s16 =	simm.s32 $0x5500;
	s4 =	rddreg [dreg:$0x1]  }
0x119: {  	[spmem:s4] =	stream.indirect.scatter.add.f32 [tilespmem:s16], [sflag:$0x17], $0x80, s15, s13, $0xb8;
	[tilespmem:$0x1E100] =	vst v63  }
0x11a: {  	s7 =	simm.s32 $0x1E0;
	s1 =	rddreg [dreg:$0x10];
	s0 =	sadd.s32 s26, s5  }
0x11b: {  	[tilespmem:s7], [sflag:$0x7] =	stream.linear.gather [hbm4b:s0+s3], $0x50, $0x38;
	[tilespmem:$0x1E100] =	vst v63  }
0x11c: {  	s14 =	simm.s32 $0x460;
	s17 =	simm.s32 $0x15;
	s6 =	sadd.s32 s26, s1  }
0x11d: {  	[tilespmem:s14], [sflag:$0xF] =	stream.linear.gather [hbm4b:s6+s3], $0x50, $0x38;
	[tilespmem:$0x1E100] =	vst v63  }
0x11e: {  	_ =	swait.ge [sflag:s17], $0x2800  }
0x11f: {  	[sflag:s17] =	ssyncset.done $0x0  }
0x120: {  	s8 =	simm.s32 $0x5;
	[sflag:s17] =	ssyncadd.s32 $0xFFFFD800  }
0x121: {  	_ =	swait.ge [sflag:s8], $0x50  }
0x122: {  	[sflag:s8] =	ssyncset.done $0x0  }
0x123: {  	s9 =	simm.s32 $0xD;
	[sflag:s8] =	ssyncadd.s32 $0xFFFFFFB0  }
0x124: {  	_ =	swait.ge [sflag:s9], $0x50  }
0x125: {  	s20 =	simm.s32 $0x140;
	[sflag:s9] =	ssyncset.done $0x0  }
0x126: {  	s28 =	simm.s32 $0x500;
	s30 =	simm.s32 $0x14;
	[sflag:s9] =	ssyncadd.s32 $0xFFFFFFB0  }
0x127: {  	[tilespmem:s28], [sflag:$0x11] =	stream.indirect.gather [hbm4b:s19+s13], $0x80, s20, s13, $0xb8;
	[tilespmem:$0x1E100] =	vst v63  }
0x128: {  	_ =	swait.ge [sflag:s30], $0x2800  }
0x129: {  	[sflag:s30] =	ssyncset.done $0x0  }
0x12a: {  	s9 =	simm.s32 $0x370;
	s10 =	rddreg [dreg:$0xf];
	[sflag:s30] =	ssyncadd.s32 $0xFFFFD800  }
0x12b: {  	[spmem:s4] =	stream.indirect.scatter.add.f32 [tilespmem:s29], [sflag:$0x18], $0x80, s9, s13, $0xb8;
	[tilespmem:$0x1E100] =	vst v63  }
0x12c: {  	s23 =	simm.s32 $0x230;
	s11 =	rddreg [dreg:$0xe];
	s0 =	sadd.s32 s26, s10  }
0x12d: {  	[tilespmem:s23], [sflag:$0x8] =	stream.linear.gather [hbm4b:s0+s3], $0x50, $0x38;
	[tilespmem:$0x1E100] =	vst v63  }
0x12e: {  	s18 =	sadd.s32 s26, s11;
	s10 =	simm.s32 $0x4B0  }
0x12f: {  	[tilespmem:s10], [sflag:$0x10] =	stream.linear.gather [hbm4b:s18+s3], $0x50, $0x38;
	[tilespmem:$0x1E100] =	vst v63  }
0x130: {  	s18 =	simm.s32 $0x16  }
0x131: {  	_ =	swait.ge [sflag:s18], $0x2800  }
0x132: {  	[sflag:s18] =	ssyncset.done $0x0  }
0x133: {  	s21 =	simm.s32 $0x6;
	[sflag:s18] =	ssyncadd.s32 $0xFFFFD800  }
0x134: {  	_ =	swait.ge [sflag:s21], $0x50  }
0x135: {  	[sflag:s21] =	ssyncset.done $0x0  }
0x136: {  	s25 =	simm.s32 $0xE;
	[sflag:s21] =	ssyncadd.s32 $0xFFFFFFB0  }
0x137: {  	_ =	swait.ge [sflag:s25], $0x50  }
0x138: {  	s31 =	simm.s32 $0x190;
	[sflag:s25] =	ssyncset.done $0x0  }
0x139: {  	s6 =	simm.s32 $0x2D00;
	s8 =	simm.s32 $0x11;
	[sflag:s25] =	ssyncadd.s32 $0xFFFFFFB0  }
0x13a: {  	[tilespmem:s6], [sflag:$0x12] =	stream.indirect.gather [hbm4b:s19+s13], $0x80, s31, s13, $0xb8;
	[tilespmem:$0x1E100] =	vst v63  }
0x13b: {  	_ =	swait.ge [sflag:s8], $0x2800  }
0x13c: {  	s1 =	sshrl.u32 s24, $0x3;
	[sflag:s8] =	ssyncset.done $0x0  }
0x13d: {  	s5 =	simm.s32 $0x3C0;
	s2 =	rddreg [dreg:$0x12];
	[sflag:s8] =	ssyncadd.s32 $0xFFFFD800  }
0x13e: {  	[spmem:s4] =	stream.indirect.scatter.add.f32 [tilespmem:s28], [sflag:$0x15], $0x80, s5, s13, $0xb8;
	[tilespmem:$0x1E100] =	vst v63  }
0x13f: {  	s11 =	rddreg [dreg:$0xd];
	s0 =	sadd.s32 s2, s1  }
0x140: {  	[tilespmem:s3], [sflag:$0x1] =	stream.linear.gather [hbm4b:s0+s3], $0x50, $0x38;
	[tilespmem:$0x1E100] =	vst v63  }
0x141: {  	s21 =	sadd.s32 s26, s11;
	s11 =	simm.s32 $0x280;
	s2 =	simm.s32 $0x17  }
0x142: {  	[tilespmem:s11], [sflag:$0x9] =	stream.linear.gather [hbm4b:s21+s3], $0x50, $0x38;
	[tilespmem:$0x1E100] =	vst v63  }
0x143: {  	_ =	swait.ge [sflag:s2], $0x2800  }
0x144: {  	[sflag:s2] =	ssyncset.done $0x0  }
0x145: {  	s25 =	simm.s32 $0x7;
	[sflag:s2] =	ssyncadd.s32 $0xFFFFD800  }
0x146: {  	_ =	swait.ge [sflag:s25], $0x50  }
0x147: {  	[sflag:s25] =	ssyncset.done $0x0  }
0x148: {  	s31 =	simm.s32 $0xF;
	[sflag:s25] =	ssyncadd.s32 $0xFFFFFFB0  }
0x149: {  	_ =	swait.ge [sflag:s31], $0x50  }
0x14a: {  	[sflag:s31] =	ssyncset.done $0x0  }
0x14b: {  	s25 =	simm.s32 $0x12;
	[sflag:s31] =	ssyncadd.s32 $0xFFFFFFB0  }
0x14c: {  	[tilespmem:s16], [sflag:$0x13] =	stream.indirect.gather [hbm4b:s19+s13], $0x80, s7, s13, $0xb8;
	[tilespmem:$0x1E100] =	vst v63  }
0x14d: {  	_ =	swait.ge [sflag:s25], $0x2800  }
0x14e: {  	[sflag:s25] =	ssyncset.done $0x0  }
0x14f: {  	s21 =	simm.s32 $0x410;
	s1 =	rddreg [dreg:$0xc];
	[sflag:s25] =	ssyncadd.s32 $0xFFFFD800  }
0x150: {  	[spmem:s4] =	stream.indirect.scatter.add.f32 [tilespmem:s6], [sflag:$0x16], $0x80, s21, s13, $0xb8;
	[tilespmem:$0x1E100] =	vst v63  }
0x151: {  	s7 =	rddreg [dreg:$0xb];
	s0 =	sadd.s32 s26, s1  }
0x152: {  	[tilespmem:s13], [sflag:$0x2] =	stream.linear.gather [hbm4b:s0+s3], $0x50, $0x38;
	[tilespmem:$0x1E100] =	vst v63  }
0x153: {  	s31 =	sadd.s32 s26, s7;
	s7 =	simm.s32 $0x2D0  }
0x154: {  	[tilespmem:s7], [sflag:$0xA] =	stream.linear.gather [hbm4b:s31+s3], $0x50, $0x38;
	[tilespmem:$0x1E100] =	vst v63  }
0x155: {  	s31 =	simm.s32 $0x18  }
0x156: {  	_ =	swait.ge [sflag:s31], $0x2800  }
0x157: {  	[sflag:s31] =	ssyncset.done $0x0  }
0x158: {  	s1 =	simm.s32 $0x8;
	[sflag:s31] =	ssyncadd.s32 $0xFFFFD800  }
0x159: {  	_ =	swait.ge [sflag:s1], $0x50  }
0x15a: {  	[sflag:s1] =	ssyncset.done $0x0  }
0x15b: {  	[sflag:s1] =	ssyncadd.s32 $0xFFFFFFB0;
	s1 =	simm.s32 $0x10  }
0x15c: {  	_ =	swait.ge [sflag:s1], $0x50  }
0x15d: {  	[sflag:s1] =	ssyncset.done $0x0  }
0x15e: {  	[sflag:s1] =	ssyncadd.s32 $0xFFFFFFB0  }
0x15f: {  	[tilespmem:s29], [sflag:$0x14] =	stream.indirect.gather [hbm4b:s19+s13], $0x80, s23, s13, $0xb8;
	[tilespmem:$0x1E100] =	vst v63  }
0x160: {  	_ =	swait.ge [sflag:s12], $0x2800  }
0x161: {  	[sflag:s12] =	ssyncset.done $0x0  }
0x162: {  	s1 =	rddreg [dreg:$0xa];
	[sflag:s12] =	ssyncadd.s32 $0xFFFFD800  }
0x163: {  	[spmem:s4] =	stream.indirect.scatter.add.f32 [tilespmem:s16], [sflag:$0x17], $0x80, s14, s13, $0xb8;
	[tilespmem:$0x1E100] =	vst v63  }
0x164: {  	s23 =	rddreg [dreg:$0x9];
	s0 =	sadd.s32 s26, s1;
	s14 =	simm.s32 $0xA0  }
0x165: {  	[tilespmem:s14], [sflag:$0x3] =	stream.linear.gather [hbm4b:s0+s3], $0x50, $0x38;
	[tilespmem:$0x1E100] =	vst v63  }
0x166: {  	s1 =	sadd.s32 s26, s23  }
0x167: {  	[tilespmem:s15], [sflag:$0xB] =	stream.linear.gather [hbm4b:s1+s3], $0x50, $0x38;
	[tilespmem:$0x1E100] =	vst v63  }
0x168: {  	_ =	swait.ge [sflag:s17], $0x2800  }
0x169: {  	[sflag:s17] =	ssyncset.done $0x0  }
0x16a: {  	s12 =	simm.s32 $0x1;
	[sflag:s17] =	ssyncadd.s32 $0xFFFFD800  }
0x16b: {  	_ =	swait.ge [sflag:s12], $0x50  }
0x16c: {  	[sflag:s12] =	ssyncset.done $0x0  }
0x16d: {  	s15 =	simm.s32 $0x9;
	[sflag:s12] =	ssyncadd.s32 $0xFFFFFFB0  }
0x16e: {  	_ =	swait.ge [sflag:s15], $0x50  }
0x16f: {  	[sflag:s15] =	ssyncset.done $0x0  }
0x170: {  	[sflag:s15] =	ssyncadd.s32 $0xFFFFFFB0  }
0x171: {  	[tilespmem:s28], [sflag:$0x11] =	stream.indirect.gather [hbm4b:s19+s13], $0x80, s3, s13, $0xb8;
	[tilespmem:$0x1E100] =	vst v63  }
0x172: {  	_ =	swait.ge [sflag:s30], $0x2800  }
0x173: {  	[sflag:s30] =	ssyncset.done $0x0  }
0x174: {  	s17 =	rddreg [dreg:$0x8];
	[sflag:s30] =	ssyncadd.s32 $0xFFFFD800  }
0x175: {  	[spmem:s4] =	stream.indirect.scatter.add.f32 [tilespmem:s29], [sflag:$0x18], $0x80, s10, s13, $0xb8;
	[tilespmem:$0x1E100] =	vst v63  }
0x176: {  	s23 =	rddreg [dreg:$0x7];
	s0 =	sadd.s32 s26, s17;
	s30 =	simm.s32 $0xF0  }
0x177: {  	[tilespmem:s30], [sflag:$0x4] =	stream.linear.gather [hbm4b:s0+s3], $0x50, $0x38;
	[tilespmem:$0x1E100] =	vst v63  }
0x178: {  	s1 =	sadd.s32 s26, s23  }
0x179: {  	[tilespmem:s9], [sflag:$0xC] =	stream.linear.gather [hbm4b:s1+s3], $0x50, $0x38;
	[tilespmem:$0x1E100] =	vst v63  }
0x17a: {  	_ =	swait.ge [sflag:s18], $0x2800  }
0x17b: {  	[sflag:s18] =	ssyncset.done $0x0  }
0x17c: {  	s9 =	simm.s32 $0x2;
	[sflag:s18] =	ssyncadd.s32 $0xFFFFD800  }
0x17d: {  	_ =	swait.ge [sflag:s9], $0x50  }
0x17e: {  	[sflag:s9] =	ssyncset.done $0x0  }
0x17f: {  	s10 =	simm.s32 $0xA;
	[sflag:s9] =	ssyncadd.s32 $0xFFFFFFB0  }
0x180: {  	_ =	swait.ge [sflag:s10], $0x50  }
0x181: {  	[sflag:s10] =	ssyncset.done $0x0  }
0x182: {  	[sflag:s10] =	ssyncadd.s32 $0xFFFFFFB0  }
0x183: {  	[tilespmem:s6], [sflag:$0x12] =	stream.indirect.gather [hbm4b:s19+s13], $0x80, s13, s13, $0xb8;
	[tilespmem:$0x1E100] =	vst v63  }
0x184: {  	_ =	swait.ge [sflag:s8], $0x2800  }
0x185: {  	[sflag:s8] =	ssyncset.done $0x0  }
0x186: {  	s12 =	rddreg [dreg:$0x6];
	[sflag:s8] =	ssyncadd.s32 $0xFFFFD800  }
0x187: {  	[spmem:s4] =	stream.indirect.scatter.add.f32 [tilespmem:s28], [sflag:$0x15], $0x80, s11, s13, $0xb8;
	[tilespmem:$0x1E100] =	vst v63  }
0x188: {  	s15 =	rddreg [dreg:$0x5];
	s0 =	sadd.s32 s26, s12  }
0x189: {  	[tilespmem:s20], [sflag:$0x5] =	stream.linear.gather [hbm4b:s0+s3], $0x50, $0x38;
	[tilespmem:$0x1E100] =	vst v63  }
0x18a: {  	s17 =	sadd.s32 s26, s15  }
0x18b: {  	[tilespmem:s5], [sflag:$0xD] =	stream.linear.gather [hbm4b:s17+s3], $0x50, $0x38;
	[tilespmem:$0x1E100] =	vst v63  }
0x18c: {  	_ =	swait.ge [sflag:s2], $0x2800  }
0x18d: {  	[sflag:s2] =	ssyncset.done $0x0  }
0x18e: {  	s18 =	simm.s32 $0x3;
	[sflag:s2] =	ssyncadd.s32 $0xFFFFD800  }
0x18f: {  	_ =	swait.ge [sflag:s18], $0x50  }
0x190: {  	[sflag:s18] =	ssyncset.done $0x0  }
0x191: {  	s20 =	simm.s32 $0xB;
	[sflag:s18] =	ssyncadd.s32 $0xFFFFFFB0  }
0x192: {  	_ =	swait.ge [sflag:s20], $0x50  }
0x193: {  	[sflag:s20] =	ssyncset.done $0x0  }
0x194: {  	[sflag:s20] =	ssyncadd.s32 $0xFFFFFFB0  }
0x195: {  	[tilespmem:s16], [sflag:$0x13] =	stream.indirect.gather [hbm4b:s19+s13], $0x80, s14, s13, $0xb8;
	[tilespmem:$0x1E100] =	vst v63  }
0x196: {  	_ =	swait.ge [sflag:s25], $0x2800  }
0x197: {  	[sflag:s25] =	ssyncset.done $0x0  }
0x198: {  	s23 =	rddreg [dreg:$0x4];
	[sflag:s25] =	ssyncadd.s32 $0xFFFFD800  }
0x199: {  	[spmem:s4] =	stream.indirect.scatter.add.f32 [tilespmem:s6], [sflag:$0x16], $0x80, s7, s13, $0xb8;
	[tilespmem:$0x1E100] =	vst v63  }
0x19a: {  	s28 =	simm.s32 $0x190;
	s25 =	rddreg [dreg:$0x3];
	s0 =	sadd.s32 s26, s23  }
0x19b: {  	[tilespmem:s28], [sflag:$0x6] =	stream.linear.gather [hbm4b:s0+s3], $0x50, $0x38;
	[tilespmem:$0x1E100] =	vst v63  }
0x19c: {  	s29 =	sadd.s32 s26, s25  }
0x19d: {  	[tilespmem:s21], [sflag:$0xE] =	stream.linear.gather [hbm4b:s29+s3], $0x50, $0x38;
	[tilespmem:$0x1E100] =	vst v63  }
0x19e: {  	_ =	swait.ge [sflag:s31], $0x2800  }
0x19f: {  	[sflag:s31] =	ssyncset.done $0x0  }
0x1a0: {  	s30 =	simm.s32 $0x4;
	[sflag:s31] =	ssyncadd.s32 $0xFFFFD800  }
0x1a1: {  	p0 =	sne.s32 s22, $0x410;
	_ =	swait.ge [sflag:s30], $0x50  }
.Ltmp0:
0x1a2: {  	[sflag:s30] =	ssyncset.done $0x0;
	(pc) =	sbr.rel @p0 .LBB2_2-.Ltmp0, $4  }
0x1a3: {  	s31 =	simm.s32 $0xC;
	[sflag:s30] =	ssyncadd.s32 $0xFFFFFFB0  }
0x1a4: {  	_ =	swait.ge [sflag:s31], $0x50  }
0x1a5: {  	s22 =	sadd.s32 $0x50, s22;
	s24 =	sadd.s32 $0x280, s24;
	[sflag:s31] =	ssyncset.done $0x0  }
0x1a6: {  	s5 =	simm.s32 $0x190;
	s7 =	simm.s32 $0x410;
	[sflag:s31] =	ssyncadd.s32 $0xFFFFFFB0  }
0x1a7: {  	s15 =	simm.s32 $0xF0;
	s26 =	simm.s32 $0x7D00;
	s12 =	simm.s32 $0x13  }
0x1a8: {  	[tilespmem:s26], [sflag:$0x14] =	stream.indirect.gather [hbm4b:s19+s13], $0x80, s15, s13, $0xb8;
	[tilespmem:$0x1E100] =	vst v63  }
0x1a9: {  	_ =	swait.ge [sflag:s12], $0x2800  }
0x1aa: {  	[sflag:s12] =	ssyncset.done $0x0  }
0x1ab: {  	s0 =	sld [smem:$0x7ED];
	[sflag:s12] =	ssyncadd.s32 $0xFFFFD800  }
0x1ac: {  	s14 =	simm.s32 $0x320;
	s16 =	simm.s32 $0x5500;
	s4 =	rddreg [dreg:$0x1]  }
0x1ad: {  	[spmem:s4] =	stream.indirect.scatter.add.f32 [tilespmem:s16], [sflag:$0x17], $0x80, s14, s13, $0xb8;
	[tilespmem:$0x1E100] =	vst v63  }
0x1ae: {  	s11 =	simm.s32 $0x1E0;
	s24 =	sld [smem:$0x7EE]  }
0x1af: {  	[tilespmem:s11], [sflag:$0x7] =	stream.linear.gather [hbm4b:s0+s3], $0x50, $0x38;
	[tilespmem:$0x1E100] =	vst v63  }
0x1b0: {  	s30 =	simm.s32 $0x460;
	s17 =	simm.s32 $0x15  }
0x1b1: {  	[tilespmem:s30], [sflag:$0xF] =	stream.linear.gather [hbm4b:s24+s3], $0x50, $0x38;
	[tilespmem:$0x1E100] =	vst v63  }
0x1b2: {  	_ =	swait.ge [sflag:s17], $0x2800  }
0x1b3: {  	[sflag:s17] =	ssyncset.done $0x0  }
0x1b4: {  	s21 =	simm.s32 $0x5;
	[sflag:s17] =	ssyncadd.s32 $0xFFFFD800  }
0x1b5: {  	_ =	swait.ge [sflag:s21], $0x50  }
0x1b6: {  	[sflag:s21] =	ssyncset.done $0x0  }
0x1b7: {  	s22 =	simm.s32 $0xD;
	[sflag:s21] =	ssyncadd.s32 $0xFFFFFFB0  }
0x1b8: {  	_ =	swait.ge [sflag:s22], $0x50  }
0x1b9: {  	s20 =	simm.s32 $0x140;
	[sflag:s22] =	ssyncset.done $0x0  }
0x1ba: {  	s28 =	simm.s32 $0x14;
	s24 =	simm.s32 $0x500;
	[sflag:s22] =	ssyncadd.s32 $0xFFFFFFB0  }
0x1bb: {  	[tilespmem:s24], [sflag:$0x11] =	stream.indirect.gather [hbm4b:s19+s13], $0x80, s20, s13, $0xb8;
	[tilespmem:$0x1E100] =	vst v63  }
0x1bc: {  	_ =	swait.ge [sflag:s28], $0x2800  }
0x1bd: {  	[sflag:s28] =	ssyncset.done $0x0  }
0x1be: {  	s9 =	simm.s32 $0x370;
	s25 =	sld [smem:$0x7F2];
	[sflag:s28] =	ssyncadd.s32 $0xFFFFD800  }
0x1bf: {  	[spmem:s4] =	stream.indirect.scatter.add.f32 [tilespmem:s26], [sflag:$0x18], $0x80, s9, s13, $0xb8;
	[tilespmem:$0x1E100] =	vst v63  }
0x1c0: {  	s23 =	simm.s32 $0x230;
	s29 =	sld [smem:$0x7F3]  }
0x1c1: {  	[tilespmem:s23], [sflag:$0x8] =	stream.linear.gather [hbm4b:s25+s3], $0x50, $0x38;
	[tilespmem:$0x1E100] =	vst v63  }
0x1c2: {  	s10 =	simm.s32 $0x4B0;
	s18 =	simm.s32 $0x16  }
0x1c3: {  	[tilespmem:s10], [sflag:$0x10] =	stream.linear.gather [hbm4b:s29+s3], $0x50, $0x38;
	[tilespmem:$0x1E100] =	vst v63  }
0x1c4: {  	_ =	swait.ge [sflag:s18], $0x2800  }
0x1c5: {  	[sflag:s18] =	ssyncset.done $0x0  }
0x1c6: {  	s31 =	simm.s32 $0x6;
	[sflag:s18] =	ssyncadd.s32 $0xFFFFD800  }
0x1c7: {  	_ =	swait.ge [sflag:s31], $0x50  }
0x1c8: {  	[sflag:s31] =	ssyncset.done $0x0  }
0x1c9: {  	s1 =	simm.s32 $0xE;
	[sflag:s31] =	ssyncadd.s32 $0xFFFFFFB0  }
0x1ca: {  	_ =	swait.ge [sflag:s1], $0x50  }
0x1cb: {  	[sflag:s1] =	ssyncset.done $0x0  }
0x1cc: {  	s6 =	simm.s32 $0x2D00;
	s8 =	simm.s32 $0x11;
	[sflag:s1] =	ssyncadd.s32 $0xFFFFFFB0  }
0x1cd: {  	[tilespmem:s6], [sflag:$0x12] =	stream.indirect.gather [hbm4b:s19+s13], $0x80, s5, s13, $0xb8;
	[tilespmem:$0x1E100] =	vst v63  }
0x1ce: {  	_ =	swait.ge [sflag:s8], $0x2800  }
0x1cf: {  	[sflag:s8] =	ssyncset.done $0x0  }
0x1d0: {  	s5 =	simm.s32 $0x3C0;
	s2 =	sld [smem:$0x7F4];
	[sflag:s8] =	ssyncadd.s32 $0xFFFFD800  }
0x1d1: {  	[spmem:s4] =	stream.indirect.scatter.add.f32 [tilespmem:s24], [sflag:$0x15], $0x80, s5, s13, $0xb8;
	[tilespmem:$0x1E100] =	vst v63  }
0x1d2: {  	s25 =	sld [smem:$0x7F5]  }
0x1d3: {  	[tilespmem:s3], [sflag:$0x1] =	stream.linear.gather [hbm4b:s2+s3], $0x50, $0x38;
	[tilespmem:$0x1E100] =	vst v63  }
0x1d4: {  	s1 =	simm.s32 $0x280;
	s2 =	simm.s32 $0x17  }
0x1d5: {  	[tilespmem:s1], [sflag:$0x9] =	stream.linear.gather [hbm4b:s25+s3], $0x50, $0x38;
	[tilespmem:$0x1E100] =	vst v63  }
0x1d6: {  	_ =	swait.ge [sflag:s2], $0x2800  }
0x1d7: {  	[sflag:s2] =	ssyncset.done $0x0  }
0x1d8: {  	s29 =	simm.s32 $0x7;
	[sflag:s2] =	ssyncadd.s32 $0xFFFFD800  }
0x1d9: {  	_ =	swait.ge [sflag:s29], $0x50  }
0x1da: {  	[sflag:s29] =	ssyncset.done $0x0  }
0x1db: {  	s31 =	simm.s32 $0xF;
	[sflag:s29] =	ssyncadd.s32 $0xFFFFFFB0  }
0x1dc: {  	_ =	swait.ge [sflag:s31], $0x50  }
0x1dd: {  	[sflag:s31] =	ssyncset.done $0x0  }
0x1de: {  	s25 =	simm.s32 $0x12;
	[sflag:s31] =	ssyncadd.s32 $0xFFFFFFB0  }
0x1df: {  	[tilespmem:s16], [sflag:$0x13] =	stream.indirect.gather [hbm4b:s19+s13], $0x80, s11, s13, $0xb8;
	[tilespmem:$0x1E100] =	vst v63  }
0x1e0: {  	_ =	swait.ge [sflag:s25], $0x2800  }
0x1e1: {  	[sflag:s25] =	ssyncset.done $0x0  }
0x1e2: {  	s11 =	sld [smem:$0x7F6];
	[sflag:s25] =	ssyncadd.s32 $0xFFFFD800  }
0x1e3: {  	[spmem:s4] =	stream.indirect.scatter.add.f32 [tilespmem:s6], [sflag:$0x16], $0x80, s7, s13, $0xb8;
	[tilespmem:$0x1E100] =	vst v63  }
0x1e4: {  	s29 =	sld [smem:$0x7F7]  }
0x1e5: {  	[tilespmem:s13], [sflag:$0x2] =	stream.linear.gather [hbm4b:s11+s3], $0x50, $0x38;
	[tilespmem:$0x1E100] =	vst v63  }
0x1e6: {  	s7 =	simm.s32 $0x2D0  }
0x1e7: {  	[tilespmem:s7], [sflag:$0xA] =	stream.linear.gather [hbm4b:s29+s3], $0x50, $0x38;
	[tilespmem:$0x1E100] =	vst v63  }
0x1e8: {  	s29 =	simm.s32 $0x18  }
0x1e9: {  	_ =	swait.ge [sflag:s29], $0x2800  }
0x1ea: {  	[sflag:s29] =	ssyncset.done $0x0  }
0x1eb: {  	s31 =	simm.s32 $0x8;
	[sflag:s29] =	ssyncadd.s32 $0xFFFFD800  }
0x1ec: {  	_ =	swait.ge [sflag:s31], $0x50  }
0x1ed: {  	[sflag:s31] =	ssyncset.done $0x0  }
0x1ee: {  	s11 =	simm.s32 $0x10;
	[sflag:s31] =	ssyncadd.s32 $0xFFFFFFB0  }
0x1ef: {  	_ =	swait.ge [sflag:s11], $0x50  }
0x1f0: {  	[sflag:s11] =	ssyncset.done $0x0  }
0x1f1: {  	[sflag:s11] =	ssyncadd.s32 $0xFFFFFFB0  }
0x1f2: {  	[tilespmem:s26], [sflag:$0x14] =	stream.indirect.gather [hbm4b:s19+s13], $0x80, s23, s13, $0xb8;
	[tilespmem:$0x1E100] =	vst v63  }
0x1f3: {  	_ =	swait.ge [sflag:s12], $0x2800  }
0x1f4: {  	[sflag:s12] =	ssyncset.done $0x0  }
0x1f5: {  	s23 =	sld [smem:$0x7F8];
	[sflag:s12] =	ssyncadd.s32 $0xFFFFD800  }
0x1f6: {  	[spmem:s4] =	stream.indirect.scatter.add.f32 [tilespmem:s16], [sflag:$0x17], $0x80, s30, s13, $0xb8;
	[tilespmem:$0x1E100] =	vst v63  }
0x1f7: {  	s11 =	simm.s32 $0xA0;
	s30 =	sld [smem:$0x7F9]  }
0x1f8: {  	[tilespmem:s11], [sflag:$0x3] =	stream.linear.gather [hbm4b:s23+s3], $0x50, $0x38;
	[tilespmem:$0x1E100] =	vst v63  }
0x1f9: {  	_ = 	snop  }
0x1fa: {  	[tilespmem:s14], [sflag:$0xB] =	stream.linear.gather [hbm4b:s30+s3], $0x50, $0x38;
	[tilespmem:$0x1E100] =	vst v63  }
0x1fb: {  	_ =	swait.ge [sflag:s17], $0x2800  }
0x1fc: {  	[sflag:s17] =	ssyncset.done $0x0  }
0x1fd: {  	s31 =	simm.s32 $0x1;
	[sflag:s17] =	ssyncadd.s32 $0xFFFFD800  }
0x1fe: {  	_ =	swait.ge [sflag:s31], $0x50  }
0x1ff: {  	[sflag:s31] =	ssyncset.done $0x0  }
0x200: {  	s23 =	simm.s32 $0x9;
	[sflag:s31] =	ssyncadd.s32 $0xFFFFFFB0  }
0x201: {  	_ =	swait.ge [sflag:s23], $0x50  }
0x202: {  	[sflag:s23] =	ssyncset.done $0x0  }
0x203: {  	[sflag:s23] =	ssyncadd.s32 $0xFFFFFFB0  }
0x204: {  	[tilespmem:s24], [sflag:$0x11] =	stream.indirect.gather [hbm4b:s19+s13], $0x80, s3, s13, $0xb8;
	[tilespmem:$0x1E100] =	vst v63  }
0x205: {  	_ =	swait.ge [sflag:s28], $0x2800  }
0x206: {  	[sflag:s28] =	ssyncset.done $0x0  }
0x207: {  	s30 =	sld [smem:$0x7FA];
	[sflag:s28] =	ssyncadd.s32 $0xFFFFD800  }
0x208: {  	[spmem:s4] =	stream.indirect.scatter.add.f32 [tilespmem:s26], [sflag:$0x18], $0x80, s10, s13, $0xb8;
	[tilespmem:$0x1E100] =	vst v63  }
0x209: {  	s31 =	sld [smem:$0x7FB]  }
0x20a: {  	[tilespmem:s15], [sflag:$0x4] =	stream.linear.gather [hbm4b:s30+s3], $0x50, $0x38;
	[tilespmem:$0x1E100] =	vst v63  }
0x20b: {  	_ = 	snop  }
0x20c: {  	[tilespmem:s9], [sflag:$0xC] =	stream.linear.gather [hbm4b:s31+s3], $0x50, $0x38;
	[tilespmem:$0x1E100] =	vst v63  }
0x20d: {  	_ =	swait.ge [sflag:s18], $0x2800  }
0x20e: {  	[sflag:s18] =	ssyncset.done $0x0  }
0x20f: {  	s10 =	simm.s32 $0x2;
	[sflag:s18] =	ssyncadd.s32 $0xFFFFD800  }
0x210: {  	_ =	swait.ge [sflag:s10], $0x50  }
0x211: {  	[sflag:s10] =	ssyncset.done $0x0  }
0x212: {  	s23 =	simm.s32 $0xA;
	[sflag:s10] =	ssyncadd.s32 $0xFFFFFFB0  }
0x213: {  	_ =	swait.ge [sflag:s23], $0x50  }
0x214: {  	[sflag:s23] =	ssyncset.done $0x0  }
0x215: {  	[sflag:s23] =	ssyncadd.s32 $0xFFFFFFB0  }
0x216: {  	[tilespmem:s6], [sflag:$0x12] =	stream.indirect.gather [hbm4b:s19+s13], $0x80, s13, s13, $0xb8;
	[tilespmem:$0x1E100] =	vst v63  }
0x217: {  	_ =	swait.ge [sflag:s8], $0x2800  }
0x218: {  	[sflag:s8] =	ssyncset.done $0x0  }
0x219: {  	s30 =	sld [smem:$0x7FC];
	[sflag:s8] =	ssyncadd.s32 $0xFFFFD800  }
0x21a: {  	[spmem:s4] =	stream.indirect.scatter.add.f32 [tilespmem:s24], [sflag:$0x15], $0x80, s1, s13, $0xb8;
	[tilespmem:$0x1E100] =	vst v63  }
0x21b: {  	s31 =	sld [smem:$0x7FD]  }
0x21c: {  	[tilespmem:s20], [sflag:$0x5] =	stream.linear.gather [hbm4b:s30+s3], $0x50, $0x38;
	[tilespmem:$0x1E100] =	vst v63  }
0x21d: {  	_ = 	snop  }
0x21e: {  	[tilespmem:s5], [sflag:$0xD] =	stream.linear.gather [hbm4b:s31+s3], $0x50, $0x38;
	[tilespmem:$0x1E100] =	vst v63  }
0x21f: {  	_ =	swait.ge [sflag:s2], $0x2800  }
0x220: {  	[sflag:s2] =	ssyncset.done $0x0  }
0x221: {  	s1 =	simm.s32 $0x3;
	[sflag:s2] =	ssyncadd.s32 $0xFFFFD800  }
0x222: {  	_ =	swait.ge [sflag:s1], $0x50  }
0x223: {  	[sflag:s1] =	ssyncset.done $0x0  }
0x224: {  	s10 =	simm.s32 $0xB;
	[sflag:s1] =	ssyncadd.s32 $0xFFFFFFB0  }
0x225: {  	_ =	swait.ge [sflag:s10], $0x50  }
0x226: {  	[sflag:s10] =	ssyncset.done $0x0  }
0x227: {  	[sflag:s10] =	ssyncadd.s32 $0xFFFFFFB0  }
0x228: {  	[tilespmem:s16], [sflag:$0x13] =	stream.indirect.gather [hbm4b:s19+s13], $0x80, s11, s13, $0xb8;
	[tilespmem:$0x1E100] =	vst v63  }
0x229: {  	_ =	swait.ge [sflag:s25], $0x2800  }
0x22a: {  	[sflag:s25] =	ssyncset.done $0x0  }
0x22b: {  	[sflag:s25] =	ssyncadd.s32 $0xFFFFD800  }
0x22c: {  	[spmem:s4] =	stream.indirect.scatter.add.f32 [tilespmem:s6], [sflag:$0x16], $0x80, s7, s13, $0xb8;
	[tilespmem:$0x1E100] =	vst v63  }
0x22d: {  	_ =	swait.ge [sflag:s29], $0x2800  }
0x22e: {  	[sflag:s29] =	ssyncset.done $0x0  }
0x22f: {  	s23 =	simm.s32 $0x4;
	[sflag:s29] =	ssyncadd.s32 $0xFFFFD800  }
0x230: {  	_ =	swait.ge [sflag:s23], $0x50  }
0x231: {  	[sflag:s23] =	ssyncset.done $0x0  }
0x232: {  	s25 =	simm.s32 $0xC;
	[sflag:s23] =	ssyncadd.s32 $0xFFFFFFB0  }
0x233: {  	_ =	swait.ge [sflag:s25], $0x50  }
0x234: {  	[sflag:s25] =	ssyncset.done $0x0  }
0x235: {  	[sflag:s25] =	ssyncadd.s32 $0xFFFFFFB0  }
0x236: {  	[tilespmem:s26], [sflag:$0x14] =	stream.indirect.gather [hbm4b:s19+s13], $0x80, s15, s13, $0xb8;
	[tilespmem:$0x1E100] =	vst v63  }
0x237: {  	_ =	swait.ge [sflag:s12], $0x2800  }
0x238: {  	[sflag:s12] =	ssyncset.done $0x0  }
0x239: {  	[sflag:s12] =	ssyncadd.s32 $0xFFFFD800  }
0x23a: {  	[spmem:s4] =	stream.indirect.scatter.add.f32 [tilespmem:s16], [sflag:$0x17], $0x80, s14, s13, $0xb8;
	[tilespmem:$0x1E100] =	vst v63  }
0x23b: {  	_ =	swait.ge [sflag:s17], $0x2800  }
0x23c: {  	[sflag:s17] =	ssyncset.done $0x0  }
0x23d: {  	[sflag:s17] =	ssyncadd.s32 $0xFFFFD800  }
0x23e: {  	_ =	swait.ge [sflag:s21], $0x50  }
0x23f: {  	[sflag:s21] =	ssyncset.done $0x0  }
0x240: {  	[sflag:s21] =	ssyncadd.s32 $0xFFFFFFB0  }
0x241: {  	_ =	swait.ge [sflag:s22], $0x50  }
0x242: {  	[sflag:s22] =	ssyncset.done $0x0  }
0x243: {  	[sflag:s22] =	ssyncadd.s32 $0xFFFFFFB0  }
0x244: {  	[tilespmem:s24], [sflag:$0x11] =	stream.indirect.gather [hbm4b:s19+s13], $0x80, s20, s13, $0xb8;
	[tilespmem:$0x1E100] =	vst v63  }
0x245: {  	_ =	swait.ge [sflag:s28], $0x2800  }
0x246: {  	[sflag:s28] =	ssyncset.done $0x0  }
0x247: {  	[sflag:s28] =	ssyncadd.s32 $0xFFFFD800  }
0x248: {  	[spmem:s4] =	stream.indirect.scatter.add.f32 [tilespmem:s26], [sflag:$0x18], $0x80, s9, s13, $0xb8;
	[tilespmem:$0x1E100] =	vst v63  }
0x249: {  	_ =	swait.ge [sflag:s18], $0x2800  }
0x24a: {  	[sflag:s18] =	ssyncset.done $0x0  }
0x24b: {  	[sflag:s18] =	ssyncadd.s32 $0xFFFFD800  }
0x24c: {  	_ =	swait.ge [sflag:s8], $0x2800  }
0x24d: {  	[sflag:s8] =	ssyncset.done $0x0  }
0x24e: {  	[sflag:s8] =	ssyncadd.s32 $0xFFFFD800  }
0x24f: {  	[spmem:s4] =	stream.indirect.scatter.add.f32 [tilespmem:s24], [sflag:$0x15], $0x80, s5, s13, $0xb8;
	[tilespmem:$0x1E100] =	vst v63  }
0x250: {  	_ =	swait.ge [sflag:s2], $0x2800  }
0x251: {  	[sflag:s2] =	ssyncset.done $0x0  }
0x252: {  	[sflag:s2] =	ssyncadd.s32 $0xFFFFD800  }
0x253: {  	_ =	swait.ge [sflag:s29], $0x2800  }
0x254: {  	[sflag:s29] =	ssyncset.done $0x0  }
0x255: {  	[sflag:s29] =	ssyncadd.s32 $0xFFFFD800  }
0x256: {  	_ =	swait.ge [sflag:s17], $0x2800  }
0x257: {  	[sflag:s17] =	ssyncset.done $0x0  }
0x258: {  	[sflag:s17] =	ssyncadd.s32 $0xFFFFD800  }
0x259: {  	[bflag:$0x0] =	sbarrier.arrive $0xFFFF  }
0x25a: {  	s28 =	sld [smem:$0x7EF]  }
0x25b: {  	s29 =	sld [smem:$0x7EA];
	_ =	sdelay $0x1  }
0x25c: {  	s24 =	simm.s32 $0x19;
	s22 =	rddreg [dreg:$0x1d]  }
0x25d: {  	[hbm:s28], [sflag:s22] =	dma.local [spmem:s29], $0x2780  }
0x25e: {  	_ =	swait.ge [sflag:s24], $0x2780  }
0x25f: {  	s30 =	sld [smem:$0x7E9]  }
0x260: {  	s31 =	sld [smem:$0x7F0];
	_ =	sdelay $0x1  }
0x261: {  	s1 =	sadd.s32 $0x1, s30  }
0x262: {  	p0 =	sne.s32 s1, s31  }
.Ltmp1:
0x263: {  	_ = 	snop;
	(pc) =	sbr.rel @p0 .LBB2_1-.Ltmp1, $3  }
0x264: {  	_ =	sdelay $0x1  }
0x265: {  	[sflag:s24] =	ssyncset.done $0x0  }
0x266: {  	s20 =	rddreg [dreg:$0x12];
	[sflag:s24] =	ssyncadd.s32 $0xFFFFD880  }
0x267: {  	_ =	sfence.sel $0x180000  }
0x268: {  	[bflag:$0x0] =	sbarrier.arrive $0xFFFF  }
0x269: {  	_ =	strace $0x9000004D  }
0x26a: {  	s0 =	stileid.u32;
	[bflag:$0x2] =	sbarrier.arrive $0xFFFF  }
0x26b: {  	p0 =	sne.s32 s0, $0x0;
	s0 =	rddreg [dreg:$0x2]  }
0x26c: {  	s0 =	sadd.s32 @!p0 $0x100000, s0  }
0x26d: {  	[sflag:s0] =	ssyncadd.tile.s32 @!p0 $0x1;
	_ =	shalt  }
.Lfunc_end2:
_tile_overlayer_lowered:
.L_overlay_start_2:
0x26e: {  	(tag) =	ssettag $0x2  }
0x26f: {  	s0 =	rddreg [dreg:$0x0];
	s2 =	stileid.u32  }
0x270: {  	s1 =	rddreg [dreg:$0x1];
	p0 =	sne.s32 s2, $0x0  }
0x271: {  	s3 =	rddreg [dreg:$0x2];
	[bflag:$0x3] =	sbarrier.arrive $0xFFFF;
	s2 =	simm.s32 @!p0 $0x1C19  }
0x272: {  	[timem:s3], [sflag:s2] =	dma.local @!p0 [hbm:s0], s1  }
0x273: {  	s0 =	simm.s32 @!p0 $0x19  }
0x274: {  	_ =	swait.ge @!p0 [sflag:s0], s1  }
0x275: {  	s1 =	ssub.s32 @!p0 $0x0, s1;
	[sflag:s0] =	ssyncset.done @!p0 $0x0  }
0x276: {  	[sflag:s0] =	ssyncadd.s32 @!p0 s1  }
0x277: {  	[bflag:$0x3] =	sbarrier.arrive $0xFFFF  }
0x278: {  	_ =	shalt  }

// kernel: kernel.8.cloned.1.call-start
scs
__scs_entry_jumppad:
0x0: {  	(pc) =	sbr.rel $0x88, $3  }
0x1: {  	(tag) =	ssettag $0x0;
	lr =	simm.s32 $0x1  }
0x2: {  	[smem:$0x3F98] =	sst lr;
	_ =	strace $0xD0000000  }
0x3: {  	_ = 	snop  }
0x4: {  	_ = 	snop  }
0x5: {  	_ = 	snop  }
0x6: {  	_ = 	snop  }
0x7: {  	_ = 	snop  }
__scs_overlays_trampoline_lowered:
0x8: {  	[smem:$0x3FA7] =	sst s0  }
0x9: {  	[smem:$0x3FA8] =	sst s1  }
0xa: {  	[smem:$0x3FA9] =	sst s2  }
0xb: {  	[smem:$0x3FAA] =	sst s3  }
0xc: {  	[smem:$0x3FAB] =	sst s4  }
0xd: {  	[smem:$0x3FAC] =	sst s5  }
0xe: {  	[smem:$0x3FAD] =	sst s6  }
0xf: {  	[smem:$0x3FAE] =	sst s7  }
0x10: {  	[smem:$0x3FAF] =	sst s8  }
0x11: {  	[smem:$0x3FB0] =	sst s9;
	s0 =	simm.s32 @!p0 $0x0  }
0x12: {  	s1 =	sld [smem:$0x3F96];
	s0 =	simm.s32 @p0 $0x1  }
0x13: {  	[smem:$0x3FB1] =	sst s0;
	s0 =	simm.s32 @!p1 $0x0  }
0x14: {  	s2 =	sld [smem:$0x3F95];
	s0 =	simm.s32 @p1 $0x1  }
0x15: {  	[smem:$0x3FB2] =	sst s0;
	s0 =	simm.s32 @!p2 $0x0  }
0x16: {  	s3 =	sld [smem:$0x3FDB];
	s0 =	simm.s32 @p2 $0x1  }
0x17: {  	s4 =	simm.s32 $0x1BF5;
	[smem:$0x3FB4] =	sst s0  }
0x18: {  	s0 =	sld [smem:$0x3F97];
	_ =	swait.ge [sflag:s4], $0x0  }
0x19: {  	s7 =	sld [smem:$0x3F98]  }
0x1a: {  	s8 =	sadd.s32 $0xFFFFE003, lr  }
0x1b: {  	s9 =	sadd.s32 $0xFFFFFEF7, lr;
	s5 =	simm.s32 $0xFFFFFFFF;
	p2 =	slt.u32 s8, $0xFFFFF086  }
0x1c: {  	p1 =	slt.u32 s9, $0xF7A;
	s5 =	simm.s32 @!p2 $0x0  }
0x1d: {  	s5 =	simm.s32 @p1 $0x1;
	p0 =	seq.s32 s7, s2  }
0x1e: {  	s7 =	smul.u32 @!p0 $0xF7A, s2;
	p2 =	seq.s32 @!p0 s5, $0x0  }
0x1f: {  	s9 =	smul.u32 $0xF7A, s1;
	s8 =	simm.s32 @!p0 $0x1BF5;
	p2 =	por !p2, p0  }
0x20: {  	[sflag:s8] =	ssyncset.s32 @!p0 $0xFFFFF086;
	s6 =	sadd.s32 @!p0 s3, s7;
	s7 =	simm.s32 @!p0 $0x108  }
0x21: {  	s3 =	sadd.s32 s3, s9;
	s6 =	sadd.s32 @!p0 $0x88, s6;
	s7 =	simm.s32 @p2 $0x1082  }
0x22: {  	[simem:s7], [sflag:s8] =	dma.local @!p0 [hbm:s6], $0xF7A  }
0x23: {  	s9 =	sor.u32 $0xD0000000, s2;
	s6 =	simm.s32 $0x108;
	_ =	swait.ge @!p0 [sflag:s8], $0x0  }
0x24: {  	s3 =	sadd.s32 $0x88, s3;
	s6 =	simm.s32 @!p1 $0x1082;
	[sflag:s4] =	ssyncset.s32 $0xFFFFF086  }
0x25: {  	[simem:s6], [sflag:s4] =	dma.local [hbm:s3], $0xF7A  }
0x26: {  	[smem:$0x3F98] =	sst s1;
	(tag) =	ssettag s2;
	_ =	strace s9  }
0x27: {  	s1 =	sld [smem:$0x3FA8]  }
0x28: {  	s2 =	sld [smem:$0x3FA9]  }
0x29: {  	s4 =	sld [smem:$0x3FAB]  }
0x2a: {  	p0 =	seq.s32 s5, $0x0;
	s5 =	sld [smem:$0x3FAC]  }
0x2b: {  	s6 =	sld [smem:$0x3FAD]  }
0x2c: {  	s7 =	sld [smem:$0x3FAE]  }
0x2d: {  	s3 =	simm.s32 $0x108;
	s8 =	sld [smem:$0x3FAF]  }
0x2e: {  	s3 =	simm.s32 @!p0 $0x1082;
	s9 =	sld [smem:$0x3FB0]  }
0x2f: {  	lr =	sadd.s32 s0, s3;
	s0 =	sld [smem:$0x3FA7]  }
0x30: {  	s3 =	sld [smem:$0x3FAA]  }
0x31: {  	[smem:$0x3FB3] =	sst s10  }
0x32: {  	s10 =	sld [smem:$0x3FB1];
	_ =	sdelay $0x3  }
0x33: {  	p0 =	seq.s32 s10, $0x1;
	s10 =	sld [smem:$0x3FB3];
	_ =	sdelay $0x3  }
0x34: {  	[smem:$0x3FB3] =	sst s10  }
0x35: {  	s10 =	sld [smem:$0x3FB2];
	_ =	sdelay $0x3  }
0x36: {  	p1 =	seq.s32 s10, $0x1;
	s10 =	sld [smem:$0x3FB3];
	_ =	sdelay $0x3  }
0x37: {  	[smem:$0x3FB3] =	sst s10  }
0x38: {  	s10 =	sld [smem:$0x3FB4]  }
0x39: {  	_ = 	snop;
	(pc) =	sbr.ind lr, $3  }
0x3a: {  	_ = 	snop  }
0x3b: {  	_ = 	snop  }
0x3c: {  	p2 =	seq.s32 s10, $0x1;
	s10 =	sld [smem:$0x3FB3]  }
0x3d: {  	_ =	shalt  }
0x3e: {  	_ =	shalt  }
0x3f: {  	_ =	shalt  }
0x40: {  	_ =	shalt  }
0x41: {  	_ =	shalt  }
0x42: {  	_ =	shalt  }
0x43: {  	_ =	shalt  }
0x44: {  	_ =	shalt  }
0x45: {  	_ =	shalt  }
0x46: {  	_ =	shalt  }
0x47: {  	_ =	shalt  }
0x48: {  	_ =	shalt  }
0x49: {  	_ =	shalt  }
0x4a: {  	_ =	shalt  }
0x4b: {  	_ =	shalt  }
0x4c: {  	_ =	shalt  }
0x4d: {  	_ =	shalt  }
0x4e: {  	_ =	shalt  }
0x4f: {  	_ =	shalt  }
0x50: {  	_ =	shalt  }
0x51: {  	_ =	shalt  }
0x52: {  	_ =	shalt  }
0x53: {  	_ =	shalt  }
0x54: {  	_ =	shalt  }
0x55: {  	_ =	shalt  }
0x56: {  	_ =	shalt  }
0x57: {  	_ =	shalt  }
0x58: {  	_ =	shalt  }
0x59: {  	_ =	shalt  }
0x5a: {  	_ =	shalt  }
0x5b: {  	_ =	shalt  }
0x5c: {  	_ =	shalt  }
0x5d: {  	_ =	shalt  }
0x5e: {  	_ =	shalt  }
0x5f: {  	_ =	shalt  }
0x60: {  	_ =	shalt  }
0x61: {  	_ =	shalt  }
0x62: {  	_ =	shalt  }
0x63: {  	_ =	shalt  }
0x64: {  	_ =	shalt  }
0x65: {  	_ =	shalt  }
0x66: {  	_ =	shalt  }
0x67: {  	_ =	shalt  }
0x68: {  	_ =	shalt  }
0x69: {  	_ =	shalt  }
0x6a: {  	_ =	shalt  }
0x6b: {  	_ =	shalt  }
0x6c: {  	_ =	shalt  }
0x6d: {  	_ =	shalt  }
0x6e: {  	_ =	shalt  }
0x6f: {  	_ =	shalt  }
0x70: {  	_ =	shalt  }
0x71: {  	_ =	shalt  }
0x72: {  	_ =	shalt  }
0x73: {  	_ =	shalt  }
0x74: {  	_ =	shalt  }
0x75: {  	_ =	shalt  }
0x76: {  	_ =	shalt  }
0x77: {  	_ =	shalt  }
0x78: {  	_ =	shalt  }
0x79: {  	_ =	shalt  }
0x7a: {  	_ =	shalt  }
0x7b: {  	_ =	shalt  }
0x7c: {  	_ =	shalt  }
0x7d: {  	_ =	shalt  }
0x7e: {  	_ =	shalt  }
0x7f: {  	_ =	shalt  }
0x80: {  	_ =	shalt  }
0x81: {  	_ =	shalt  }
0x82: {  	_ =	shalt  }
0x83: {  	_ =	shalt  }
0x84: {  	_ =	shalt  }
0x85: {  	_ =	shalt  }
0x86: {  	_ =	shalt  }
0x87: {  	_ =	shalt  }
.Lfunc_end0:
.L_simem_size_0:
called_computation_lowered:
.L_overlay_start_0:
0x88: {  	s2 =	sld [smem:$0x3FD9]  }
0x89: {  	s3 =	sld [smem:$0x3FFE];
	_ =	sdelay $0x1  }
0x8a: {  	s1 =	srdreg.scid  }
0x8b: {  	s0 =	sand.u32 $0x1, s1  }
0x8c: {  	s17 =	sshll.u32 s0, $0xA;
	s2 =	sadd.s32 s3, s2  }
0x8d: {  	s2 =	sadd.s32 s2, s17  }
0x8e: {  	[smem:$0x3FBF] =	sst s2  }
0x8f: {  	_ = 	snop  }
0x90: {  	s2 =	sld [smem:$0x3FD0];
	(tm) =	ssettm $0x1  }
0x91: {  	s18 =	sld [smem:$0x3FFB];
	_ =	sdelay $0x3  }
0x92: {  	_ =	strace s18  }
0x93: {  	s3 =	sld [smem:$0x3FFC];
	_ =	sdelay $0x3  }
0x94: {  	_ =	strace s3  }
0x95: {  	s3 =	sld [smem:$0x3FFD];
	_ =	sdelay $0x3  }
0x96: {  	_ =	strace s3  }
0x97: {  	_ =	strace $0x8FFFFFFF  }
0x98: {  	s19 =	sld [smem:$0x3FDB];
	_ =	sdelay $0x1  }
0x99: {  	s4 =	simm.s32 $_scs_section_size  }
0x9a: {  	s5 =	simm.s32 $_size__tile_overlayer_lowered;
	s6 =	simm.s32 $_tile_overlayer_lowered  }
0x9b: {  	s22 =	simm.s32 $0x1BFF;
	s21 =	sshll.u32 s6, $0x1;
	s3 =	sadd.s32 s4, s19  }
0x9c: {  	s7 =	simm.s32 $0x0;
	s20 =	sshll.u32 s5, $0x1;
	s5 =	sadd.s32 s21, s3  }
0x9d: {  	[timem:s7], [sflag:s22] =	dma.local [hbm:s5], s20  }
0x9e: {  	_ =	swait.ge [sflag:s22], s20  }
0x9f: {  	s4 =	ssub.s32 $0x0, s20;
	[sflag:s22] =	ssyncset.done $0x0  }
0xa0: {  	[sflag:s22] =	ssyncadd.s32 s4;
	_ =	sdelay $0x1  }
0xa1: {  	s23 =	simm.s32 $0x1B8B  }
0xa2: {  	_ =	swait.ge [sflag:s23], $0x1  }
0xa3: {  	[sflag:s23] =	ssyncset.done $0x0  }
0xa4: {  	s25 =	simm.s32 $0x1B8E;
	s24 =	sld [smem:$0x3FFE];
	[sflag:s23] =	ssyncadd.s32 $0xFFFFFFFF  }
0xa5: {  	s26 =	simm.s32 $execute0_lowered;
	[smem:$0x3FD2] =	sst s25  }
0xa6: {  	s5 =	sshll.u32 s26, $0x1;
	_ =	strace $0x80000046;
	[dreg:$0x1] =	wrdreg $0xFFFFFFFF  }
0xa7: {  	s28 =	simm.s32 $_size_execute0_lowered;
	s3 =	sadd.s32 s3, s5;
	[dreg:$0x0] =	wrdreg $0x0  }
0xa8: {  	s5 =	sshll.u32 s28, $0x1;
	[dreg:$0x2] =	wrdreg s3  }
0xa9: {  	[dreg:$0x3] =	wrdreg s5  }
0xaa: {  	[dreg:$0x4] =	wrdreg $0xC0  }
0xab: {  	_ =	task [dreg:s7], $0x5FFFF  }
0xac: {  	[dreg:$0x1] =	wrdreg $0xFFFFFFFF  }
0xad: {  	[dreg:$0x0] =	wrdreg $0x60  }
0xae: {  	[dreg:$0x2] =	wrdreg s24  }
0xaf: {  	[dreg:$0x3] =	wrdreg s2  }
0xb0: {  	[dreg:$0x4] =	wrdreg $0x2C100  }
0xb1: {  	[dreg:$0x5] =	wrdreg $0x9  }
0xb2: {  	_ =	task.clear_ibuf [dreg:s7], $0x6FFFF;
	_ =	strace $0x90000046  }
0xb3: {  	s29 =	simm.s32 $0x9;
	_ =	strace $0x80000048  }
0xb4: {  	_ =	swait.ge [sflag:s29], $0x1  }
0xb5: {  	[sflag:s29] =	ssyncadd.s32 $0xFFFFFFFF  }
0xb6: {  	_ =	strace $0x90000048  }
0xb7: {  	_ =	sfence  }
0xb8: {  	s30 =	sld [smem:$0x0];
	_ =	sdelay $0x2  }
0xb9: {  	s31 =	sshll.u32 s1, $0xD;
	s1 =	sshrl.u32 s1, $0x2  }
0xba: {  	s3 =	sand.u32 $0x4000, s31;
	s1 =	sadd.s32 s1, s30  }
0xbb: {  	s0 =	sor.u32 s3, s0;
	s1 =	sshll.u32 s1, $0x11  }
0xbc: {  	s0 =	sor.u32 s1, s0  }
0xbd: {  	s0 =	sadd.s32 $0x8F2B, s0  }
0xbe: {  	[sflag:s0] =	ssyncadd.remote.s32 $0x1  }
0xbf: {  	_ =	sfence.sel $0xFFFF  }
0xc0: {  	[dreg:$0x0] =	wrdreg $0xFFFFFFFF;
	(pc) =	sbr.abs _section_cstart, $3  }
0xc1: {  	[dreg:$0x1] =	wrdreg $0xFFFFFFFF  }
0xc2: {  	_ =	task.clear_ibuf [dreg:s7], $0x2FFFF;
	_ =	strace $0x9FFFFFFF  }
0xc3: {  	(tm) =	ssettm $0x7FFFFFFF  }
tec
execute0_lowered:
.L_overlay_start_1:
0x0: {  	(tag) =	ssettag $0x1  }
0x1: {  	s7 =	rddreg [dreg:$0x0]  }
0x2: {  	s2 =	rddreg [dreg:$0x1];
	s1 =	srdreg.scid  }
0x3: {  	s0 =	stileid.u32;
	s3 =	rddreg [dreg:$0x2];
	s4 =	simm.s32 $0x0  }
0x4: {  	s13 =	simm.s32 $0x50;
	s14 =	simm.s32 $0x1;
	s15 =	simm.s32 $0x0  }
0x5: {  	s5 =	sand.u32 $0x1, s1;
	s6 =	smul.u32 $0x2780, s0;
	s1 =	rddreg [dreg:$0x3]  }
0x6: {  	[smem:$0x7FF] =	sst s4;
	s9 =	sshll.u32 s0, $0x1;
	s31 =	sshll.u32 s0, $0x6  }
0x7: {  	s8 =	smul.u32 $0x27800, s5;
	_ =	strace $0x80000047;
	s9 =	sor.u32 s5, s9  }
0x8: {  	s10 =	ssub.s32 $0x2, s5;
	s5 =	sadd.s32 $0x16600, s7;
	s9 =	smul.u32 $0x2710, s9  }
0x9: {  	s11 =	sshrl.u32 s10, $0x1;
	s12 =	sadd.s32 s6, s3;
	s8 =	sadd.s32 s6, s8  }
0xa: {  	s10 =	ssub.s32 s10, s11;
	s6 =	sor.u32 $0x1C02, s31;
	s8 =	sshrl.u32 s8, $0x3  }
0xb: {  	s11 =	simm.s32 $0x2;
	s9 =	sshrl.u32 s9, $0x3;
	s8 =	sadd.s32 s8, s7  }
0xc: {  	s7 =	sadd.s32 s7, s9;
	s9 =	smax.u32 s10, $0x1;
	s10 =	sshrl.u32 s12, $0x3  }
0xd: {  	s12 =	simm.s32 $0x2710;
	s7 =	sadd.s32 $0xC840, s7;
	s8 =	sadd.s32 $0x16C00, s8  }
.LBB2_1:
0xe: {  	[spmem:s10], [sflag:s6] =	dma.local [hbm:s5], $0x4F0  }
0xf: {  	_ =	swait.ge [sflag:s11], $0x4F0  }
0x10: {  	[sflag:s11] =	ssyncset.done $0x0  }
0x11: {  	[sflag:s11] =	ssyncadd.s32 $0xFFFFFB10  }
0x12: {  	[tilespmem:s12], [sflag:$0x2] =	stream.linear.gather [hbm4b:s2+s4], $0x500, $0x38;
	[tilespmem:$0x5390] =	vst v63  }
0x13: {  	_ =	swait.ge [sflag:s11], $0x500  }
0x14: {  	[sflag:s11] =	ssyncset.done $0x0  }
0x15: {  	[sflag:s11] =	ssyncadd.s32 $0xFFFFFB00  }
0x16: {  	[tilespmem:s4], [sflag:$0x2] =	stream.linear.gather [hbm4b:s7+s4], $0x2710, $0x38;
	[tilespmem:$0x5390] =	vst v63  }
0x17: {  	_ =	swait.ge [sflag:s11], $0x2710  }
0x18: {  	[sflag:s11] =	ssyncset.done $0x0  }
0x19: {  	[sflag:s11] =	ssyncadd.s32 $0xFFFFD8F0  }
0x1a: {  	s16 =	simm.s32 $0x0;
	[bflag:$0x0] =	sbarrier.arrive $0xFFFF  }
0x1b: {  	[spmem:s3] =	stream.indirect.scatter.add.f32 [tilespmem:s12], [sflag:$0x1], $0x10, s16, s13, $0xb8;
	[tilespmem:$0x5390] =	vst v63  }
0x1c: {  	s28 =	simm.s32 $0x50  }
0x1d: {  	[spmem:s3] =	stream.indirect.scatter.add.f32 [tilespmem:s12], [sflag:$0x1], $0x10, s28, s13, $0xb8;
	[tilespmem:$0x5390] =	vst v63  }
0x1e: {  	s29 =	simm.s32 $0xA0  }
0x1f: {  	[spmem:s3] =	stream.indirect.scatter.add.f32 [tilespmem:s12], [sflag:$0x1], $0x10, s29, s13, $0xb8;
	[tilespmem:$0x5390] =	vst v63  }
0x20: {  	s30 =	simm.s32 $0xF0  }
0x21: {  	[spmem:s3] =	stream.indirect.scatter.add.f32 [tilespmem:s12], [sflag:$0x1], $0x10, s30, s13, $0xb8;
	[tilespmem:$0x5390] =	vst v63  }
0x22: {  	s31 =	simm.s32 $0x140  }
0x23: {  	[spmem:s3] =	stream.indirect.scatter.add.f32 [tilespmem:s12], [sflag:$0x1], $0x10, s31, s13, $0xb8;
	[tilespmem:$0x5390] =	vst v63  }
0x24: {  	_ =	swait.ge [sflag:s14], $0x500  }
0x25: {  	[sflag:s14] =	ssyncset.done $0x0  }
0x26: {  	[sflag:s14] =	ssyncadd.s32 $0xFFFFFB00  }
0x27: {  	_ =	swait.ge [sflag:s14], $0x500  }
0x28: {  	[sflag:s14] =	ssyncset.done $0x0  }
0x29: {  	[sflag:s14] =	ssyncadd.s32 $0xFFFFFB00  }
0x2a: {  	_ =	swait.ge [sflag:s14], $0x500  }
0x2b: {  	[sflag:s14] =	ssyncset.done $0x0  }
0x2c: {  	[sflag:s14] =	ssyncadd.s32 $0xFFFFFB00  }
0x2d: {  	_ =	swait.ge [sflag:s14], $0x500  }
0x2e: {  	[sflag:s14] =	ssyncset.done $0x0  }
0x2f: {  	[sflag:s14] =	ssyncadd.s32 $0xFFFFFB00  }
0x30: {  	_ =	swait.ge [sflag:s14], $0x500  }
0x31: {  	s17 =	simm.s32 $0xC80;
	s16 =	simm.s32 $0x640;
	[sflag:s14] =	ssyncset.done $0x0  }
.LBB2_2:
0x32: {  	s18 =	sshra.s32 s16, $0x2  }
0x33: {  	[sflag:s14] =	ssyncadd.s32 $0xFFFFFB00;
	s16 =	smov.u32 s17;
	s19 =	sadd.s32 $0x640, s17  }
0x34: {  	[spmem:s3] =	stream.indirect.scatter.add.f32 [tilespmem:s12], [sflag:$0x1], $0x10, s18, s13, $0xb8;
	[tilespmem:$0x5390] =	vst v63  }
0x35: {  	p0 =	sne.s32 s17, $0x9600;
	s17 =	sadd.s32 $0x50, s18  }
0x36: {  	[spmem:s3] =	stream.indirect.scatter.add.f32 [tilespmem:s12], [sflag:$0x1], $0x10, s17, s13, $0xb8;
	[tilespmem:$0x5390] =	vst v63  }
0x37: {  	s17 =	sadd.s32 $0xA0, s18  }
0x38: {  	[spmem:s3] =	stream.indirect.scatter.add.f32 [tilespmem:s12], [sflag:$0x1], $0x10, s17, s13, $0xb8;
	[tilespmem:$0x5390] =	vst v63  }
0x39: {  	s17 =	sadd.s32 $0xF0, s18  }
0x3a: {  	[spmem:s3] =	stream.indirect.scatter.add.f32 [tilespmem:s12], [sflag:$0x1], $0x10, s17, s13, $0xb8;
	[tilespmem:$0x5390] =	vst v63  }
0x3b: {  	s17 =	sadd.s32 $0x140, s18  }
0x3c: {  	[spmem:s3] =	stream.indirect.scatter.add.f32 [tilespmem:s12], [sflag:$0x1], $0x10, s17, s13, $0xb8;
	[tilespmem:$0x5390] =	vst v63  }
0x3d: {  	_ =	swait.ge [sflag:s14], $0x500  }
0x3e: {  	[sflag:s14] =	ssyncset.done $0x0  }
0x3f: {  	[sflag:s14] =	ssyncadd.s32 $0xFFFFFB00  }
0x40: {  	_ =	swait.ge [sflag:s14], $0x500  }
0x41: {  	[sflag:s14] =	ssyncset.done $0x0  }
0x42: {  	[sflag:s14] =	ssyncadd.s32 $0xFFFFFB00  }
0x43: {  	_ =	swait.ge [sflag:s14], $0x500  }
0x44: {  	[sflag:s14] =	ssyncset.done $0x0  }
0x45: {  	[sflag:s14] =	ssyncadd.s32 $0xFFFFFB00  }
.Ltmp0:
0x46: {  	_ =	swait.ge [sflag:s14], $0x500;
	(pc) =	sbr.rel @p0 .LBB2_2-.Ltmp0, $4  }
0x47: {  	[sflag:s14] =	ssyncset.done $0x0  }
0x48: {  	[sflag:s14] =	ssyncadd.s32 $0xFFFFFB00  }
0x49: {  	_ =	swait.ge [sflag:s14], $0x500  }
0x4a: {  	s17 =	smov.u32 s19;
	[sflag:s14] =	ssyncset.done $0x0  }
0x4b: {  	s16 =	sshra.s32 s16, $0x2;
	[sflag:s14] =	ssyncadd.s32 $0xFFFFFB00  }
0x4c: {  	[spmem:s3] =	stream.indirect.scatter.add.f32 [tilespmem:s12], [sflag:$0x1], $0x10, s16, s13, $0xb8;
	[tilespmem:$0x5390] =	vst v63  }
0x4d: {  	s17 =	sadd.s32 $0x50, s16  }
0x4e: {  	[spmem:s3] =	stream.indirect.scatter.add.f32 [tilespmem:s12], [sflag:$0x1], $0x10, s17, s13, $0xb8;
	[tilespmem:$0x5390] =	vst v63  }
0x4f: {  	s30 =	sadd.s32 $0xA0, s16  }
0x50: {  	[spmem:s3] =	stream.indirect.scatter.add.f32 [tilespmem:s12], [sflag:$0x1], $0x10, s30, s13, $0xb8;
	[tilespmem:$0x5390] =	vst v63  }
0x51: {  	s31 =	sadd.s32 $0xF0, s16  }
0x52: {  	[spmem:s3] =	stream.indirect.scatter.add.f32 [tilespmem:s12], [sflag:$0x1], $0x10, s31, s13, $0xb8;
	[tilespmem:$0x5390] =	vst v63  }
0x53: {  	s16 =	sadd.s32 $0x140, s16  }
0x54: {  	[spmem:s3] =	stream.indirect.scatter.add.f32 [tilespmem:s12], [sflag:$0x1], $0x10, s16, s13, $0xb8;
	[tilespmem:$0x5390] =	vst v63  }
0x55: {  	_ =	swait.ge [sflag:s14], $0x500  }
0x56: {  	[sflag:s14] =	ssyncset.done $0x0  }
0x57: {  	[sflag:s14] =	ssyncadd.s32 $0xFFFFFB00  }
0x58: {  	_ =	swait.ge [sflag:s14], $0x500  }
0x59: {  	[sflag:s14] =	ssyncset.done $0x0  }
0x5a: {  	[sflag:s14] =	ssyncadd.s32 $0xFFFFFB00  }
0x5b: {  	_ =	swait.ge [sflag:s14], $0x500  }
0x5c: {  	[sflag:s14] =	ssyncset.done $0x0  }
0x5d: {  	[sflag:s14] =	ssyncadd.s32 $0xFFFFFB00  }
0x5e: {  	_ =	swait.ge [sflag:s14], $0x500  }
0x5f: {  	[sflag:s14] =	ssyncset.done $0x0  }
0x60: {  	[sflag:s14] =	ssyncadd.s32 $0xFFFFFB00  }
0x61: {  	_ =	swait.ge [sflag:s14], $0x500  }
0x62: {  	s15 =	sadd.s32 $0x1, s15;
	[sflag:s14] =	ssyncset.done $0x0  }
0x63: {  	p0 =	sne.s32 s15, s9;
	[sflag:s14] =	ssyncadd.s32 $0xFFFFFB00  }
.Ltmp1:
0x64: {  	[bflag:$0x0] =	sbarrier.arrive $0xFFFF;
	(pc) =	sbr.rel @p0 .LBB2_1-.Ltmp1, $4  }
0x65: {  	[hbm:s8], [sflag:s6] =	dma.local [spmem:s10], $0x4F0  }
0x66: {  	_ =	swait.ge [sflag:s11], $0x4F0  }
0x67: {  	[sflag:s11] =	ssyncset.done $0x0  }
0x68: {  	[sflag:s11] =	ssyncadd.s32 $0xFFFFFB10  }
0x69: {  	_ =	sfence.sel $0x180000  }
0x6a: {  	[bflag:$0x0] =	sbarrier.arrive $0xFFFF  }
0x6b: {  	p0 =	sne.s32 s0, $0x0;
	_ =	strace $0x90000047  }
0x6c: {  	s0 =	sadd.s32 @!p0 $0x100000, s1;
	[bflag:$0x2] =	sbarrier.arrive $0xFFFF  }
0x6d: {  	[sflag:s0] =	ssyncadd.tile.s32 @!p0 $0x1;
	_ =	shalt  }
.Lfunc_end2:
_tile_overlayer_lowered:
.L_overlay_start_2:
0x6e: {  	(tag) =	ssettag $0x2  }
0x6f: {  	s0 =	rddreg [dreg:$0x0];
	s2 =	stileid.u32  }
0x70: {  	s1 =	rddreg [dreg:$0x1];
	p0 =	sne.s32 s2, $0x0  }
0x71: {  	s3 =	rddreg [dreg:$0x2];
	[bflag:$0x3] =	sbarrier.arrive $0xFFFF;
	s2 =	simm.s32 @!p0 $0x1C02  }
0x72: {  	[timem:s3], [sflag:s2] =	dma.local @!p0 [hbm:s0], s1  }
0x73: {  	s0 =	simm.s32 @!p0 $0x2  }
0x74: {  	_ =	swait.ge @!p0 [sflag:s0], s1  }
0x75: {  	s1 =	ssub.s32 @!p0 $0x0, s1;
	[sflag:s0] =	ssyncset.done @!p0 $0x0  }
0x76: {  	[sflag:s0] =	ssyncadd.s32 @!p0 s1  }
0x77: {  	[bflag:$0x3] =	sbarrier.arrive $0xFFFF  }
0x78: {  	_ =	shalt  }

</sc_bundles>
